<compile_context>
chip_gen: v7x
topology: tpu7x:2x2x1
jax: 0.10.2.dev20260603
libtpu: 0.0.44.dev20260713+nightly
codegen_flags: <defaults>
</compile_context>

<pallas_src>
import jax
import jax.numpy as jnp
from jax import lax
from jax.experimental import pallas as pl
from jax.experimental.pallas import tpu as pltpu
from jax.experimental.pallas import tpu_sc as plsc

N = 10000
E = 320000
D = 128
H = 4
C = 32
G = 100
OUT = 64
NCLS = 16

N2 = 10240
RPT = 640
EC = 64
NCH = 158
EPT = NCH * EC
E2 = 32 * EPT
GP = 104
BLK = 1280
DW = 8



def _dense_body(x_ref, w_ref, asf_ref, adf_ref, s_ref, h_ref, as_ref, ad_ref):
    h = jnp.dot(x_ref[...], w_ref[...], preferred_element_type=jnp.float32)
    h_ref[...] = h
    hp = jax.lax.Precision.HIGHEST
    as_ref[...] = jnp.transpose(
        jnp.dot(h * asf_ref[...], s_ref[...], precision=hp,
                preferred_element_type=jnp.float32), (1, 0))
    ad_ref[...] = jnp.transpose(
        jnp.dot(h * adf_ref[...], s_ref[...], precision=hp,
                preferred_element_type=jnp.float32), (1, 0))


def _combine_dense_body(num_ref, den_ref, p_ref, b_ref, gs_ref, be_ref,
                        w_ref, asf_ref, adf_ref, s_ref, h_ref, as_ref, ad_ref):
    num = num_ref[0] + num_ref[1]
    den = jnp.transpose(den_ref[0] + den_ref[1], (1, 0))
    denb = jnp.dot(den, p_ref[...], preferred_element_type=jnp.float32) + 1e-16
    x2 = jnp.maximum(num / denb + b_ref[...], 0.0) * gs_ref[...] + be_ref[...]
    h = jnp.dot(x2, w_ref[...], preferred_element_type=jnp.float32)
    h_ref[...] = h
    hp = jax.lax.Precision.HIGHEST
    as_ref[...] = jnp.transpose(
        jnp.dot(h * asf_ref[...], s_ref[...], precision=hp,
                preferred_element_type=jnp.float32), (1, 0))
    ad_ref[...] = jnp.transpose(
        jnp.dot(h * adf_ref[...], s_ref[...], precision=hp,
                preferred_element_type=jnp.float32), (1, 0))


def _final_body(num_ref, den_ref, batch_ref, p_ref, b_ref, gs_ref, be_ref,
                wl1_ref, bl1_ref, wl2_ref, bl2_ref, o_ref, acc, cnt):
    i = pl.program_id(0)

    @pl.when(i == 0)
    def _():
        acc[...] = jnp.zeros_like(acc)
        cnt[...] = jnp.zeros_like(cnt)

    num = num_ref[0] + num_ref[1]
    den = jnp.transpose(den_ref[0] + den_ref[1], (1, 0))
    denb = jnp.dot(den, p_ref[...], preferred_element_type=jnp.float32) + 1e-16
    x3 = jnp.maximum(num / denb + b_ref[...], 0.0) * gs_ref[...] + be_ref[...]
    bvec = batch_ref[0, 0, :]
    gids = lax.broadcasted_iota(jnp.int32, (GP, BLK), 0)
    oh = (gids == bvec[None, :]).astype(jnp.float32)
    acc[...] += jnp.dot(oh, x3, preferred_element_type=jnp.float32)
    cnt[...] += jnp.broadcast_to(jnp.sum(oh, axis=1, keepdims=True), (GP, 128))

    @pl.when(i == pl.num_programs(0) - 1)
    def _():
        pooled = acc[...] / jnp.maximum(cnt[...], 1.0)
        z = jnp.maximum(
            jnp.dot(pooled, wl1_ref[...], preferred_element_type=jnp.float32)
            + bl1_ref[...], 0.0)
        o_ref[...] = (jnp.dot(z, wl2_ref[...], preferred_element_type=jnp.float32)
                      + bl2_ref[...])



def _sc_body(h_hbm, asrc_hbm, adst_hbm, src_hbm, dst_hbm, zrow_hbm, zden_hbm,
             onum, oden, src_c, dst_c, ab_s0, ab_s1, ab_s2, ab_s3,
             ab_d0, ab_d1, ab_d2, ab_d3, rows_v, t_flat,
             as0, as1, as2, as3, ad0, ad1, ad2, ad3,
             num_sp, den0, den1, den2, den3, sem, sem2):
    cid = lax.axis_index("c")
    sid = lax.axis_index("s")
    tid = cid * 16 + sid
    dens = (den0, den1, den2, den3)
    asps = (as0, as1, as2, as3)
    adps = (ad0, ad1, ad2, ad3)
    absv = (ab_s0, ab_s1, ab_s2, ab_s3)
    abdv = (ab_d0, ab_d1, ab_d2, ab_d3)

    r0 = sid * RPT
    for h in range(H):
        pltpu.sync_copy(asrc_hbm.at[h, pl.ds(r0, RPT)],
                        asps[h].at[pl.ds(r0, RPT)])
        pltpu.sync_copy(adst_hbm.at[h, pl.ds(r0, RPT)],
                        adps[h].at[pl.ds(r0, RPT)])
        pltpu.sync_copy(zden_hbm, dens[h].at[pl.ds(r0, RPT)])
    pltpu.sync_copy(zrow_hbm, num_sp.at[pl.ds(r0, RPT)])
    plsc.subcore_barrier()

    lanes = lax.iota(jnp.int32, 16)
    ebase = tid * EPT

    def chunk(ci, carry):
        l1 = pltpu.async_copy(src_hbm.at[tid, ci], src_c, sem)
        l2 = pltpu.async_copy(dst_hbm.at[tid, ci], dst_c, sem)
        l1.wait()
        l2.wait()
        rcp = pltpu.async_copy(h_hbm.at[src_c], rows_v, sem2)
        for h in range(H):
            ca = pltpu.async_copy(asps[h].at[src_c], absv[h], sem)
            cb = pltpu.async_copy(adps[h].at[dst_c], abdv[h], sem)
            ca.wait()
            cb.wait()

        for i in range(EC // 16):
            gmask = (ebase + ci * EC + 16 * i + lanes) < E
            for h in range(H):
                av = absv[h][pl.ds(16 * i, 16)]
                dv = abdv[h][pl.ds(16 * i, 16)]
                e = av + dv
                e = jnp.maximum(e, 0.2 * e)
                t = jnp.where(gmask, jnp.exp(e), 0.0)
                t_flat[pl.ds(h * EC + 16 * i, 16)] = t

        rcp.wait()

        def edge(k, c2):
            kv = jnp.full((16,), k, jnp.int32)
            for h in range(H):
                tv = plsc.load_gather(t_flat, [kv + (h * EC)])
                for j in range(2):
                    sl = pl.ds(h * 32 + j * 16, 16)
                    rows_v[k, sl] = rows_v[k, sl] * tv
            return c2

        lax.fori_loop(0, EC, edge, 0, unroll=2)

        s0 = pltpu.async_copy(rows_v, num_sp.at[dst_c], sem, add=True)
        s1 = pltpu.async_copy(t_flat.at[pl.ds(0 * EC, EC)],
                              dens[0].at[dst_c], sem2, add=True)
        s0.wait()
        s1.wait()
        s2 = pltpu.async_copy(t_flat.at[pl.ds(1 * EC, EC)],
                              dens[1].at[dst_c], sem, add=True)
        s3 = pltpu.async_copy(t_flat.at[pl.ds(2 * EC, EC)],
                              dens[2].at[dst_c], sem2, add=True)
        s2.wait()
        s3.wait()
        pltpu.sync_copy(t_flat.at[pl.ds(3 * EC, EC)],
                        dens[3].at[dst_c], add=True)
        return carry

    lax.fori_loop(0, NCH, chunk, 0)
    plsc.subcore_barrier()

    pltpu.sync_copy(num_sp.at[pl.ds(r0, RPT)], onum.at[cid, pl.ds(r0, RPT)])
    for h in range(H):
        pltpu.sync_copy(dens[h].at[pl.ds(r0, RPT)],
                        oden.at[cid, h, pl.ds(r0, RPT)])


_sc_edge = pl.kernel(
    _sc_body,
    out_type=[jax.ShapeDtypeStruct((2, N2, D), jnp.float32),
              jax.ShapeDtypeStruct((2, H, N2), jnp.float32)],
    mesh=plsc.VectorSubcoreMesh(core_axis_name="c", subcore_axis_name="s"),
    compiler_params=pltpu.CompilerParams(needs_layout_passes=False),
    scratch_types=[
        pltpu.VMEM((EC,), jnp.int32),
        pltpu.VMEM((EC,), jnp.int32),
        pltpu.VMEM((EC,), jnp.float32),
        pltpu.VMEM((EC,), jnp.float32),
        pltpu.VMEM((EC,), jnp.float32),
        pltpu.VMEM((EC,), jnp.float32),
        pltpu.VMEM((EC,), jnp.float32),
        pltpu.VMEM((EC,), jnp.float32),
        pltpu.VMEM((EC,), jnp.float32),
        pltpu.VMEM((EC,), jnp.float32),
        pltpu.VMEM((EC, D), jnp.float32),
        pltpu.VMEM((H * EC,), jnp.float32),
        pltpu.VMEM_SHARED((N2,), jnp.float32),
        pltpu.VMEM_SHARED((N2,), jnp.float32),
        pltpu.VMEM_SHARED((N2,), jnp.float32),
        pltpu.VMEM_SHARED((N2,), jnp.float32),
        pltpu.VMEM_SHARED((N2,), jnp.float32),
        pltpu.VMEM_SHARED((N2,), jnp.float32),
        pltpu.VMEM_SHARED((N2,), jnp.float32),
        pltpu.VMEM_SHARED((N2,), jnp.float32),
        pltpu.VMEM_SHARED((N2, D), jnp.float32),
        pltpu.VMEM_SHARED((N2,), jnp.float32),
        pltpu.VMEM_SHARED((N2,), jnp.float32),
        pltpu.VMEM_SHARED((N2,), jnp.float32),
        pltpu.VMEM_SHARED((N2,), jnp.float32),
        pltpu.SemaphoreType.DMA,
        pltpu.SemaphoreType.DMA,
    ],
)



def _dense_call(xp, W, asf, adf, S):
    grid = N2 // BLK
    return pl.pallas_call(
        _dense_body,
        grid=(grid,),
        in_specs=[
            pl.BlockSpec((BLK, D), lambda i: (i, 0)),
            pl.BlockSpec((D, D), lambda i: (0, 0)),
            pl.BlockSpec((1, D), lambda i: (0, 0)),
            pl.BlockSpec((1, D), lambda i: (0, 0)),
            pl.BlockSpec((D, H), lambda i: (0, 0)),
        ],
        out_specs=[
            pl.BlockSpec((BLK, D), lambda i: (i, 0)),
            pl.BlockSpec((H, BLK), lambda i: (0, i)),
            pl.BlockSpec((H, BLK), lambda i: (0, i)),
        ],
        out_shape=[
            jax.ShapeDtypeStruct((N2, D), jnp.float32),
            jax.ShapeDtypeStruct((H, N2), jnp.float32),
            jax.ShapeDtypeStruct((H, N2), jnp.float32),
        ],
    )(xp, W, asf, adf, S)


def _combine_dense_call(onum, oden, P8, br, gsr, ber, W, asf, adf, S):
    grid = N2 // BLK
    return pl.pallas_call(
        _combine_dense_body,
        grid=(grid,),
        in_specs=[
            pl.BlockSpec((2, BLK, D), lambda i: (0, i, 0)),
            pl.BlockSpec((2, H, BLK), lambda i: (0, 0, i)),
            pl.BlockSpec((H, D), lambda i: (0, 0)),
            pl.BlockSpec((1, D), lambda i: (0, 0)),
            pl.BlockSpec((1, D), lambda i: (0, 0)),
            pl.BlockSpec((1, D), lambda i: (0, 0)),
            pl.BlockSpec((D, D), lambda i: (0, 0)),
            pl.BlockSpec((1, D), lambda i: (0, 0)),
            pl.BlockSpec((1, D), lambda i: (0, 0)),
            pl.BlockSpec((D, H), lambda i: (0, 0)),
        ],
        out_specs=[
            pl.BlockSpec((BLK, D), lambda i: (i, 0)),
            pl.BlockSpec((H, BLK), lambda i: (0, i)),
            pl.BlockSpec((H, BLK), lambda i: (0, i)),
        ],
        out_shape=[
            jax.ShapeDtypeStruct((N2, D), jnp.float32),
            jax.ShapeDtypeStruct((H, N2), jnp.float32),
            jax.ShapeDtypeStruct((H, N2), jnp.float32),
        ],
    )(onum, oden, P8, br, gsr, ber, W, asf, adf, S)


def _final_call(onum, oden, batch3, P8, br, gsr, ber, Wl1, bl1r, Wl2, bl2r):
    grid = N2 // BLK
    return pl.pallas_call(
        _final_body,
        grid=(grid,),
        in_specs=[
            pl.BlockSpec((2, BLK, D), lambda i: (0, i, 0)),
            pl.BlockSpec((2, H, BLK), lambda i: (0, 0, i)),
            pl.BlockSpec((1, 1, BLK), lambda i: (i, 0, 0)),
            pl.BlockSpec((H, D), lambda i: (0, 0)),
            pl.BlockSpec((1, D), lambda i: (0, 0)),
            pl.BlockSpec((1, D), lambda i: (0, 0)),
            pl.BlockSpec((1, D), lambda i: (0, 0)),
            pl.BlockSpec((D, OUT), lambda i: (0, 0)),
            pl.BlockSpec((1, OUT), lambda i: (0, 0)),
            pl.BlockSpec((OUT, NCLS), lambda i: (0, 0)),
            pl.BlockSpec((1, NCLS), lambda i: (0, 0)),
        ],
        out_specs=pl.BlockSpec((GP, NCLS), lambda i: (0, 0)),
        out_shape=jax.ShapeDtypeStruct((GP, NCLS), jnp.float32),
        scratch_shapes=[
            pltpu.VMEM((GP, 128), jnp.float32),
            pltpu.VMEM((GP, 128), jnp.float32),
        ],
    )(onum, oden, batch3, P8, br, gsr, ber, Wl1, bl1r, Wl2, bl2r)


def kernel(x, edge_index, batch, W1, a_src1, a_dst1, b1, g1, be1,
           W2, a_src2, a_dst2, b2, g2, be2, Wl1, bl1, Wl2, bl2):
    bns = 1.0 / jnp.sqrt(jnp.float32(1.0 + 1e-5))

    xp = jnp.pad(x, ((0, N2 - N), (0, 0)))
    ei = jnp.pad(edge_index, ((0, 0), (0, E2 - E)))
    src3 = ei[0].reshape(32, NCH, EC)
    dst3 = ei[1].reshape(32, NCH, EC)
    batch3 = jnp.pad(batch, (0, N2 - N), constant_values=G + 7).reshape(
        N2 // BLK, 1, BLK)

    S = (jnp.arange(D)[:, None] // C == jnp.arange(H)[None, :]).astype(
        jnp.float32)
    P4 = (jnp.arange(H)[:, None] == jnp.arange(D)[None, :] // C).astype(
        jnp.float32)
    zrow = jnp.zeros((RPT, D), jnp.float32)
    zden = jnp.zeros((RPT,), jnp.float32)

    asf1 = a_src1.reshape(1, D)
    adf1 = a_dst1.reshape(1, D)
    asf2 = a_src2.reshape(1, D)
    adf2 = a_dst2.reshape(1, D)
    b1r = b1.reshape(1, D)
    b2r = b2.reshape(1, D)
    gs1 = (g1 * bns).reshape(1, D)
    gs2 = (g2 * bns).reshape(1, D)
    be1r = be1.reshape(1, D)
    be2r = be2.reshape(1, D)
    bl1r = bl1.reshape(1, OUT)
    bl2r = bl2.reshape(1, NCLS)

    h1, as1, ad1 = _dense_call(xp, W1, asf1, adf1, S)
    on1, od1 = _sc_edge(h1, as1, ad1, src3, dst3, zrow, zden)
    h2, as2, ad2 = _combine_dense_call(on1, od1, P4, b1r, gs1, be1r,
                                       W2, asf2, adf2, S)
    on2, od2 = _sc_edge(h2, as2, ad2, src3, dst3, zrow, zden)
    out = _final_call(on2, od2, batch3, P4, b2r, gs2, be2r,
                      Wl1, bl1r, Wl2, bl2r)
    return out[:G]

# --- scband reference (transcript-rebuilt; emitter-appended) ---
"""Pipeline reference for scband-advanced-gnn-12790412607663 (READ-ONLY COPY).

The authoritative reference and input builder live on the scoring server;
editing this copy changes nothing except your own understanding.
"""

import jax, jax.numpy as jnp
import numpy as np

N = 10000
E = 320000
D = 128
H = 4
C = 32
G = 100
OUT = 64
NC = 16


def setup_inputs(seed: int = 0) -> dict:
    key = jax.random.key(seed)
    ks = jax.random.split(key, 24)
    x = jax.random.normal(ks[0], (N, D), jnp.float32)
    edge_index = jax.random.randint(ks[1], (2, E), 0, N, jnp.int32)
    batch = jnp.sort(jax.random.randint(ks[2], (N,), 0, G, jnp.int32))
    s = 0.1
    W1 = s * jax.random.normal(ks[3], (D, H * C), jnp.float32)
    a_src1 = s * jax.random.normal(ks[4], (H, C), jnp.float32)
    a_dst1 = s * jax.random.normal(ks[5], (H, C), jnp.float32)
    b1 = jnp.zeros((H * C,), jnp.float32)
    g1 = jnp.ones((H * C,), jnp.float32)
    be1 = jnp.zeros((H * C,), jnp.float32)
    W2 = s * jax.random.normal(ks[6], (H * C, H * C), jnp.float32)
    a_src2 = s * jax.random.normal(ks[7], (H, C), jnp.float32)
    a_dst2 = s * jax.random.normal(ks[8], (H, C), jnp.float32)
    b2 = jnp.zeros((H * C,), jnp.float32)
    g2 = jnp.ones((H * C,), jnp.float32)
    be2 = jnp.zeros((H * C,), jnp.float32)
    Wl1 = s * jax.random.normal(ks[9], (H * C, OUT), jnp.float32)
    bl1 = jnp.zeros((OUT,), jnp.float32)
    Wl2 = s * jax.random.normal(ks[10], (OUT, NC), jnp.float32)
    bl2 = jnp.zeros((NC,), jnp.float32)
    return {"x": x, "edge_index": edge_index, "batch": batch,
            "W1": W1, "a_src1": a_src1, "a_dst1": a_dst1, "b1": b1, "g1": g1, "be1": be1,
            "W2": W2, "a_src2": a_src2, "a_dst2": a_dst2, "b2": b2, "g2": g2, "be2": be2,
            "Wl1": Wl1, "bl1": bl1, "Wl2": Wl2, "bl2": bl2}


def _gat_conv(x, src, dst, W, a_s, a_d, b, n_nodes):
    # h = W x, reshaped per head
    h = (x @ W).reshape(n_nodes, H, C)
    alpha_src = (h * a_s[None, :, :]).sum(-1)  # [N, H]
    alpha_dst = (h * a_d[None, :, :]).sum(-1)  # [N, H]
    e = jax.nn.leaky_relu(alpha_src[src] + alpha_dst[dst], negative_slope=0.2)  # [E, H]
    # segment softmax over incoming edges per dst node
    amax = jax.ops.segment_max(e, dst, num_segments=n_nodes)
    amax = jnp.where(jnp.isfinite(amax), amax, 0.0)
    ex = jnp.exp(e - amax[dst])
    denom = jax.ops.segment_sum(ex, dst, num_segments=n_nodes)
    w = ex / (denom[dst] + 1e-16)  # [E, H]
    msg = h[src] * w[:, :, None]  # [E, H, C]
    out = jax.ops.segment_sum(msg, dst, num_segments=n_nodes)  # [N, H, C]
    return out.reshape(n_nodes, H * C) + b[None, :]


def _bn_eval(x, g, be):
    # BatchNorm in eval mode with freshly-initialized running stats (mean=0, var=1)
    return x / jnp.sqrt(1.0 + 1e-5) * g[None, :] + be[None, :]


def reference(x, edge_index, batch, W1, a_src1, a_dst1, b1, g1, be1,
              W2, a_src2, a_dst2, b2, g2, be2, Wl1, bl1, Wl2, bl2):
    n_nodes = x.shape[0]
    src = edge_index[0]
    dst = edge_index[1]
    h = _gat_conv(x, src, dst, W1, a_src1, a_dst1, b1, n_nodes)
    h = jax.nn.relu(h)
    h = _bn_eval(h, g1, be1)
    h = _gat_conv(h, src, dst, W2, a_src2, a_dst2, b2, n_nodes)
    h = jax.nn.relu(h)
    h = _bn_eval(h, g2, be2)
    # global mean pool over graphs
    sums = jax.ops.segment_sum(h, batch, num_segments=G)
    cnt = jax.ops.segment_sum(jnp.ones((n_nodes, 1), h.dtype), batch, num_segments=G)
    pooled = sums / jnp.maximum(cnt, 1.0)
    z = jax.nn.relu(pooled @ Wl1 + bl1[None, :])
    # dropout is identity in eval mode
    return z @ Wl2 + bl2[None, :]

if __name__ == "__main__":
    import jax
    _d = setup_inputs()
    print(jax.jit(kernel)(*tuple(_d.values())))

</pallas_src>

<mosaic_0001>
#map = affine_map<(d0, d1) -> (0, 0)>
#map1 = affine_map<(d0, d1) -> (0, 0, 0)>
#map2 = affine_map<(d0, d1) -> (0)>
module attributes {stable_mosaic.version = 14 : i64} {
  func.func @_sc_body(%arg0: i32, %arg1: i32, %arg2: memref<10240x128xf32, #tpu.memory_space<hbm>>, %arg3: memref<4x10240xf32, #tpu.memory_space<hbm>>, %arg4: memref<4x10240xf32, #tpu.memory_space<hbm>>, %arg5: memref<32x158x64xi32, #tpu.memory_space<hbm>>, %arg6: memref<32x158x64xi32, #tpu.memory_space<hbm>>, %arg7: memref<640x128xf32, #tpu.memory_space<hbm>>, %arg8: memref<640xf32, #tpu.memory_space<hbm>>, %arg9: memref<2x10240x128xf32, #tpu.memory_space<hbm>>, %arg10: memref<2x4x10240xf32, #tpu.memory_space<hbm>>, %arg11: memref<64xi32, #tpu.memory_space<vmem>>, %arg12: memref<64xi32, #tpu.memory_space<vmem>>, %arg13: memref<64xf32, #tpu.memory_space<vmem>>, %arg14: memref<64xf32, #tpu.memory_space<vmem>>, %arg15: memref<64xf32, #tpu.memory_space<vmem>>, %arg16: memref<64xf32, #tpu.memory_space<vmem>>, %arg17: memref<64xf32, #tpu.memory_space<vmem>>, %arg18: memref<64xf32, #tpu.memory_space<vmem>>, %arg19: memref<64xf32, #tpu.memory_space<vmem>>, %arg20: memref<64xf32, #tpu.memory_space<vmem>>, %arg21: memref<64x128xf32, #tpu.memory_space<vmem>>, %arg22: memref<256xf32, #tpu.memory_space<vmem>>, %arg23: memref<10240xf32, #tpu.memory_space<vmem_shared>>, %arg24: memref<10240xf32, #tpu.memory_space<vmem_shared>>, %arg25: memref<10240xf32, #tpu.memory_space<vmem_shared>>, %arg26: memref<10240xf32, #tpu.memory_space<vmem_shared>>, %arg27: memref<10240xf32, #tpu.memory_space<vmem_shared>>, %arg28: memref<10240xf32, #tpu.memory_space<vmem_shared>>, %arg29: memref<10240xf32, #tpu.memory_space<vmem_shared>>, %arg30: memref<10240xf32, #tpu.memory_space<vmem_shared>>, %arg31: memref<10240x128xf32, #tpu.memory_space<vmem_shared>>, %arg32: memref<10240xf32, #tpu.memory_space<vmem_shared>>, %arg33: memref<10240xf32, #tpu.memory_space<vmem_shared>>, %arg34: memref<10240xf32, #tpu.memory_space<vmem_shared>>, %arg35: memref<10240xf32, #tpu.memory_space<vmem_shared>>, %arg36: memref<!tpu.dma_semaphore, #tpu.memory_space<semaphore_mem>>, %arg37: memref<!tpu.dma_semaphore, #tpu.memory_space<semaphore_mem>>) attributes {dimension_semantics = [#tpu.dimension_semantics<core_parallel>, #tpu.dimension_semantics<subcore_parallel>], iteration_bounds = array<i64: 2, 16>, scalar_prefetch = 0 : i64, scratch_operands = 27 : i64, tpu.core_type = #tpu.core_type<sc_vector_subcore>, window_params = [{transform_indices = #map}, {transform_indices = #map}, {transform_indices = #map}, {transform_indices = #map1}, {transform_indices = #map1}, {transform_indices = #map}, {transform_indices = #map2}, {transform_indices = #map1}, {transform_indices = #map1}]} {
    %mul3A = arith.constant 16 : i32
    %mul3A_0 = arith.muli %arg0, %mul3A : i32
    %add3A = arith.addi %mul3A_0, %arg1 : i32
    %mul3A_1 = arith.constant 640 : i32
    %mul3A_2 = arith.muli %arg1, %mul3A_1 : i32
    %run_scoped3A = arith.constant 0 : i32
    "tpu.region"() ({
      %run_scoped3A_22 = tpu.sem_alloc : memref<!tpu.dma_semaphore, #tpu.memory_space<semaphore_mem>>
      %dma_start3A = tpu.memref_slice %arg23[%mul3A_2] : memref<10240xf32, #tpu.memory_space<vmem_shared>> -> memref<640xf32, #tpu.memory_space<vmem_shared>>
      %dma_start3A_23 = tpu.memref_slice %arg3[%run_scoped3A, %mul3A_2] : memref<4x10240xf32, #tpu.memory_space<hbm>> -> memref<1x640xf32, #tpu.memory_space<hbm>>
      %dma_start3A_24 = tpu.memref_squeeze %dma_start3A_23 : memref<1x640xf32, #tpu.memory_space<hbm>> -> memref<640xf32, #tpu.memory_space<hbm>>
      tpu.enqueue_dma source(%dma_start3A_24 : memref<640xf32, #tpu.memory_space<hbm>>) target(%dma_start3A : memref<640xf32, #tpu.memory_space<vmem_shared>>) target_semaphore(%run_scoped3A_22 : memref<!tpu.dma_semaphore, #tpu.memory_space<semaphore_mem>>)
      %dma_wait3A = tpu.memref_slice %arg23[%mul3A_2] : memref<10240xf32, #tpu.memory_space<vmem_shared>> -> memref<640xf32, #tpu.memory_space<vmem_shared>>
      %dma_wait3A_25 = tpu.memref_slice %arg3[%run_scoped3A, %mul3A_2] : memref<4x10240xf32, #tpu.memory_space<hbm>> -> memref<1x640xf32, #tpu.memory_space<hbm>>
      %dma_wait3A_26 = tpu.memref_squeeze %dma_wait3A_25 : memref<1x640xf32, #tpu.memory_space<hbm>> -> memref<640xf32, #tpu.memory_space<hbm>>
      tpu.wait_dma2 semaphore(%run_scoped3A_22 : memref<!tpu.dma_semaphore, #tpu.memory_space<semaphore_mem>>) src(%dma_wait3A_26 : memref<640xf32, #tpu.memory_space<hbm>>) dst(%dma_wait3A : memref<640xf32, #tpu.memory_space<vmem_shared>>)
      tpu.yield
    }) : () -> ()
    %run_scoped3A_3 = arith.constant 0 : i32
    "tpu.region"() ({
      %run_scoped3A_22 = tpu.sem_alloc : memref<!tpu.dma_semaphore, #tpu.memory_space<semaphore_mem>>
      %dma_start3A = tpu.memref_slice %arg27[%mul3A_2] : memref<10240xf32, #tpu.memory_space<vmem_shared>> -> memref<640xf32, #tpu.memory_space<vmem_shared>>
      %dma_start3A_23 = tpu.memref_slice %arg4[%run_scoped3A_3, %mul3A_2] : memref<4x10240xf32, #tpu.memory_space<hbm>> -> memref<1x640xf32, #tpu.memory_space<hbm>>
      %dma_start3A_24 = tpu.memref_squeeze %dma_start3A_23 : memref<1x640xf32, #tpu.memory_space<hbm>> -> memref<640xf32, #tpu.memory_space<hbm>>
      tpu.enqueue_dma source(%dma_start3A_24 : memref<640xf32, #tpu.memory_space<hbm>>) target(%dma_start3A : memref<640xf32, #tpu.memory_space<vmem_shared>>) target_semaphore(%run_scoped3A_22 : memref<!tpu.dma_semaphore, #tpu.memory_space<semaphore_mem>>)
      %dma_wait3A = tpu.memref_slice %arg27[%mul3A_2] : memref<10240xf32, #tpu.memory_space<vmem_shared>> -> memref<640xf32, #tpu.memory_space<vmem_shared>>
      %dma_wait3A_25 = tpu.memref_slice %arg4[%run_scoped3A_3, %mul3A_2] : memref<4x10240xf32, #tpu.memory_space<hbm>> -> memref<1x640xf32, #tpu.memory_space<hbm>>
      %dma_wait3A_26 = tpu.memref_squeeze %dma_wait3A_25 : memref<1x640xf32, #tpu.memory_space<hbm>> -> memref<640xf32, #tpu.memory_space<hbm>>
      tpu.wait_dma2 semaphore(%run_scoped3A_22 : memref<!tpu.dma_semaphore, #tpu.memory_space<semaphore_mem>>) src(%dma_wait3A_26 : memref<640xf32, #tpu.memory_space<hbm>>) dst(%dma_wait3A : memref<640xf32, #tpu.memory_space<vmem_shared>>)
      tpu.yield
    }) : () -> ()
    "tpu.region"() ({
      %run_scoped3A_22 = tpu.sem_alloc : memref<!tpu.dma_semaphore, #tpu.memory_space<semaphore_mem>>
      %dma_start3A = tpu.memref_slice %arg32[%mul3A_2] : memref<10240xf32, #tpu.memory_space<vmem_shared>> -> memref<640xf32, #tpu.memory_space<vmem_shared>>
      tpu.enqueue_dma source(%arg8 : memref<640xf32, #tpu.memory_space<hbm>>) target(%dma_start3A : memref<640xf32, #tpu.memory_space<vmem_shared>>) target_semaphore(%run_scoped3A_22 : memref<!tpu.dma_semaphore, #tpu.memory_space<semaphore_mem>>)
      %dma_wait3A = tpu.memref_slice %arg32[%mul3A_2] : memref<10240xf32, #tpu.memory_space<vmem_shared>> -> memref<640xf32, #tpu.memory_space<vmem_shared>>
      tpu.wait_dma2 semaphore(%run_scoped3A_22 : memref<!tpu.dma_semaphore, #tpu.memory_space<semaphore_mem>>) src(%arg8 : memref<640xf32, #tpu.memory_space<hbm>>) dst(%dma_wait3A : memref<640xf32, #tpu.memory_space<vmem_shared>>)
      tpu.yield
    }) : () -> ()
    %run_scoped3A_4 = arith.constant 1 : i32
    "tpu.region"() ({
      %run_scoped3A_22 = tpu.sem_alloc : memref<!tpu.dma_semaphore, #tpu.memory_space<semaphore_mem>>
      %dma_start3A = tpu.memref_slice %arg24[%mul3A_2] : memref<10240xf32, #tpu.memory_space<vmem_shared>> -> memref<640xf32, #tpu.memory_space<vmem_shared>>
      %dma_start3A_23 = tpu.memref_slice %arg3[%run_scoped3A_4, %mul3A_2] : memref<4x10240xf32, #tpu.memory_space<hbm>> -> memref<1x640xf32, #tpu.memory_space<hbm>>
      %dma_start3A_24 = tpu.memref_squeeze %dma_start3A_23 : memref<1x640xf32, #tpu.memory_space<hbm>> -> memref<640xf32, #tpu.memory_space<hbm>>
      tpu.enqueue_dma source(%dma_start3A_24 : memref<640xf32, #tpu.memory_space<hbm>>) target(%dma_start3A : memref<640xf32, #tpu.memory_space<vmem_shared>>) target_semaphore(%run_scoped3A_22 : memref<!tpu.dma_semaphore, #tpu.memory_space<semaphore_mem>>)
      %dma_wait3A = tpu.memref_slice %arg24[%mul3A_2] : memref<10240xf32, #tpu.memory_space<vmem_shared>> -> memref<640xf32, #tpu.memory_space<vmem_shared>>
      %dma_wait3A_25 = tpu.memref_slice %arg3[%run_scoped3A_4, %mul3A_2] : memref<4x10240xf32, #tpu.memory_space<hbm>> -> memref<1x640xf32, #tpu.memory_space<hbm>>
      %dma_wait3A_26 = tpu.memref_squeeze %dma_wait3A_25 : memref<1x640xf32, #tpu.memory_space<hbm>> -> memref<640xf32, #tpu.memory_space<hbm>>
      tpu.wait_dma2 semaphore(%run_scoped3A_22 : memref<!tpu.dma_semaphore, #tpu.memory_space<semaphore_mem>>) src(%dma_wait3A_26 : memref<640xf32, #tpu.memory_space<hbm>>) dst(%dma_wait3A : memref<640xf32, #tpu.memory_space<vmem_shared>>)
      tpu.yield
    }) : () -> ()
    %run_scoped3A_5 = arith.constant 1 : i32
    "tpu.region"() ({
      %run_scoped3A_22 = tpu.sem_alloc : memref<!tpu.dma_semaphore, #tpu.memory_space<semaphore_mem>>
      %dma_start3A = tpu.memref_slice %arg28[%mul3A_2] : memref<10240xf32, #tpu.memory_space<vmem_shared>> -> memref<640xf32, #tpu.memory_space<vmem_shared>>
      %dma_start3A_23 = tpu.memref_slice %arg4[%run_scoped3A_5, %mul3A_2] : memref<4x10240xf32, #tpu.memory_space<hbm>> -> memref<1x640xf32, #tpu.memory_space<hbm>>
      %dma_start3A_24 = tpu.memref_squeeze %dma_start3A_23 : memref<1x640xf32, #tpu.memory_space<hbm>> -> memref<640xf32, #tpu.memory_space<hbm>>
      tpu.enqueue_dma source(%dma_start3A_24 : memref<640xf32, #tpu.memory_space<hbm>>) target(%dma_start3A : memref<640xf32, #tpu.memory_space<vmem_shared>>) target_semaphore(%run_scoped3A_22 : memref<!tpu.dma_semaphore, #tpu.memory_space<semaphore_mem>>)
      %dma_wait3A = tpu.memref_slice %arg28[%mul3A_2] : memref<10240xf32, #tpu.memory_space<vmem_shared>> -> memref<640xf32, #tpu.memory_space<vmem_shared>>
      %dma_wait3A_25 = tpu.memref_slice %arg4[%run_scoped3A_5, %mul3A_2] : memref<4x10240xf32, #tpu.memory_space<hbm>> -> memref<1x640xf32, #tpu.memory_space<hbm>>
      %dma_wait3A_26 = tpu.memref_squeeze %dma_wait3A_25 : memref<1x640xf32, #tpu.memory_space<hbm>> -> memref<640xf32, #tpu.memory_space<hbm>>
      tpu.wait_dma2 semaphore(%run_scoped3A_22 : memref<!tpu.dma_semaphore, #tpu.memory_space<semaphore_mem>>) src(%dma_wait3A_26 : memref<640xf32, #tpu.memory_space<hbm>>) dst(%dma_wait3A : memref<640xf32, #tpu.memory_space<vmem_shared>>)
      tpu.yield
    }) : () -> ()
    "tpu.region"() ({
      %run_scoped3A_22 = tpu.sem_alloc : memref<!tpu.dma_semaphore, #tpu.memory_space<semaphore_mem>>
      %dma_start3A = tpu.memref_slice %arg33[%mul3A_2] : memref<10240xf32, #tpu.memory_space<vmem_shared>> -> memref<640xf32, #tpu.memory_space<vmem_shared>>
      tpu.enqueue_dma source(%arg8 : memref<640xf32, #tpu.memory_space<hbm>>) target(%dma_start3A : memref<640xf32, #tpu.memory_space<vmem_shared>>) target_semaphore(%run_scoped3A_22 : memref<!tpu.dma_semaphore, #tpu.memory_space<semaphore_mem>>)
      %dma_wait3A = tpu.memref_slice %arg33[%mul3A_2] : memref<10240xf32, #tpu.memory_space<vmem_shared>> -> memref<640xf32, #tpu.memory_space<vmem_shared>>
      tpu.wait_dma2 semaphore(%run_scoped3A_22 : memref<!tpu.dma_semaphore, #tpu.memory_space<semaphore_mem>>) src(%arg8 : memref<640xf32, #tpu.memory_space<hbm>>) dst(%dma_wait3A : memref<640xf32, #tpu.memory_space<vmem_shared>>)
      tpu.yield
    }) : () -> ()
    %run_scoped3A_6 = arith.constant 2 : i32
    "tpu.region"() ({
      %run_scoped3A_22 = tpu.sem_alloc : memref<!tpu.dma_semaphore, #tpu.memory_space<semaphore_mem>>
      %dma_start3A = tpu.memref_slice %arg25[%mul3A_2] : memref<10240xf32, #tpu.memory_space<vmem_shared>> -> memref<640xf32, #tpu.memory_space<vmem_shared>>
      %dma_start3A_23 = tpu.memref_slice %arg3[%run_scoped3A_6, %mul3A_2] : memref<4x10240xf32, #tpu.memory_space<hbm>> -> memref<1x640xf32, #tpu.memory_space<hbm>>
      %dma_start3A_24 = tpu.memref_squeeze %dma_start3A_23 : memref<1x640xf32, #tpu.memory_space<hbm>> -> memref<640xf32, #tpu.memory_space<hbm>>
      tpu.enqueue_dma source(%dma_start3A_24 : memref<640xf32, #tpu.memory_space<hbm>>) target(%dma_start3A : memref<640xf32, #tpu.memory_space<vmem_shared>>) target_semaphore(%run_scoped3A_22 : memref<!tpu.dma_semaphore, #tpu.memory_space<semaphore_mem>>)
      %dma_wait3A = tpu.memref_slice %arg25[%mul3A_2] : memref<10240xf32, #tpu.memory_space<vmem_shared>> -> memref<640xf32, #tpu.memory_space<vmem_shared>>
      %dma_wait3A_25 = tpu.memref_slice %arg3[%run_scoped3A_6, %mul3A_2] : memref<4x10240xf32, #tpu.memory_space<hbm>> -> memref<1x640xf32, #tpu.memory_space<hbm>>
      %dma_wait3A_26 = tpu.memref_squeeze %dma_wait3A_25 : memref<1x640xf32, #tpu.memory_space<hbm>> -> memref<640xf32, #tpu.memory_space<hbm>>
      tpu.wait_dma2 semaphore(%run_scoped3A_22 : memref<!tpu.dma_semaphore, #tpu.memory_space<semaphore_mem>>) src(%dma_wait3A_26 : memref<640xf32, #tpu.memory_space<hbm>>) dst(%dma_wait3A : memref<640xf32, #tpu.memory_space<vmem_shared>>)
      tpu.yield
    }) : () -> ()
    %run_scoped3A_7 = arith.constant 2 : i32
    "tpu.region"() ({
      %run_scoped3A_22 = tpu.sem_alloc : memref<!tpu.dma_semaphore, #tpu.memory_space<semaphore_mem>>
      %dma_start3A = tpu.memref_slice %arg29[%mul3A_2] : memref<10240xf32, #tpu.memory_space<vmem_shared>> -> memref<640xf32, #tpu.memory_space<vmem_shared>>
      %dma_start3A_23 = tpu.memref_slice %arg4[%run_scoped3A_7, %mul3A_2] : memref<4x10240xf32, #tpu.memory_space<hbm>> -> memref<1x640xf32, #tpu.memory_space<hbm>>
      %dma_start3A_24 = tpu.memref_squeeze %dma_start3A_23 : memref<1x640xf32, #tpu.memory_space<hbm>> -> memref<640xf32, #tpu.memory_space<hbm>>
      tpu.enqueue_dma source(%dma_start3A_24 : memref<640xf32, #tpu.memory_space<hbm>>) target(%dma_start3A : memref<640xf32, #tpu.memory_space<vmem_shared>>) target_semaphore(%run_scoped3A_22 : memref<!tpu.dma_semaphore, #tpu.memory_space<semaphore_mem>>)
      %dma_wait3A = tpu.memref_slice %arg29[%mul3A_2] : memref<10240xf32, #tpu.memory_space<vmem_shared>> -> memref<640xf32, #tpu.memory_space<vmem_shared>>
      %dma_wait3A_25 = tpu.memref_slice %arg4[%run_scoped3A_7, %mul3A_2] : memref<4x10240xf32, #tpu.memory_space<hbm>> -> memref<1x640xf32, #tpu.memory_space<hbm>>
      %dma_wait3A_26 = tpu.memref_squeeze %dma_wait3A_25 : memref<1x640xf32, #tpu.memory_space<hbm>> -> memref<640xf32, #tpu.memory_space<hbm>>
      tpu.wait_dma2 semaphore(%run_scoped3A_22 : memref<!tpu.dma_semaphore, #tpu.memory_space<semaphore_mem>>) src(%dma_wait3A_26 : memref<640xf32, #tpu.memory_space<hbm>>) dst(%dma_wait3A : memref<640xf32, #tpu.memory_space<vmem_shared>>)
      tpu.yield
    }) : () -> ()
    "tpu.region"() ({
      %run_scoped3A_22 = tpu.sem_alloc : memref<!tpu.dma_semaphore, #tpu.memory_space<semaphore_mem>>
      %dma_start3A = tpu.memref_slice %arg34[%mul3A_2] : memref<10240xf32, #tpu.memory_space<vmem_shared>> -> memref<640xf32, #tpu.memory_space<vmem_shared>>
      tpu.enqueue_dma source(%arg8 : memref<640xf32, #tpu.memory_space<hbm>>) target(%dma_start3A : memref<640xf32, #tpu.memory_space<vmem_shared>>) target_semaphore(%run_scoped3A_22 : memref<!tpu.dma_semaphore, #tpu.memory_space<semaphore_mem>>)
      %dma_wait3A = tpu.memref_slice %arg34[%mul3A_2] : memref<10240xf32, #tpu.memory_space<vmem_shared>> -> memref<640xf32, #tpu.memory_space<vmem_shared>>
      tpu.wait_dma2 semaphore(%run_scoped3A_22 : memref<!tpu.dma_semaphore, #tpu.memory_space<semaphore_mem>>) src(%arg8 : memref<640xf32, #tpu.memory_space<hbm>>) dst(%dma_wait3A : memref<640xf32, #tpu.memory_space<vmem_shared>>)
      tpu.yield
    }) : () -> ()
    %run_scoped3A_8 = arith.constant 3 : i32
    "tpu.region"() ({
      %run_scoped3A_22 = tpu.sem_alloc : memref<!tpu.dma_semaphore, #tpu.memory_space<semaphore_mem>>
      %dma_start3A = tpu.memref_slice %arg26[%mul3A_2] : memref<10240xf32, #tpu.memory_space<vmem_shared>> -> memref<640xf32, #tpu.memory_space<vmem_shared>>
      %dma_start3A_23 = tpu.memref_slice %arg3[%run_scoped3A_8, %mul3A_2] : memref<4x10240xf32, #tpu.memory_space<hbm>> -> memref<1x640xf32, #tpu.memory_space<hbm>>
      %dma_start3A_24 = tpu.memref_squeeze %dma_start3A_23 : memref<1x640xf32, #tpu.memory_space<hbm>> -> memref<640xf32, #tpu.memory_space<hbm>>
      tpu.enqueue_dma source(%dma_start3A_24 : memref<640xf32, #tpu.memory_space<hbm>>) target(%dma_start3A : memref<640xf32, #tpu.memory_space<vmem_shared>>) target_semaphore(%run_scoped3A_22 : memref<!tpu.dma_semaphore, #tpu.memory_space<semaphore_mem>>)
      %dma_wait3A = tpu.memref_slice %arg26[%mul3A_2] : memref<10240xf32, #tpu.memory_space<vmem_shared>> -> memref<640xf32, #tpu.memory_space<vmem_shared>>
      %dma_wait3A_25 = tpu.memref_slice %arg3[%run_scoped3A_8, %mul3A_2] : memref<4x10240xf32, #tpu.memory_space<hbm>> -> memref<1x640xf32, #tpu.memory_space<hbm>>
      %dma_wait3A_26 = tpu.memref_squeeze %dma_wait3A_25 : memref<1x640xf32, #tpu.memory_space<hbm>> -> memref<640xf32, #tpu.memory_space<hbm>>
      tpu.wait_dma2 semaphore(%run_scoped3A_22 : memref<!tpu.dma_semaphore, #tpu.memory_space<semaphore_mem>>) src(%dma_wait3A_26 : memref<640xf32, #tpu.memory_space<hbm>>) dst(%dma_wait3A : memref<640xf32, #tpu.memory_space<vmem_shared>>)
      tpu.yield
    }) : () -> ()
    %run_scoped3A_9 = arith.constant 3 : i32
    "tpu.region"() ({
      %run_scoped3A_22 = tpu.sem_alloc : memref<!tpu.dma_semaphore, #tpu.memory_space<semaphore_mem>>
      %dma_start3A = tpu.memref_slice %arg30[%mul3A_2] : memref<10240xf32, #tpu.memory_space<vmem_shared>> -> memref<640xf32, #tpu.memory_space<vmem_shared>>
      %dma_start3A_23 = tpu.memref_slice %arg4[%run_scoped3A_9, %mul3A_2] : memref<4x10240xf32, #tpu.memory_space<hbm>> -> memref<1x640xf32, #tpu.memory_space<hbm>>
      %dma_start3A_24 = tpu.memref_squeeze %dma_start3A_23 : memref<1x640xf32, #tpu.memory_space<hbm>> -> memref<640xf32, #tpu.memory_space<hbm>>
      tpu.enqueue_dma source(%dma_start3A_24 : memref<640xf32, #tpu.memory_space<hbm>>) target(%dma_start3A : memref<640xf32, #tpu.memory_space<vmem_shared>>) target_semaphore(%run_scoped3A_22 : memref<!tpu.dma_semaphore, #tpu.memory_space<semaphore_mem>>)
      %dma_wait3A = tpu.memref_slice %arg30[%mul3A_2] : memref<10240xf32, #tpu.memory_space<vmem_shared>> -> memref<640xf32, #tpu.memory_space<vmem_shared>>
      %dma_wait3A_25 = tpu.memref_slice %arg4[%run_scoped3A_9, %mul3A_2] : memref<4x10240xf32, #tpu.memory_space<hbm>> -> memref<1x640xf32, #tpu.memory_space<hbm>>
      %dma_wait3A_26 = tpu.memref_squeeze %dma_wait3A_25 : memref<1x640xf32, #tpu.memory_space<hbm>> -> memref<640xf32, #tpu.memory_space<hbm>>
      tpu.wait_dma2 semaphore(%run_scoped3A_22 : memref<!tpu.dma_semaphore, #tpu.memory_space<semaphore_mem>>) src(%dma_wait3A_26 : memref<640xf32, #tpu.memory_space<hbm>>) dst(%dma_wait3A : memref<640xf32, #tpu.memory_space<vmem_shared>>)
      tpu.yield
    }) : () -> ()
    "tpu.region"() ({
      %run_scoped3A_22 = tpu.sem_alloc : memref<!tpu.dma_semaphore, #tpu.memory_space<semaphore_mem>>
      %dma_start3A = tpu.memref_slice %arg35[%mul3A_2] : memref<10240xf32, #tpu.memory_space<vmem_shared>> -> memref<640xf32, #tpu.memory_space<vmem_shared>>
      tpu.enqueue_dma source(%arg8 : memref<640xf32, #tpu.memory_space<hbm>>) target(%dma_start3A : memref<640xf32, #tpu.memory_space<vmem_shared>>) target_semaphore(%run_scoped3A_22 : memref<!tpu.dma_semaphore, #tpu.memory_space<semaphore_mem>>)
      %dma_wait3A = tpu.memref_slice %arg35[%mul3A_2] : memref<10240xf32, #tpu.memory_space<vmem_shared>> -> memref<640xf32, #tpu.memory_space<vmem_shared>>
      tpu.wait_dma2 semaphore(%run_scoped3A_22 : memref<!tpu.dma_semaphore, #tpu.memory_space<semaphore_mem>>) src(%arg8 : memref<640xf32, #tpu.memory_space<hbm>>) dst(%dma_wait3A : memref<640xf32, #tpu.memory_space<vmem_shared>>)
      tpu.yield
    }) : () -> ()
    "tpu.region"() ({
      %run_scoped3A_22 = tpu.sem_alloc : memref<!tpu.dma_semaphore, #tpu.memory_space<semaphore_mem>>
      %dma_start3A = arith.constant 0 : i32
      %dma_start3A_23 = tpu.memref_slice %arg31[%mul3A_2, %dma_start3A] : memref<10240x128xf32, #tpu.memory_space<vmem_shared>> -> memref<640x128xf32, #tpu.memory_space<vmem_shared>>
      tpu.enqueue_dma source(%arg7 : memref<640x128xf32, #tpu.memory_space<hbm>>) target(%dma_start3A_23 : memref<640x128xf32, #tpu.memory_space<vmem_shared>>) target_semaphore(%run_scoped3A_22 : memref<!tpu.dma_semaphore, #tpu.memory_space<semaphore_mem>>)
      %dma_wait3A = arith.constant 0 : i32
      %dma_wait3A_24 = tpu.memref_slice %arg31[%mul3A_2, %dma_wait3A] : memref<10240x128xf32, #tpu.memory_space<vmem_shared>> -> memref<640x128xf32, #tpu.memory_space<vmem_shared>>
      tpu.wait_dma2 semaphore(%run_scoped3A_22 : memref<!tpu.dma_semaphore, #tpu.memory_space<semaphore_mem>>) src(%arg7 : memref<640x128xf32, #tpu.memory_space<hbm>>) dst(%dma_wait3A_24 : memref<640x128xf32, #tpu.memory_space<vmem_shared>>)
      tpu.yield
    }) : () -> ()
    %barrier3A = arith.constant 0 : index
    tpu.barrier barrier_id(%barrier3A)
    %iota3A = tpu.iota {dimensions = array<i32: 0>} : vector<16xi32>
    %mul3A_10 = arith.constant 10112 : i32
    %mul3A_11 = arith.muli %add3A, %mul3A_10 : i32
    %scan3A = arith.constant 0 : i32
    %scan3A_12 = arith.constant 0 : i32
    %scan3A_13 = arith.constant 158 : i32
    %scan3A_14 = arith.addi %scan3A_12, %scan3A_13 : i32
    %scan3A_15 = arith.constant 1 : i32
    scf.for %scan3A_22 = %scan3A_12 to %scan3A_14 step %scan3A_15  : i32 {
      %dma_start3A = arith.constant 0 : i32
      %dma_start3A_23 = tpu.memref_slice %arg5[%add3A, %scan3A_22, %dma_start3A] : memref<32x158x64xi32, #tpu.memory_space<hbm>> -> memref<1x1x64xi32, #tpu.memory_space<hbm>>
      %dma_start3A_24 = tpu.memref_squeeze %dma_start3A_23 : memref<1x1x64xi32, #tpu.memory_space<hbm>> -> memref<64xi32, #tpu.memory_space<hbm>>
      %dma_start3A_25 = arith.constant 0 : i32
      %dma_start3A_26 = tpu.memref_slice %arg5[%add3A, %scan3A_22, %dma_start3A_25] : memref<32x158x64xi32, #tpu.memory_space<hbm>> -> memref<1x1x64xi32, #tpu.memory_space<hbm>>
      %dma_start3A_27 = tpu.memref_squeeze %dma_start3A_26 : memref<1x1x64xi32, #tpu.memory_space<hbm>> -> memref<64xi32, #tpu.memory_space<hbm>>
      tpu.enqueue_dma source(%dma_start3A_27 : memref<64xi32, #tpu.memory_space<hbm>>) target(%arg11 : memref<64xi32, #tpu.memory_space<vmem>>) target_semaphore(%arg36 : memref<!tpu.dma_semaphore, #tpu.memory_space<semaphore_mem>>)
      %dma_start3A_28 = arith.constant 0 : i32
      %dma_start3A_29 = tpu.memref_slice %arg6[%add3A, %scan3A_22, %dma_start3A_28] : memref<32x158x64xi32, #tpu.memory_space<hbm>> -> memref<1x1x64xi32, #tpu.memory_space<hbm>>
      %dma_start3A_30 = tpu.memref_squeeze %dma_start3A_29 : memref<1x1x64xi32, #tpu.memory_space<hbm>> -> memref<64xi32, #tpu.memory_space<hbm>>
      %dma_start3A_31 = arith.constant 0 : i32
      %dma_start3A_32 = tpu.memref_slice %arg6[%add3A, %scan3A_22, %dma_start3A_31] : memref<32x158x64xi32, #tpu.memory_space<hbm>> -> memref<1x1x64xi32, #tpu.memory_space<hbm>>
      %dma_start3A_33 = tpu.memref_squeeze %dma_start3A_32 : memref<1x1x64xi32, #tpu.memory_space<hbm>> -> memref<64xi32, #tpu.memory_space<hbm>>
      tpu.enqueue_dma source(%dma_start3A_33 : memref<64xi32, #tpu.memory_space<hbm>>) target(%arg12 : memref<64xi32, #tpu.memory_space<vmem>>) target_semaphore(%arg36 : memref<!tpu.dma_semaphore, #tpu.memory_space<semaphore_mem>>)
      %dma_wait3A = arith.constant 0 : i32
      %dma_wait3A_34 = tpu.memref_slice %arg5[%add3A, %scan3A_22, %dma_wait3A] : memref<32x158x64xi32, #tpu.memory_space<hbm>> -> memref<1x1x64xi32, #tpu.memory_space<hbm>>
      %dma_wait3A_35 = tpu.memref_squeeze %dma_wait3A_34 : memref<1x1x64xi32, #tpu.memory_space<hbm>> -> memref<64xi32, #tpu.memory_space<hbm>>
      %dma_wait3A_36 = arith.constant 0 : i32
      %dma_wait3A_37 = tpu.memref_slice %arg5[%add3A, %scan3A_22, %dma_wait3A_36] : memref<32x158x64xi32, #tpu.memory_space<hbm>> -> memref<1x1x64xi32, #tpu.memory_space<hbm>>
      %dma_wait3A_38 = tpu.memref_squeeze %dma_wait3A_37 : memref<1x1x64xi32, #tpu.memory_space<hbm>> -> memref<64xi32, #tpu.memory_space<hbm>>
      tpu.wait_dma2 semaphore(%arg36 : memref<!tpu.dma_semaphore, #tpu.memory_space<semaphore_mem>>) src(%dma_wait3A_38 : memref<64xi32, #tpu.memory_space<hbm>>) dst(%arg11 : memref<64xi32, #tpu.memory_space<vmem>>)
      %dma_wait3A_39 = arith.constant 0 : i32
      %dma_wait3A_40 = tpu.memref_slice %arg6[%add3A, %scan3A_22, %dma_wait3A_39] : memref<32x158x64xi32, #tpu.memory_space<hbm>> -> memref<1x1x64xi32, #tpu.memory_space<hbm>>
      %dma_wait3A_41 = tpu.memref_squeeze %dma_wait3A_40 : memref<1x1x64xi32, #tpu.memory_space<hbm>> -> memref<64xi32, #tpu.memory_space<hbm>>
      %dma_wait3A_42 = arith.constant 0 : i32
      %dma_wait3A_43 = tpu.memref_slice %arg6[%add3A, %scan3A_22, %dma_wait3A_42] : memref<32x158x64xi32, #tpu.memory_space<hbm>> -> memref<1x1x64xi32, #tpu.memory_space<hbm>>
      %dma_wait3A_44 = tpu.memref_squeeze %dma_wait3A_43 : memref<1x1x64xi32, #tpu.memory_space<hbm>> -> memref<64xi32, #tpu.memory_space<hbm>>
      tpu.wait_dma2 semaphore(%arg36 : memref<!tpu.dma_semaphore, #tpu.memory_space<semaphore_mem>>) src(%dma_wait3A_44 : memref<64xi32, #tpu.memory_space<hbm>>) dst(%arg12 : memref<64xi32, #tpu.memory_space<vmem>>)
      %dma_start3A_45 = arith.constant 0 : i32
      %dma_start3A_46 = arith.constant 0 : i32
      %dma_start3A_47 = tpu.memref_slice %arg2[%dma_start3A_45, %dma_start3A_46] : memref<10240x128xf32, #tpu.memory_space<hbm>> -> memref<10240x128xf32, #tpu.memory_space<hbm>>
      tpu.enqueue_indirect_dma source(%dma_start3A_47 : memref<10240x128xf32, #tpu.memory_space<hbm>>) target(%arg21 : memref<64x128xf32, #tpu.memory_space<vmem>>) offsets(%arg11 : memref<64xi32, #tpu.memory_space<vmem>>) semaphore(%arg37 : memref<!tpu.dma_semaphore, #tpu.memory_space<semaphore_mem>>)
      %dma_start3A_48 = arith.constant 0 : i32
      %dma_start3A_49 = tpu.memref_slice %arg23[%dma_start3A_48] : memref<10240xf32, #tpu.memory_space<vmem_shared>> -> memref<10240xf32, #tpu.memory_space<vmem_shared>>
      tpu.enqueue_indirect_dma source(%dma_start3A_49 : memref<10240xf32, #tpu.memory_space<vmem_shared>>) target(%arg13 : memref<64xf32, #tpu.memory_space<vmem>>) offsets(%arg11 : memref<64xi32, #tpu.memory_space<vmem>>) semaphore(%arg36 : memref<!tpu.dma_semaphore, #tpu.memory_space<semaphore_mem>>)
      %dma_start3A_50 = arith.constant 0 : i32
      %dma_start3A_51 = tpu.memref_slice %arg27[%dma_start3A_50] : memref<10240xf32, #tpu.memory_space<vmem_shared>> -> memref<10240xf32, #tpu.memory_space<vmem_shared>>
      tpu.enqueue_indirect_dma source(%dma_start3A_51 : memref<10240xf32, #tpu.memory_space<vmem_shared>>) target(%arg17 : memref<64xf32, #tpu.memory_space<vmem>>) offsets(%arg12 : memref<64xi32, #tpu.memory_space<vmem>>) semaphore(%arg36 : memref<!tpu.dma_semaphore, #tpu.memory_space<semaphore_mem>>)
      %dma_wait3A_52 = arith.constant 0 : i32
      %dma_wait3A_53 = tpu.memref_slice %arg23[%dma_wait3A_52] : memref<10240xf32, #tpu.memory_space<vmem_shared>> -> memref<10240xf32, #tpu.memory_space<vmem_shared>>
      tpu.wait_indirect_dma semaphore(%arg36 : memref<!tpu.dma_semaphore, #tpu.memory_space<semaphore_mem>>) src(%dma_wait3A_53 : memref<10240xf32, #tpu.memory_space<vmem_shared>>) dst(%arg13 : memref<64xf32, #tpu.memory_space<vmem>>)
      %dma_wait3A_54 = arith.constant 0 : i32
      %dma_wait3A_55 = tpu.memref_slice %arg27[%dma_wait3A_54] : memref<10240xf32, #tpu.memory_space<vmem_shared>> -> memref<10240xf32, #tpu.memory_space<vmem_shared>>
      tpu.wait_indirect_dma semaphore(%arg36 : memref<!tpu.dma_semaphore, #tpu.memory_space<semaphore_mem>>) src(%dma_wait3A_55 : memref<10240xf32, #tpu.memory_space<vmem_shared>>) dst(%arg17 : memref<64xf32, #tpu.memory_space<vmem>>)
      %dma_start3A_56 = arith.constant 0 : i32
      %dma_start3A_57 = tpu.memref_slice %arg24[%dma_start3A_56] : memref<10240xf32, #tpu.memory_space<vmem_shared>> -> memref<10240xf32, #tpu.memory_space<vmem_shared>>
      tpu.enqueue_indirect_dma source(%dma_start3A_57 : memref<10240xf32, #tpu.memory_space<vmem_shared>>) target(%arg14 : memref<64xf32, #tpu.memory_space<vmem>>) offsets(%arg11 : memref<64xi32, #tpu.memory_space<vmem>>) semaphore(%arg36 : memref<!tpu.dma_semaphore, #tpu.memory_space<semaphore_mem>>)
      %dma_start3A_58 = arith.constant 0 : i32
      %dma_start3A_59 = tpu.memref_slice %arg28[%dma_start3A_58] : memref<10240xf32, #tpu.memory_space<vmem_shared>> -> memref<10240xf32, #tpu.memory_space<vmem_shared>>
      tpu.enqueue_indirect_dma source(%dma_start3A_59 : memref<10240xf32, #tpu.memory_space<vmem_shared>>) target(%arg18 : memref<64xf32, #tpu.memory_space<vmem>>) offsets(%arg12 : memref<64xi32, #tpu.memory_space<vmem>>) semaphore(%arg36 : memref<!tpu.dma_semaphore, #tpu.memory_space<semaphore_mem>>)
      %dma_wait3A_60 = arith.constant 0 : i32
      %dma_wait3A_61 = tpu.memref_slice %arg24[%dma_wait3A_60] : memref<10240xf32, #tpu.memory_space<vmem_shared>> -> memref<10240xf32, #tpu.memory_space<vmem_shared>>
      tpu.wait_indirect_dma semaphore(%arg36 : memref<!tpu.dma_semaphore, #tpu.memory_space<semaphore_mem>>) src(%dma_wait3A_61 : memref<10240xf32, #tpu.memory_space<vmem_shared>>) dst(%arg14 : memref<64xf32, #tpu.memory_space<vmem>>)
      %dma_wait3A_62 = arith.constant 0 : i32
      %dma_wait3A_63 = tpu.memref_slice %arg28[%dma_wait3A_62] : memref<10240xf32, #tpu.memory_space<vmem_shared>> -> memref<10240xf32, #tpu.memory_space<vmem_shared>>
      tpu.wait_indirect_dma semaphore(%arg36 : memref<!tpu.dma_semaphore, #tpu.memory_space<semaphore_mem>>) src(%dma_wait3A_63 : memref<10240xf32, #tpu.memory_space<vmem_shared>>) dst(%arg18 : memref<64xf32, #tpu.memory_space<vmem>>)
      %dma_start3A_64 = arith.constant 0 : i32
      %dma_start3A_65 = tpu.memref_slice %arg25[%dma_start3A_64] : memref<10240xf32, #tpu.memory_space<vmem_shared>> -> memref<10240xf32, #tpu.memory_space<vmem_shared>>
      tpu.enqueue_indirect_dma source(%dma_start3A_65 : memref<10240xf32, #tpu.memory_space<vmem_shared>>) target(%arg15 : memref<64xf32, #tpu.memory_space<vmem>>) offsets(%arg11 : memref<64xi32, #tpu.memory_space<vmem>>) semaphore(%arg36 : memref<!tpu.dma_semaphore, #tpu.memory_space<semaphore_mem>>)
      %dma_start3A_66 = arith.constant 0 : i32
      %dma_start3A_67 = tpu.memref_slice %arg29[%dma_start3A_66] : memref<10240xf32, #tpu.memory_space<vmem_shared>> -> memref<10240xf32, #tpu.memory_space<vmem_shared>>
      tpu.enqueue_indirect_dma source(%dma_start3A_67 : memref<10240xf32, #tpu.memory_space<vmem_shared>>) target(%arg19 : memref<64xf32, #tpu.memory_space<vmem>>) offsets(%arg12 : memref<64xi32, #tpu.memory_space<vmem>>) semaphore(%arg36 : memref<!tpu.dma_semaphore, #tpu.memory_space<semaphore_mem>>)
      %dma_wait3A_68 = arith.constant 0 : i32
      %dma_wait3A_69 = tpu.memref_slice %arg25[%dma_wait3A_68] : memref<10240xf32, #tpu.memory_space<vmem_shared>> -> memref<10240xf32, #tpu.memory_space<vmem_shared>>
      tpu.wait_indirect_dma semaphore(%arg36 : memref<!tpu.dma_semaphore, #tpu.memory_space<semaphore_mem>>) src(%dma_wait3A_69 : memref<10240xf32, #tpu.memory_space<vmem_shared>>) dst(%arg15 : memref<64xf32, #tpu.memory_space<vmem>>)
      %dma_wait3A_70 = arith.constant 0 : i32
      %dma_wait3A_71 = tpu.memref_slice %arg29[%dma_wait3A_70] : memref<10240xf32, #tpu.memory_space<vmem_shared>> -> memref<10240xf32, #tpu.memory_space<vmem_shared>>
      tpu.wait_indirect_dma semaphore(%arg36 : memref<!tpu.dma_semaphore, #tpu.memory_space<semaphore_mem>>) src(%dma_wait3A_71 : memref<10240xf32, #tpu.memory_space<vmem_shared>>) dst(%arg19 : memref<64xf32, #tpu.memory_space<vmem>>)
      %dma_start3A_72 = arith.constant 0 : i32
      %dma_start3A_73 = tpu.memref_slice %arg26[%dma_start3A_72] : memref<10240xf32, #tpu.memory_space<vmem_shared>> -> memref<10240xf32, #tpu.memory_space<vmem_shared>>
      tpu.enqueue_indirect_dma source(%dma_start3A_73 : memref<10240xf32, #tpu.memory_space<vmem_shared>>) target(%arg16 : memref<64xf32, #tpu.memory_space<vmem>>) offsets(%arg11 : memref<64xi32, #tpu.memory_space<vmem>>) semaphore(%arg36 : memref<!tpu.dma_semaphore, #tpu.memory_space<semaphore_mem>>)
      %dma_start3A_74 = arith.constant 0 : i32
      %dma_start3A_75 = tpu.memref_slice %arg30[%dma_start3A_74] : memref<10240xf32, #tpu.memory_space<vmem_shared>> -> memref<10240xf32, #tpu.memory_space<vmem_shared>>
      tpu.enqueue_indirect_dma source(%dma_start3A_75 : memref<10240xf32, #tpu.memory_space<vmem_shared>>) target(%arg20 : memref<64xf32, #tpu.memory_space<vmem>>) offsets(%arg12 : memref<64xi32, #tpu.memory_space<vmem>>) semaphore(%arg36 : memref<!tpu.dma_semaphore, #tpu.memory_space<semaphore_mem>>)
      %dma_wait3A_76 = arith.constant 0 : i32
      %dma_wait3A_77 = tpu.memref_slice %arg26[%dma_wait3A_76] : memref<10240xf32, #tpu.memory_space<vmem_shared>> -> memref<10240xf32, #tpu.memory_space<vmem_shared>>
      tpu.wait_indirect_dma semaphore(%arg36 : memref<!tpu.dma_semaphore, #tpu.memory_space<semaphore_mem>>) src(%dma_wait3A_77 : memref<10240xf32, #tpu.memory_space<vmem_shared>>) dst(%arg16 : memref<64xf32, #tpu.memory_space<vmem>>)
      %dma_wait3A_78 = arith.constant 0 : i32
      %dma_wait3A_79 = tpu.memref_slice %arg30[%dma_wait3A_78] : memref<10240xf32, #tpu.memory_space<vmem_shared>> -> memref<10240xf32, #tpu.memory_space<vmem_shared>>
      tpu.wait_indirect_dma semaphore(%arg36 : memref<!tpu.dma_semaphore, #tpu.memory_space<semaphore_mem>>) src(%dma_wait3A_79 : memref<10240xf32, #tpu.memory_space<vmem_shared>>) dst(%arg20 : memref<64xf32, #tpu.memory_space<vmem>>)
      %mul3A_80 = arith.constant 64 : i32
      %mul3A_81 = arith.muli %scan3A_22, %mul3A_80 : i32
      %add3A_82 = arith.addi %mul3A_11, %mul3A_81 : i32
      %add3A_83 = arith.constant 0 : i32
      %add3A_84 = arith.addi %add3A_82, %add3A_83 : i32
      %add3A_85 = vector.broadcast %add3A_84 : i32 to vector<16xi32>
      %add3A_86 = arith.addi %add3A_85, %iota3A : vector<16xi32>
      %lt3A = arith.constant 320000 : i32
      %lt3A_87 = vector.broadcast %lt3A : i32 to vector<16xi32>
      %lt3A_88 = arith.cmpi slt, %add3A_86, %lt3A_87 : vector<16xi32>
      %get3A = arith.constant 0 : index
      %get3A_89 = tpu.vector_load %arg13[%get3A] {strides = array<i32>} : memref<64xf32, #tpu.memory_space<vmem>>, vector<16xf32>,
      %get3A_90 = arith.constant 0 : index
      %get3A_91 = tpu.vector_load %arg17[%get3A_90] {strides = array<i32>} : memref<64xf32, #tpu.memory_space<vmem>>, vector<16xf32>,
      %add3A_92 = arith.addf %get3A_89, %get3A_91 : vector<16xf32>
      %mul3A_93 = arith.constant 2.000000e-01 : f32
      %mul3A_94 = vector.broadcast %mul3A_93 : f32 to vector<16xf32>
      %mul3A_95 = arith.mulf %mul3A_94, %add3A_92 : vector<16xf32>
      %max3A = arith.maximumf %add3A_92, %mul3A_95 : vector<16xf32>
      %exp3A = math.exp %max3A : vector<16xf32>
      %jit3A = arith.constant 0.000000e+00 : f32
      %broadcast_in_dim3A = vector.broadcast %jit3A : f32 to vector<16xf32>
      %select_n3A = arith.select %lt3A_88, %exp3A, %broadcast_in_dim3A : vector<16xi1>, vector<16xf32>
      %swap3A = arith.constant 0 : index
      %swap3A_96 = tpu.vector_load %arg22[%swap3A] {strides = array<i32>} : memref<256xf32, #tpu.memory_space<vmem>>, vector<16xf32>,
      tpu.vector_store %arg22[%swap3A], %select_n3A {strides = array<i32>} : memref<256xf32, #tpu.memory_space<vmem>>, vector<16xf32>,
      %get3A_97 = arith.constant 0 : index
      %get3A_98 = tpu.vector_load %arg14[%get3A_97] {strides = array<i32>} : memref<64xf32, #tpu.memory_space<vmem>>, vector<16xf32>,
      %get3A_99 = arith.constant 0 : index
      %get3A_100 = tpu.vector_load %arg18[%get3A_99] {strides = array<i32>} : memref<64xf32, #tpu.memory_space<vmem>>, vector<16xf32>,
      %add3A_101 = arith.addf %get3A_98, %get3A_100 : vector<16xf32>
      %mul3A_102 = arith.constant 2.000000e-01 : f32
      %mul3A_103 = vector.broadcast %mul3A_102 : f32 to vector<16xf32>
      %mul3A_104 = arith.mulf %mul3A_103, %add3A_101 : vector<16xf32>
      %max3A_105 = arith.maximumf %add3A_101, %mul3A_104 : vector<16xf32>
      %exp3A_106 = math.exp %max3A_105 : vector<16xf32>
      %jit3A_107 = arith.constant 0.000000e+00 : f32
      %broadcast_in_dim3A_108 = vector.broadcast %jit3A_107 : f32 to vector<16xf32>
      %select_n3A_109 = arith.select %lt3A_88, %exp3A_106, %broadcast_in_dim3A_108 : vector<16xi1>, vector<16xf32>
      %swap3A_110 = arith.constant 64 : index
      %swap3A_111 = tpu.vector_load %arg22[%swap3A_110] {strides = array<i32>} : memref<256xf32, #tpu.memory_space<vmem>>, vector<16xf32>,
      tpu.vector_store %arg22[%swap3A_110], %select_n3A_109 {strides = array<i32>} : memref<256xf32, #tpu.memory_space<vmem>>, vector<16xf32>,
      %get3A_112 = arith.constant 0 : index
      %get3A_113 = tpu.vector_load %arg15[%get3A_112] {strides = array<i32>} : memref<64xf32, #tpu.memory_space<vmem>>, vector<16xf32>,
      %get3A_114 = arith.constant 0 : index
      %get3A_115 = tpu.vector_load %arg19[%get3A_114] {strides = array<i32>} : memref<64xf32, #tpu.memory_space<vmem>>, vector<16xf32>,
      %add3A_116 = arith.addf %get3A_113, %get3A_115 : vector<16xf32>
      %mul3A_117 = arith.constant 2.000000e-01 : f32
      %mul3A_118 = vector.broadcast %mul3A_117 : f32 to vector<16xf32>
      %mul3A_119 = arith.mulf %mul3A_118, %add3A_116 : vector<16xf32>
      %max3A_120 = arith.maximumf %add3A_116, %mul3A_119 : vector<16xf32>
      %exp3A_121 = math.exp %max3A_120 : vector<16xf32>
      %jit3A_122 = arith.constant 0.000000e+00 : f32
      %broadcast_in_dim3A_123 = vector.broadcast %jit3A_122 : f32 to vector<16xf32>
      %select_n3A_124 = arith.select %lt3A_88, %exp3A_121, %broadcast_in_dim3A_123 : vector<16xi1>, vector<16xf32>
      %swap3A_125 = arith.constant 128 : index
      %swap3A_126 = tpu.vector_load %arg22[%swap3A_125] {strides = array<i32>} : memref<256xf32, #tpu.memory_space<vmem>>, vector<16xf32>,
      tpu.vector_store %arg22[%swap3A_125], %select_n3A_124 {strides = array<i32>} : memref<256xf32, #tpu.memory_space<vmem>>, vector<16xf32>,
      %get3A_127 = arith.constant 0 : index
      %get3A_128 = tpu.vector_load %arg16[%get3A_127] {strides = array<i32>} : memref<64xf32, #tpu.memory_space<vmem>>, vector<16xf32>,
      %get3A_129 = arith.constant 0 : index
      %get3A_130 = tpu.vector_load %arg20[%get3A_129] {strides = array<i32>} : memref<64xf32, #tpu.memory_space<vmem>>, vector<16xf32>,
      %add3A_131 = arith.addf %get3A_128, %get3A_130 : vector<16xf32>
      %mul3A_132 = arith.constant 2.000000e-01 : f32
      %mul3A_133 = vector.broadcast %mul3A_132 : f32 to vector<16xf32>
      %mul3A_134 = arith.mulf %mul3A_133, %add3A_131 : vector<16xf32>
      %max3A_135 = arith.maximumf %add3A_131, %mul3A_134 : vector<16xf32>
      %exp3A_136 = math.exp %max3A_135 : vector<16xf32>
      %jit3A_137 = arith.constant 0.000000e+00 : f32
      %broadcast_in_dim3A_138 = vector.broadcast %jit3A_137 : f32 to vector<16xf32>
      %select_n3A_139 = arith.select %lt3A_88, %exp3A_136, %broadcast_in_dim3A_138 : vector<16xi1>, vector<16xf32>
      %swap3A_140 = arith.constant 192 : index
      %swap3A_141 = tpu.vector_load %arg22[%swap3A_140] {strides = array<i32>} : memref<256xf32, #tpu.memory_space<vmem>>, vector<16xf32>,
      tpu.vector_store %arg22[%swap3A_140], %select_n3A_139 {strides = array<i32>} : memref<256xf32, #tpu.memory_space<vmem>>, vector<16xf32>,
      %mul3A_142 = arith.constant 64 : i32
      %mul3A_143 = arith.muli %scan3A_22, %mul3A_142 : i32
      %add3A_144 = arith.addi %mul3A_11, %mul3A_143 : i32
      %add3A_145 = arith.constant 16 : i32
      %add3A_146 = arith.addi %add3A_144, %add3A_145 : i32
      %add3A_147 = vector.broadcast %add3A_146 : i32 to vector<16xi32>
      %add3A_148 = arith.addi %add3A_147, %iota3A : vector<16xi32>
      %lt3A_149 = arith.constant 320000 : i32
      %lt3A_150 = vector.broadcast %lt3A_149 : i32 to vector<16xi32>
      %lt3A_151 = arith.cmpi slt, %add3A_148, %lt3A_150 : vector<16xi32>
      %get3A_152 = arith.constant 16 : index
      %get3A_153 = tpu.vector_load %arg13[%get3A_152] {strides = array<i32>} : memref<64xf32, #tpu.memory_space<vmem>>, vector<16xf32>,
      %get3A_154 = arith.constant 16 : index
      %get3A_155 = tpu.vector_load %arg17[%get3A_154] {strides = array<i32>} : memref<64xf32, #tpu.memory_space<vmem>>, vector<16xf32>,
      %add3A_156 = arith.addf %get3A_153, %get3A_155 : vector<16xf32>
      %mul3A_157 = arith.constant 2.000000e-01 : f32
      %mul3A_158 = vector.broadcast %mul3A_157 : f32 to vector<16xf32>
      %mul3A_159 = arith.mulf %mul3A_158, %add3A_156 : vector<16xf32>
      %max3A_160 = arith.maximumf %add3A_156, %mul3A_159 : vector<16xf32>
      %exp3A_161 = math.exp %max3A_160 : vector<16xf32>
      %jit3A_162 = arith.constant 0.000000e+00 : f32
      %broadcast_in_dim3A_163 = vector.broadcast %jit3A_162 : f32 to vector<16xf32>
      %select_n3A_164 = arith.select %lt3A_151, %exp3A_161, %broadcast_in_dim3A_163 : vector<16xi1>, vector<16xf32>
      %swap3A_165 = arith.constant 16 : index
      %swap3A_166 = tpu.vector_load %arg22[%swap3A_165] {strides = array<i32>} : memref<256xf32, #tpu.memory_space<vmem>>, vector<16xf32>,
      tpu.vector_store %arg22[%swap3A_165], %select_n3A_164 {strides = array<i32>} : memref<256xf32, #tpu.memory_space<vmem>>, vector<16xf32>,
      %get3A_167 = arith.constant 16 : index
      %get3A_168 = tpu.vector_load %arg14[%get3A_167] {strides = array<i32>} : memref<64xf32, #tpu.memory_space<vmem>>, vector<16xf32>,
      %get3A_169 = arith.constant 16 : index
      %get3A_170 = tpu.vector_load %arg18[%get3A_169] {strides = array<i32>} : memref<64xf32, #tpu.memory_space<vmem>>, vector<16xf32>,
      %add3A_171 = arith.addf %get3A_168, %get3A_170 : vector<16xf32>
      %mul3A_172 = arith.constant 2.000000e-01 : f32
      %mul3A_173 = vector.broadcast %mul3A_172 : f32 to vector<16xf32>
      %mul3A_174 = arith.mulf %mul3A_173, %add3A_171 : vector<16xf32>
      %max3A_175 = arith.maximumf %add3A_171, %mul3A_174 : vector<16xf32>
      %exp3A_176 = math.exp %max3A_175 : vector<16xf32>
      %jit3A_177 = arith.constant 0.000000e+00 : f32
      %broadcast_in_dim3A_178 = vector.broadcast %jit3A_177 : f32 to vector<16xf32>
      %select_n3A_179 = arith.select %lt3A_151, %exp3A_176, %broadcast_in_dim3A_178 : vector<16xi1>, vector<16xf32>
      %swap3A_180 = arith.constant 80 : index
      %swap3A_181 = tpu.vector_load %arg22[%swap3A_180] {strides = array<i32>} : memref<256xf32, #tpu.memory_space<vmem>>, vector<16xf32>,
      tpu.vector_store %arg22[%swap3A_180], %select_n3A_179 {strides = array<i32>} : memref<256xf32, #tpu.memory_space<vmem>>, vector<16xf32>,
      %get3A_182 = arith.constant 16 : index
      %get3A_183 = tpu.vector_load %arg15[%get3A_182] {strides = array<i32>} : memref<64xf32, #tpu.memory_space<vmem>>, vector<16xf32>,
      %get3A_184 = arith.constant 16 : index
      %get3A_185 = tpu.vector_load %arg19[%get3A_184] {strides = array<i32>} : memref<64xf32, #tpu.memory_space<vmem>>, vector<16xf32>,
      %add3A_186 = arith.addf %get3A_183, %get3A_185 : vector<16xf32>
      %mul3A_187 = arith.constant 2.000000e-01 : f32
      %mul3A_188 = vector.broadcast %mul3A_187 : f32 to vector<16xf32>
      %mul3A_189 = arith.mulf %mul3A_188, %add3A_186 : vector<16xf32>
      %max3A_190 = arith.maximumf %add3A_186, %mul3A_189 : vector<16xf32>
      %exp3A_191 = math.exp %max3A_190 : vector<16xf32>
      %jit3A_192 = arith.constant 0.000000e+00 : f32
      %broadcast_in_dim3A_193 = vector.broadcast %jit3A_192 : f32 to vector<16xf32>
      %select_n3A_194 = arith.select %lt3A_151, %exp3A_191, %broadcast_in_dim3A_193 : vector<16xi1>, vector<16xf32>
      %swap3A_195 = arith.constant 144 : index
      %swap3A_196 = tpu.vector_load %arg22[%swap3A_195] {strides = array<i32>} : memref<256xf32, #tpu.memory_space<vmem>>, vector<16xf32>,
      tpu.vector_store %arg22[%swap3A_195], %select_n3A_194 {strides = array<i32>} : memref<256xf32, #tpu.memory_space<vmem>>, vector<16xf32>,
      %get3A_197 = arith.constant 16 : index
      %get3A_198 = tpu.vector_load %arg16[%get3A_197] {strides = array<i32>} : memref<64xf32, #tpu.memory_space<vmem>>, vector<16xf32>,
      %get3A_199 = arith.constant 16 : index
      %get3A_200 = tpu.vector_load %arg20[%get3A_199] {strides = array<i32>} : memref<64xf32, #tpu.memory_space<vmem>>, vector<16xf32>,
      %add3A_201 = arith.addf %get3A_198, %get3A_200 : vector<16xf32>
      %mul3A_202 = arith.constant 2.000000e-01 : f32
      %mul3A_203 = vector.broadcast %mul3A_202 : f32 to vector<16xf32>
      %mul3A_204 = arith.mulf %mul3A_203, %add3A_201 : vector<16xf32>
      %max3A_205 = arith.maximumf %add3A_201, %mul3A_204 : vector<16xf32>
      %exp3A_206 = math.exp %max3A_205 : vector<16xf32>
      %jit3A_207 = arith.constant 0.000000e+00 : f32
      %broadcast_in_dim3A_208 = vector.broadcast %jit3A_207 : f32 to vector<16xf32>
      %select_n3A_209 = arith.select %lt3A_151, %exp3A_206, %broadcast_in_dim3A_208 : vector<16xi1>, vector<16xf32>
      %swap3A_210 = arith.constant 208 : index
      %swap3A_211 = tpu.vector_load %arg22[%swap3A_210] {strides = array<i32>} : memref<256xf32, #tpu.memory_space<vmem>>, vector<16xf32>,
      tpu.vector_store %arg22[%swap3A_210], %select_n3A_209 {strides = array<i32>} : memref<256xf32, #tpu.memory_space<vmem>>, vector<16xf32>,
      %mul3A_212 = arith.constant 64 : i32
      %mul3A_213 = arith.muli %scan3A_22, %mul3A_212 : i32
      %add3A_214 = arith.addi %mul3A_11, %mul3A_213 : i32
      %add3A_215 = arith.constant 32 : i32
      %add3A_216 = arith.addi %add3A_214, %add3A_215 : i32
      %add3A_217 = vector.broadcast %add3A_216 : i32 to vector<16xi32>
      %add3A_218 = arith.addi %add3A_217, %iota3A : vector<16xi32>
      %lt3A_219 = arith.constant 320000 : i32
      %lt3A_220 = vector.broadcast %lt3A_219 : i32 to vector<16xi32>
      %lt3A_221 = arith.cmpi slt, %add3A_218, %lt3A_220 : vector<16xi32>
      %get3A_222 = arith.constant 32 : index
      %get3A_223 = tpu.vector_load %arg13[%get3A_222] {strides = array<i32>} : memref<64xf32, #tpu.memory_space<vmem>>, vector<16xf32>,
      %get3A_224 = arith.constant 32 : index
      %get3A_225 = tpu.vector_load %arg17[%get3A_224] {strides = array<i32>} : memref<64xf32, #tpu.memory_space<vmem>>, vector<16xf32>,
      %add3A_226 = arith.addf %get3A_223, %get3A_225 : vector<16xf32>
      %mul3A_227 = arith.constant 2.000000e-01 : f32
      %mul3A_228 = vector.broadcast %mul3A_227 : f32 to vector<16xf32>
      %mul3A_229 = arith.mulf %mul3A_228, %add3A_226 : vector<16xf32>
      %max3A_230 = arith.maximumf %add3A_226, %mul3A_229 : vector<16xf32>
      %exp3A_231 = math.exp %max3A_230 : vector<16xf32>
      %jit3A_232 = arith.constant 0.000000e+00 : f32
      %broadcast_in_dim3A_233 = vector.broadcast %jit3A_232 : f32 to vector<16xf32>
      %select_n3A_234 = arith.select %lt3A_221, %exp3A_231, %broadcast_in_dim3A_233 : vector<16xi1>, vector<16xf32>
      %swap3A_235 = arith.constant 32 : index
      %swap3A_236 = tpu.vector_load %arg22[%swap3A_235] {strides = array<i32>} : memref<256xf32, #tpu.memory_space<vmem>>, vector<16xf32>,
      tpu.vector_store %arg22[%swap3A_235], %select_n3A_234 {strides = array<i32>} : memref<256xf32, #tpu.memory_space<vmem>>, vector<16xf32>,
      %get3A_237 = arith.constant 32 : index
      %get3A_238 = tpu.vector_load %arg14[%get3A_237] {strides = array<i32>} : memref<64xf32, #tpu.memory_space<vmem>>, vector<16xf32>,
      %get3A_239 = arith.constant 32 : index
      %get3A_240 = tpu.vector_load %arg18[%get3A_239] {strides = array<i32>} : memref<64xf32, #tpu.memory_space<vmem>>, vector<16xf32>,
      %add3A_241 = arith.addf %get3A_238, %get3A_240 : vector<16xf32>
      %mul3A_242 = arith.constant 2.000000e-01 : f32
      %mul3A_243 = vector.broadcast %mul3A_242 : f32 to vector<16xf32>
      %mul3A_244 = arith.mulf %mul3A_243, %add3A_241 : vector<16xf32>
      %max3A_245 = arith.maximumf %add3A_241, %mul3A_244 : vector<16xf32>
      %exp3A_246 = math.exp %max3A_245 : vector<16xf32>
      %jit3A_247 = arith.constant 0.000000e+00 : f32
      %broadcast_in_dim3A_248 = vector.broadcast %jit3A_247 : f32 to vector<16xf32>
      %select_n3A_249 = arith.select %lt3A_221, %exp3A_246, %broadcast_in_dim3A_248 : vector<16xi1>, vector<16xf32>
      %swap3A_250 = arith.constant 96 : index
      %swap3A_251 = tpu.vector_load %arg22[%swap3A_250] {strides = array<i32>} : memref<256xf32, #tpu.memory_space<vmem>>, vector<16xf32>,
      tpu.vector_store %arg22[%swap3A_250], %select_n3A_249 {strides = array<i32>} : memref<256xf32, #tpu.memory_space<vmem>>, vector<16xf32>,
      %get3A_252 = arith.constant 32 : index
      %get3A_253 = tpu.vector_load %arg15[%get3A_252] {strides = array<i32>} : memref<64xf32, #tpu.memory_space<vmem>>, vector<16xf32>,
      %get3A_254 = arith.constant 32 : index
      %get3A_255 = tpu.vector_load %arg19[%get3A_254] {strides = array<i32>} : memref<64xf32, #tpu.memory_space<vmem>>, vector<16xf32>,
      %add3A_256 = arith.addf %get3A_253, %get3A_255 : vector<16xf32>
      %mul3A_257 = arith.constant 2.000000e-01 : f32
      %mul3A_258 = vector.broadcast %mul3A_257 : f32 to vector<16xf32>
      %mul3A_259 = arith.mulf %mul3A_258, %add3A_256 : vector<16xf32>
      %max3A_260 = arith.maximumf %add3A_256, %mul3A_259 : vector<16xf32>
      %exp3A_261 = math.exp %max3A_260 : vector<16xf32>
      %jit3A_262 = arith.constant 0.000000e+00 : f32
      %broadcast_in_dim3A_263 = vector.broadcast %jit3A_262 : f32 to vector<16xf32>
      %select_n3A_264 = arith.select %lt3A_221, %exp3A_261, %broadcast_in_dim3A_263 : vector<16xi1>, vector<16xf32>
      %swap3A_265 = arith.constant 160 : index
      %swap3A_266 = tpu.vector_load %arg22[%swap3A_265] {strides = array<i32>} : memref<256xf32, #tpu.memory_space<vmem>>, vector<16xf32>,
      tpu.vector_store %arg22[%swap3A_265], %select_n3A_264 {strides = array<i32>} : memref<256xf32, #tpu.memory_space<vmem>>, vector<16xf32>,
      %get3A_267 = arith.constant 32 : index
      %get3A_268 = tpu.vector_load %arg16[%get3A_267] {strides = array<i32>} : memref<64xf32, #tpu.memory_space<vmem>>, vector<16xf32>,
      %get3A_269 = arith.constant 32 : index
      %get3A_270 = tpu.vector_load %arg20[%get3A_269] {strides = array<i32>} : memref<64xf32, #tpu.memory_space<vmem>>, vector<16xf32>,
      %add3A_271 = arith.addf %get3A_268, %get3A_270 : vector<16xf32>
      %mul3A_272 = arith.constant 2.000000e-01 : f32
      %mul3A_273 = vector.broadcast %mul3A_272 : f32 to vector<16xf32>
      %mul3A_274 = arith.mulf %mul3A_273, %add3A_271 : vector<16xf32>
      %max3A_275 = arith.maximumf %add3A_271, %mul3A_274 : vector<16xf32>
      %exp3A_276 = math.exp %max3A_275 : vector<16xf32>
      %jit3A_277 = arith.constant 0.000000e+00 : f32
      %broadcast_in_dim3A_278 = vector.broadcast %jit3A_277 : f32 to vector<16xf32>
      %select_n3A_279 = arith.select %lt3A_221, %exp3A_276, %broadcast_in_dim3A_278 : vector<16xi1>, vector<16xf32>
      %swap3A_280 = arith.constant 224 : index
      %swap3A_281 = tpu.vector_load %arg22[%swap3A_280] {strides = array<i32>} : memref<256xf32, #tpu.memory_space<vmem>>, vector<16xf32>,
      tpu.vector_store %arg22[%swap3A_280], %select_n3A_279 {strides = array<i32>} : memref<256xf32, #tpu.memory_space<vmem>>, vector<16xf32>,
      %mul3A_282 = arith.constant 64 : i32
      %mul3A_283 = arith.muli %scan3A_22, %mul3A_282 : i32
      %add3A_284 = arith.addi %mul3A_11, %mul3A_283 : i32
      %add3A_285 = arith.constant 48 : i32
      %add3A_286 = arith.addi %add3A_284, %add3A_285 : i32
      %add3A_287 = vector.broadcast %add3A_286 : i32 to vector<16xi32>
      %add3A_288 = arith.addi %add3A_287, %iota3A : vector<16xi32>
      %lt3A_289 = arith.constant 320000 : i32
      %lt3A_290 = vector.broadcast %lt3A_289 : i32 to vector<16xi32>
      %lt3A_291 = arith.cmpi slt, %add3A_288, %lt3A_290 : vector<16xi32>
      %get3A_292 = arith.constant 48 : index
      %get3A_293 = tpu.vector_load %arg13[%get3A_292] {strides = array<i32>} : memref<64xf32, #tpu.memory_space<vmem>>, vector<16xf32>,
      %get3A_294 = arith.constant 48 : index
      %get3A_295 = tpu.vector_load %arg17[%get3A_294] {strides = array<i32>} : memref<64xf32, #tpu.memory_space<vmem>>, vector<16xf32>,
      %add3A_296 = arith.addf %get3A_293, %get3A_295 : vector<16xf32>
      %mul3A_297 = arith.constant 2.000000e-01 : f32
      %mul3A_298 = vector.broadcast %mul3A_297 : f32 to vector<16xf32>
      %mul3A_299 = arith.mulf %mul3A_298, %add3A_296 : vector<16xf32>
      %max3A_300 = arith.maximumf %add3A_296, %mul3A_299 : vector<16xf32>
      %exp3A_301 = math.exp %max3A_300 : vector<16xf32>
      %jit3A_302 = arith.constant 0.000000e+00 : f32
      %broadcast_in_dim3A_303 = vector.broadcast %jit3A_302 : f32 to vector<16xf32>
      %select_n3A_304 = arith.select %lt3A_291, %exp3A_301, %broadcast_in_dim3A_303 : vector<16xi1>, vector<16xf32>
      %swap3A_305 = arith.constant 48 : index
      %swap3A_306 = tpu.vector_load %arg22[%swap3A_305] {strides = array<i32>} : memref<256xf32, #tpu.memory_space<vmem>>, vector<16xf32>,
      tpu.vector_store %arg22[%swap3A_305], %select_n3A_304 {strides = array<i32>} : memref<256xf32, #tpu.memory_space<vmem>>, vector<16xf32>,
      %get3A_307 = arith.constant 48 : index
      %get3A_308 = tpu.vector_load %arg14[%get3A_307] {strides = array<i32>} : memref<64xf32, #tpu.memory_space<vmem>>, vector<16xf32>,
      %get3A_309 = arith.constant 48 : index
      %get3A_310 = tpu.vector_load %arg18[%get3A_309] {strides = array<i32>} : memref<64xf32, #tpu.memory_space<vmem>>, vector<16xf32>,
      %add3A_311 = arith.addf %get3A_308, %get3A_310 : vector<16xf32>
      %mul3A_312 = arith.constant 2.000000e-01 : f32
      %mul3A_313 = vector.broadcast %mul3A_312 : f32 to vector<16xf32>
      %mul3A_314 = arith.mulf %mul3A_313, %add3A_311 : vector<16xf32>
      %max3A_315 = arith.maximumf %add3A_311, %mul3A_314 : vector<16xf32>
      %exp3A_316 = math.exp %max3A_315 : vector<16xf32>
      %jit3A_317 = arith.constant 0.000000e+00 : f32
      %broadcast_in_dim3A_318 = vector.broadcast %jit3A_317 : f32 to vector<16xf32>
      %select_n3A_319 = arith.select %lt3A_291, %exp3A_316, %broadcast_in_dim3A_318 : vector<16xi1>, vector<16xf32>
      %swap3A_320 = arith.constant 112 : index
      %swap3A_321 = tpu.vector_load %arg22[%swap3A_320] {strides = array<i32>} : memref<256xf32, #tpu.memory_space<vmem>>, vector<16xf32>,
      tpu.vector_store %arg22[%swap3A_320], %select_n3A_319 {strides = array<i32>} : memref<256xf32, #tpu.memory_space<vmem>>, vector<16xf32>,
      %get3A_322 = arith.constant 48 : index
      %get3A_323 = tpu.vector_load %arg15[%get3A_322] {strides = array<i32>} : memref<64xf32, #tpu.memory_space<vmem>>, vector<16xf32>,
      %get3A_324 = arith.constant 48 : index
      %get3A_325 = tpu.vector_load %arg19[%get3A_324] {strides = array<i32>} : memref<64xf32, #tpu.memory_space<vmem>>, vector<16xf32>,
      %add3A_326 = arith.addf %get3A_323, %get3A_325 : vector<16xf32>
      %mul3A_327 = arith.constant 2.000000e-01 : f32
      %mul3A_328 = vector.broadcast %mul3A_327 : f32 to vector<16xf32>
      %mul3A_329 = arith.mulf %mul3A_328, %add3A_326 : vector<16xf32>
      %max3A_330 = arith.maximumf %add3A_326, %mul3A_329 : vector<16xf32>
      %exp3A_331 = math.exp %max3A_330 : vector<16xf32>
      %jit3A_332 = arith.constant 0.000000e+00 : f32
      %broadcast_in_dim3A_333 = vector.broadcast %jit3A_332 : f32 to vector<16xf32>
      %select_n3A_334 = arith.select %lt3A_291, %exp3A_331, %broadcast_in_dim3A_333 : vector<16xi1>, vector<16xf32>
      %swap3A_335 = arith.constant 176 : index
      %swap3A_336 = tpu.vector_load %arg22[%swap3A_335] {strides = array<i32>} : memref<256xf32, #tpu.memory_space<vmem>>, vector<16xf32>,
      tpu.vector_store %arg22[%swap3A_335], %select_n3A_334 {strides = array<i32>} : memref<256xf32, #tpu.memory_space<vmem>>, vector<16xf32>,
      %get3A_337 = arith.constant 48 : index
      %get3A_338 = tpu.vector_load %arg16[%get3A_337] {strides = array<i32>} : memref<64xf32, #tpu.memory_space<vmem>>, vector<16xf32>,
      %get3A_339 = arith.constant 48 : index
      %get3A_340 = tpu.vector_load %arg20[%get3A_339] {strides = array<i32>} : memref<64xf32, #tpu.memory_space<vmem>>, vector<16xf32>,
      %add3A_341 = arith.addf %get3A_338, %get3A_340 : vector<16xf32>
      %mul3A_342 = arith.constant 2.000000e-01 : f32
      %mul3A_343 = vector.broadcast %mul3A_342 : f32 to vector<16xf32>
      %mul3A_344 = arith.mulf %mul3A_343, %add3A_341 : vector<16xf32>
      %max3A_345 = arith.maximumf %add3A_341, %mul3A_344 : vector<16xf32>
      %exp3A_346 = math.exp %max3A_345 : vector<16xf32>
      %jit3A_347 = arith.constant 0.000000e+00 : f32
      %broadcast_in_dim3A_348 = vector.broadcast %jit3A_347 : f32 to vector<16xf32>
      %select_n3A_349 = arith.select %lt3A_291, %exp3A_346, %broadcast_in_dim3A_348 : vector<16xi1>, vector<16xf32>
      %swap3A_350 = arith.constant 240 : index
      %swap3A_351 = tpu.vector_load %arg22[%swap3A_350] {strides = array<i32>} : memref<256xf32, #tpu.memory_space<vmem>>, vector<16xf32>,
      tpu.vector_store %arg22[%swap3A_350], %select_n3A_349 {strides = array<i32>} : memref<256xf32, #tpu.memory_space<vmem>>, vector<16xf32>,
      %dma_wait3A_352 = arith.constant 0 : i32
      %dma_wait3A_353 = arith.constant 0 : i32
      %dma_wait3A_354 = tpu.memref_slice %arg2[%dma_wait3A_352, %dma_wait3A_353] : memref<10240x128xf32, #tpu.memory_space<hbm>> -> memref<10240x128xf32, #tpu.memory_space<hbm>>
      tpu.wait_indirect_dma semaphore(%arg37 : memref<!tpu.dma_semaphore, #tpu.memory_space<semaphore_mem>>) src(%dma_wait3A_354 : memref<10240x128xf32, #tpu.memory_space<hbm>>) dst(%arg21 : memref<64x128xf32, #tpu.memory_space<vmem>>)
      %scan3A_355 = arith.constant 0 : i32
      %scan3A_356 = arith.constant 0 : i32
      %scan3A_357 = arith.constant 64 : i32
      %scan3A_358 = arith.addi %scan3A_356, %scan3A_357 : i32
      %scan3A_359 = arith.constant 2 : i32
      scf.for %scan3A_391 = %scan3A_356 to %scan3A_358 step %scan3A_359  : i32 {
        %broadcast_in_dim3A_392 = vector.broadcast %scan3A_391 : i32 to vector<16xi32>
        %add3A_393 = arith.constant 0 : i32
        %add3A_394 = vector.broadcast %add3A_393 : i32 to vector<16xi32>
        %add3A_395 = arith.addi %broadcast_in_dim3A_392, %add3A_394 : vector<16xi32>
        %gather3A = tpu.vector_load_idx %arg22[%add3A_395] : memref<256xf32, #tpu.memory_space<vmem>>[vector<16xi32>], vector<16xf32>,
        %get3A_396 = arith.index_cast %scan3A_391 : i32 to index
        %get3A_397 = arith.constant 0 : index
        %get3A_398 = tpu.vector_load %arg21[%get3A_396, %get3A_397] {strides = array<i32>} : memref<64x128xf32, #tpu.memory_space<vmem>>, vector<16xf32>,
        %mul3A_399 = arith.mulf %get3A_398, %gather3A : vector<16xf32>
        %swap3A_400 = arith.index_cast %scan3A_391 : i32 to index
        %swap3A_401 = arith.constant 0 : index
        %swap3A_402 = tpu.vector_load %arg21[%swap3A_400, %swap3A_401] {strides = array<i32>} : memref<64x128xf32, #tpu.memory_space<vmem>>, vector<16xf32>,
        tpu.vector_store %arg21[%swap3A_400, %swap3A_401], %mul3A_399 {strides = array<i32>} : memref<64x128xf32, #tpu.memory_space<vmem>>, vector<16xf32>,
        %get3A_403 = arith.index_cast %scan3A_391 : i32 to index
        %get3A_404 = arith.constant 16 : index
        %get3A_405 = tpu.vector_load %arg21[%get3A_403, %get3A_404] {strides = array<i32>} : memref<64x128xf32, #tpu.memory_space<vmem>>, vector<16xf32>,
        %mul3A_406 = arith.mulf %get3A_405, %gather3A : vector<16xf32>
        %swap3A_407 = arith.index_cast %scan3A_391 : i32 to index
        %swap3A_408 = arith.constant 16 : index
        %swap3A_409 = tpu.vector_load %arg21[%swap3A_407, %swap3A_408] {strides = array<i32>} : memref<64x128xf32, #tpu.memory_space<vmem>>, vector<16xf32>,
        tpu.vector_store %arg21[%swap3A_407, %swap3A_408], %mul3A_406 {strides = array<i32>} : memref<64x128xf32, #tpu.memory_space<vmem>>, vector<16xf32>,
        %add3A_410 = arith.constant 64 : i32
        %add3A_411 = vector.broadcast %add3A_410 : i32 to vector<16xi32>
        %add3A_412 = arith.addi %broadcast_in_dim3A_392, %add3A_411 : vector<16xi32>
        %gather3A_413 = tpu.vector_load_idx %arg22[%add3A_412] : memref<256xf32, #tpu.memory_space<vmem>>[vector<16xi32>], vector<16xf32>,
        %get3A_414 = arith.index_cast %scan3A_391 : i32 to index
        %get3A_415 = arith.constant 32 : index
        %get3A_416 = tpu.vector_load %arg21[%get3A_414, %get3A_415] {strides = array<i32>} : memref<64x128xf32, #tpu.memory_space<vmem>>, vector<16xf32>,
        %mul3A_417 = arith.mulf %get3A_416, %gather3A_413 : vector<16xf32>
        %swap3A_418 = arith.index_cast %scan3A_391 : i32 to index
        %swap3A_419 = arith.constant 32 : index
        %swap3A_420 = tpu.vector_load %arg21[%swap3A_418, %swap3A_419] {strides = array<i32>} : memref<64x128xf32, #tpu.memory_space<vmem>>, vector<16xf32>,
        tpu.vector_store %arg21[%swap3A_418, %swap3A_419], %mul3A_417 {strides = array<i32>} : memref<64x128xf32, #tpu.memory_space<vmem>>, vector<16xf32>,
        %get3A_421 = arith.index_cast %scan3A_391 : i32 to index
        %get3A_422 = arith.constant 48 : index
        %get3A_423 = tpu.vector_load %arg21[%get3A_421, %get3A_422] {strides = array<i32>} : memref<64x128xf32, #tpu.memory_space<vmem>>, vector<16xf32>,
        %mul3A_424 = arith.mulf %get3A_423, %gather3A_413 : vector<16xf32>
        %swap3A_425 = arith.index_cast %scan3A_391 : i32 to index
        %swap3A_426 = arith.constant 48 : index
        %swap3A_427 = tpu.vector_load %arg21[%swap3A_425, %swap3A_426] {strides = array<i32>} : memref<64x128xf32, #tpu.memory_space<vmem>>, vector<16xf32>,
        tpu.vector_store %arg21[%swap3A_425, %swap3A_426], %mul3A_424 {strides = array<i32>} : memref<64x128xf32, #tpu.memory_space<vmem>>, vector<16xf32>,
        %add3A_428 = arith.constant 128 : i32
        %add3A_429 = vector.broadcast %add3A_428 : i32 to vector<16xi32>
        %add3A_430 = arith.addi %broadcast_in_dim3A_392, %add3A_429 : vector<16xi32>
        %gather3A_431 = tpu.vector_load_idx %arg22[%add3A_430] : memref<256xf32, #tpu.memory_space<vmem>>[vector<16xi32>], vector<16xf32>,
        %get3A_432 = arith.index_cast %scan3A_391 : i32 to index
        %get3A_433 = arith.constant 64 : index
        %get3A_434 = tpu.vector_load %arg21[%get3A_432, %get3A_433] {strides = array<i32>} : memref<64x128xf32, #tpu.memory_space<vmem>>, vector<16xf32>,
        %mul3A_435 = arith.mulf %get3A_434, %gather3A_431 : vector<16xf32>
        %swap3A_436 = arith.index_cast %scan3A_391 : i32 to index
        %swap3A_437 = arith.constant 64 : index
        %swap3A_438 = tpu.vector_load %arg21[%swap3A_436, %swap3A_437] {strides = array<i32>} : memref<64x128xf32, #tpu.memory_space<vmem>>, vector<16xf32>,
        tpu.vector_store %arg21[%swap3A_436, %swap3A_437], %mul3A_435 {strides = array<i32>} : memref<64x128xf32, #tpu.memory_space<vmem>>, vector<16xf32>,
        %get3A_439 = arith.index_cast %scan3A_391 : i32 to index
        %get3A_440 = arith.constant 80 : index
        %get3A_441 = tpu.vector_load %arg21[%get3A_439, %get3A_440] {strides = array<i32>} : memref<64x128xf32, #tpu.memory_space<vmem>>, vector<16xf32>,
        %mul3A_442 = arith.mulf %get3A_441, %gather3A_431 : vector<16xf32>
        %swap3A_443 = arith.index_cast %scan3A_391 : i32 to index
        %swap3A_444 = arith.constant 80 : index
        %swap3A_445 = tpu.vector_load %arg21[%swap3A_443, %swap3A_444] {strides = array<i32>} : memref<64x128xf32, #tpu.memory_space<vmem>>, vector<16xf32>,
        tpu.vector_store %arg21[%swap3A_443, %swap3A_444], %mul3A_442 {strides = array<i32>} : memref<64x128xf32, #tpu.memory_space<vmem>>, vector<16xf32>,
        %add3A_446 = arith.constant 192 : i32
        %add3A_447 = vector.broadcast %add3A_446 : i32 to vector<16xi32>
        %add3A_448 = arith.addi %broadcast_in_dim3A_392, %add3A_447 : vector<16xi32>
        %gather3A_449 = tpu.vector_load_idx %arg22[%add3A_448] : memref<256xf32, #tpu.memory_space<vmem>>[vector<16xi32>], vector<16xf32>,
        %get3A_450 = arith.index_cast %scan3A_391 : i32 to index
        %get3A_451 = arith.constant 96 : index
        %get3A_452 = tpu.vector_load %arg21[%get3A_450, %get3A_451] {strides = array<i32>} : memref<64x128xf32, #tpu.memory_space<vmem>>, vector<16xf32>,
        %mul3A_453 = arith.mulf %get3A_452, %gather3A_449 : vector<16xf32>
        %swap3A_454 = arith.index_cast %scan3A_391 : i32 to index
        %swap3A_455 = arith.constant 96 : index
        %swap3A_456 = tpu.vector_load %arg21[%swap3A_454, %swap3A_455] {strides = array<i32>} : memref<64x128xf32, #tpu.memory_space<vmem>>, vector<16xf32>,
        tpu.vector_store %arg21[%swap3A_454, %swap3A_455], %mul3A_453 {strides = array<i32>} : memref<64x128xf32, #tpu.memory_space<vmem>>, vector<16xf32>,
        %get3A_457 = arith.index_cast %scan3A_391 : i32 to index
        %get3A_458 = arith.constant 112 : index
        %get3A_459 = tpu.vector_load %arg21[%get3A_457, %get3A_458] {strides = array<i32>} : memref<64x128xf32, #tpu.memory_space<vmem>>, vector<16xf32>,
        %mul3A_460 = arith.mulf %get3A_459, %gather3A_449 : vector<16xf32>
        %swap3A_461 = arith.index_cast %scan3A_391 : i32 to index
        %swap3A_462 = arith.constant 112 : index
        %swap3A_463 = tpu.vector_load %arg21[%swap3A_461, %swap3A_462] {strides = array<i32>} : memref<64x128xf32, #tpu.memory_space<vmem>>, vector<16xf32>,
        tpu.vector_store %arg21[%swap3A_461, %swap3A_462], %mul3A_460 {strides = array<i32>} : memref<64x128xf32, #tpu.memory_space<vmem>>, vector<16xf32>,
        %scan3A_464 = arith.constant 1 : i32
        %scan3A_465 = arith.addi %scan3A_391, %scan3A_464 : i32
        %broadcast_in_dim3A_466 = vector.broadcast %scan3A_465 : i32 to vector<16xi32>
        %add3A_467 = arith.constant 0 : i32
        %add3A_468 = vector.broadcast %add3A_467 : i32 to vector<16xi32>
        %add3A_469 = arith.addi %broadcast_in_dim3A_466, %add3A_468 : vector<16xi32>
        %gather3A_470 = tpu.vector_load_idx %arg22[%add3A_469] : memref<256xf32, #tpu.memory_space<vmem>>[vector<16xi32>], vector<16xf32>,
        %get3A_471 = arith.index_cast %scan3A_465 : i32 to index
        %get3A_472 = arith.constant 0 : index
        %get3A_473 = tpu.vector_load %arg21[%get3A_471, %get3A_472] {strides = array<i32>} : memref<64x128xf32, #tpu.memory_space<vmem>>, vector<16xf32>,
        %mul3A_474 = arith.mulf %get3A_473, %gather3A_470 : vector<16xf32>
        %swap3A_475 = arith.index_cast %scan3A_465 : i32 to index
        %swap3A_476 = arith.constant 0 : index
        %swap3A_477 = tpu.vector_load %arg21[%swap3A_475, %swap3A_476] {strides = array<i32>} : memref<64x128xf32, #tpu.memory_space<vmem>>, vector<16xf32>,
        tpu.vector_store %arg21[%swap3A_475, %swap3A_476], %mul3A_474 {strides = array<i32>} : memref<64x128xf32, #tpu.memory_space<vmem>>, vector<16xf32>,
        %get3A_478 = arith.index_cast %scan3A_465 : i32 to index
        %get3A_479 = arith.constant 16 : index
        %get3A_480 = tpu.vector_load %arg21[%get3A_478, %get3A_479] {strides = array<i32>} : memref<64x128xf32, #tpu.memory_space<vmem>>, vector<16xf32>,
        %mul3A_481 = arith.mulf %get3A_480, %gather3A_470 : vector<16xf32>
        %swap3A_482 = arith.index_cast %scan3A_465 : i32 to index
        %swap3A_483 = arith.constant 16 : index
        %swap3A_484 = tpu.vector_load %arg21[%swap3A_482, %swap3A_483] {strides = array<i32>} : memref<64x128xf32, #tpu.memory_space<vmem>>, vector<16xf32>,
        tpu.vector_store %arg21[%swap3A_482, %swap3A_483], %mul3A_481 {strides = array<i32>} : memref<64x128xf32, #tpu.memory_space<vmem>>, vector<16xf32>,
        %add3A_485 = arith.constant 64 : i32
        %add3A_486 = vector.broadcast %add3A_485 : i32 to vector<16xi32>
        %add3A_487 = arith.addi %broadcast_in_dim3A_466, %add3A_486 : vector<16xi32>
        %gather3A_488 = tpu.vector_load_idx %arg22[%add3A_487] : memref<256xf32, #tpu.memory_space<vmem>>[vector<16xi32>], vector<16xf32>,
        %get3A_489 = arith.index_cast %scan3A_465 : i32 to index
        %get3A_490 = arith.constant 32 : index
        %get3A_491 = tpu.vector_load %arg21[%get3A_489, %get3A_490] {strides = array<i32>} : memref<64x128xf32, #tpu.memory_space<vmem>>, vector<16xf32>,
        %mul3A_492 = arith.mulf %get3A_491, %gather3A_488 : vector<16xf32>
        %swap3A_493 = arith.index_cast %scan3A_465 : i32 to index
        %swap3A_494 = arith.constant 32 : index
        %swap3A_495 = tpu.vector_load %arg21[%swap3A_493, %swap3A_494] {strides = array<i32>} : memref<64x128xf32, #tpu.memory_space<vmem>>, vector<16xf32>,
        tpu.vector_store %arg21[%swap3A_493, %swap3A_494], %mul3A_492 {strides = array<i32>} : memref<64x128xf32, #tpu.memory_space<vmem>>, vector<16xf32>,
        %get3A_496 = arith.index_cast %scan3A_465 : i32 to index
        %get3A_497 = arith.constant 48 : index
        %get3A_498 = tpu.vector_load %arg21[%get3A_496, %get3A_497] {strides = array<i32>} : memref<64x128xf32, #tpu.memory_space<vmem>>, vector<16xf32>,
        %mul3A_499 = arith.mulf %get3A_498, %gather3A_488 : vector<16xf32>
        %swap3A_500 = arith.index_cast %scan3A_465 : i32 to index
        %swap3A_501 = arith.constant 48 : index
        %swap3A_502 = tpu.vector_load %arg21[%swap3A_500, %swap3A_501] {strides = array<i32>} : memref<64x128xf32, #tpu.memory_space<vmem>>, vector<16xf32>,
        tpu.vector_store %arg21[%swap3A_500, %swap3A_501], %mul3A_499 {strides = array<i32>} : memref<64x128xf32, #tpu.memory_space<vmem>>, vector<16xf32>,
        %add3A_503 = arith.constant 128 : i32
        %add3A_504 = vector.broadcast %add3A_503 : i32 to vector<16xi32>
        %add3A_505 = arith.addi %broadcast_in_dim3A_466, %add3A_504 : vector<16xi32>
        %gather3A_506 = tpu.vector_load_idx %arg22[%add3A_505] : memref<256xf32, #tpu.memory_space<vmem>>[vector<16xi32>], vector<16xf32>,
        %get3A_507 = arith.index_cast %scan3A_465 : i32 to index
        %get3A_508 = arith.constant 64 : index
        %get3A_509 = tpu.vector_load %arg21[%get3A_507, %get3A_508] {strides = array<i32>} : memref<64x128xf32, #tpu.memory_space<vmem>>, vector<16xf32>,
        %mul3A_510 = arith.mulf %get3A_509, %gather3A_506 : vector<16xf32>
        %swap3A_511 = arith.index_cast %scan3A_465 : i32 to index
        %swap3A_512 = arith.constant 64 : index
        %swap3A_513 = tpu.vector_load %arg21[%swap3A_511, %swap3A_512] {strides = array<i32>} : memref<64x128xf32, #tpu.memory_space<vmem>>, vector<16xf32>,
        tpu.vector_store %arg21[%swap3A_511, %swap3A_512], %mul3A_510 {strides = array<i32>} : memref<64x128xf32, #tpu.memory_space<vmem>>, vector<16xf32>,
        %get3A_514 = arith.index_cast %scan3A_465 : i32 to index
        %get3A_515 = arith.constant 80 : index
        %get3A_516 = tpu.vector_load %arg21[%get3A_514, %get3A_515] {strides = array<i32>} : memref<64x128xf32, #tpu.memory_space<vmem>>, vector<16xf32>,
        %mul3A_517 = arith.mulf %get3A_516, %gather3A_506 : vector<16xf32>
        %swap3A_518 = arith.index_cast %scan3A_465 : i32 to index
        %swap3A_519 = arith.constant 80 : index
        %swap3A_520 = tpu.vector_load %arg21[%swap3A_518, %swap3A_519] {strides = array<i32>} : memref<64x128xf32, #tpu.memory_space<vmem>>, vector<16xf32>,
        tpu.vector_store %arg21[%swap3A_518, %swap3A_519], %mul3A_517 {strides = array<i32>} : memref<64x128xf32, #tpu.memory_space<vmem>>, vector<16xf32>,
        %add3A_521 = arith.constant 192 : i32
        %add3A_522 = vector.broadcast %add3A_521 : i32 to vector<16xi32>
        %add3A_523 = arith.addi %broadcast_in_dim3A_466, %add3A_522 : vector<16xi32>
        %gather3A_524 = tpu.vector_load_idx %arg22[%add3A_523] : memref<256xf32, #tpu.memory_space<vmem>>[vector<16xi32>], vector<16xf32>,
        %get3A_525 = arith.index_cast %scan3A_465 : i32 to index
        %get3A_526 = arith.constant 96 : index
        %get3A_527 = tpu.vector_load %arg21[%get3A_525, %get3A_526] {strides = array<i32>} : memref<64x128xf32, #tpu.memory_space<vmem>>, vector<16xf32>,
        %mul3A_528 = arith.mulf %get3A_527, %gather3A_524 : vector<16xf32>
        %swap3A_529 = arith.index_cast %scan3A_465 : i32 to index
        %swap3A_530 = arith.constant 96 : index
        %swap3A_531 = tpu.vector_load %arg21[%swap3A_529, %swap3A_530] {strides = array<i32>} : memref<64x128xf32, #tpu.memory_space<vmem>>, vector<16xf32>,
        tpu.vector_store %arg21[%swap3A_529, %swap3A_530], %mul3A_528 {strides = array<i32>} : memref<64x128xf32, #tpu.memory_space<vmem>>, vector<16xf32>,
        %get3A_532 = arith.index_cast %scan3A_465 : i32 to index
        %get3A_533 = arith.constant 112 : index
        %get3A_534 = tpu.vector_load %arg21[%get3A_532, %get3A_533] {strides = array<i32>} : memref<64x128xf32, #tpu.memory_space<vmem>>, vector<16xf32>,
        %mul3A_535 = arith.mulf %get3A_534, %gather3A_524 : vector<16xf32>
        %swap3A_536 = arith.index_cast %scan3A_465 : i32 to index
        %swap3A_537 = arith.constant 112 : index
        %swap3A_538 = tpu.vector_load %arg21[%swap3A_536, %swap3A_537] {strides = array<i32>} : memref<64x128xf32, #tpu.memory_space<vmem>>, vector<16xf32>,
        tpu.vector_store %arg21[%swap3A_536, %swap3A_537], %mul3A_535 {strides = array<i32>} : memref<64x128xf32, #tpu.memory_space<vmem>>, vector<16xf32>,
      }
      %scan3A_360 = arith.constant 64 : i32
      %dma_start3A_361 = arith.constant 0 : i32
      %dma_start3A_362 = arith.constant 0 : i32
      %dma_start3A_363 = tpu.memref_slice %arg31[%dma_start3A_361, %dma_start3A_362] : memref<10240x128xf32, #tpu.memory_space<vmem_shared>> -> memref<10240x128xf32, #tpu.memory_space<vmem_shared>>
      tpu.enqueue_indirect_dma source(%arg21 : memref<64x128xf32, #tpu.memory_space<vmem>>) target(%dma_start3A_363 : memref<10240x128xf32, #tpu.memory_space<vmem_shared>>) offsets(%arg12 : memref<64xi32, #tpu.memory_space<vmem>>) semaphore(%arg36 : memref<!tpu.dma_semaphore, #tpu.memory_space<semaphore_mem>>) {add = true}
      %dma_start3A_364 = arith.constant 0 : i32
      %dma_start3A_365 = tpu.memref_slice %arg22[%dma_start3A_364] : memref<256xf32, #tpu.memory_space<vmem>> -> memref<64xf32, #tpu.memory_space<vmem>>
      %dma_start3A_366 = arith.constant 0 : i32
      %dma_start3A_367 = tpu.memref_slice %arg32[%dma_start3A_366] : memref<10240xf32, #tpu.memory_space<vmem_shared>> -> memref<10240xf32, #tpu.memory_space<vmem_shared>>
      tpu.enqueue_indirect_dma source(%dma_start3A_365 : memref<64xf32, #tpu.memory_space<vmem>>) target(%dma_start3A_367 : memref<10240xf32, #tpu.memory_space<vmem_shared>>) offsets(%arg12 : memref<64xi32, #tpu.memory_space<vmem>>) semaphore(%arg37 : memref<!tpu.dma_semaphore, #tpu.memory_space<semaphore_mem>>) {add = true}
      %dma_wait3A_368 = arith.constant 0 : i32
      %dma_wait3A_369 = arith.constant 0 : i32
      %dma_wait3A_370 = tpu.memref_slice %arg31[%dma_wait3A_368, %dma_wait3A_369] : memref<10240x128xf32, #tpu.memory_space<vmem_shared>> -> memref<10240x128xf32, #tpu.memory_space<vmem_shared>>
      tpu.wait_indirect_dma semaphore(%arg36 : memref<!tpu.dma_semaphore, #tpu.memory_space<semaphore_mem>>) src(%arg21 : memref<64x128xf32, #tpu.memory_space<vmem>>) dst(%dma_wait3A_370 : memref<10240x128xf32, #tpu.memory_space<vmem_shared>>)
      %dma_wait3A_371 = arith.constant 0 : i32
      %dma_wait3A_372 = tpu.memref_slice %arg22[%dma_wait3A_371] : memref<256xf32, #tpu.memory_space<vmem>> -> memref<64xf32, #tpu.memory_space<vmem>>
      %dma_wait3A_373 = arith.constant 0 : i32
      %dma_wait3A_374 = tpu.memref_slice %arg32[%dma_wait3A_373] : memref<10240xf32, #tpu.memory_space<vmem_shared>> -> memref<10240xf32, #tpu.memory_space<vmem_shared>>
      tpu.wait_indirect_dma semaphore(%arg37 : memref<!tpu.dma_semaphore, #tpu.memory_space<semaphore_mem>>) src(%dma_wait3A_372 : memref<64xf32, #tpu.memory_space<vmem>>) dst(%dma_wait3A_374 : memref<10240xf32, #tpu.memory_space<vmem_shared>>)
      %dma_start3A_375 = arith.constant 64 : i32
      %dma_start3A_376 = tpu.memref_slice %arg22[%dma_start3A_375] : memref<256xf32, #tpu.memory_space<vmem>> -> memref<64xf32, #tpu.memory_space<vmem>>
      %dma_start3A_377 = arith.constant 0 : i32
      %dma_start3A_378 = tpu.memref_slice %arg33[%dma_start3A_377] : memref<10240xf32, #tpu.memory_space<vmem_shared>> -> memref<10240xf32, #tpu.memory_space<vmem_shared>>
      tpu.enqueue_indirect_dma source(%dma_start3A_376 : memref<64xf32, #tpu.memory_space<vmem>>) target(%dma_start3A_378 : memref<10240xf32, #tpu.memory_space<vmem_shared>>) offsets(%arg12 : memref<64xi32, #tpu.memory_space<vmem>>) semaphore(%arg36 : memref<!tpu.dma_semaphore, #tpu.memory_space<semaphore_mem>>) {add = true}
      %dma_start3A_379 = arith.constant 128 : i32
      %dma_start3A_380 = tpu.memref_slice %arg22[%dma_start3A_379] : memref<256xf32, #tpu.memory_space<vmem>> -> memref<64xf32, #tpu.memory_space<vmem>>
      %dma_start3A_381 = arith.constant 0 : i32
      %dma_start3A_382 = tpu.memref_slice %arg34[%dma_start3A_381] : memref<10240xf32, #tpu.memory_space<vmem_shared>> -> memref<10240xf32, #tpu.memory_space<vmem_shared>>
      tpu.enqueue_indirect_dma source(%dma_start3A_380 : memref<64xf32, #tpu.memory_space<vmem>>) target(%dma_start3A_382 : memref<10240xf32, #tpu.memory_space<vmem_shared>>) offsets(%arg12 : memref<64xi32, #tpu.memory_space<vmem>>) semaphore(%arg37 : memref<!tpu.dma_semaphore, #tpu.memory_space<semaphore_mem>>) {add = true}
      %dma_wait3A_383 = arith.constant 64 : i32
      %dma_wait3A_384 = tpu.memref_slice %arg22[%dma_wait3A_383] : memref<256xf32, #tpu.memory_space<vmem>> -> memref<64xf32, #tpu.memory_space<vmem>>
      %dma_wait3A_385 = arith.constant 0 : i32
      %dma_wait3A_386 = tpu.memref_slice %arg33[%dma_wait3A_385] : memref<10240xf32, #tpu.memory_space<vmem_shared>> -> memref<10240xf32, #tpu.memory_space<vmem_shared>>
      tpu.wait_indirect_dma semaphore(%arg36 : memref<!tpu.dma_semaphore, #tpu.memory_space<semaphore_mem>>) src(%dma_wait3A_384 : memref<64xf32, #tpu.memory_space<vmem>>) dst(%dma_wait3A_386 : memref<10240xf32, #tpu.memory_space<vmem_shared>>)
      %dma_wait3A_387 = arith.constant 128 : i32
      %dma_wait3A_388 = tpu.memref_slice %arg22[%dma_wait3A_387] : memref<256xf32, #tpu.memory_space<vmem>> -> memref<64xf32, #tpu.memory_space<vmem>>
      %dma_wait3A_389 = arith.constant 0 : i32
      %dma_wait3A_390 = tpu.memref_slice %arg34[%dma_wait3A_389] : memref<10240xf32, #tpu.memory_space<vmem_shared>> -> memref<10240xf32, #tpu.memory_space<vmem_shared>>
      tpu.wait_indirect_dma semaphore(%arg37 : memref<!tpu.dma_semaphore, #tpu.memory_space<semaphore_mem>>) src(%dma_wait3A_388 : memref<64xf32, #tpu.memory_space<vmem>>) dst(%dma_wait3A_390 : memref<10240xf32, #tpu.memory_space<vmem_shared>>)
      "tpu.region"() ({
        %run_scoped3A_391 = tpu.sem_alloc : memref<!tpu.dma_semaphore, #tpu.memory_space<semaphore_mem>>
        %dma_start3A_392 = arith.constant 192 : i32
        %dma_start3A_393 = tpu.memref_slice %arg22[%dma_start3A_392] : memref<256xf32, #tpu.memory_space<vmem>> -> memref<64xf32, #tpu.memory_space<vmem>>
        %dma_start3A_394 = arith.constant 0 : i32
        %dma_start3A_395 = tpu.memref_slice %arg35[%dma_start3A_394] : memref<10240xf32, #tpu.memory_space<vmem_shared>> -> memref<10240xf32, #tpu.memory_space<vmem_shared>>
        tpu.enqueue_indirect_dma source(%dma_start3A_393 : memref<64xf32, #tpu.memory_space<vmem>>) target(%dma_start3A_395 : memref<10240xf32, #tpu.memory_space<vmem_shared>>) offsets(%arg12 : memref<64xi32, #tpu.memory_space<vmem>>) semaphore(%run_scoped3A_391 : memref<!tpu.dma_semaphore, #tpu.memory_space<semaphore_mem>>) {add = true}
        %dma_wait3A_396 = arith.constant 192 : i32
        %dma_wait3A_397 = tpu.memref_slice %arg22[%dma_wait3A_396] : memref<256xf32, #tpu.memory_space<vmem>> -> memref<64xf32, #tpu.memory_space<vmem>>
        %dma_wait3A_398 = arith.constant 0 : i32
        %dma_wait3A_399 = tpu.memref_slice %arg35[%dma_wait3A_398] : memref<10240xf32, #tpu.memory_space<vmem_shared>> -> memref<10240xf32, #tpu.memory_space<vmem_shared>>
        tpu.wait_indirect_dma semaphore(%run_scoped3A_391 : memref<!tpu.dma_semaphore, #tpu.memory_space<semaphore_mem>>) src(%dma_wait3A_397 : memref<64xf32, #tpu.memory_space<vmem>>) dst(%dma_wait3A_399 : memref<10240xf32, #tpu.memory_space<vmem_shared>>)
        tpu.yield
      }) : () -> ()
    }
    %scan3A_16 = arith.constant 158 : i32
    %barrier3A_17 = arith.constant 0 : index
    tpu.barrier barrier_id(%barrier3A_17)
    "tpu.region"() ({
      %run_scoped3A_22 = tpu.sem_alloc : memref<!tpu.dma_semaphore, #tpu.memory_space<semaphore_mem>>
      %dma_start3A = arith.constant 0 : i32
      %dma_start3A_23 = tpu.memref_slice %arg9[%arg0, %mul3A_2, %dma_start3A] : memref<2x10240x128xf32, #tpu.memory_space<hbm>> -> memref<1x640x128xf32, #tpu.memory_space<hbm>>
      %dma_start3A_24 = tpu.memref_squeeze %dma_start3A_23 : memref<1x640x128xf32, #tpu.memory_space<hbm>> -> memref<640x128xf32, #tpu.memory_space<hbm>>
      %dma_start3A_25 = arith.constant 0 : i32
      %dma_start3A_26 = tpu.memref_slice %arg31[%mul3A_2, %dma_start3A_25] : memref<10240x128xf32, #tpu.memory_space<vmem_shared>> -> memref<640x128xf32, #tpu.memory_space<vmem_shared>>
      tpu.enqueue_dma source(%dma_start3A_26 : memref<640x128xf32, #tpu.memory_space<vmem_shared>>) target(%dma_start3A_24 : memref<640x128xf32, #tpu.memory_space<hbm>>) target_semaphore(%run_scoped3A_22 : memref<!tpu.dma_semaphore, #tpu.memory_space<semaphore_mem>>)
      %dma_wait3A = arith.constant 0 : i32
      %dma_wait3A_27 = tpu.memref_slice %arg9[%arg0, %mul3A_2, %dma_wait3A] : memref<2x10240x128xf32, #tpu.memory_space<hbm>> -> memref<1x640x128xf32, #tpu.memory_space<hbm>>
      %dma_wait3A_28 = tpu.memref_squeeze %dma_wait3A_27 : memref<1x640x128xf32, #tpu.memory_space<hbm>> -> memref<640x128xf32, #tpu.memory_space<hbm>>
      %dma_wait3A_29 = arith.constant 0 : i32
      %dma_wait3A_30 = tpu.memref_slice %arg31[%mul3A_2, %dma_wait3A_29] : memref<10240x128xf32, #tpu.memory_space<vmem_shared>> -> memref<640x128xf32, #tpu.memory_space<vmem_shared>>
      tpu.wait_dma2 semaphore(%run_scoped3A_22 : memref<!tpu.dma_semaphore, #tpu.memory_space<semaphore_mem>>) src(%dma_wait3A_30 : memref<640x128xf32, #tpu.memory_space<vmem_shared>>) dst(%dma_wait3A_28 : memref<640x128xf32, #tpu.memory_space<hbm>>)
      tpu.yield
    }) : () -> ()
    %run_scoped3A_18 = arith.constant 0 : i32
    "tpu.region"() ({
      %run_scoped3A_22 = tpu.sem_alloc : memref<!tpu.dma_semaphore, #tpu.memory_space<semaphore_mem>>
      %dma_start3A = tpu.memref_slice %arg10[%arg0, %run_scoped3A_18, %mul3A_2] : memref<2x4x10240xf32, #tpu.memory_space<hbm>> -> memref<1x1x640xf32, #tpu.memory_space<hbm>>
      %dma_start3A_23 = tpu.memref_squeeze %dma_start3A : memref<1x1x640xf32, #tpu.memory_space<hbm>> -> memref<640xf32, #tpu.memory_space<hbm>>
      %dma_start3A_24 = tpu.memref_slice %arg32[%mul3A_2] : memref<10240xf32, #tpu.memory_space<vmem_shared>> -> memref<640xf32, #tpu.memory_space<vmem_shared>>
      tpu.enqueue_dma source(%dma_start3A_24 : memref<640xf32, #tpu.memory_space<vmem_shared>>) target(%dma_start3A_23 : memref<640xf32, #tpu.memory_space<hbm>>) target_semaphore(%run_scoped3A_22 : memref<!tpu.dma_semaphore, #tpu.memory_space<semaphore_mem>>)
      %dma_wait3A = tpu.memref_slice %arg10[%arg0, %run_scoped3A_18, %mul3A_2] : memref<2x4x10240xf32, #tpu.memory_space<hbm>> -> memref<1x1x640xf32, #tpu.memory_space<hbm>>
      %dma_wait3A_25 = tpu.memref_squeeze %dma_wait3A : memref<1x1x640xf32, #tpu.memory_space<hbm>> -> memref<640xf32, #tpu.memory_space<hbm>>
      %dma_wait3A_26 = tpu.memref_slice %arg32[%mul3A_2] : memref<10240xf32, #tpu.memory_space<vmem_shared>> -> memref<640xf32, #tpu.memory_space<vmem_shared>>
      tpu.wait_dma2 semaphore(%run_scoped3A_22 : memref<!tpu.dma_semaphore, #tpu.memory_space<semaphore_mem>>) src(%dma_wait3A_26 : memref<640xf32, #tpu.memory_space<vmem_shared>>) dst(%dma_wait3A_25 : memref<640xf32, #tpu.memory_space<hbm>>)
      tpu.yield
    }) : () -> ()
    %run_scoped3A_19 = arith.constant 1 : i32
    "tpu.region"() ({
      %run_scoped3A_22 = tpu.sem_alloc : memref<!tpu.dma_semaphore, #tpu.memory_space<semaphore_mem>>
      %dma_start3A = tpu.memref_slice %arg10[%arg0, %run_scoped3A_19, %mul3A_2] : memref<2x4x10240xf32, #tpu.memory_space<hbm>> -> memref<1x1x640xf32, #tpu.memory_space<hbm>>
      %dma_start3A_23 = tpu.memref_squeeze %dma_start3A : memref<1x1x640xf32, #tpu.memory_space<hbm>> -> memref<640xf32, #tpu.memory_space<hbm>>
      %dma_start3A_24 = tpu.memref_slice %arg33[%mul3A_2] : memref<10240xf32, #tpu.memory_space<vmem_shared>> -> memref<640xf32, #tpu.memory_space<vmem_shared>>
      tpu.enqueue_dma source(%dma_start3A_24 : memref<640xf32, #tpu.memory_space<vmem_shared>>) target(%dma_start3A_23 : memref<640xf32, #tpu.memory_space<hbm>>) target_semaphore(%run_scoped3A_22 : memref<!tpu.dma_semaphore, #tpu.memory_space<semaphore_mem>>)
      %dma_wait3A = tpu.memref_slice %arg10[%arg0, %run_scoped3A_19, %mul3A_2] : memref<2x4x10240xf32, #tpu.memory_space<hbm>> -> memref<1x1x640xf32, #tpu.memory_space<hbm>>
      %dma_wait3A_25 = tpu.memref_squeeze %dma_wait3A : memref<1x1x640xf32, #tpu.memory_space<hbm>> -> memref<640xf32, #tpu.memory_space<hbm>>
      %dma_wait3A_26 = tpu.memref_slice %arg33[%mul3A_2] : memref<10240xf32, #tpu.memory_space<vmem_shared>> -> memref<640xf32, #tpu.memory_space<vmem_shared>>
      tpu.wait_dma2 semaphore(%run_scoped3A_22 : memref<!tpu.dma_semaphore, #tpu.memory_space<semaphore_mem>>) src(%dma_wait3A_26 : memref<640xf32, #tpu.memory_space<vmem_shared>>) dst(%dma_wait3A_25 : memref<640xf32, #tpu.memory_space<hbm>>)
      tpu.yield
    }) : () -> ()
    %run_scoped3A_20 = arith.constant 2 : i32
    "tpu.region"() ({
      %run_scoped3A_22 = tpu.sem_alloc : memref<!tpu.dma_semaphore, #tpu.memory_space<semaphore_mem>>
      %dma_start3A = tpu.memref_slice %arg10[%arg0, %run_scoped3A_20, %mul3A_2] : memref<2x4x10240xf32, #tpu.memory_space<hbm>> -> memref<1x1x640xf32, #tpu.memory_space<hbm>>
      %dma_start3A_23 = tpu.memref_squeeze %dma_start3A : memref<1x1x640xf32, #tpu.memory_space<hbm>> -> memref<640xf32, #tpu.memory_space<hbm>>
      %dma_start3A_24 = tpu.memref_slice %arg34[%mul3A_2] : memref<10240xf32, #tpu.memory_space<vmem_shared>> -> memref<640xf32, #tpu.memory_space<vmem_shared>>
      tpu.enqueue_dma source(%dma_start3A_24 : memref<640xf32, #tpu.memory_space<vmem_shared>>) target(%dma_start3A_23 : memref<640xf32, #tpu.memory_space<hbm>>) target_semaphore(%run_scoped3A_22 : memref<!tpu.dma_semaphore, #tpu.memory_space<semaphore_mem>>)
      %dma_wait3A = tpu.memref_slice %arg10[%arg0, %run_scoped3A_20, %mul3A_2] : memref<2x4x10240xf32, #tpu.memory_space<hbm>> -> memref<1x1x640xf32, #tpu.memory_space<hbm>>
      %dma_wait3A_25 = tpu.memref_squeeze %dma_wait3A : memref<1x1x640xf32, #tpu.memory_space<hbm>> -> memref<640xf32, #tpu.memory_space<hbm>>
      %dma_wait3A_26 = tpu.memref_slice %arg34[%mul3A_2] : memref<10240xf32, #tpu.memory_space<vmem_shared>> -> memref<640xf32, #tpu.memory_space<vmem_shared>>
      tpu.wait_dma2 semaphore(%run_scoped3A_22 : memref<!tpu.dma_semaphore, #tpu.memory_space<semaphore_mem>>) src(%dma_wait3A_26 : memref<640xf32, #tpu.memory_space<vmem_shared>>) dst(%dma_wait3A_25 : memref<640xf32, #tpu.memory_space<hbm>>)
      tpu.yield
    }) : () -> ()
    %run_scoped3A_21 = arith.constant 3 : i32
    "tpu.region"() ({
      %run_scoped3A_22 = tpu.sem_alloc : memref<!tpu.dma_semaphore, #tpu.memory_space<semaphore_mem>>
      %dma_start3A = tpu.memref_slice %arg10[%arg0, %run_scoped3A_21, %mul3A_2] : memref<2x4x10240xf32, #tpu.memory_space<hbm>> -> memref<1x1x640xf32, #tpu.memory_space<hbm>>
      %dma_start3A_23 = tpu.memref_squeeze %dma_start3A : memref<1x1x640xf32, #tpu.memory_space<hbm>> -> memref<640xf32, #tpu.memory_space<hbm>>
      %dma_start3A_24 = tpu.memref_slice %arg35[%mul3A_2] : memref<10240xf32, #tpu.memory_space<vmem_shared>> -> memref<640xf32, #tpu.memory_space<vmem_shared>>
      tpu.enqueue_dma source(%dma_start3A_24 : memref<640xf32, #tpu.memory_space<vmem_shared>>) target(%dma_start3A_23 : memref<640xf32, #tpu.memory_space<hbm>>) target_semaphore(%run_scoped3A_22 : memref<!tpu.dma_semaphore, #tpu.memory_space<semaphore_mem>>)
      %dma_wait3A = tpu.memref_slice %arg10[%arg0, %run_scoped3A_21, %mul3A_2] : memref<2x4x10240xf32, #tpu.memory_space<hbm>> -> memref<1x1x640xf32, #tpu.memory_space<hbm>>
      %dma_wait3A_25 = tpu.memref_squeeze %dma_wait3A : memref<1x1x640xf32, #tpu.memory_space<hbm>> -> memref<640xf32, #tpu.memory_space<hbm>>
      %dma_wait3A_26 = tpu.memref_slice %arg35[%mul3A_2] : memref<10240xf32, #tpu.memory_space<vmem_shared>> -> memref<640xf32, #tpu.memory_space<vmem_shared>>
      tpu.wait_dma2 semaphore(%run_scoped3A_22 : memref<!tpu.dma_semaphore, #tpu.memory_space<semaphore_mem>>) src(%dma_wait3A_26 : memref<640xf32, #tpu.memory_space<vmem_shared>>) dst(%dma_wait3A_25 : memref<640xf32, #tpu.memory_space<hbm>>)
      tpu.yield
    }) : () -> ()
    return
  }
}

#map = affine_map<(d0, d1) -> (0, 0)>
#map1 = affine_map<(d0, d1) -> (0, 0, 0)>
#map2 = affine_map<(d0, d1) -> (0)>
module attributes {stable_mosaic.version = 14 : i64} {
  func.func @_sc_body(%arg0: i32, %arg1: i32, %arg2: memref<10240x128xf32, #tpu.memory_space<hbm>>, %arg3: memref<4x10240xf32, #tpu.memory_space<hbm>>, %arg4: memref<4x10240xf32, #tpu.memory_space<hbm>>, %arg5: memref<32x158x64xi32, #tpu.memory_space<hbm>>, %arg6: memref<32x158x64xi32, #tpu.memory_space<hbm>>, %arg7: memref<640x128xf32, #tpu.memory_space<hbm>>, %arg8: memref<640xf32, #tpu.memory_space<hbm>>, %arg9: memref<2x10240x128xf32, #tpu.memory_space<hbm>>, %arg10: memref<2x4x10240xf32, #tpu.memory_space<hbm>>, %arg11: memref<64xi32, #tpu.memory_space<vmem>>, %arg12: memref<64xi32, #tpu.memory_space<vmem>>, %arg13: memref<64xf32, #tpu.memory_space<vmem>>, %arg14: memref<64xf32, #tpu.memory_space<vmem>>, %arg15: memref<64xf32, #tpu.memory_space<vmem>>, %arg16: memref<64xf32, #tpu.memory_space<vmem>>, %arg17: memref<64xf32, #tpu.memory_space<vmem>>, %arg18: memref<64xf32, #tpu.memory_space<vmem>>, %arg19: memref<64xf32, #tpu.memory_space<vmem>>, %arg20: memref<64xf32, #tpu.memory_space<vmem>>, %arg21: memref<64x128xf32, #tpu.memory_space<vmem>>, %arg22: memref<256xf32, #tpu.memory_space<vmem>>, %arg23: memref<10240xf32, #tpu.memory_space<vmem_shared>>, %arg24: memref<10240xf32, #tpu.memory_space<vmem_shared>>, %arg25: memref<10240xf32, #tpu.memory_space<vmem_shared>>, %arg26: memref<10240xf32, #tpu.memory_space<vmem_shared>>, %arg27: memref<10240xf32, #tpu.memory_space<vmem_shared>>, %arg28: memref<10240xf32, #tpu.memory_space<vmem_shared>>, %arg29: memref<10240xf32, #tpu.memory_space<vmem_shared>>, %arg30: memref<10240xf32, #tpu.memory_space<vmem_shared>>, %arg31: memref<10240x128xf32, #tpu.memory_space<vmem_shared>>, %arg32: memref<10240xf32, #tpu.memory_space<vmem_shared>>, %arg33: memref<10240xf32, #tpu.memory_space<vmem_shared>>, %arg34: memref<10240xf32, #tpu.memory_space<vmem_shared>>, %arg35: memref<10240xf32, #tpu.memory_space<vmem_shared>>, %arg36: memref<!tpu.dma_semaphore, #tpu.memory_space<semaphore_mem>>, %arg37: memref<!tpu.dma_semaphore, #tpu.memory_space<semaphore_mem>>) attributes {dimension_semantics = [#tpu.dimension_semantics<core_parallel>, #tpu.dimension_semantics<subcore_parallel>], iteration_bounds = array<i64: 2, 16>, scalar_prefetch = 0 : i64, scratch_operands = 27 : i64, tpu.core_type = #tpu.core_type<sc_vector_subcore>, window_params = [{transform_indices = #map}, {transform_indices = #map}, {transform_indices = #map}, {transform_indices = #map1}, {transform_indices = #map1}, {transform_indices = #map}, {transform_indices = #map2}, {transform_indices = #map1}, {transform_indices = #map1}]} {
    %mul3A = arith.constant 16 : i32
    %mul3A_0 = arith.muli %arg0, %mul3A : i32
    %add3A = arith.addi %mul3A_0, %arg1 : i32
    %mul3A_1 = arith.constant 640 : i32
    %mul3A_2 = arith.muli %arg1, %mul3A_1 : i32
    %run_scoped3A = arith.constant 0 : i32
    "tpu.region"() ({
      %run_scoped3A_22 = tpu.sem_alloc : memref<!tpu.dma_semaphore, #tpu.memory_space<semaphore_mem>>
      %dma_start3A = tpu.memref_slice %arg23[%mul3A_2] : memref<10240xf32, #tpu.memory_space<vmem_shared>> -> memref<640xf32, #tpu.memory_space<vmem_shared>>
      %dma_start3A_23 = tpu.memref_slice %arg3[%run_scoped3A, %mul3A_2] : memref<4x10240xf32, #tpu.memory_space<hbm>> -> memref<1x640xf32, #tpu.memory_space<hbm>>
      %dma_start3A_24 = tpu.memref_squeeze %dma_start3A_23 : memref<1x640xf32, #tpu.memory_space<hbm>> -> memref<640xf32, #tpu.memory_space<hbm>>
      tpu.enqueue_dma source(%dma_start3A_24 : memref<640xf32, #tpu.memory_space<hbm>>) target(%dma_start3A : memref<640xf32, #tpu.memory_space<vmem_shared>>) target_semaphore(%run_scoped3A_22 : memref<!tpu.dma_semaphore, #tpu.memory_space<semaphore_mem>>)
      %dma_wait3A = tpu.memref_slice %arg23[%mul3A_2] : memref<10240xf32, #tpu.memory_space<vmem_shared>> -> memref<640xf32, #tpu.memory_space<vmem_shared>>
      %dma_wait3A_25 = tpu.memref_slice %arg3[%run_scoped3A, %mul3A_2] : memref<4x10240xf32, #tpu.memory_space<hbm>> -> memref<1x640xf32, #tpu.memory_space<hbm>>
      %dma_wait3A_26 = tpu.memref_squeeze %dma_wait3A_25 : memref<1x640xf32, #tpu.memory_space<hbm>> -> memref<640xf32, #tpu.memory_space<hbm>>
      tpu.wait_dma2 semaphore(%run_scoped3A_22 : memref<!tpu.dma_semaphore, #tpu.memory_space<semaphore_mem>>) src(%dma_wait3A_26 : memref<640xf32, #tpu.memory_space<hbm>>) dst(%dma_wait3A : memref<640xf32, #tpu.memory_space<vmem_shared>>)
      tpu.yield
    }) : () -> ()
    %run_scoped3A_3 = arith.constant 0 : i32
    "tpu.region"() ({
      %run_scoped3A_22 = tpu.sem_alloc : memref<!tpu.dma_semaphore, #tpu.memory_space<semaphore_mem>>
      %dma_start3A = tpu.memref_slice %arg27[%mul3A_2] : memref<10240xf32, #tpu.memory_space<vmem_shared>> -> memref<640xf32, #tpu.memory_space<vmem_shared>>
      %dma_start3A_23 = tpu.memref_slice %arg4[%run_scoped3A_3, %mul3A_2] : memref<4x10240xf32, #tpu.memory_space<hbm>> -> memref<1x640xf32, #tpu.memory_space<hbm>>
      %dma_start3A_24 = tpu.memref_squeeze %dma_start3A_23 : memref<1x640xf32, #tpu.memory_space<hbm>> -> memref<640xf32, #tpu.memory_space<hbm>>
      tpu.enqueue_dma source(%dma_start3A_24 : memref<640xf32, #tpu.memory_space<hbm>>) target(%dma_start3A : memref<640xf32, #tpu.memory_space<vmem_shared>>) target_semaphore(%run_scoped3A_22 : memref<!tpu.dma_semaphore, #tpu.memory_space<semaphore_mem>>)
      %dma_wait3A = tpu.memref_slice %arg27[%mul3A_2] : memref<10240xf32, #tpu.memory_space<vmem_shared>> -> memref<640xf32, #tpu.memory_space<vmem_shared>>
      %dma_wait3A_25 = tpu.memref_slice %arg4[%run_scoped3A_3, %mul3A_2] : memref<4x10240xf32, #tpu.memory_space<hbm>> -> memref<1x640xf32, #tpu.memory_space<hbm>>
      %dma_wait3A_26 = tpu.memref_squeeze %dma_wait3A_25 : memref<1x640xf32, #tpu.memory_space<hbm>> -> memref<640xf32, #tpu.memory_space<hbm>>
      tpu.wait_dma2 semaphore(%run_scoped3A_22 : memref<!tpu.dma_semaphore, #tpu.memory_space<semaphore_mem>>) src(%dma_wait3A_26 : memref<640xf32, #tpu.memory_space<hbm>>) dst(%dma_wait3A : memref<640xf32, #tpu.memory_space<vmem_shared>>)
      tpu.yield
    }) : () -> ()
    "tpu.region"() ({
      %run_scoped3A_22 = tpu.sem_alloc : memref<!tpu.dma_semaphore, #tpu.memory_space<semaphore_mem>>
      %dma_start3A = tpu.memref_slice %arg32[%mul3A_2] : memref<10240xf32, #tpu.memory_space<vmem_shared>> -> memref<640xf32, #tpu.memory_space<vmem_shared>>
      tpu.enqueue_dma source(%arg8 : memref<640xf32, #tpu.memory_space<hbm>>) target(%dma_start3A : memref<640xf32, #tpu.memory_space<vmem_shared>>) target_semaphore(%run_scoped3A_22 : memref<!tpu.dma_semaphore, #tpu.memory_space<semaphore_mem>>)
      %dma_wait3A = tpu.memref_slice %arg32[%mul3A_2] : memref<10240xf32, #tpu.memory_space<vmem_shared>> -> memref<640xf32, #tpu.memory_space<vmem_shared>>
      tpu.wait_dma2 semaphore(%run_scoped3A_22 : memref<!tpu.dma_semaphore, #tpu.memory_space<semaphore_mem>>) src(%arg8 : memref<640xf32, #tpu.memory_space<hbm>>) dst(%dma_wait3A : memref<640xf32, #tpu.memory_space<vmem_shared>>)
      tpu.yield
    }) : () -> ()
    %run_scoped3A_4 = arith.constant 1 : i32
    "tpu.region"() ({
      %run_scoped3A_22 = tpu.sem_alloc : memref<!tpu.dma_semaphore, #tpu.memory_space<semaphore_mem>>
      %dma_start3A = tpu.memref_slice %arg24[%mul3A_2] : memref<10240xf32, #tpu.memory_space<vmem_shared>> -> memref<640xf32, #tpu.memory_space<vmem_shared>>
      %dma_start3A_23 = tpu.memref_slice %arg3[%run_scoped3A_4, %mul3A_2] : memref<4x10240xf32, #tpu.memory_space<hbm>> -> memref<1x640xf32, #tpu.memory_space<hbm>>
      %dma_start3A_24 = tpu.memref_squeeze %dma_start3A_23 : memref<1x640xf32, #tpu.memory_space<hbm>> -> memref<640xf32, #tpu.memory_space<hbm>>
      tpu.enqueue_dma source(%dma_start3A_24 : memref<640xf32, #tpu.memory_space<hbm>>) target(%dma_start3A : memref<640xf32, #tpu.memory_space<vmem_shared>>) target_semaphore(%run_scoped3A_22 : memref<!tpu.dma_semaphore, #tpu.memory_space<semaphore_mem>>)
      %dma_wait3A = tpu.memref_slice %arg24[%mul3A_2] : memref<10240xf32, #tpu.memory_space<vmem_shared>> -> memref<640xf32, #tpu.memory_space<vmem_shared>>
      %dma_wait3A_25 = tpu.memref_slice %arg3[%run_scoped3A_4, %mul3A_2] : memref<4x10240xf32, #tpu.memory_space<hbm>> -> memref<1x640xf32, #tpu.memory_space<hbm>>
      %dma_wait3A_26 = tpu.memref_squeeze %dma_wait3A_25 : memref<1x640xf32, #tpu.memory_space<hbm>> -> memref<640xf32, #tpu.memory_space<hbm>>
      tpu.wait_dma2 semaphore(%run_scoped3A_22 : memref<!tpu.dma_semaphore, #tpu.memory_space<semaphore_mem>>) src(%dma_wait3A_26 : memref<640xf32, #tpu.memory_space<hbm>>) dst(%dma_wait3A : memref<640xf32, #tpu.memory_space<vmem_shared>>)
      tpu.yield
    }) : () -> ()
    %run_scoped3A_5 = arith.constant 1 : i32
    "tpu.region"() ({
      %run_scoped3A_22 = tpu.sem_alloc : memref<!tpu.dma_semaphore, #tpu.memory_space<semaphore_mem>>
      %dma_start3A = tpu.memref_slice %arg28[%mul3A_2] : memref<10240xf32, #tpu.memory_space<vmem_shared>> -> memref<640xf32, #tpu.memory_space<vmem_shared>>
      %dma_start3A_23 = tpu.memref_slice %arg4[%run_scoped3A_5, %mul3A_2] : memref<4x10240xf32, #tpu.memory_space<hbm>> -> memref<1x640xf32, #tpu.memory_space<hbm>>
      %dma_start3A_24 = tpu.memref_squeeze %dma_start3A_23 : memref<1x640xf32, #tpu.memory_space<hbm>> -> memref<640xf32, #tpu.memory_space<hbm>>
      tpu.enqueue_dma source(%dma_start3A_24 : memref<640xf32, #tpu.memory_space<hbm>>) target(%dma_start3A : memref<640xf32, #tpu.memory_space<vmem_shared>>) target_semaphore(%run_scoped3A_22 : memref<!tpu.dma_semaphore, #tpu.memory_space<semaphore_mem>>)
      %dma_wait3A = tpu.memref_slice %arg28[%mul3A_2] : memref<10240xf32, #tpu.memory_space<vmem_shared>> -> memref<640xf32, #tpu.memory_space<vmem_shared>>
      %dma_wait3A_25 = tpu.memref_slice %arg4[%run_scoped3A_5, %mul3A_2] : memref<4x10240xf32, #tpu.memory_space<hbm>> -> memref<1x640xf32, #tpu.memory_space<hbm>>
      %dma_wait3A_26 = tpu.memref_squeeze %dma_wait3A_25 : memref<1x640xf32, #tpu.memory_space<hbm>> -> memref<640xf32, #tpu.memory_space<hbm>>
      tpu.wait_dma2 semaphore(%run_scoped3A_22 : memref<!tpu.dma_semaphore, #tpu.memory_space<semaphore_mem>>) src(%dma_wait3A_26 : memref<640xf32, #tpu.memory_space<hbm>>) dst(%dma_wait3A : memref<640xf32, #tpu.memory_space<vmem_shared>>)
      tpu.yield
    }) : () -> ()
    "tpu.region"() ({
      %run_scoped3A_22 = tpu.sem_alloc : memref<!tpu.dma_semaphore, #tpu.memory_space<semaphore_mem>>
      %dma_start3A = tpu.memref_slice %arg33[%mul3A_2] : memref<10240xf32, #tpu.memory_space<vmem_shared>> -> memref<640xf32, #tpu.memory_space<vmem_shared>>
      tpu.enqueue_dma source(%arg8 : memref<640xf32, #tpu.memory_space<hbm>>) target(%dma_start3A : memref<640xf32, #tpu.memory_space<vmem_shared>>) target_semaphore(%run_scoped3A_22 : memref<!tpu.dma_semaphore, #tpu.memory_space<semaphore_mem>>)
      %dma_wait3A = tpu.memref_slice %arg33[%mul3A_2] : memref<10240xf32, #tpu.memory_space<vmem_shared>> -> memref<640xf32, #tpu.memory_space<vmem_shared>>
      tpu.wait_dma2 semaphore(%run_scoped3A_22 : memref<!tpu.dma_semaphore, #tpu.memory_space<semaphore_mem>>) src(%arg8 : memref<640xf32, #tpu.memory_space<hbm>>) dst(%dma_wait3A : memref<640xf32, #tpu.memory_space<vmem_shared>>)
      tpu.yield
    }) : () -> ()
    %run_scoped3A_6 = arith.constant 2 : i32
    "tpu.region"() ({
      %run_scoped3A_22 = tpu.sem_alloc : memref<!tpu.dma_semaphore, #tpu.memory_space<semaphore_mem>>
      %dma_start3A = tpu.memref_slice %arg25[%mul3A_2] : memref<10240xf32, #tpu.memory_space<vmem_shared>> -> memref<640xf32, #tpu.memory_space<vmem_shared>>
      %dma_start3A_23 = tpu.memref_slice %arg3[%run_scoped3A_6, %mul3A_2] : memref<4x10240xf32, #tpu.memory_space<hbm>> -> memref<1x640xf32, #tpu.memory_space<hbm>>
      %dma_start3A_24 = tpu.memref_squeeze %dma_start3A_23 : memref<1x640xf32, #tpu.memory_space<hbm>> -> memref<640xf32, #tpu.memory_space<hbm>>
      tpu.enqueue_dma source(%dma_start3A_24 : memref<640xf32, #tpu.memory_space<hbm>>) target(%dma_start3A : memref<640xf32, #tpu.memory_space<vmem_shared>>) target_semaphore(%run_scoped3A_22 : memref<!tpu.dma_semaphore, #tpu.memory_space<semaphore_mem>>)
      %dma_wait3A = tpu.memref_slice %arg25[%mul3A_2] : memref<10240xf32, #tpu.memory_space<vmem_shared>> -> memref<640xf32, #tpu.memory_space<vmem_shared>>
      %dma_wait3A_25 = tpu.memref_slice %arg3[%run_scoped3A_6, %mul3A_2] : memref<4x10240xf32, #tpu.memory_space<hbm>> -> memref<1x640xf32, #tpu.memory_space<hbm>>
      %dma_wait3A_26 = tpu.memref_squeeze %dma_wait3A_25 : memref<1x640xf32, #tpu.memory_space<hbm>> -> memref<640xf32, #tpu.memory_space<hbm>>
      tpu.wait_dma2 semaphore(%run_scoped3A_22 : memref<!tpu.dma_semaphore, #tpu.memory_space<semaphore_mem>>) src(%dma_wait3A_26 : memref<640xf32, #tpu.memory_space<hbm>>) dst(%dma_wait3A : memref<640xf32, #tpu.memory_space<vmem_shared>>)
      tpu.yield
    }) : () -> ()
    %run_scoped3A_7 = arith.constant 2 : i32
    "tpu.region"() ({
      %run_scoped3A_22 = tpu.sem_alloc : memref<!tpu.dma_semaphore, #tpu.memory_space<semaphore_mem>>
      %dma_start3A = tpu.memref_slice %arg29[%mul3A_2] : memref<10240xf32, #tpu.memory_space<vmem_shared>> -> memref<640xf32, #tpu.memory_space<vmem_shared>>
      %dma_start3A_23 = tpu.memref_slice %arg4[%run_scoped3A_7, %mul3A_2] : memref<4x10240xf32, #tpu.memory_space<hbm>> -> memref<1x640xf32, #tpu.memory_space<hbm>>
      %dma_start3A_24 = tpu.memref_squeeze %dma_start3A_23 : memref<1x640xf32, #tpu.memory_space<hbm>> -> memref<640xf32, #tpu.memory_space<hbm>>
      tpu.enqueue_dma source(%dma_start3A_24 : memref<640xf32, #tpu.memory_space<hbm>>) target(%dma_start3A : memref<640xf32, #tpu.memory_space<vmem_shared>>) target_semaphore(%run_scoped3A_22 : memref<!tpu.dma_semaphore, #tpu.memory_space<semaphore_mem>>)
      %dma_wait3A = tpu.memref_slice %arg29[%mul3A_2] : memref<10240xf32, #tpu.memory_space<vmem_shared>> -> memref<640xf32, #tpu.memory_space<vmem_shared>>
      %dma_wait3A_25 = tpu.memref_slice %arg4[%run_scoped3A_7, %mul3A_2] : memref<4x10240xf32, #tpu.memory_space<hbm>> -> memref<1x640xf32, #tpu.memory_space<hbm>>
      %dma_wait3A_26 = tpu.memref_squeeze %dma_wait3A_25 : memref<1x640xf32, #tpu.memory_space<hbm>> -> memref<640xf32, #tpu.memory_space<hbm>>
      tpu.wait_dma2 semaphore(%run_scoped3A_22 : memref<!tpu.dma_semaphore, #tpu.memory_space<semaphore_mem>>) src(%dma_wait3A_26 : memref<640xf32, #tpu.memory_space<hbm>>) dst(%dma_wait3A : memref<640xf32, #tpu.memory_space<vmem_shared>>)
      tpu.yield
    }) : () -> ()
    "tpu.region"() ({
      %run_scoped3A_22 = tpu.sem_alloc : memref<!tpu.dma_semaphore, #tpu.memory_space<semaphore_mem>>
      %dma_start3A = tpu.memref_slice %arg34[%mul3A_2] : memref<10240xf32, #tpu.memory_space<vmem_shared>> -> memref<640xf32, #tpu.memory_space<vmem_shared>>
      tpu.enqueue_dma source(%arg8 : memref<640xf32, #tpu.memory_space<hbm>>) target(%dma_start3A : memref<640xf32, #tpu.memory_space<vmem_shared>>) target_semaphore(%run_scoped3A_22 : memref<!tpu.dma_semaphore, #tpu.memory_space<semaphore_mem>>)
      %dma_wait3A = tpu.memref_slice %arg34[%mul3A_2] : memref<10240xf32, #tpu.memory_space<vmem_shared>> -> memref<640xf32, #tpu.memory_space<vmem_shared>>
      tpu.wait_dma2 semaphore(%run_scoped3A_22 : memref<!tpu.dma_semaphore, #tpu.memory_space<semaphore_mem>>) src(%arg8 : memref<640xf32, #tpu.memory_space<hbm>>) dst(%dma_wait3A : memref<640xf32, #tpu.memory_space<vmem_shared>>)
      tpu.yield
    }) : () -> ()
    %run_scoped3A_8 = arith.constant 3 : i32
    "tpu.region"() ({
      %run_scoped3A_22 = tpu.sem_alloc : memref<!tpu.dma_semaphore, #tpu.memory_space<semaphore_mem>>
      %dma_start3A = tpu.memref_slice %arg26[%mul3A_2] : memref<10240xf32, #tpu.memory_space<vmem_shared>> -> memref<640xf32, #tpu.memory_space<vmem_shared>>
      %dma_start3A_23 = tpu.memref_slice %arg3[%run_scoped3A_8, %mul3A_2] : memref<4x10240xf32, #tpu.memory_space<hbm>> -> memref<1x640xf32, #tpu.memory_space<hbm>>
      %dma_start3A_24 = tpu.memref_squeeze %dma_start3A_23 : memref<1x640xf32, #tpu.memory_space<hbm>> -> memref<640xf32, #tpu.memory_space<hbm>>
      tpu.enqueue_dma source(%dma_start3A_24 : memref<640xf32, #tpu.memory_space<hbm>>) target(%dma_start3A : memref<640xf32, #tpu.memory_space<vmem_shared>>) target_semaphore(%run_scoped3A_22 : memref<!tpu.dma_semaphore, #tpu.memory_space<semaphore_mem>>)
      %dma_wait3A = tpu.memref_slice %arg26[%mul3A_2] : memref<10240xf32, #tpu.memory_space<vmem_shared>> -> memref<640xf32, #tpu.memory_space<vmem_shared>>
      %dma_wait3A_25 = tpu.memref_slice %arg3[%run_scoped3A_8, %mul3A_2] : memref<4x10240xf32, #tpu.memory_space<hbm>> -> memref<1x640xf32, #tpu.memory_space<hbm>>
      %dma_wait3A_26 = tpu.memref_squeeze %dma_wait3A_25 : memref<1x640xf32, #tpu.memory_space<hbm>> -> memref<640xf32, #tpu.memory_space<hbm>>
      tpu.wait_dma2 semaphore(%run_scoped3A_22 : memref<!tpu.dma_semaphore, #tpu.memory_space<semaphore_mem>>) src(%dma_wait3A_26 : memref<640xf32, #tpu.memory_space<hbm>>) dst(%dma_wait3A : memref<640xf32, #tpu.memory_space<vmem_shared>>)
      tpu.yield
    }) : () -> ()
    %run_scoped3A_9 = arith.constant 3 : i32
    "tpu.region"() ({
      %run_scoped3A_22 = tpu.sem_alloc : memref<!tpu.dma_semaphore, #tpu.memory_space<semaphore_mem>>
      %dma_start3A = tpu.memref_slice %arg30[%mul3A_2] : memref<10240xf32, #tpu.memory_space<vmem_shared>> -> memref<640xf32, #tpu.memory_space<vmem_shared>>
      %dma_start3A_23 = tpu.memref_slice %arg4[%run_scoped3A_9, %mul3A_2] : memref<4x10240xf32, #tpu.memory_space<hbm>> -> memref<1x640xf32, #tpu.memory_space<hbm>>
      %dma_start3A_24 = tpu.memref_squeeze %dma_start3A_23 : memref<1x640xf32, #tpu.memory_space<hbm>> -> memref<640xf32, #tpu.memory_space<hbm>>
      tpu.enqueue_dma source(%dma_start3A_24 : memref<640xf32, #tpu.memory_space<hbm>>) target(%dma_start3A : memref<640xf32, #tpu.memory_space<vmem_shared>>) target_semaphore(%run_scoped3A_22 : memref<!tpu.dma_semaphore, #tpu.memory_space<semaphore_mem>>)
      %dma_wait3A = tpu.memref_slice %arg30[%mul3A_2] : memref<10240xf32, #tpu.memory_space<vmem_shared>> -> memref<640xf32, #tpu.memory_space<vmem_shared>>
      %dma_wait3A_25 = tpu.memref_slice %arg4[%run_scoped3A_9, %mul3A_2] : memref<4x10240xf32, #tpu.memory_space<hbm>> -> memref<1x640xf32, #tpu.memory_space<hbm>>
      %dma_wait3A_26 = tpu.memref_squeeze %dma_wait3A_25 : memref<1x640xf32, #tpu.memory_space<hbm>> -> memref<640xf32, #tpu.memory_space<hbm>>
      tpu.wait_dma2 semaphore(%run_scoped3A_22 : memref<!tpu.dma_semaphore, #tpu.memory_space<semaphore_mem>>) src(%dma_wait3A_26 : memref<640xf32, #tpu.memory_space<hbm>>) dst(%dma_wait3A : memref<640xf32, #tpu.memory_space<vmem_shared>>)
      tpu.yield
    }) : () -> ()
    "tpu.region"() ({
      %run_scoped3A_22 = tpu.sem_alloc : memref<!tpu.dma_semaphore, #tpu.memory_space<semaphore_mem>>
      %dma_start3A = tpu.memref_slice %arg35[%mul3A_2] : memref<10240xf32, #tpu.memory_space<vmem_shared>> -> memref<640xf32, #tpu.memory_space<vmem_shared>>
      tpu.enqueue_dma source(%arg8 : memref<640xf32, #tpu.memory_space<hbm>>) target(%dma_start3A : memref<640xf32, #tpu.memory_space<vmem_shared>>) target_semaphore(%run_scoped3A_22 : memref<!tpu.dma_semaphore, #tpu.memory_space<semaphore_mem>>)
      %dma_wait3A = tpu.memref_slice %arg35[%mul3A_2] : memref<10240xf32, #tpu.memory_space<vmem_shared>> -> memref<640xf32, #tpu.memory_space<vmem_shared>>
      tpu.wait_dma2 semaphore(%run_scoped3A_22 : memref<!tpu.dma_semaphore, #tpu.memory_space<semaphore_mem>>) src(%arg8 : memref<640xf32, #tpu.memory_space<hbm>>) dst(%dma_wait3A : memref<640xf32, #tpu.memory_space<vmem_shared>>)
      tpu.yield
    }) : () -> ()
    "tpu.region"() ({
      %run_scoped3A_22 = tpu.sem_alloc : memref<!tpu.dma_semaphore, #tpu.memory_space<semaphore_mem>>
      %dma_start3A = arith.constant 0 : i32
      %dma_start3A_23 = tpu.memref_slice %arg31[%mul3A_2, %dma_start3A] : memref<10240x128xf32, #tpu.memory_space<vmem_shared>> -> memref<640x128xf32, #tpu.memory_space<vmem_shared>>
      tpu.enqueue_dma source(%arg7 : memref<640x128xf32, #tpu.memory_space<hbm>>) target(%dma_start3A_23 : memref<640x128xf32, #tpu.memory_space<vmem_shared>>) target_semaphore(%run_scoped3A_22 : memref<!tpu.dma_semaphore, #tpu.memory_space<semaphore_mem>>)
      %dma_wait3A = arith.constant 0 : i32
      %dma_wait3A_24 = tpu.memref_slice %arg31[%mul3A_2, %dma_wait3A] : memref<10240x128xf32, #tpu.memory_space<vmem_shared>> -> memref<640x128xf32, #tpu.memory_space<vmem_shared>>
      tpu.wait_dma2 semaphore(%run_scoped3A_22 : memref<!tpu.dma_semaphore, #tpu.memory_space<semaphore_mem>>) src(%arg7 : memref<640x128xf32, #tpu.memory_space<hbm>>) dst(%dma_wait3A_24 : memref<640x128xf32, #tpu.memory_space<vmem_shared>>)
      tpu.yield
    }) : () -> ()
    %barrier3A = arith.constant 0 : index
    tpu.barrier barrier_id(%barrier3A)
    %iota3A = tpu.iota {dimensions = array<i32: 0>} : vector<16xi32>
    %mul3A_10 = arith.constant 10112 : i32
    %mul3A_11 = arith.muli %add3A, %mul3A_10 : i32
    %scan3A = arith.constant 0 : i32
    %scan3A_12 = arith.constant 0 : i32
    %scan3A_13 = arith.constant 158 : i32
    %scan3A_14 = arith.addi %scan3A_12, %scan3A_13 : i32
    %scan3A_15 = arith.constant 1 : i32
    scf.for %scan3A_22 = %scan3A_12 to %scan3A_14 step %scan3A_15  : i32 {
      %dma_start3A = arith.constant 0 : i32
      %dma_start3A_23 = tpu.memref_slice %arg5[%add3A, %scan3A_22, %dma_start3A] : memref<32x158x64xi32, #tpu.memory_space<hbm>> -> memref<1x1x64xi32, #tpu.memory_space<hbm>>
      %dma_start3A_24 = tpu.memref_squeeze %dma_start3A_23 : memref<1x1x64xi32, #tpu.memory_space<hbm>> -> memref<64xi32, #tpu.memory_space<hbm>>
      %dma_start3A_25 = arith.constant 0 : i32
      %dma_start3A_26 = tpu.memref_slice %arg5[%add3A, %scan3A_22, %dma_start3A_25] : memref<32x158x64xi32, #tpu.memory_space<hbm>> -> memref<1x1x64xi32, #tpu.memory_space<hbm>>
      %dma_start3A_27 = tpu.memref_squeeze %dma_start3A_26 : memref<1x1x64xi32, #tpu.memory_space<hbm>> -> memref<64xi32, #tpu.memory_space<hbm>>
      tpu.enqueue_dma source(%dma_start3A_27 : memref<64xi32, #tpu.memory_space<hbm>>) target(%arg11 : memref<64xi32, #tpu.memory_space<vmem>>) target_semaphore(%arg36 : memref<!tpu.dma_semaphore, #tpu.memory_space<semaphore_mem>>)
      %dma_start3A_28 = arith.constant 0 : i32
      %dma_start3A_29 = tpu.memref_slice %arg6[%add3A, %scan3A_22, %dma_start3A_28] : memref<32x158x64xi32, #tpu.memory_space<hbm>> -> memref<1x1x64xi32, #tpu.memory_space<hbm>>
      %dma_start3A_30 = tpu.memref_squeeze %dma_start3A_29 : memref<1x1x64xi32, #tpu.memory_space<hbm>> -> memref<64xi32, #tpu.memory_space<hbm>>
      %dma_start3A_31 = arith.constant 0 : i32
      %dma_start3A_32 = tpu.memref_slice %arg6[%add3A, %scan3A_22, %dma_start3A_31] : memref<32x158x64xi32, #tpu.memory_space<hbm>> -> memref<1x1x64xi32, #tpu.memory_space<hbm>>
      %dma_start3A_33 = tpu.memref_squeeze %dma_start3A_32 : memref<1x1x64xi32, #tpu.memory_space<hbm>> -> memref<64xi32, #tpu.memory_space<hbm>>
      tpu.enqueue_dma source(%dma_start3A_33 : memref<64xi32, #tpu.memory_space<hbm>>) target(%arg12 : memref<64xi32, #tpu.memory_space<vmem>>) target_semaphore(%arg36 : memref<!tpu.dma_semaphore, #tpu.memory_space<semaphore_mem>>)
      %dma_wait3A = arith.constant 0 : i32
      %dma_wait3A_34 = tpu.memref_slice %arg5[%add3A, %scan3A_22, %dma_wait3A] : memref<32x158x64xi32, #tpu.memory_space<hbm>> -> memref<1x1x64xi32, #tpu.memory_space<hbm>>
      %dma_wait3A_35 = tpu.memref_squeeze %dma_wait3A_34 : memref<1x1x64xi32, #tpu.memory_space<hbm>> -> memref<64xi32, #tpu.memory_space<hbm>>
      %dma_wait3A_36 = arith.constant 0 : i32
      %dma_wait3A_37 = tpu.memref_slice %arg5[%add3A, %scan3A_22, %dma_wait3A_36] : memref<32x158x64xi32, #tpu.memory_space<hbm>> -> memref<1x1x64xi32, #tpu.memory_space<hbm>>
      %dma_wait3A_38 = tpu.memref_squeeze %dma_wait3A_37 : memref<1x1x64xi32, #tpu.memory_space<hbm>> -> memref<64xi32, #tpu.memory_space<hbm>>
      tpu.wait_dma2 semaphore(%arg36 : memref<!tpu.dma_semaphore, #tpu.memory_space<semaphore_mem>>) src(%dma_wait3A_38 : memref<64xi32, #tpu.memory_space<hbm>>) dst(%arg11 : memref<64xi32, #tpu.memory_space<vmem>>)
      %dma_wait3A_39 = arith.constant 0 : i32
      %dma_wait3A_40 = tpu.memref_slice %arg6[%add3A, %scan3A_22, %dma_wait3A_39] : memref<32x158x64xi32, #tpu.memory_space<hbm>> -> memref<1x1x64xi32, #tpu.memory_space<hbm>>
      %dma_wait3A_41 = tpu.memref_squeeze %dma_wait3A_40 : memref<1x1x64xi32, #tpu.memory_space<hbm>> -> memref<64xi32, #tpu.memory_space<hbm>>
      %dma_wait3A_42 = arith.constant 0 : i32
      %dma_wait3A_43 = tpu.memref_slice %arg6[%add3A, %scan3A_22, %dma_wait3A_42] : memref<32x158x64xi32, #tpu.memory_space<hbm>> -> memref<1x1x64xi32, #tpu.memory_space<hbm>>
      %dma_wait3A_44 = tpu.memref_squeeze %dma_wait3A_43 : memref<1x1x64xi32, #tpu.memory_space<hbm>> -> memref<64xi32, #tpu.memory_space<hbm>>
      tpu.wait_dma2 semaphore(%arg36 : memref<!tpu.dma_semaphore, #tpu.memory_space<semaphore_mem>>) src(%dma_wait3A_44 : memref<64xi32, #tpu.memory_space<hbm>>) dst(%arg12 : memref<64xi32, #tpu.memory_space<vmem>>)
      %dma_start3A_45 = arith.constant 0 : i32
      %dma_start3A_46 = arith.constant 0 : i32
      %dma_start3A_47 = tpu.memref_slice %arg2[%dma_start3A_45, %dma_start3A_46] : memref<10240x128xf32, #tpu.memory_space<hbm>> -> memref<10240x128xf32, #tpu.memory_space<hbm>>
      tpu.enqueue_indirect_dma source(%dma_start3A_47 : memref<10240x128xf32, #tpu.memory_space<hbm>>) target(%arg21 : memref<64x128xf32, #tpu.memory_space<vmem>>) offsets(%arg11 : memref<64xi32, #tpu.memory_space<vmem>>) semaphore(%arg37 : memref<!tpu.dma_semaphore, #tpu.memory_space<semaphore_mem>>)
      %dma_start3A_48 = arith.constant 0 : i32
      %dma_start3A_49 = tpu.memref_slice %arg23[%dma_start3A_48] : memref<10240xf32, #tpu.memory_space<vmem_shared>> -> memref<10240xf32, #tpu.memory_space<vmem_shared>>
      tpu.enqueue_indirect_dma source(%dma_start3A_49 : memref<10240xf32, #tpu.memory_space<vmem_shared>>) target(%arg13 : memref<64xf32, #tpu.memory_space<vmem>>) offsets(%arg11 : memref<64xi32, #tpu.memory_space<vmem>>) semaphore(%arg36 : memref<!tpu.dma_semaphore, #tpu.memory_space<semaphore_mem>>)
      %dma_start3A_50 = arith.constant 0 : i32
      %dma_start3A_51 = tpu.memref_slice %arg27[%dma_start3A_50] : memref<10240xf32, #tpu.memory_space<vmem_shared>> -> memref<10240xf32, #tpu.memory_space<vmem_shared>>
      tpu.enqueue_indirect_dma source(%dma_start3A_51 : memref<10240xf32, #tpu.memory_space<vmem_shared>>) target(%arg17 : memref<64xf32, #tpu.memory_space<vmem>>) offsets(%arg12 : memref<64xi32, #tpu.memory_space<vmem>>) semaphore(%arg36 : memref<!tpu.dma_semaphore, #tpu.memory_space<semaphore_mem>>)
      %dma_wait3A_52 = arith.constant 0 : i32
      %dma_wait3A_53 = tpu.memref_slice %arg23[%dma_wait3A_52] : memref<10240xf32, #tpu.memory_space<vmem_shared>> -> memref<10240xf32, #tpu.memory_space<vmem_shared>>
      tpu.wait_indirect_dma semaphore(%arg36 : memref<!tpu.dma_semaphore, #tpu.memory_space<semaphore_mem>>) src(%dma_wait3A_53 : memref<10240xf32, #tpu.memory_space<vmem_shared>>) dst(%arg13 : memref<64xf32, #tpu.memory_space<vmem>>)
      %dma_wait3A_54 = arith.constant 0 : i32
      %dma_wait3A_55 = tpu.memref_slice %arg27[%dma_wait3A_54] : memref<10240xf32, #tpu.memory_space<vmem_shared>> -> memref<10240xf32, #tpu.memory_space<vmem_shared>>
      tpu.wait_indirect_dma semaphore(%arg36 : memref<!tpu.dma_semaphore, #tpu.memory_space<semaphore_mem>>) src(%dma_wait3A_55 : memref<10240xf32, #tpu.memory_space<vmem_shared>>) dst(%arg17 : memref<64xf32, #tpu.memory_space<vmem>>)
      %dma_start3A_56 = arith.constant 0 : i32
      %dma_start3A_57 = tpu.memref_slice %arg24[%dma_start3A_56] : memref<10240xf32, #tpu.memory_space<vmem_shared>> -> memref<10240xf32, #tpu.memory_space<vmem_shared>>
      tpu.enqueue_indirect_dma source(%dma_start3A_57 : memref<10240xf32, #tpu.memory_space<vmem_shared>>) target(%arg14 : memref<64xf32, #tpu.memory_space<vmem>>) offsets(%arg11 : memref<64xi32, #tpu.memory_space<vmem>>) semaphore(%arg36 : memref<!tpu.dma_semaphore, #tpu.memory_space<semaphore_mem>>)
      %dma_start3A_58 = arith.constant 0 : i32
      %dma_start3A_59 = tpu.memref_slice %arg28[%dma_start3A_58] : memref<10240xf32, #tpu.memory_space<vmem_shared>> -> memref<10240xf32, #tpu.memory_space<vmem_shared>>
      tpu.enqueue_indirect_dma source(%dma_start3A_59 : memref<10240xf32, #tpu.memory_space<vmem_shared>>) target(%arg18 : memref<64xf32, #tpu.memory_space<vmem>>) offsets(%arg12 : memref<64xi32, #tpu.memory_space<vmem>>) semaphore(%arg36 : memref<!tpu.dma_semaphore, #tpu.memory_space<semaphore_mem>>)
      %dma_wait3A_60 = arith.constant 0 : i32
      %dma_wait3A_61 = tpu.memref_slice %arg24[%dma_wait3A_60] : memref<10240xf32, #tpu.memory_space<vmem_shared>> -> memref<10240xf32, #tpu.memory_space<vmem_shared>>
      tpu.wait_indirect_dma semaphore(%arg36 : memref<!tpu.dma_semaphore, #tpu.memory_space<semaphore_mem>>) src(%dma_wait3A_61 : memref<10240xf32, #tpu.memory_space<vmem_shared>>) dst(%arg14 : memref<64xf32, #tpu.memory_space<vmem>>)
      %dma_wait3A_62 = arith.constant 0 : i32
      %dma_wait3A_63 = tpu.memref_slice %arg28[%dma_wait3A_62] : memref<10240xf32, #tpu.memory_space<vmem_shared>> -> memref<10240xf32, #tpu.memory_space<vmem_shared>>
      tpu.wait_indirect_dma semaphore(%arg36 : memref<!tpu.dma_semaphore, #tpu.memory_space<semaphore_mem>>) src(%dma_wait3A_63 : memref<10240xf32, #tpu.memory_space<vmem_shared>>) dst(%arg18 : memref<64xf32, #tpu.memory_space<vmem>>)
      %dma_start3A_64 = arith.constant 0 : i32
      %dma_start3A_65 = tpu.memref_slice %arg25[%dma_start3A_64] : memref<10240xf32, #tpu.memory_space<vmem_shared>> -> memref<10240xf32, #tpu.memory_space<vmem_shared>>
      tpu.enqueue_indirect_dma source(%dma_start3A_65 : memref<10240xf32, #tpu.memory_space<vmem_shared>>) target(%arg15 : memref<64xf32, #tpu.memory_space<vmem>>) offsets(%arg11 : memref<64xi32, #tpu.memory_space<vmem>>) semaphore(%arg36 : memref<!tpu.dma_semaphore, #tpu.memory_space<semaphore_mem>>)
      %dma_start3A_66 = arith.constant 0 : i32
      %dma_start3A_67 = tpu.memref_slice %arg29[%dma_start3A_66] : memref<10240xf32, #tpu.memory_space<vmem_shared>> -> memref<10240xf32, #tpu.memory_space<vmem_shared>>
      tpu.enqueue_indirect_dma source(%dma_start3A_67 : memref<10240xf32, #tpu.memory_space<vmem_shared>>) target(%arg19 : memref<64xf32, #tpu.memory_space<vmem>>) offsets(%arg12 : memref<64xi32, #tpu.memory_space<vmem>>) semaphore(%arg36 : memref<!tpu.dma_semaphore, #tpu.memory_space<semaphore_mem>>)
      %dma_wait3A_68 = arith.constant 0 : i32
      %dma_wait3A_69 = tpu.memref_slice %arg25[%dma_wait3A_68] : memref<10240xf32, #tpu.memory_space<vmem_shared>> -> memref<10240xf32, #tpu.memory_space<vmem_shared>>
      tpu.wait_indirect_dma semaphore(%arg36 : memref<!tpu.dma_semaphore, #tpu.memory_space<semaphore_mem>>) src(%dma_wait3A_69 : memref<10240xf32, #tpu.memory_space<vmem_shared>>) dst(%arg15 : memref<64xf32, #tpu.memory_space<vmem>>)
      %dma_wait3A_70 = arith.constant 0 : i32
      %dma_wait3A_71 = tpu.memref_slice %arg29[%dma_wait3A_70] : memref<10240xf32, #tpu.memory_space<vmem_shared>> -> memref<10240xf32, #tpu.memory_space<vmem_shared>>
      tpu.wait_indirect_dma semaphore(%arg36 : memref<!tpu.dma_semaphore, #tpu.memory_space<semaphore_mem>>) src(%dma_wait3A_71 : memref<10240xf32, #tpu.memory_space<vmem_shared>>) dst(%arg19 : memref<64xf32, #tpu.memory_space<vmem>>)
      %dma_start3A_72 = arith.constant 0 : i32
      %dma_start3A_73 = tpu.memref_slice %arg26[%dma_start3A_72] : memref<10240xf32, #tpu.memory_space<vmem_shared>> -> memref<10240xf32, #tpu.memory_space<vmem_shared>>
      tpu.enqueue_indirect_dma source(%dma_start3A_73 : memref<10240xf32, #tpu.memory_space<vmem_shared>>) target(%arg16 : memref<64xf32, #tpu.memory_space<vmem>>) offsets(%arg11 : memref<64xi32, #tpu.memory_space<vmem>>) semaphore(%arg36 : memref<!tpu.dma_semaphore, #tpu.memory_space<semaphore_mem>>)
      %dma_start3A_74 = arith.constant 0 : i32
      %dma_start3A_75 = tpu.memref_slice %arg30[%dma_start3A_74] : memref<10240xf32, #tpu.memory_space<vmem_shared>> -> memref<10240xf32, #tpu.memory_space<vmem_shared>>
      tpu.enqueue_indirect_dma source(%dma_start3A_75 : memref<10240xf32, #tpu.memory_space<vmem_shared>>) target(%arg20 : memref<64xf32, #tpu.memory_space<vmem>>) offsets(%arg12 : memref<64xi32, #tpu.memory_space<vmem>>) semaphore(%arg36 : memref<!tpu.dma_semaphore, #tpu.memory_space<semaphore_mem>>)
      %dma_wait3A_76 = arith.constant 0 : i32
      %dma_wait3A_77 = tpu.memref_slice %arg26[%dma_wait3A_76] : memref<10240xf32, #tpu.memory_space<vmem_shared>> -> memref<10240xf32, #tpu.memory_space<vmem_shared>>
      tpu.wait_indirect_dma semaphore(%arg36 : memref<!tpu.dma_semaphore, #tpu.memory_space<semaphore_mem>>) src(%dma_wait3A_77 : memref<10240xf32, #tpu.memory_space<vmem_shared>>) dst(%arg16 : memref<64xf32, #tpu.memory_space<vmem>>)
      %dma_wait3A_78 = arith.constant 0 : i32
      %dma_wait3A_79 = tpu.memref_slice %arg30[%dma_wait3A_78] : memref<10240xf32, #tpu.memory_space<vmem_shared>> -> memref<10240xf32, #tpu.memory_space<vmem_shared>>
      tpu.wait_indirect_dma semaphore(%arg36 : memref<!tpu.dma_semaphore, #tpu.memory_space<semaphore_mem>>) src(%dma_wait3A_79 : memref<10240xf32, #tpu.memory_space<vmem_shared>>) dst(%arg20 : memref<64xf32, #tpu.memory_space<vmem>>)
      %mul3A_80 = arith.constant 64 : i32
      %mul3A_81 = arith.muli %scan3A_22, %mul3A_80 : i32
      %add3A_82 = arith.addi %mul3A_11, %mul3A_81 : i32
      %add3A_83 = arith.constant 0 : i32
      %add3A_84 = arith.addi %add3A_82, %add3A_83 : i32
      %add3A_85 = vector.broadcast %add3A_84 : i32 to vector<16xi32>
      %add3A_86 = arith.addi %add3A_85, %iota3A : vector<16xi32>
      %lt3A = arith.constant 320000 : i32
      %lt3A_87 = vector.broadcast %lt3A : i32 to vector<16xi32>
      %lt3A_88 = arith.cmpi slt, %add3A_86, %lt3A_87 : vector<16xi32>
      %get3A = arith.constant 0 : index
      %get3A_89 = tpu.vector_load %arg13[%get3A] {strides = array<i32>} : memref<64xf32, #tpu.memory_space<vmem>>, vector<16xf32>,
      %get3A_90 = arith.constant 0 : index
      %get3A_91 = tpu.vector_load %arg17[%get3A_90] {strides = array<i32>} : memref<64xf32, #tpu.memory_space<vmem>>, vector<16xf32>,
      %add3A_92 = arith.addf %get3A_89, %get3A_91 : vector<16xf32>
      %mul3A_93 = arith.constant 2.000000e-01 : f32
      %mul3A_94 = vector.broadcast %mul3A_93 : f32 to vector<16xf32>
      %mul3A_95 = arith.mulf %mul3A_94, %add3A_92 : vector<16xf32>
      %max3A = arith.maximumf %add3A_92, %mul3A_95 : vector<16xf32>
      %exp3A = math.exp %max3A : vector<16xf32>
      %jit3A = arith.constant 0.000000e+00 : f32
      %broadcast_in_dim3A = vector.broadcast %jit3A : f32 to vector<16xf32>
      %select_n3A = arith.select %lt3A_88, %exp3A, %broadcast_in_dim3A : vector<16xi1>, vector<16xf32>
      %swap3A = arith.constant 0 : index
      %swap3A_96 = tpu.vector_load %arg22[%swap3A] {strides = array<i32>} : memref<256xf32, #tpu.memory_space<vmem>>, vector<16xf32>,
      tpu.vector_store %arg22[%swap3A], %select_n3A {strides = array<i32>} : memref<256xf32, #tpu.memory_space<vmem>>, vector<16xf32>,
      %get3A_97 = arith.constant 0 : index
      %get3A_98 = tpu.vector_load %arg14[%get3A_97] {strides = array<i32>} : memref<64xf32, #tpu.memory_space<vmem>>, vector<16xf32>,
      %get3A_99 = arith.constant 0 : index
      %get3A_100 = tpu.vector_load %arg18[%get3A_99] {strides = array<i32>} : memref<64xf32, #tpu.memory_space<vmem>>, vector<16xf32>,
      %add3A_101 = arith.addf %get3A_98, %get3A_100 : vector<16xf32>
      %mul3A_102 = arith.constant 2.000000e-01 : f32
      %mul3A_103 = vector.broadcast %mul3A_102 : f32 to vector<16xf32>
      %mul3A_104 = arith.mulf %mul3A_103, %add3A_101 : vector<16xf32>
      %max3A_105 = arith.maximumf %add3A_101, %mul3A_104 : vector<16xf32>
      %exp3A_106 = math.exp %max3A_105 : vector<16xf32>
      %jit3A_107 = arith.constant 0.000000e+00 : f32
      %broadcast_in_dim3A_108 = vector.broadcast %jit3A_107 : f32 to vector<16xf32>
      %select_n3A_109 = arith.select %lt3A_88, %exp3A_106, %broadcast_in_dim3A_108 : vector<16xi1>, vector<16xf32>
      %swap3A_110 = arith.constant 64 : index
      %swap3A_111 = tpu.vector_load %arg22[%swap3A_110] {strides = array<i32>} : memref<256xf32, #tpu.memory_space<vmem>>, vector<16xf32>,
      tpu.vector_store %arg22[%swap3A_110], %select_n3A_109 {strides = array<i32>} : memref<256xf32, #tpu.memory_space<vmem>>, vector<16xf32>,
      %get3A_112 = arith.constant 0 : index
      %get3A_113 = tpu.vector_load %arg15[%get3A_112] {strides = array<i32>} : memref<64xf32, #tpu.memory_space<vmem>>, vector<16xf32>,
      %get3A_114 = arith.constant 0 : index
      %get3A_115 = tpu.vector_load %arg19[%get3A_114] {strides = array<i32>} : memref<64xf32, #tpu.memory_space<vmem>>, vector<16xf32>,
      %add3A_116 = arith.addf %get3A_113, %get3A_115 : vector<16xf32>
      %mul3A_117 = arith.constant 2.000000e-01 : f32
      %mul3A_118 = vector.broadcast %mul3A_117 : f32 to vector<16xf32>
      %mul3A_119 = arith.mulf %mul3A_118, %add3A_116 : vector<16xf32>
      %max3A_120 = arith.maximumf %add3A_116, %mul3A_119 : vector<16xf32>
      %exp3A_121 = math.exp %max3A_120 : vector<16xf32>
      %jit3A_122 = arith.constant 0.000000e+00 : f32
      %broadcast_in_dim3A_123 = vector.broadcast %jit3A_122 : f32 to vector<16xf32>
      %select_n3A_124 = arith.select %lt3A_88, %exp3A_121, %broadcast_in_dim3A_123 : vector<16xi1>, vector<16xf32>
      %swap3A_125 = arith.constant 128 : index
      %swap3A_126 = tpu.vector_load %arg22[%swap3A_125] {strides = array<i32>} : memref<256xf32, #tpu.memory_space<vmem>>, vector<16xf32>,
      tpu.vector_store %arg22[%swap3A_125], %select_n3A_124 {strides = array<i32>} : memref<256xf32, #tpu.memory_space<vmem>>, vector<16xf32>,
      %get3A_127 = arith.constant 0 : index
      %get3A_128 = tpu.vector_load %arg16[%get3A_127] {strides = array<i32>} : memref<64xf32, #tpu.memory_space<vmem>>, vector<16xf32>,
      %get3A_129 = arith.constant 0 : index
      %get3A_130 = tpu.vector_load %arg20[%get3A_129] {strides = array<i32>} : memref<64xf32, #tpu.memory_space<vmem>>, vector<16xf32>,
      %add3A_131 = arith.addf %get3A_128, %get3A_130 : vector<16xf32>
      %mul3A_132 = arith.constant 2.000000e-01 : f32
      %mul3A_133 = vector.broadcast %mul3A_132 : f32 to vector<16xf32>
      %mul3A_134 = arith.mulf %mul3A_133, %add3A_131 : vector<16xf32>
      %max3A_135 = arith.maximumf %add3A_131, %mul3A_134 : vector<16xf32>
      %exp3A_136 = math.exp %max3A_135 : vector<16xf32>
      %jit3A_137 = arith.constant 0.000000e+00 : f32
      %broadcast_in_dim3A_138 = vector.broadcast %jit3A_137 : f32 to vector<16xf32>
      %select_n3A_139 = arith.select %lt3A_88, %exp3A_136, %broadcast_in_dim3A_138 : vector<16xi1>, vector<16xf32>
      %swap3A_140 = arith.constant 192 : index
      %swap3A_141 = tpu.vector_load %arg22[%swap3A_140] {strides = array<i32>} : memref<256xf32, #tpu.memory_space<vmem>>, vector<16xf32>,
      tpu.vector_store %arg22[%swap3A_140], %select_n3A_139 {strides = array<i32>} : memref<256xf32, #tpu.memory_space<vmem>>, vector<16xf32>,
      %mul3A_142 = arith.constant 64 : i32
      %mul3A_143 = arith.muli %scan3A_22, %mul3A_142 : i32
      %add3A_144 = arith.addi %mul3A_11, %mul3A_143 : i32
      %add3A_145 = arith.constant 16 : i32
      %add3A_146 = arith.addi %add3A_144, %add3A_145 : i32
      %add3A_147 = vector.broadcast %add3A_146 : i32 to vector<16xi32>
      %add3A_148 = arith.addi %add3A_147, %iota3A : vector<16xi32>
      %lt3A_149 = arith.constant 320000 : i32
      %lt3A_150 = vector.broadcast %lt3A_149 : i32 to vector<16xi32>
      %lt3A_151 = arith.cmpi slt, %add3A_148, %lt3A_150 : vector<16xi32>
      %get3A_152 = arith.constant 16 : index
      %get3A_153 = tpu.vector_load %arg13[%get3A_152] {strides = array<i32>} : memref<64xf32, #tpu.memory_space<vmem>>, vector<16xf32>,
      %get3A_154 = arith.constant 16 : index
      %get3A_155 = tpu.vector_load %arg17[%get3A_154] {strides = array<i32>} : memref<64xf32, #tpu.memory_space<vmem>>, vector<16xf32>,
      %add3A_156 = arith.addf %get3A_153, %get3A_155 : vector<16xf32>
      %mul3A_157 = arith.constant 2.000000e-01 : f32
      %mul3A_158 = vector.broadcast %mul3A_157 : f32 to vector<16xf32>
      %mul3A_159 = arith.mulf %mul3A_158, %add3A_156 : vector<16xf32>
      %max3A_160 = arith.maximumf %add3A_156, %mul3A_159 : vector<16xf32>
      %exp3A_161 = math.exp %max3A_160 : vector<16xf32>
      %jit3A_162 = arith.constant 0.000000e+00 : f32
      %broadcast_in_dim3A_163 = vector.broadcast %jit3A_162 : f32 to vector<16xf32>
      %select_n3A_164 = arith.select %lt3A_151, %exp3A_161, %broadcast_in_dim3A_163 : vector<16xi1>, vector<16xf32>
      %swap3A_165 = arith.constant 16 : index
      %swap3A_166 = tpu.vector_load %arg22[%swap3A_165] {strides = array<i32>} : memref<256xf32, #tpu.memory_space<vmem>>, vector<16xf32>,
      tpu.vector_store %arg22[%swap3A_165], %select_n3A_164 {strides = array<i32>} : memref<256xf32, #tpu.memory_space<vmem>>, vector<16xf32>,
      %get3A_167 = arith.constant 16 : index
      %get3A_168 = tpu.vector_load %arg14[%get3A_167] {strides = array<i32>} : memref<64xf32, #tpu.memory_space<vmem>>, vector<16xf32>,
      %get3A_169 = arith.constant 16 : index
      %get3A_170 = tpu.vector_load %arg18[%get3A_169] {strides = array<i32>} : memref<64xf32, #tpu.memory_space<vmem>>, vector<16xf32>,
      %add3A_171 = arith.addf %get3A_168, %get3A_170 : vector<16xf32>
      %mul3A_172 = arith.constant 2.000000e-01 : f32
      %mul3A_173 = vector.broadcast %mul3A_172 : f32 to vector<16xf32>
      %mul3A_174 = arith.mulf %mul3A_173, %add3A_171 : vector<16xf32>
      %max3A_175 = arith.maximumf %add3A_171, %mul3A_174 : vector<16xf32>
      %exp3A_176 = math.exp %max3A_175 : vector<16xf32>
      %jit3A_177 = arith.constant 0.000000e+00 : f32
      %broadcast_in_dim3A_178 = vector.broadcast %jit3A_177 : f32 to vector<16xf32>
      %select_n3A_179 = arith.select %lt3A_151, %exp3A_176, %broadcast_in_dim3A_178 : vector<16xi1>, vector<16xf32>
      %swap3A_180 = arith.constant 80 : index
      %swap3A_181 = tpu.vector_load %arg22[%swap3A_180] {strides = array<i32>} : memref<256xf32, #tpu.memory_space<vmem>>, vector<16xf32>,
      tpu.vector_store %arg22[%swap3A_180], %select_n3A_179 {strides = array<i32>} : memref<256xf32, #tpu.memory_space<vmem>>, vector<16xf32>,
      %get3A_182 = arith.constant 16 : index
      %get3A_183 = tpu.vector_load %arg15[%get3A_182] {strides = array<i32>} : memref<64xf32, #tpu.memory_space<vmem>>, vector<16xf32>,
      %get3A_184 = arith.constant 16 : index
      %get3A_185 = tpu.vector_load %arg19[%get3A_184] {strides = array<i32>} : memref<64xf32, #tpu.memory_space<vmem>>, vector<16xf32>,
      %add3A_186 = arith.addf %get3A_183, %get3A_185 : vector<16xf32>
      %mul3A_187 = arith.constant 2.000000e-01 : f32
      %mul3A_188 = vector.broadcast %mul3A_187 : f32 to vector<16xf32>
      %mul3A_189 = arith.mulf %mul3A_188, %add3A_186 : vector<16xf32>
      %max3A_190 = arith.maximumf %add3A_186, %mul3A_189 : vector<16xf32>
      %exp3A_191 = math.exp %max3A_190 : vector<16xf32>
      %jit3A_192 = arith.constant 0.000000e+00 : f32
      %broadcast_in_dim3A_193 = vector.broadcast %jit3A_192 : f32 to vector<16xf32>
      %select_n3A_194 = arith.select %lt3A_151, %exp3A_191, %broadcast_in_dim3A_193 : vector<16xi1>, vector<16xf32>
      %swap3A_195 = arith.constant 144 : index
      %swap3A_196 = tpu.vector_load %arg22[%swap3A_195] {strides = array<i32>} : memref<256xf32, #tpu.memory_space<vmem>>, vector<16xf32>,
      tpu.vector_store %arg22[%swap3A_195], %select_n3A_194 {strides = array<i32>} : memref<256xf32, #tpu.memory_space<vmem>>, vector<16xf32>,
      %get3A_197 = arith.constant 16 : index
      %get3A_198 = tpu.vector_load %arg16[%get3A_197] {strides = array<i32>} : memref<64xf32, #tpu.memory_space<vmem>>, vector<16xf32>,
      %get3A_199 = arith.constant 16 : index
      %get3A_200 = tpu.vector_load %arg20[%get3A_199] {strides = array<i32>} : memref<64xf32, #tpu.memory_space<vmem>>, vector<16xf32>,
      %add3A_201 = arith.addf %get3A_198, %get3A_200 : vector<16xf32>
      %mul3A_202 = arith.constant 2.000000e-01 : f32
      %mul3A_203 = vector.broadcast %mul3A_202 : f32 to vector<16xf32>
      %mul3A_204 = arith.mulf %mul3A_203, %add3A_201 : vector<16xf32>
      %max3A_205 = arith.maximumf %add3A_201, %mul3A_204 : vector<16xf32>
      %exp3A_206 = math.exp %max3A_205 : vector<16xf32>
      %jit3A_207 = arith.constant 0.000000e+00 : f32
      %broadcast_in_dim3A_208 = vector.broadcast %jit3A_207 : f32 to vector<16xf32>
      %select_n3A_209 = arith.select %lt3A_151, %exp3A_206, %broadcast_in_dim3A_208 : vector<16xi1>, vector<16xf32>
      %swap3A_210 = arith.constant 208 : index
      %swap3A_211 = tpu.vector_load %arg22[%swap3A_210] {strides = array<i32>} : memref<256xf32, #tpu.memory_space<vmem>>, vector<16xf32>,
      tpu.vector_store %arg22[%swap3A_210], %select_n3A_209 {strides = array<i32>} : memref<256xf32, #tpu.memory_space<vmem>>, vector<16xf32>,
      %mul3A_212 = arith.constant 64 : i32
      %mul3A_213 = arith.muli %scan3A_22, %mul3A_212 : i32
      %add3A_214 = arith.addi %mul3A_11, %mul3A_213 : i32
      %add3A_215 = arith.constant 32 : i32
      %add3A_216 = arith.addi %add3A_214, %add3A_215 : i32
      %add3A_217 = vector.broadcast %add3A_216 : i32 to vector<16xi32>
      %add3A_218 = arith.addi %add3A_217, %iota3A : vector<16xi32>
      %lt3A_219 = arith.constant 320000 : i32
      %lt3A_220 = vector.broadcast %lt3A_219 : i32 to vector<16xi32>
      %lt3A_221 = arith.cmpi slt, %add3A_218, %lt3A_220 : vector<16xi32>
      %get3A_222 = arith.constant 32 : index
      %get3A_223 = tpu.vector_load %arg13[%get3A_222] {strides = array<i32>} : memref<64xf32, #tpu.memory_space<vmem>>, vector<16xf32>,
      %get3A_224 = arith.constant 32 : index
      %get3A_225 = tpu.vector_load %arg17[%get3A_224] {strides = array<i32>} : memref<64xf32, #tpu.memory_space<vmem>>, vector<16xf32>,
      %add3A_226 = arith.addf %get3A_223, %get3A_225 : vector<16xf32>
      %mul3A_227 = arith.constant 2.000000e-01 : f32
      %mul3A_228 = vector.broadcast %mul3A_227 : f32 to vector<16xf32>
      %mul3A_229 = arith.mulf %mul3A_228, %add3A_226 : vector<16xf32>
      %max3A_230 = arith.maximumf %add3A_226, %mul3A_229 : vector<16xf32>
      %exp3A_231 = math.exp %max3A_230 : vector<16xf32>
      %jit3A_232 = arith.constant 0.000000e+00 : f32
      %broadcast_in_dim3A_233 = vector.broadcast %jit3A_232 : f32 to vector<16xf32>
      %select_n3A_234 = arith.select %lt3A_221, %exp3A_231, %broadcast_in_dim3A_233 : vector<16xi1>, vector<16xf32>
      %swap3A_235 = arith.constant 32 : index
      %swap3A_236 = tpu.vector_load %arg22[%swap3A_235] {strides = array<i32>} : memref<256xf32, #tpu.memory_space<vmem>>, vector<16xf32>,
      tpu.vector_store %arg22[%swap3A_235], %select_n3A_234 {strides = array<i32>} : memref<256xf32, #tpu.memory_space<vmem>>, vector<16xf32>,
      %get3A_237 = arith.constant 32 : index
      %get3A_238 = tpu.vector_load %arg14[%get3A_237] {strides = array<i32>} : memref<64xf32, #tpu.memory_space<vmem>>, vector<16xf32>,
      %get3A_239 = arith.constant 32 : index
      %get3A_240 = tpu.vector_load %arg18[%get3A_239] {strides = array<i32>} : memref<64xf32, #tpu.memory_space<vmem>>, vector<16xf32>,
      %add3A_241 = arith.addf %get3A_238, %get3A_240 : vector<16xf32>
      %mul3A_242 = arith.constant 2.000000e-01 : f32
      %mul3A_243 = vector.broadcast %mul3A_242 : f32 to vector<16xf32>
      %mul3A_244 = arith.mulf %mul3A_243, %add3A_241 : vector<16xf32>
      %max3A_245 = arith.maximumf %add3A_241, %mul3A_244 : vector<16xf32>
      %exp3A_246 = math.exp %max3A_245 : vector<16xf32>
      %jit3A_247 = arith.constant 0.000000e+00 : f32
      %broadcast_in_dim3A_248 = vector.broadcast %jit3A_247 : f32 to vector<16xf32>
      %select_n3A_249 = arith.select %lt3A_221, %exp3A_246, %broadcast_in_dim3A_248 : vector<16xi1>, vector<16xf32>
      %swap3A_250 = arith.constant 96 : index
      %swap3A_251 = tpu.vector_load %arg22[%swap3A_250] {strides = array<i32>} : memref<256xf32, #tpu.memory_space<vmem>>, vector<16xf32>,
      tpu.vector_store %arg22[%swap3A_250], %select_n3A_249 {strides = array<i32>} : memref<256xf32, #tpu.memory_space<vmem>>, vector<16xf32>,
      %get3A_252 = arith.constant 32 : index
      %get3A_253 = tpu.vector_load %arg15[%get3A_252] {strides = array<i32>} : memref<64xf32, #tpu.memory_space<vmem>>, vector<16xf32>,
      %get3A_254 = arith.constant 32 : index
      %get3A_255 = tpu.vector_load %arg19[%get3A_254] {strides = array<i32>} : memref<64xf32, #tpu.memory_space<vmem>>, vector<16xf32>,
      %add3A_256 = arith.addf %get3A_253, %get3A_255 : vector<16xf32>
      %mul3A_257 = arith.constant 2.000000e-01 : f32
      %mul3A_258 = vector.broadcast %mul3A_257 : f32 to vector<16xf32>
      %mul3A_259 = arith.mulf %mul3A_258, %add3A_256 : vector<16xf32>
      %max3A_260 = arith.maximumf %add3A_256, %mul3A_259 : vector<16xf32>
      %exp3A_261 = math.exp %max3A_260 : vector<16xf32>
      %jit3A_262 = arith.constant 0.000000e+00 : f32
      %broadcast_in_dim3A_263 = vector.broadcast %jit3A_262 : f32 to vector<16xf32>
      %select_n3A_264 = arith.select %lt3A_221, %exp3A_261, %broadcast_in_dim3A_263 : vector<16xi1>, vector<16xf32>
      %swap3A_265 = arith.constant 160 : index
      %swap3A_266 = tpu.vector_load %arg22[%swap3A_265] {strides = array<i32>} : memref<256xf32, #tpu.memory_space<vmem>>, vector<16xf32>,
      tpu.vector_store %arg22[%swap3A_265], %select_n3A_264 {strides = array<i32>} : memref<256xf32, #tpu.memory_space<vmem>>, vector<16xf32>,
      %get3A_267 = arith.constant 32 : index
      %get3A_268 = tpu.vector_load %arg16[%get3A_267] {strides = array<i32>} : memref<64xf32, #tpu.memory_space<vmem>>, vector<16xf32>,
      %get3A_269 = arith.constant 32 : index
      %get3A_270 = tpu.vector_load %arg20[%get3A_269] {strides = array<i32>} : memref<64xf32, #tpu.memory_space<vmem>>, vector<16xf32>,
      %add3A_271 = arith.addf %get3A_268, %get3A_270 : vector<16xf32>
      %mul3A_272 = arith.constant 2.000000e-01 : f32
      %mul3A_273 = vector.broadcast %mul3A_272 : f32 to vector<16xf32>
      %mul3A_274 = arith.mulf %mul3A_273, %add3A_271 : vector<16xf32>
      %max3A_275 = arith.maximumf %add3A_271, %mul3A_274 : vector<16xf32>
      %exp3A_276 = math.exp %max3A_275 : vector<16xf32>
      %jit3A_277 = arith.constant 0.000000e+00 : f32
      %broadcast_in_dim3A_278 = vector.broadcast %jit3A_277 : f32 to vector<16xf32>
      %select_n3A_279 = arith.select %lt3A_221, %exp3A_276, %broadcast_in_dim3A_278 : vector<16xi1>, vector<16xf32>
      %swap3A_280 = arith.constant 224 : index
      %swap3A_281 = tpu.vector_load %arg22[%swap3A_280] {strides = array<i32>} : memref<256xf32, #tpu.memory_space<vmem>>, vector<16xf32>,
      tpu.vector_store %arg22[%swap3A_280], %select_n3A_279 {strides = array<i32>} : memref<256xf32, #tpu.memory_space<vmem>>, vector<16xf32>,
      %mul3A_282 = arith.constant 64 : i32
      %mul3A_283 = arith.muli %scan3A_22, %mul3A_282 : i32
      %add3A_284 = arith.addi %mul3A_11, %mul3A_283 : i32
      %add3A_285 = arith.constant 48 : i32
      %add3A_286 = arith.addi %add3A_284, %add3A_285 : i32
      %add3A_287 = vector.broadcast %add3A_286 : i32 to vector<16xi32>
      %add3A_288 = arith.addi %add3A_287, %iota3A : vector<16xi32>
      %lt3A_289 = arith.constant 320000 : i32
      %lt3A_290 = vector.broadcast %lt3A_289 : i32 to vector<16xi32>
      %lt3A_291 = arith.cmpi slt, %add3A_288, %lt3A_290 : vector<16xi32>
      %get3A_292 = arith.constant 48 : index
      %get3A_293 = tpu.vector_load %arg13[%get3A_292] {strides = array<i32>} : memref<64xf32, #tpu.memory_space<vmem>>, vector<16xf32>,
      %get3A_294 = arith.constant 48 : index
      %get3A_295 = tpu.vector_load %arg17[%get3A_294] {strides = array<i32>} : memref<64xf32, #tpu.memory_space<vmem>>, vector<16xf32>,
      %add3A_296 = arith.addf %get3A_293, %get3A_295 : vector<16xf32>
      %mul3A_297 = arith.constant 2.000000e-01 : f32
      %mul3A_298 = vector.broadcast %mul3A_297 : f32 to vector<16xf32>
      %mul3A_299 = arith.mulf %mul3A_298, %add3A_296 : vector<16xf32>
      %max3A_300 = arith.maximumf %add3A_296, %mul3A_299 : vector<16xf32>
      %exp3A_301 = math.exp %max3A_300 : vector<16xf32>
      %jit3A_302 = arith.constant 0.000000e+00 : f32
      %broadcast_in_dim3A_303 = vector.broadcast %jit3A_302 : f32 to vector<16xf32>
      %select_n3A_304 = arith.select %lt3A_291, %exp3A_301, %broadcast_in_dim3A_303 : vector<16xi1>, vector<16xf32>
      %swap3A_305 = arith.constant 48 : index
      %swap3A_306 = tpu.vector_load %arg22[%swap3A_305] {strides = array<i32>} : memref<256xf32, #tpu.memory_space<vmem>>, vector<16xf32>,
      tpu.vector_store %arg22[%swap3A_305], %select_n3A_304 {strides = array<i32>} : memref<256xf32, #tpu.memory_space<vmem>>, vector<16xf32>,
      %get3A_307 = arith.constant 48 : index
      %get3A_308 = tpu.vector_load %arg14[%get3A_307] {strides = array<i32>} : memref<64xf32, #tpu.memory_space<vmem>>, vector<16xf32>,
      %get3A_309 = arith.constant 48 : index
      %get3A_310 = tpu.vector_load %arg18[%get3A_309] {strides = array<i32>} : memref<64xf32, #tpu.memory_space<vmem>>, vector<16xf32>,
      %add3A_311 = arith.addf %get3A_308, %get3A_310 : vector<16xf32>
      %mul3A_312 = arith.constant 2.000000e-01 : f32
      %mul3A_313 = vector.broadcast %mul3A_312 : f32 to vector<16xf32>
      %mul3A_314 = arith.mulf %mul3A_313, %add3A_311 : vector<16xf32>
      %max3A_315 = arith.maximumf %add3A_311, %mul3A_314 : vector<16xf32>
      %exp3A_316 = math.exp %max3A_315 : vector<16xf32>
      %jit3A_317 = arith.constant 0.000000e+00 : f32
      %broadcast_in_dim3A_318 = vector.broadcast %jit3A_317 : f32 to vector<16xf32>
      %select_n3A_319 = arith.select %lt3A_291, %exp3A_316, %broadcast_in_dim3A_318 : vector<16xi1>, vector<16xf32>
      %swap3A_320 = arith.constant 112 : index
      %swap3A_321 = tpu.vector_load %arg22[%swap3A_320] {strides = array<i32>} : memref<256xf32, #tpu.memory_space<vmem>>, vector<16xf32>,
      tpu.vector_store %arg22[%swap3A_320], %select_n3A_319 {strides = array<i32>} : memref<256xf32, #tpu.memory_space<vmem>>, vector<16xf32>,
      %get3A_322 = arith.constant 48 : index
      %get3A_323 = tpu.vector_load %arg15[%get3A_322] {strides = array<i32>} : memref<64xf32, #tpu.memory_space<vmem>>, vector<16xf32>,
      %get3A_324 = arith.constant 48 : index
      %get3A_325 = tpu.vector_load %arg19[%get3A_324] {strides = array<i32>} : memref<64xf32, #tpu.memory_space<vmem>>, vector<16xf32>,
      %add3A_326 = arith.addf %get3A_323, %get3A_325 : vector<16xf32>
      %mul3A_327 = arith.constant 2.000000e-01 : f32
      %mul3A_328 = vector.broadcast %mul3A_327 : f32 to vector<16xf32>
      %mul3A_329 = arith.mulf %mul3A_328, %add3A_326 : vector<16xf32>
      %max3A_330 = arith.maximumf %add3A_326, %mul3A_329 : vector<16xf32>
      %exp3A_331 = math.exp %max3A_330 : vector<16xf32>
      %jit3A_332 = arith.constant 0.000000e+00 : f32
      %broadcast_in_dim3A_333 = vector.broadcast %jit3A_332 : f32 to vector<16xf32>
      %select_n3A_334 = arith.select %lt3A_291, %exp3A_331, %broadcast_in_dim3A_333 : vector<16xi1>, vector<16xf32>
      %swap3A_335 = arith.constant 176 : index
      %swap3A_336 = tpu.vector_load %arg22[%swap3A_335] {strides = array<i32>} : memref<256xf32, #tpu.memory_space<vmem>>, vector<16xf32>,
      tpu.vector_store %arg22[%swap3A_335], %select_n3A_334 {strides = array<i32>} : memref<256xf32, #tpu.memory_space<vmem>>, vector<16xf32>,
      %get3A_337 = arith.constant 48 : index
      %get3A_338 = tpu.vector_load %arg16[%get3A_337] {strides = array<i32>} : memref<64xf32, #tpu.memory_space<vmem>>, vector<16xf32>,
      %get3A_339 = arith.constant 48 : index
      %get3A_340 = tpu.vector_load %arg20[%get3A_339] {strides = array<i32>} : memref<64xf32, #tpu.memory_space<vmem>>, vector<16xf32>,
      %add3A_341 = arith.addf %get3A_338, %get3A_340 : vector<16xf32>
      %mul3A_342 = arith.constant 2.000000e-01 : f32
      %mul3A_343 = vector.broadcast %mul3A_342 : f32 to vector<16xf32>
      %mul3A_344 = arith.mulf %mul3A_343, %add3A_341 : vector<16xf32>
      %max3A_345 = arith.maximumf %add3A_341, %mul3A_344 : vector<16xf32>
      %exp3A_346 = math.exp %max3A_345 : vector<16xf32>
      %jit3A_347 = arith.constant 0.000000e+00 : f32
      %broadcast_in_dim3A_348 = vector.broadcast %jit3A_347 : f32 to vector<16xf32>
      %select_n3A_349 = arith.select %lt3A_291, %exp3A_346, %broadcast_in_dim3A_348 : vector<16xi1>, vector<16xf32>
      %swap3A_350 = arith.constant 240 : index
      %swap3A_351 = tpu.vector_load %arg22[%swap3A_350] {strides = array<i32>} : memref<256xf32, #tpu.memory_space<vmem>>, vector<16xf32>,
      tpu.vector_store %arg22[%swap3A_350], %select_n3A_349 {strides = array<i32>} : memref<256xf32, #tpu.memory_space<vmem>>, vector<16xf32>,
      %dma_wait3A_352 = arith.constant 0 : i32
      %dma_wait3A_353 = arith.constant 0 : i32
      %dma_wait3A_354 = tpu.memref_slice %arg2[%dma_wait3A_352, %dma_wait3A_353] : memref<10240x128xf32, #tpu.memory_space<hbm>> -> memref<10240x128xf32, #tpu.memory_space<hbm>>
      tpu.wait_indirect_dma semaphore(%arg37 : memref<!tpu.dma_semaphore, #tpu.memory_space<semaphore_mem>>) src(%dma_wait3A_354 : memref<10240x128xf32, #tpu.memory_space<hbm>>) dst(%arg21 : memref<64x128xf32, #tpu.memory_space<vmem>>)
      %scan3A_355 = arith.constant 0 : i32
      %scan3A_356 = arith.constant 0 : i32
      %scan3A_357 = arith.constant 64 : i32
      %scan3A_358 = arith.addi %scan3A_356, %scan3A_357 : i32
      %scan3A_359 = arith.constant 2 : i32
      scf.for %scan3A_391 = %scan3A_356 to %scan3A_358 step %scan3A_359  : i32 {
        %broadcast_in_dim3A_392 = vector.broadcast %scan3A_391 : i32 to vector<16xi32>
        %add3A_393 = arith.constant 0 : i32
        %add3A_394 = vector.broadcast %add3A_393 : i32 to vector<16xi32>
        %add3A_395 = arith.addi %broadcast_in_dim3A_392, %add3A_394 : vector<16xi32>
        %gather3A = tpu.vector_load_idx %arg22[%add3A_395] : memref<256xf32, #tpu.memory_space<vmem>>[vector<16xi32>], vector<16xf32>,
        %get3A_396 = arith.index_cast %scan3A_391 : i32 to index
        %get3A_397 = arith.constant 0 : index
        %get3A_398 = tpu.vector_load %arg21[%get3A_396, %get3A_397] {strides = array<i32>} : memref<64x128xf32, #tpu.memory_space<vmem>>, vector<16xf32>,
        %mul3A_399 = arith.mulf %get3A_398, %gather3A : vector<16xf32>
        %swap3A_400 = arith.index_cast %scan3A_391 : i32 to index
        %swap3A_401 = arith.constant 0 : index
        %swap3A_402 = tpu.vector_load %arg21[%swap3A_400, %swap3A_401] {strides = array<i32>} : memref<64x128xf32, #tpu.memory_space<vmem>>, vector<16xf32>,
        tpu.vector_store %arg21[%swap3A_400, %swap3A_401], %mul3A_399 {strides = array<i32>} : memref<64x128xf32, #tpu.memory_space<vmem>>, vector<16xf32>,
        %get3A_403 = arith.index_cast %scan3A_391 : i32 to index
        %get3A_404 = arith.constant 16 : index
        %get3A_405 = tpu.vector_load %arg21[%get3A_403, %get3A_404] {strides = array<i32>} : memref<64x128xf32, #tpu.memory_space<vmem>>, vector<16xf32>,
        %mul3A_406 = arith.mulf %get3A_405, %gather3A : vector<16xf32>
        %swap3A_407 = arith.index_cast %scan3A_391 : i32 to index
        %swap3A_408 = arith.constant 16 : index
        %swap3A_409 = tpu.vector_load %arg21[%swap3A_407, %swap3A_408] {strides = array<i32>} : memref<64x128xf32, #tpu.memory_space<vmem>>, vector<16xf32>,
        tpu.vector_store %arg21[%swap3A_407, %swap3A_408], %mul3A_406 {strides = array<i32>} : memref<64x128xf32, #tpu.memory_space<vmem>>, vector<16xf32>,
        %add3A_410 = arith.constant 64 : i32
        %add3A_411 = vector.broadcast %add3A_410 : i32 to vector<16xi32>
        %add3A_412 = arith.addi %broadcast_in_dim3A_392, %add3A_411 : vector<16xi32>
        %gather3A_413 = tpu.vector_load_idx %arg22[%add3A_412] : memref<256xf32, #tpu.memory_space<vmem>>[vector<16xi32>], vector<16xf32>,
        %get3A_414 = arith.index_cast %scan3A_391 : i32 to index
        %get3A_415 = arith.constant 32 : index
        %get3A_416 = tpu.vector_load %arg21[%get3A_414, %get3A_415] {strides = array<i32>} : memref<64x128xf32, #tpu.memory_space<vmem>>, vector<16xf32>,
        %mul3A_417 = arith.mulf %get3A_416, %gather3A_413 : vector<16xf32>
        %swap3A_418 = arith.index_cast %scan3A_391 : i32 to index
        %swap3A_419 = arith.constant 32 : index
        %swap3A_420 = tpu.vector_load %arg21[%swap3A_418, %swap3A_419] {strides = array<i32>} : memref<64x128xf32, #tpu.memory_space<vmem>>, vector<16xf32>,
        tpu.vector_store %arg21[%swap3A_418, %swap3A_419], %mul3A_417 {strides = array<i32>} : memref<64x128xf32, #tpu.memory_space<vmem>>, vector<16xf32>,
        %get3A_421 = arith.index_cast %scan3A_391 : i32 to index
        %get3A_422 = arith.constant 48 : index
        %get3A_423 = tpu.vector_load %arg21[%get3A_421, %get3A_422] {strides = array<i32>} : memref<64x128xf32, #tpu.memory_space<vmem>>, vector<16xf32>,
        %mul3A_424 = arith.mulf %get3A_423, %gather3A_413 : vector<16xf32>
        %swap3A_425 = arith.index_cast %scan3A_391 : i32 to index
        %swap3A_426 = arith.constant 48 : index
        %swap3A_427 = tpu.vector_load %arg21[%swap3A_425, %swap3A_426] {strides = array<i32>} : memref<64x128xf32, #tpu.memory_space<vmem>>, vector<16xf32>,
        tpu.vector_store %arg21[%swap3A_425, %swap3A_426], %mul3A_424 {strides = array<i32>} : memref<64x128xf32, #tpu.memory_space<vmem>>, vector<16xf32>,
        %add3A_428 = arith.constant 128 : i32
        %add3A_429 = vector.broadcast %add3A_428 : i32 to vector<16xi32>
        %add3A_430 = arith.addi %broadcast_in_dim3A_392, %add3A_429 : vector<16xi32>
        %gather3A_431 = tpu.vector_load_idx %arg22[%add3A_430] : memref<256xf32, #tpu.memory_space<vmem>>[vector<16xi32>], vector<16xf32>,
        %get3A_432 = arith.index_cast %scan3A_391 : i32 to index
        %get3A_433 = arith.constant 64 : index
        %get3A_434 = tpu.vector_load %arg21[%get3A_432, %get3A_433] {strides = array<i32>} : memref<64x128xf32, #tpu.memory_space<vmem>>, vector<16xf32>,
        %mul3A_435 = arith.mulf %get3A_434, %gather3A_431 : vector<16xf32>
        %swap3A_436 = arith.index_cast %scan3A_391 : i32 to index
        %swap3A_437 = arith.constant 64 : index
        %swap3A_438 = tpu.vector_load %arg21[%swap3A_436, %swap3A_437] {strides = array<i32>} : memref<64x128xf32, #tpu.memory_space<vmem>>, vector<16xf32>,
        tpu.vector_store %arg21[%swap3A_436, %swap3A_437], %mul3A_435 {strides = array<i32>} : memref<64x128xf32, #tpu.memory_space<vmem>>, vector<16xf32>,
        %get3A_439 = arith.index_cast %scan3A_391 : i32 to index
        %get3A_440 = arith.constant 80 : index
        %get3A_441 = tpu.vector_load %arg21[%get3A_439, %get3A_440] {strides = array<i32>} : memref<64x128xf32, #tpu.memory_space<vmem>>, vector<16xf32>,
        %mul3A_442 = arith.mulf %get3A_441, %gather3A_431 : vector<16xf32>
        %swap3A_443 = arith.index_cast %scan3A_391 : i32 to index
        %swap3A_444 = arith.constant 80 : index
        %swap3A_445 = tpu.vector_load %arg21[%swap3A_443, %swap3A_444] {strides = array<i32>} : memref<64x128xf32, #tpu.memory_space<vmem>>, vector<16xf32>,
        tpu.vector_store %arg21[%swap3A_443, %swap3A_444], %mul3A_442 {strides = array<i32>} : memref<64x128xf32, #tpu.memory_space<vmem>>, vector<16xf32>,
        %add3A_446 = arith.constant 192 : i32
        %add3A_447 = vector.broadcast %add3A_446 : i32 to vector<16xi32>
        %add3A_448 = arith.addi %broadcast_in_dim3A_392, %add3A_447 : vector<16xi32>
        %gather3A_449 = tpu.vector_load_idx %arg22[%add3A_448] : memref<256xf32, #tpu.memory_space<vmem>>[vector<16xi32>], vector<16xf32>,
        %get3A_450 = arith.index_cast %scan3A_391 : i32 to index
        %get3A_451 = arith.constant 96 : index
        %get3A_452 = tpu.vector_load %arg21[%get3A_450, %get3A_451] {strides = array<i32>} : memref<64x128xf32, #tpu.memory_space<vmem>>, vector<16xf32>,
        %mul3A_453 = arith.mulf %get3A_452, %gather3A_449 : vector<16xf32>
        %swap3A_454 = arith.index_cast %scan3A_391 : i32 to index
        %swap3A_455 = arith.constant 96 : index
        %swap3A_456 = tpu.vector_load %arg21[%swap3A_454, %swap3A_455] {strides = array<i32>} : memref<64x128xf32, #tpu.memory_space<vmem>>, vector<16xf32>,
        tpu.vector_store %arg21[%swap3A_454, %swap3A_455], %mul3A_453 {strides = array<i32>} : memref<64x128xf32, #tpu.memory_space<vmem>>, vector<16xf32>,
        %get3A_457 = arith.index_cast %scan3A_391 : i32 to index
        %get3A_458 = arith.constant 112 : index
        %get3A_459 = tpu.vector_load %arg21[%get3A_457, %get3A_458] {strides = array<i32>} : memref<64x128xf32, #tpu.memory_space<vmem>>, vector<16xf32>,
        %mul3A_460 = arith.mulf %get3A_459, %gather3A_449 : vector<16xf32>
        %swap3A_461 = arith.index_cast %scan3A_391 : i32 to index
        %swap3A_462 = arith.constant 112 : index
        %swap3A_463 = tpu.vector_load %arg21[%swap3A_461, %swap3A_462] {strides = array<i32>} : memref<64x128xf32, #tpu.memory_space<vmem>>, vector<16xf32>,
        tpu.vector_store %arg21[%swap3A_461, %swap3A_462], %mul3A_460 {strides = array<i32>} : memref<64x128xf32, #tpu.memory_space<vmem>>, vector<16xf32>,
        %scan3A_464 = arith.constant 1 : i32
        %scan3A_465 = arith.addi %scan3A_391, %scan3A_464 : i32
        %broadcast_in_dim3A_466 = vector.broadcast %scan3A_465 : i32 to vector<16xi32>
        %add3A_467 = arith.constant 0 : i32
        %add3A_468 = vector.broadcast %add3A_467 : i32 to vector<16xi32>
        %add3A_469 = arith.addi %broadcast_in_dim3A_466, %add3A_468 : vector<16xi32>
        %gather3A_470 = tpu.vector_load_idx %arg22[%add3A_469] : memref<256xf32, #tpu.memory_space<vmem>>[vector<16xi32>], vector<16xf32>,
        %get3A_471 = arith.index_cast %scan3A_465 : i32 to index
        %get3A_472 = arith.constant 0 : index
        %get3A_473 = tpu.vector_load %arg21[%get3A_471, %get3A_472] {strides = array<i32>} : memref<64x128xf32, #tpu.memory_space<vmem>>, vector<16xf32>,
        %mul3A_474 = arith.mulf %get3A_473, %gather3A_470 : vector<16xf32>
        %swap3A_475 = arith.index_cast %scan3A_465 : i32 to index
        %swap3A_476 = arith.constant 0 : index
        %swap3A_477 = tpu.vector_load %arg21[%swap3A_475, %swap3A_476] {strides = array<i32>} : memref<64x128xf32, #tpu.memory_space<vmem>>, vector<16xf32>,
        tpu.vector_store %arg21[%swap3A_475, %swap3A_476], %mul3A_474 {strides = array<i32>} : memref<64x128xf32, #tpu.memory_space<vmem>>, vector<16xf32>,
        %get3A_478 = arith.index_cast %scan3A_465 : i32 to index
        %get3A_479 = arith.constant 16 : index
        %get3A_480 = tpu.vector_load %arg21[%get3A_478, %get3A_479] {strides = array<i32>} : memref<64x128xf32, #tpu.memory_space<vmem>>, vector<16xf32>,
        %mul3A_481 = arith.mulf %get3A_480, %gather3A_470 : vector<16xf32>
        %swap3A_482 = arith.index_cast %scan3A_465 : i32 to index
        %swap3A_483 = arith.constant 16 : index
        %swap3A_484 = tpu.vector_load %arg21[%swap3A_482, %swap3A_483] {strides = array<i32>} : memref<64x128xf32, #tpu.memory_space<vmem>>, vector<16xf32>,
        tpu.vector_store %arg21[%swap3A_482, %swap3A_483], %mul3A_481 {strides = array<i32>} : memref<64x128xf32, #tpu.memory_space<vmem>>, vector<16xf32>,
        %add3A_485 = arith.constant 64 : i32
        %add3A_486 = vector.broadcast %add3A_485 : i32 to vector<16xi32>
        %add3A_487 = arith.addi %broadcast_in_dim3A_466, %add3A_486 : vector<16xi32>
        %gather3A_488 = tpu.vector_load_idx %arg22[%add3A_487] : memref<256xf32, #tpu.memory_space<vmem>>[vector<16xi32>], vector<16xf32>,
        %get3A_489 = arith.index_cast %scan3A_465 : i32 to index
        %get3A_490 = arith.constant 32 : index
        %get3A_491 = tpu.vector_load %arg21[%get3A_489, %get3A_490] {strides = array<i32>} : memref<64x128xf32, #tpu.memory_space<vmem>>, vector<16xf32>,
        %mul3A_492 = arith.mulf %get3A_491, %gather3A_488 : vector<16xf32>
        %swap3A_493 = arith.index_cast %scan3A_465 : i32 to index
        %swap3A_494 = arith.constant 32 : index
        %swap3A_495 = tpu.vector_load %arg21[%swap3A_493, %swap3A_494] {strides = array<i32>} : memref<64x128xf32, #tpu.memory_space<vmem>>, vector<16xf32>,
        tpu.vector_store %arg21[%swap3A_493, %swap3A_494], %mul3A_492 {strides = array<i32>} : memref<64x128xf32, #tpu.memory_space<vmem>>, vector<16xf32>,
        %get3A_496 = arith.index_cast %scan3A_465 : i32 to index
        %get3A_497 = arith.constant 48 : index
        %get3A_498 = tpu.vector_load %arg21[%get3A_496, %get3A_497] {strides = array<i32>} : memref<64x128xf32, #tpu.memory_space<vmem>>, vector<16xf32>,
        %mul3A_499 = arith.mulf %get3A_498, %gather3A_488 : vector<16xf32>
        %swap3A_500 = arith.index_cast %scan3A_465 : i32 to index
        %swap3A_501 = arith.constant 48 : index
        %swap3A_502 = tpu.vector_load %arg21[%swap3A_500, %swap3A_501] {strides = array<i32>} : memref<64x128xf32, #tpu.memory_space<vmem>>, vector<16xf32>,
        tpu.vector_store %arg21[%swap3A_500, %swap3A_501], %mul3A_499 {strides = array<i32>} : memref<64x128xf32, #tpu.memory_space<vmem>>, vector<16xf32>,
        %add3A_503 = arith.constant 128 : i32
        %add3A_504 = vector.broadcast %add3A_503 : i32 to vector<16xi32>
        %add3A_505 = arith.addi %broadcast_in_dim3A_466, %add3A_504 : vector<16xi32>
        %gather3A_506 = tpu.vector_load_idx %arg22[%add3A_505] : memref<256xf32, #tpu.memory_space<vmem>>[vector<16xi32>], vector<16xf32>,
        %get3A_507 = arith.index_cast %scan3A_465 : i32 to index
        %get3A_508 = arith.constant 64 : index
        %get3A_509 = tpu.vector_load %arg21[%get3A_507, %get3A_508] {strides = array<i32>} : memref<64x128xf32, #tpu.memory_space<vmem>>, vector<16xf32>,
        %mul3A_510 = arith.mulf %get3A_509, %gather3A_506 : vector<16xf32>
        %swap3A_511 = arith.index_cast %scan3A_465 : i32 to index
        %swap3A_512 = arith.constant 64 : index
        %swap3A_513 = tpu.vector_load %arg21[%swap3A_511, %swap3A_512] {strides = array<i32>} : memref<64x128xf32, #tpu.memory_space<vmem>>, vector<16xf32>,
        tpu.vector_store %arg21[%swap3A_511, %swap3A_512], %mul3A_510 {strides = array<i32>} : memref<64x128xf32, #tpu.memory_space<vmem>>, vector<16xf32>,
        %get3A_514 = arith.index_cast %scan3A_465 : i32 to index
        %get3A_515 = arith.constant 80 : index
        %get3A_516 = tpu.vector_load %arg21[%get3A_514, %get3A_515] {strides = array<i32>} : memref<64x128xf32, #tpu.memory_space<vmem>>, vector<16xf32>,
        %mul3A_517 = arith.mulf %get3A_516, %gather3A_506 : vector<16xf32>
        %swap3A_518 = arith.index_cast %scan3A_465 : i32 to index
        %swap3A_519 = arith.constant 80 : index
        %swap3A_520 = tpu.vector_load %arg21[%swap3A_518, %swap3A_519] {strides = array<i32>} : memref<64x128xf32, #tpu.memory_space<vmem>>, vector<16xf32>,
        tpu.vector_store %arg21[%swap3A_518, %swap3A_519], %mul3A_517 {strides = array<i32>} : memref<64x128xf32, #tpu.memory_space<vmem>>, vector<16xf32>,
        %add3A_521 = arith.constant 192 : i32
        %add3A_522 = vector.broadcast %add3A_521 : i32 to vector<16xi32>
        %add3A_523 = arith.addi %broadcast_in_dim3A_466, %add3A_522 : vector<16xi32>
        %gather3A_524 = tpu.vector_load_idx %arg22[%add3A_523] : memref<256xf32, #tpu.memory_space<vmem>>[vector<16xi32>], vector<16xf32>,
        %get3A_525 = arith.index_cast %scan3A_465 : i32 to index
        %get3A_526 = arith.constant 96 : index
        %get3A_527 = tpu.vector_load %arg21[%get3A_525, %get3A_526] {strides = array<i32>} : memref<64x128xf32, #tpu.memory_space<vmem>>, vector<16xf32>,
        %mul3A_528 = arith.mulf %get3A_527, %gather3A_524 : vector<16xf32>
        %swap3A_529 = arith.index_cast %scan3A_465 : i32 to index
        %swap3A_530 = arith.constant 96 : index
        %swap3A_531 = tpu.vector_load %arg21[%swap3A_529, %swap3A_530] {strides = array<i32>} : memref<64x128xf32, #tpu.memory_space<vmem>>, vector<16xf32>,
        tpu.vector_store %arg21[%swap3A_529, %swap3A_530], %mul3A_528 {strides = array<i32>} : memref<64x128xf32, #tpu.memory_space<vmem>>, vector<16xf32>,
        %get3A_532 = arith.index_cast %scan3A_465 : i32 to index
        %get3A_533 = arith.constant 112 : index
        %get3A_534 = tpu.vector_load %arg21[%get3A_532, %get3A_533] {strides = array<i32>} : memref<64x128xf32, #tpu.memory_space<vmem>>, vector<16xf32>,
        %mul3A_535 = arith.mulf %get3A_534, %gather3A_524 : vector<16xf32>
        %swap3A_536 = arith.index_cast %scan3A_465 : i32 to index
        %swap3A_537 = arith.constant 112 : index
        %swap3A_538 = tpu.vector_load %arg21[%swap3A_536, %swap3A_537] {strides = array<i32>} : memref<64x128xf32, #tpu.memory_space<vmem>>, vector<16xf32>,
        tpu.vector_store %arg21[%swap3A_536, %swap3A_537], %mul3A_535 {strides = array<i32>} : memref<64x128xf32, #tpu.memory_space<vmem>>, vector<16xf32>,
      }
      %scan3A_360 = arith.constant 64 : i32
      %dma_start3A_361 = arith.constant 0 : i32
      %dma_start3A_362 = arith.constant 0 : i32
      %dma_start3A_363 = tpu.memref_slice %arg31[%dma_start3A_361, %dma_start3A_362] : memref<10240x128xf32, #tpu.memory_space<vmem_shared>> -> memref<10240x128xf32, #tpu.memory_space<vmem_shared>>
      tpu.enqueue_indirect_dma source(%arg21 : memref<64x128xf32, #tpu.memory_space<vmem>>) target(%dma_start3A_363 : memref<10240x128xf32, #tpu.memory_space<vmem_shared>>) offsets(%arg12 : memref<64xi32, #tpu.memory_space<vmem>>) semaphore(%arg36 : memref<!tpu.dma_semaphore, #tpu.memory_space<semaphore_mem>>) {add = true}
      %dma_start3A_364 = arith.constant 0 : i32
      %dma_start3A_365 = tpu.memref_slice %arg22[%dma_start3A_364] : memref<256xf32, #tpu.memory_space<vmem>> -> memref<64xf32, #tpu.memory_space<vmem>>
      %dma_start3A_366 = arith.constant 0 : i32
      %dma_start3A_367 = tpu.memref_slice %arg32[%dma_start3A_366] : memref<10240xf32, #tpu.memory_space<vmem_shared>> -> memref<10240xf32, #tpu.memory_space<vmem_shared>>
      tpu.enqueue_indirect_dma source(%dma_start3A_365 : memref<64xf32, #tpu.memory_space<vmem>>) target(%dma_start3A_367 : memref<10240xf32, #tpu.memory_space<vmem_shared>>) offsets(%arg12 : memref<64xi32, #tpu.memory_space<vmem>>) semaphore(%arg37 : memref<!tpu.dma_semaphore, #tpu.memory_space<semaphore_mem>>) {add = true}
      %dma_wait3A_368 = arith.constant 0 : i32
      %dma_wait3A_369 = arith.constant 0 : i32
      %dma_wait3A_370 = tpu.memref_slice %arg31[%dma_wait3A_368, %dma_wait3A_369] : memref<10240x128xf32, #tpu.memory_space<vmem_shared>> -> memref<10240x128xf32, #tpu.memory_space<vmem_shared>>
      tpu.wait_indirect_dma semaphore(%arg36 : memref<!tpu.dma_semaphore, #tpu.memory_space<semaphore_mem>>) src(%arg21 : memref<64x128xf32, #tpu.memory_space<vmem>>) dst(%dma_wait3A_370 : memref<10240x128xf32, #tpu.memory_space<vmem_shared>>)
      %dma_wait3A_371 = arith.constant 0 : i32
      %dma_wait3A_372 = tpu.memref_slice %arg22[%dma_wait3A_371] : memref<256xf32, #tpu.memory_space<vmem>> -> memref<64xf32, #tpu.memory_space<vmem>>
      %dma_wait3A_373 = arith.constant 0 : i32
      %dma_wait3A_374 = tpu.memref_slice %arg32[%dma_wait3A_373] : memref<10240xf32, #tpu.memory_space<vmem_shared>> -> memref<10240xf32, #tpu.memory_space<vmem_shared>>
      tpu.wait_indirect_dma semaphore(%arg37 : memref<!tpu.dma_semaphore, #tpu.memory_space<semaphore_mem>>) src(%dma_wait3A_372 : memref<64xf32, #tpu.memory_space<vmem>>) dst(%dma_wait3A_374 : memref<10240xf32, #tpu.memory_space<vmem_shared>>)
      %dma_start3A_375 = arith.constant 64 : i32
      %dma_start3A_376 = tpu.memref_slice %arg22[%dma_start3A_375] : memref<256xf32, #tpu.memory_space<vmem>> -> memref<64xf32, #tpu.memory_space<vmem>>
      %dma_start3A_377 = arith.constant 0 : i32
      %dma_start3A_378 = tpu.memref_slice %arg33[%dma_start3A_377] : memref<10240xf32, #tpu.memory_space<vmem_shared>> -> memref<10240xf32, #tpu.memory_space<vmem_shared>>
      tpu.enqueue_indirect_dma source(%dma_start3A_376 : memref<64xf32, #tpu.memory_space<vmem>>) target(%dma_start3A_378 : memref<10240xf32, #tpu.memory_space<vmem_shared>>) offsets(%arg12 : memref<64xi32, #tpu.memory_space<vmem>>) semaphore(%arg36 : memref<!tpu.dma_semaphore, #tpu.memory_space<semaphore_mem>>) {add = true}
      %dma_start3A_379 = arith.constant 128 : i32
      %dma_start3A_380 = tpu.memref_slice %arg22[%dma_start3A_379] : memref<256xf32, #tpu.memory_space<vmem>> -> memref<64xf32, #tpu.memory_space<vmem>>
      %dma_start3A_381 = arith.constant 0 : i32
      %dma_start3A_382 = tpu.memref_slice %arg34[%dma_start3A_381] : memref<10240xf32, #tpu.memory_space<vmem_shared>> -> memref<10240xf32, #tpu.memory_space<vmem_shared>>
      tpu.enqueue_indirect_dma source(%dma_start3A_380 : memref<64xf32, #tpu.memory_space<vmem>>) target(%dma_start3A_382 : memref<10240xf32, #tpu.memory_space<vmem_shared>>) offsets(%arg12 : memref<64xi32, #tpu.memory_space<vmem>>) semaphore(%arg37 : memref<!tpu.dma_semaphore, #tpu.memory_space<semaphore_mem>>) {add = true}
      %dma_wait3A_383 = arith.constant 64 : i32
      %dma_wait3A_384 = tpu.memref_slice %arg22[%dma_wait3A_383] : memref<256xf32, #tpu.memory_space<vmem>> -> memref<64xf32, #tpu.memory_space<vmem>>
      %dma_wait3A_385 = arith.constant 0 : i32
      %dma_wait3A_386 = tpu.memref_slice %arg33[%dma_wait3A_385] : memref<10240xf32, #tpu.memory_space<vmem_shared>> -> memref<10240xf32, #tpu.memory_space<vmem_shared>>
      tpu.wait_indirect_dma semaphore(%arg36 : memref<!tpu.dma_semaphore, #tpu.memory_space<semaphore_mem>>) src(%dma_wait3A_384 : memref<64xf32, #tpu.memory_space<vmem>>) dst(%dma_wait3A_386 : memref<10240xf32, #tpu.memory_space<vmem_shared>>)
      %dma_wait3A_387 = arith.constant 128 : i32
      %dma_wait3A_388 = tpu.memref_slice %arg22[%dma_wait3A_387] : memref<256xf32, #tpu.memory_space<vmem>> -> memref<64xf32, #tpu.memory_space<vmem>>
      %dma_wait3A_389 = arith.constant 0 : i32
      %dma_wait3A_390 = tpu.memref_slice %arg34[%dma_wait3A_389] : memref<10240xf32, #tpu.memory_space<vmem_shared>> -> memref<10240xf32, #tpu.memory_space<vmem_shared>>
      tpu.wait_indirect_dma semaphore(%arg37 : memref<!tpu.dma_semaphore, #tpu.memory_space<semaphore_mem>>) src(%dma_wait3A_388 : memref<64xf32, #tpu.memory_space<vmem>>) dst(%dma_wait3A_390 : memref<10240xf32, #tpu.memory_space<vmem_shared>>)
      "tpu.region"() ({
        %run_scoped3A_391 = tpu.sem_alloc : memref<!tpu.dma_semaphore, #tpu.memory_space<semaphore_mem>>
        %dma_start3A_392 = arith.constant 192 : i32
        %dma_start3A_393 = tpu.memref_slice %arg22[%dma_start3A_392] : memref<256xf32, #tpu.memory_space<vmem>> -> memref<64xf32, #tpu.memory_space<vmem>>
        %dma_start3A_394 = arith.constant 0 : i32
        %dma_start3A_395 = tpu.memref_slice %arg35[%dma_start3A_394] : memref<10240xf32, #tpu.memory_space<vmem_shared>> -> memref<10240xf32, #tpu.memory_space<vmem_shared>>
        tpu.enqueue_indirect_dma source(%dma_start3A_393 : memref<64xf32, #tpu.memory_space<vmem>>) target(%dma_start3A_395 : memref<10240xf32, #tpu.memory_space<vmem_shared>>) offsets(%arg12 : memref<64xi32, #tpu.memory_space<vmem>>) semaphore(%run_scoped3A_391 : memref<!tpu.dma_semaphore, #tpu.memory_space<semaphore_mem>>) {add = true}
        %dma_wait3A_396 = arith.constant 192 : i32
        %dma_wait3A_397 = tpu.memref_slice %arg22[%dma_wait3A_396] : memref<256xf32, #tpu.memory_space<vmem>> -> memref<64xf32, #tpu.memory_space<vmem>>
        %dma_wait3A_398 = arith.constant 0 : i32
        %dma_wait3A_399 = tpu.memref_slice %arg35[%dma_wait3A_398] : memref<10240xf32, #tpu.memory_space<vmem_shared>> -> memref<10240xf32, #tpu.memory_space<vmem_shared>>
        tpu.wait_indirect_dma semaphore(%run_scoped3A_391 : memref<!tpu.dma_semaphore, #tpu.memory_space<semaphore_mem>>) src(%dma_wait3A_397 : memref<64xf32, #tpu.memory_space<vmem>>) dst(%dma_wait3A_399 : memref<10240xf32, #tpu.memory_space<vmem_shared>>)
        tpu.yield
      }) : () -> ()
    }
    %scan3A_16 = arith.constant 158 : i32
    %barrier3A_17 = arith.constant 0 : index
    tpu.barrier barrier_id(%barrier3A_17)
    "tpu.region"() ({
      %run_scoped3A_22 = tpu.sem_alloc : memref<!tpu.dma_semaphore, #tpu.memory_space<semaphore_mem>>
      %dma_start3A = arith.constant 0 : i32
      %dma_start3A_23 = tpu.memref_slice %arg9[%arg0, %mul3A_2, %dma_start3A] : memref<2x10240x128xf32, #tpu.memory_space<hbm>> -> memref<1x640x128xf32, #tpu.memory_space<hbm>>
      %dma_start3A_24 = tpu.memref_squeeze %dma_start3A_23 : memref<1x640x128xf32, #tpu.memory_space<hbm>> -> memref<640x128xf32, #tpu.memory_space<hbm>>
      %dma_start3A_25 = arith.constant 0 : i32
      %dma_start3A_26 = tpu.memref_slice %arg31[%mul3A_2, %dma_start3A_25] : memref<10240x128xf32, #tpu.memory_space<vmem_shared>> -> memref<640x128xf32, #tpu.memory_space<vmem_shared>>
      tpu.enqueue_dma source(%dma_start3A_26 : memref<640x128xf32, #tpu.memory_space<vmem_shared>>) target(%dma_start3A_24 : memref<640x128xf32, #tpu.memory_space<hbm>>) target_semaphore(%run_scoped3A_22 : memref<!tpu.dma_semaphore, #tpu.memory_space<semaphore_mem>>)
      %dma_wait3A = arith.constant 0 : i32
      %dma_wait3A_27 = tpu.memref_slice %arg9[%arg0, %mul3A_2, %dma_wait3A] : memref<2x10240x128xf32, #tpu.memory_space<hbm>> -> memref<1x640x128xf32, #tpu.memory_space<hbm>>
      %dma_wait3A_28 = tpu.memref_squeeze %dma_wait3A_27 : memref<1x640x128xf32, #tpu.memory_space<hbm>> -> memref<640x128xf32, #tpu.memory_space<hbm>>
      %dma_wait3A_29 = arith.constant 0 : i32
      %dma_wait3A_30 = tpu.memref_slice %arg31[%mul3A_2, %dma_wait3A_29] : memref<10240x128xf32, #tpu.memory_space<vmem_shared>> -> memref<640x128xf32, #tpu.memory_space<vmem_shared>>
      tpu.wait_dma2 semaphore(%run_scoped3A_22 : memref<!tpu.dma_semaphore, #tpu.memory_space<semaphore_mem>>) src(%dma_wait3A_30 : memref<640x128xf32, #tpu.memory_space<vmem_shared>>) dst(%dma_wait3A_28 : memref<640x128xf32, #tpu.memory_space<hbm>>)
      tpu.yield
    }) : () -> ()
    %run_scoped3A_18 = arith.constant 0 : i32
    "tpu.region"() ({
      %run_scoped3A_22 = tpu.sem_alloc : memref<!tpu.dma_semaphore, #tpu.memory_space<semaphore_mem>>
      %dma_start3A = tpu.memref_slice %arg10[%arg0, %run_scoped3A_18, %mul3A_2] : memref<2x4x10240xf32, #tpu.memory_space<hbm>> -> memref<1x1x640xf32, #tpu.memory_space<hbm>>
      %dma_start3A_23 = tpu.memref_squeeze %dma_start3A : memref<1x1x640xf32, #tpu.memory_space<hbm>> -> memref<640xf32, #tpu.memory_space<hbm>>
      %dma_start3A_24 = tpu.memref_slice %arg32[%mul3A_2] : memref<10240xf32, #tpu.memory_space<vmem_shared>> -> memref<640xf32, #tpu.memory_space<vmem_shared>>
      tpu.enqueue_dma source(%dma_start3A_24 : memref<640xf32, #tpu.memory_space<vmem_shared>>) target(%dma_start3A_23 : memref<640xf32, #tpu.memory_space<hbm>>) target_semaphore(%run_scoped3A_22 : memref<!tpu.dma_semaphore, #tpu.memory_space<semaphore_mem>>)
      %dma_wait3A = tpu.memref_slice %arg10[%arg0, %run_scoped3A_18, %mul3A_2] : memref<2x4x10240xf32, #tpu.memory_space<hbm>> -> memref<1x1x640xf32, #tpu.memory_space<hbm>>
      %dma_wait3A_25 = tpu.memref_squeeze %dma_wait3A : memref<1x1x640xf32, #tpu.memory_space<hbm>> -> memref<640xf32, #tpu.memory_space<hbm>>
      %dma_wait3A_26 = tpu.memref_slice %arg32[%mul3A_2] : memref<10240xf32, #tpu.memory_space<vmem_shared>> -> memref<640xf32, #tpu.memory_space<vmem_shared>>
      tpu.wait_dma2 semaphore(%run_scoped3A_22 : memref<!tpu.dma_semaphore, #tpu.memory_space<semaphore_mem>>) src(%dma_wait3A_26 : memref<640xf32, #tpu.memory_space<vmem_shared>>) dst(%dma_wait3A_25 : memref<640xf32, #tpu.memory_space<hbm>>)
      tpu.yield
    }) : () -> ()
    %run_scoped3A_19 = arith.constant 1 : i32
    "tpu.region"() ({
      %run_scoped3A_22 = tpu.sem_alloc : memref<!tpu.dma_semaphore, #tpu.memory_space<semaphore_mem>>
      %dma_start3A = tpu.memref_slice %arg10[%arg0, %run_scoped3A_19, %mul3A_2] : memref<2x4x10240xf32, #tpu.memory_space<hbm>> -> memref<1x1x640xf32, #tpu.memory_space<hbm>>
      %dma_start3A_23 = tpu.memref_squeeze %dma_start3A : memref<1x1x640xf32, #tpu.memory_space<hbm>> -> memref<640xf32, #tpu.memory_space<hbm>>
      %dma_start3A_24 = tpu.memref_slice %arg33[%mul3A_2] : memref<10240xf32, #tpu.memory_space<vmem_shared>> -> memref<640xf32, #tpu.memory_space<vmem_shared>>
      tpu.enqueue_dma source(%dma_start3A_24 : memref<640xf32, #tpu.memory_space<vmem_shared>>) target(%dma_start3A_23 : memref<640xf32, #tpu.memory_space<hbm>>) target_semaphore(%run_scoped3A_22 : memref<!tpu.dma_semaphore, #tpu.memory_space<semaphore_mem>>)
      %dma_wait3A = tpu.memref_slice %arg10[%arg0, %run_scoped3A_19, %mul3A_2] : memref<2x4x10240xf32, #tpu.memory_space<hbm>> -> memref<1x1x640xf32, #tpu.memory_space<hbm>>
      %dma_wait3A_25 = tpu.memref_squeeze %dma_wait3A : memref<1x1x640xf32, #tpu.memory_space<hbm>> -> memref<640xf32, #tpu.memory_space<hbm>>
      %dma_wait3A_26 = tpu.memref_slice %arg33[%mul3A_2] : memref<10240xf32, #tpu.memory_space<vmem_shared>> -> memref<640xf32, #tpu.memory_space<vmem_shared>>
      tpu.wait_dma2 semaphore(%run_scoped3A_22 : memref<!tpu.dma_semaphore, #tpu.memory_space<semaphore_mem>>) src(%dma_wait3A_26 : memref<640xf32, #tpu.memory_space<vmem_shared>>) dst(%dma_wait3A_25 : memref<640xf32, #tpu.memory_space<hbm>>)
      tpu.yield
    }) : () -> ()
    %run_scoped3A_20 = arith.constant 2 : i32
    "tpu.region"() ({
      %run_scoped3A_22 = tpu.sem_alloc : memref<!tpu.dma_semaphore, #tpu.memory_space<semaphore_mem>>
      %dma_start3A = tpu.memref_slice %arg10[%arg0, %run_scoped3A_20, %mul3A_2] : memref<2x4x10240xf32, #tpu.memory_space<hbm>> -> memref<1x1x640xf32, #tpu.memory_space<hbm>>
      %dma_start3A_23 = tpu.memref_squeeze %dma_start3A : memref<1x1x640xf32, #tpu.memory_space<hbm>> -> memref<640xf32, #tpu.memory_space<hbm>>
      %dma_start3A_24 = tpu.memref_slice %arg34[%mul3A_2] : memref<10240xf32, #tpu.memory_space<vmem_shared>> -> memref<640xf32, #tpu.memory_space<vmem_shared>>
      tpu.enqueue_dma source(%dma_start3A_24 : memref<640xf32, #tpu.memory_space<vmem_shared>>) target(%dma_start3A_23 : memref<640xf32, #tpu.memory_space<hbm>>) target_semaphore(%run_scoped3A_22 : memref<!tpu.dma_semaphore, #tpu.memory_space<semaphore_mem>>)
      %dma_wait3A = tpu.memref_slice %arg10[%arg0, %run_scoped3A_20, %mul3A_2] : memref<2x4x10240xf32, #tpu.memory_space<hbm>> -> memref<1x1x640xf32, #tpu.memory_space<hbm>>
      %dma_wait3A_25 = tpu.memref_squeeze %dma_wait3A : memref<1x1x640xf32, #tpu.memory_space<hbm>> -> memref<640xf32, #tpu.memory_space<hbm>>
      %dma_wait3A_26 = tpu.memref_slice %arg34[%mul3A_2] : memref<10240xf32, #tpu.memory_space<vmem_shared>> -> memref<640xf32, #tpu.memory_space<vmem_shared>>
      tpu.wait_dma2 semaphore(%run_scoped3A_22 : memref<!tpu.dma_semaphore, #tpu.memory_space<semaphore_mem>>) src(%dma_wait3A_26 : memref<640xf32, #tpu.memory_space<vmem_shared>>) dst(%dma_wait3A_25 : memref<640xf32, #tpu.memory_space<hbm>>)
      tpu.yield
    }) : () -> ()
    %run_scoped3A_21 = arith.constant 3 : i32
    "tpu.region"() ({
      %run_scoped3A_22 = tpu.sem_alloc : memref<!tpu.dma_semaphore, #tpu.memory_space<semaphore_mem>>
      %dma_start3A = tpu.memref_slice %arg10[%arg0, %run_scoped3A_21, %mul3A_2] : memref<2x4x10240xf32, #tpu.memory_space<hbm>> -> memref<1x1x640xf32, #tpu.memory_space<hbm>>
      %dma_start3A_23 = tpu.memref_squeeze %dma_start3A : memref<1x1x640xf32, #tpu.memory_space<hbm>> -> memref<640xf32, #tpu.memory_space<hbm>>
      %dma_start3A_24 = tpu.memref_slice %arg35[%mul3A_2] : memref<10240xf32, #tpu.memory_space<vmem_shared>> -> memref<640xf32, #tpu.memory_space<vmem_shared>>
      tpu.enqueue_dma source(%dma_start3A_24 : memref<640xf32, #tpu.memory_space<vmem_shared>>) target(%dma_start3A_23 : memref<640xf32, #tpu.memory_space<hbm>>) target_semaphore(%run_scoped3A_22 : memref<!tpu.dma_semaphore, #tpu.memory_space<semaphore_mem>>)
      %dma_wait3A = tpu.memref_slice %arg10[%arg0, %run_scoped3A_21, %mul3A_2] : memref<2x4x10240xf32, #tpu.memory_space<hbm>> -> memref<1x1x640xf32, #tpu.memory_space<hbm>>
      %dma_wait3A_25 = tpu.memref_squeeze %dma_wait3A : memref<1x1x640xf32, #tpu.memory_space<hbm>> -> memref<640xf32, #tpu.memory_space<hbm>>
      %dma_wait3A_26 = tpu.memref_slice %arg35[%mul3A_2] : memref<10240xf32, #tpu.memory_space<vmem_shared>> -> memref<640xf32, #tpu.memory_space<vmem_shared>>
      tpu.wait_dma2 semaphore(%run_scoped3A_22 : memref<!tpu.dma_semaphore, #tpu.memory_space<semaphore_mem>>) src(%dma_wait3A_26 : memref<640xf32, #tpu.memory_space<vmem_shared>>) dst(%dma_wait3A_25 : memref<640xf32, #tpu.memory_space<hbm>>)
      tpu.yield
    }) : () -> ()
    return
  }
}

module attributes {stable_mosaic.version = 14 : i64} {
  func.func @_dense_body(%arg0: i32, %arg1: memref<1280x128xf32, #tpu.memory_space<vmem>>, %arg2: memref<128x128xf32, #tpu.memory_space<vmem>>, %arg3: memref<1x128xf32, #tpu.memory_space<vmem>>, %arg4: memref<1x128xf32, #tpu.memory_space<vmem>>, %arg5: memref<128x4xf32, #tpu.memory_space<vmem>>, %arg6: memref<1280x128xf32, #tpu.memory_space<vmem>>, %arg7: memref<4x1280xf32, #tpu.memory_space<vmem>>, %arg8: memref<4x1280xf32, #tpu.memory_space<vmem>>) attributes {dimension_semantics = [#tpu.dimension_semantics<arbitrary>], iteration_bounds = array<i64: 8>, scalar_prefetch = 0 : i64, scratch_operands = 0 : i64, tpu.core_type = #tpu.core_type<tc>, window_params = [{transform_indices = @transform_0, window_bounds = array<i64: 1280, 128>}, {pipeline_mode = #tpu.pipeline_mode<synchronous>, transform_indices = @transform_1, window_bounds = array<i64: 128, 128>}, {pipeline_mode = #tpu.pipeline_mode<synchronous>, transform_indices = @transform_2, window_bounds = array<i64: 1, 128>}, {pipeline_mode = #tpu.pipeline_mode<synchronous>, transform_indices = @transform_3, window_bounds = array<i64: 1, 128>}, {pipeline_mode = #tpu.pipeline_mode<synchronous>, transform_indices = @transform_4, window_bounds = array<i64: 128, 4>}, {transform_indices = @transform_5, window_bounds = array<i64: 1280, 128>}, {transform_indices = @transform_6, window_bounds = array<i64: 4, 1280>}, {transform_indices = @transform_7, window_bounds = array<i64: 4, 1280>}]} {
    %get3A = arith.constant 0 : index
    %get3A_0 = arith.constant 0 : index
    %get3A_1 = vector.load %arg1[%get3A, %get3A_0] : memref<1280x128xf32, #tpu.memory_space<vmem>>, vector<1280x128xf32>
    %get3A_2 = arith.constant 0 : index
    %get3A_3 = arith.constant 0 : index
    %get3A_4 = vector.load %arg2[%get3A_2, %get3A_3] : memref<128x128xf32, #tpu.memory_space<vmem>>, vector<128x128xf32>
    %dot_general3A = arith.constant dense<0.000000e+00> : vector<1280x128xf32>
    %dot_general3A_5 = tpu.matmul %get3A_1, %get3A_4, %dot_general3A {dimension_numbers = #tpu.dot_dimension_numbers<[1], [0], [0], [1], [0, 0, 1, 1], [], []>, transpose_lhs_hint = false} : vector<1280x128xf32>, vector<128x128xf32>, vector<1280x128xf32> -> vector<1280x128xf32>
    %swap3A = arith.constant 0 : index
    %swap3A_6 = arith.constant 0 : index
    %swap3A_7 = vector.load %arg6[%swap3A, %swap3A_6] : memref<1280x128xf32, #tpu.memory_space<vmem>>, vector<1280x128xf32>
    tpu.vector_store %arg6[%swap3A, %swap3A_6], %dot_general3A_5 {strides = array<i32>} : memref<1280x128xf32, #tpu.memory_space<vmem>>, vector<1280x128xf32>,
    %get3A_8 = arith.constant 0 : index
    %get3A_9 = arith.constant 0 : index
    %get3A_10 = vector.load %arg3[%get3A_8, %get3A_9] : memref<1x128xf32, #tpu.memory_space<vmem>>, vector<1x128xf32>
    %mul3A = vector.broadcast %get3A_10 : vector<1x128xf32> to vector<1280x128xf32>
    %mul3A_11 = arith.mulf %dot_general3A_5, %mul3A : vector<1280x128xf32>
    %get3A_12 = arith.constant 0 : index
    %get3A_13 = arith.constant 0 : index
    %get3A_14 = vector.load %arg5[%get3A_12, %get3A_13] : memref<128x4xf32, #tpu.memory_space<vmem>>, vector<128x4xf32>
    %dot_general3A_15 = arith.constant dense<0.000000e+00> : vector<1280x4xf32>
    %dot_general3A_16 = tpu.matmul %mul3A_11, %get3A_14, %dot_general3A_15 {dimension_numbers = #tpu.dot_dimension_numbers<[1], [0], [0], [1], [0, 0, 1, 1], [], []>, precision = #tpu.contract_precision<fp32>, transpose_lhs_hint = false} : vector<1280x128xf32>, vector<128x4xf32>, vector<1280x4xf32> -> vector<1280x4xf32>
    %transpose3A = tpu.transpose %dot_general3A_16, [1, 0] : vector<1280x4xf32> -> vector<4x1280xf32>
    %swap3A_17 = arith.constant 0 : index
    %swap3A_18 = arith.constant 0 : index
    %swap3A_19 = vector.load %arg7[%swap3A_17, %swap3A_18] : memref<4x1280xf32, #tpu.memory_space<vmem>>, vector<4x1280xf32>
    tpu.vector_store %arg7[%swap3A_17, %swap3A_18], %transpose3A {strides = array<i32>} : memref<4x1280xf32, #tpu.memory_space<vmem>>, vector<4x1280xf32>,
    %get3A_20 = arith.constant 0 : index
    %get3A_21 = arith.constant 0 : index
    %get3A_22 = vector.load %arg4[%get3A_20, %get3A_21] : memref<1x128xf32, #tpu.memory_space<vmem>>, vector<1x128xf32>
    %mul3A_23 = vector.broadcast %get3A_22 : vector<1x128xf32> to vector<1280x128xf32>
    %mul3A_24 = arith.mulf %dot_general3A_5, %mul3A_23 : vector<1280x128xf32>
    %get3A_25 = arith.constant 0 : index
    %get3A_26 = arith.constant 0 : index
    %get3A_27 = vector.load %arg5[%get3A_25, %get3A_26] : memref<128x4xf32, #tpu.memory_space<vmem>>, vector<128x4xf32>
    %dot_general3A_28 = arith.constant dense<0.000000e+00> : vector<1280x4xf32>
    %dot_general3A_29 = tpu.matmul %mul3A_24, %get3A_27, %dot_general3A_28 {dimension_numbers = #tpu.dot_dimension_numbers<[1], [0], [0], [1], [0, 0, 1, 1], [], []>, precision = #tpu.contract_precision<fp32>, transpose_lhs_hint = false} : vector<1280x128xf32>, vector<128x4xf32>, vector<1280x4xf32> -> vector<1280x4xf32>
    %transpose3A_30 = tpu.transpose %dot_general3A_29, [1, 0] : vector<1280x4xf32> -> vector<4x1280xf32>
    %swap3A_31 = arith.constant 0 : index
    %swap3A_32 = arith.constant 0 : index
    %swap3A_33 = vector.load %arg8[%swap3A_31, %swap3A_32] : memref<4x1280xf32, #tpu.memory_space<vmem>>, vector<4x1280xf32>
    tpu.vector_store %arg8[%swap3A_31, %swap3A_32], %transpose3A_30 {strides = array<i32>} : memref<4x1280xf32, #tpu.memory_space<vmem>>, vector<4x1280xf32>,
    return
  }
  func.func @transform_0(%arg0: i32) -> (i32, i32) {
    %c0_i32 = arith.constant 0 : i32
    %c0_i32_0 = arith.constant 0 : i32
    return %arg0, %c0_i32 : i32, i32
  }
  func.func @transform_1(%arg0: i32) -> (i32, i32) {
    %c0_i32 = arith.constant 0 : i32
    %c0_i32_0 = arith.constant 0 : i32
    %c0_i32_1 = arith.constant 0 : i32
    return %c0_i32, %c0_i32_0 : i32, i32
  }
  func.func @transform_2(%arg0: i32) -> (i32, i32) {
    %c0_i32 = arith.constant 0 : i32
    %c0_i32_0 = arith.constant 0 : i32
    %c0_i32_1 = arith.constant 0 : i32
    return %c0_i32, %c0_i32_0 : i32, i32
  }
  func.func @transform_3(%arg0: i32) -> (i32, i32) {
    %c0_i32 = arith.constant 0 : i32
    %c0_i32_0 = arith.constant 0 : i32
    %c0_i32_1 = arith.constant 0 : i32
    return %c0_i32, %c0_i32_0 : i32, i32
  }
  func.func @transform_4(%arg0: i32) -> (i32, i32) {
    %c0_i32 = arith.constant 0 : i32
    %c0_i32_0 = arith.constant 0 : i32
    %c0_i32_1 = arith.constant 0 : i32
    return %c0_i32, %c0_i32_0 : i32, i32
  }
  func.func @transform_5(%arg0: i32) -> (i32, i32) {
    %c0_i32 = arith.constant 0 : i32
    %c0_i32_0 = arith.constant 0 : i32
    return %arg0, %c0_i32 : i32, i32
  }
  func.func @transform_6(%arg0: i32) -> (i32, i32) {
    %c0_i32 = arith.constant 0 : i32
    %c0_i32_0 = arith.constant 0 : i32
    return %c0_i32, %arg0 : i32, i32
  }
  func.func @transform_7(%arg0: i32) -> (i32, i32) {
    %c0_i32 = arith.constant 0 : i32
    %c0_i32_0 = arith.constant 0 : i32
    return %c0_i32, %arg0 : i32, i32
  }
}

module attributes {stable_mosaic.version = 14 : i64} {
  func.func @_combine_dense_body(%arg0: i32, %arg1: memref<2x1280x128xf32, #tpu.memory_space<vmem>>, %arg2: memref<2x4x1280xf32, #tpu.memory_space<vmem>>, %arg3: memref<4x128xf32, #tpu.memory_space<vmem>>, %arg4: memref<1x128xf32, #tpu.memory_space<vmem>>, %arg5: memref<1x128xf32, #tpu.memory_space<vmem>>, %arg6: memref<1x128xf32, #tpu.memory_space<vmem>>, %arg7: memref<128x128xf32, #tpu.memory_space<vmem>>, %arg8: memref<1x128xf32, #tpu.memory_space<vmem>>, %arg9: memref<1x128xf32, #tpu.memory_space<vmem>>, %arg10: memref<128x4xf32, #tpu.memory_space<vmem>>, %arg11: memref<1280x128xf32, #tpu.memory_space<vmem>>, %arg12: memref<4x1280xf32, #tpu.memory_space<vmem>>, %arg13: memref<4x1280xf32, #tpu.memory_space<vmem>>) attributes {dimension_semantics = [#tpu.dimension_semantics<arbitrary>], iteration_bounds = array<i64: 8>, scalar_prefetch = 0 : i64, scratch_operands = 0 : i64, tpu.core_type = #tpu.core_type<tc>, window_params = [{transform_indices = @transform_0, window_bounds = array<i64: 2, 1280, 128>}, {transform_indices = @transform_1, window_bounds = array<i64: 2, 4, 1280>}, {pipeline_mode = #tpu.pipeline_mode<synchronous>, transform_indices = @transform_2, window_bounds = array<i64: 4, 128>}, {pipeline_mode = #tpu.pipeline_mode<synchronous>, transform_indices = @transform_3, window_bounds = array<i64: 1, 128>}, {pipeline_mode = #tpu.pipeline_mode<synchronous>, transform_indices = @transform_4, window_bounds = array<i64: 1, 128>}, {pipeline_mode = #tpu.pipeline_mode<synchronous>, transform_indices = @transform_5, window_bounds = array<i64: 1, 128>}, {pipeline_mode = #tpu.pipeline_mode<synchronous>, transform_indices = @transform_6, window_bounds = array<i64: 128, 128>}, {pipeline_mode = #tpu.pipeline_mode<synchronous>, transform_indices = @transform_7, window_bounds = array<i64: 1, 128>}, {pipeline_mode = #tpu.pipeline_mode<synchronous>, transform_indices = @transform_8, window_bounds = array<i64: 1, 128>}, {pipeline_mode = #tpu.pipeline_mode<synchronous>, transform_indices = @transform_9, window_bounds = array<i64: 128, 4>}, {transform_indices = @transform_10, window_bounds = array<i64: 1280, 128>}, {transform_indices = @transform_11, window_bounds = array<i64: 4, 1280>}, {transform_indices = @transform_12, window_bounds = array<i64: 4, 1280>}]} {
    %get3A = arith.constant 0 : index
    %get3A_0 = arith.constant 0 : index
    %get3A_1 = arith.constant 0 : index
    %get3A_2 = vector.load %arg1[%get3A, %get3A_0, %get3A_1] : memref<2x1280x128xf32, #tpu.memory_space<vmem>>, vector<1x1280x128xf32>
    %get3A_3 = vector.shape_cast %get3A_2 : vector<1x1280x128xf32> to vector<1280x128xf32>
    %get3A_4 = arith.constant 1 : index
    %get3A_5 = arith.constant 0 : index
    %get3A_6 = arith.constant 0 : index
    %get3A_7 = vector.load %arg1[%get3A_4, %get3A_5, %get3A_6] : memref<2x1280x128xf32, #tpu.memory_space<vmem>>, vector<1x1280x128xf32>
    %get3A_8 = vector.shape_cast %get3A_7 : vector<1x1280x128xf32> to vector<1280x128xf32>
    %add3A = arith.addf %get3A_3, %get3A_8 : vector<1280x128xf32>
    %get3A_9 = arith.constant 0 : index
    %get3A_10 = arith.constant 0 : index
    %get3A_11 = arith.constant 0 : index
    %get3A_12 = vector.load %arg2[%get3A_9, %get3A_10, %get3A_11] : memref<2x4x1280xf32, #tpu.memory_space<vmem>>, vector<1x4x1280xf32>
    %get3A_13 = vector.shape_cast %get3A_12 : vector<1x4x1280xf32> to vector<4x1280xf32>
    %get3A_14 = arith.constant 1 : index
    %get3A_15 = arith.constant 0 : index
    %get3A_16 = arith.constant 0 : index
    %get3A_17 = vector.load %arg2[%get3A_14, %get3A_15, %get3A_16] : memref<2x4x1280xf32, #tpu.memory_space<vmem>>, vector<1x4x1280xf32>
    %get3A_18 = vector.shape_cast %get3A_17 : vector<1x4x1280xf32> to vector<4x1280xf32>
    %add3A_19 = arith.addf %get3A_13, %get3A_18 : vector<4x1280xf32>
    %transpose3A = tpu.transpose %add3A_19, [1, 0] : vector<4x1280xf32> -> vector<1280x4xf32>
    %get3A_20 = arith.constant 0 : index
    %get3A_21 = arith.constant 0 : index
    %get3A_22 = vector.load %arg3[%get3A_20, %get3A_21] : memref<4x128xf32, #tpu.memory_space<vmem>>, vector<4x128xf32>
    %dot_general3A = arith.constant dense<0.000000e+00> : vector<1280x128xf32>
    %dot_general3A_23 = tpu.matmul %transpose3A, %get3A_22, %dot_general3A {dimension_numbers = #tpu.dot_dimension_numbers<[1], [0], [0], [1], [0, 0, 1, 1], [], []>, transpose_lhs_hint = false} : vector<1280x4xf32>, vector<4x128xf32>, vector<1280x128xf32> -> vector<1280x128xf32>
    %add3A_24 = arith.constant 1.000000e-16 : f32
    %add3A_25 = vector.broadcast %add3A_24 : f32 to vector<1280x128xf32>
    %add3A_26 = arith.addf %dot_general3A_23, %add3A_25 : vector<1280x128xf32>
    %div3A = arith.divf %add3A, %add3A_26 : vector<1280x128xf32>
    %get3A_27 = arith.constant 0 : index
    %get3A_28 = arith.constant 0 : index
    %get3A_29 = vector.load %arg4[%get3A_27, %get3A_28] : memref<1x128xf32, #tpu.memory_space<vmem>>, vector<1x128xf32>
    %add3A_30 = vector.broadcast %get3A_29 : vector<1x128xf32> to vector<1280x128xf32>
    %add3A_31 = arith.addf %div3A, %add3A_30 : vector<1280x128xf32>
    %max3A = arith.constant 0.000000e+00 : f32
    %max3A_32 = vector.broadcast %max3A : f32 to vector<1280x128xf32>
    %max3A_33 = arith.maximumf %add3A_31, %max3A_32 : vector<1280x128xf32>
    %get3A_34 = arith.constant 0 : index
    %get3A_35 = arith.constant 0 : index
    %get3A_36 = vector.load %arg5[%get3A_34, %get3A_35] : memref<1x128xf32, #tpu.memory_space<vmem>>, vector<1x128xf32>
    %mul3A = vector.broadcast %get3A_36 : vector<1x128xf32> to vector<1280x128xf32>
    %mul3A_37 = arith.mulf %max3A_33, %mul3A : vector<1280x128xf32>
    %get3A_38 = arith.constant 0 : index
    %get3A_39 = arith.constant 0 : index
    %get3A_40 = vector.load %arg6[%get3A_38, %get3A_39] : memref<1x128xf32, #tpu.memory_space<vmem>>, vector<1x128xf32>
    %add3A_41 = vector.broadcast %get3A_40 : vector<1x128xf32> to vector<1280x128xf32>
    %add3A_42 = arith.addf %mul3A_37, %add3A_41 : vector<1280x128xf32>
    %get3A_43 = arith.constant 0 : index
    %get3A_44 = arith.constant 0 : index
    %get3A_45 = vector.load %arg7[%get3A_43, %get3A_44] : memref<128x128xf32, #tpu.memory_space<vmem>>, vector<128x128xf32>
    %dot_general3A_46 = arith.constant dense<0.000000e+00> : vector<1280x128xf32>
    %dot_general3A_47 = tpu.matmul %add3A_42, %get3A_45, %dot_general3A_46 {dimension_numbers = #tpu.dot_dimension_numbers<[1], [0], [0], [1], [0, 0, 1, 1], [], []>, transpose_lhs_hint = false} : vector<1280x128xf32>, vector<128x128xf32>, vector<1280x128xf32> -> vector<1280x128xf32>
    %swap3A = arith.constant 0 : index
    %swap3A_48 = arith.constant 0 : index
    %swap3A_49 = vector.load %arg11[%swap3A, %swap3A_48] : memref<1280x128xf32, #tpu.memory_space<vmem>>, vector<1280x128xf32>
    tpu.vector_store %arg11[%swap3A, %swap3A_48], %dot_general3A_47 {strides = array<i32>} : memref<1280x128xf32, #tpu.memory_space<vmem>>, vector<1280x128xf32>,
    %get3A_50 = arith.constant 0 : index
    %get3A_51 = arith.constant 0 : index
    %get3A_52 = vector.load %arg8[%get3A_50, %get3A_51] : memref<1x128xf32, #tpu.memory_space<vmem>>, vector<1x128xf32>
    %mul3A_53 = vector.broadcast %get3A_52 : vector<1x128xf32> to vector<1280x128xf32>
    %mul3A_54 = arith.mulf %dot_general3A_47, %mul3A_53 : vector<1280x128xf32>
    %get3A_55 = arith.constant 0 : index
    %get3A_56 = arith.constant 0 : index
    %get3A_57 = vector.load %arg10[%get3A_55, %get3A_56] : memref<128x4xf32, #tpu.memory_space<vmem>>, vector<128x4xf32>
    %dot_general3A_58 = arith.constant dense<0.000000e+00> : vector<1280x4xf32>
    %dot_general3A_59 = tpu.matmul %mul3A_54, %get3A_57, %dot_general3A_58 {dimension_numbers = #tpu.dot_dimension_numbers<[1], [0], [0], [1], [0, 0, 1, 1], [], []>, precision = #tpu.contract_precision<fp32>, transpose_lhs_hint = false} : vector<1280x128xf32>, vector<128x4xf32>, vector<1280x4xf32> -> vector<1280x4xf32>
    %transpose3A_60 = tpu.transpose %dot_general3A_59, [1, 0] : vector<1280x4xf32> -> vector<4x1280xf32>
    %swap3A_61 = arith.constant 0 : index
    %swap3A_62 = arith.constant 0 : index
    %swap3A_63 = vector.load %arg12[%swap3A_61, %swap3A_62] : memref<4x1280xf32, #tpu.memory_space<vmem>>, vector<4x1280xf32>
    tpu.vector_store %arg12[%swap3A_61, %swap3A_62], %transpose3A_60 {strides = array<i32>} : memref<4x1280xf32, #tpu.memory_space<vmem>>, vector<4x1280xf32>,
    %get3A_64 = arith.constant 0 : index
    %get3A_65 = arith.constant 0 : index
    %get3A_66 = vector.load %arg9[%get3A_64, %get3A_65] : memref<1x128xf32, #tpu.memory_space<vmem>>, vector<1x128xf32>
    %mul3A_67 = vector.broadcast %get3A_66 : vector<1x128xf32> to vector<1280x128xf32>
    %mul3A_68 = arith.mulf %dot_general3A_47, %mul3A_67 : vector<1280x128xf32>
    %get3A_69 = arith.constant 0 : index
    %get3A_70 = arith.constant 0 : index
    %get3A_71 = vector.load %arg10[%get3A_69, %get3A_70] : memref<128x4xf32, #tpu.memory_space<vmem>>, vector<128x4xf32>
    %dot_general3A_72 = arith.constant dense<0.000000e+00> : vector<1280x4xf32>
    %dot_general3A_73 = tpu.matmul %mul3A_68, %get3A_71, %dot_general3A_72 {dimension_numbers = #tpu.dot_dimension_numbers<[1], [0], [0], [1], [0, 0, 1, 1], [], []>, precision = #tpu.contract_precision<fp32>, transpose_lhs_hint = false} : vector<1280x128xf32>, vector<128x4xf32>, vector<1280x4xf32> -> vector<1280x4xf32>
    %transpose3A_74 = tpu.transpose %dot_general3A_73, [1, 0] : vector<1280x4xf32> -> vector<4x1280xf32>
    %swap3A_75 = arith.constant 0 : index
    %swap3A_76 = arith.constant 0 : index
    %swap3A_77 = vector.load %arg13[%swap3A_75, %swap3A_76] : memref<4x1280xf32, #tpu.memory_space<vmem>>, vector<4x1280xf32>
    tpu.vector_store %arg13[%swap3A_75, %swap3A_76], %transpose3A_74 {strides = array<i32>} : memref<4x1280xf32, #tpu.memory_space<vmem>>, vector<4x1280xf32>,
    return
  }
  func.func @transform_0(%arg0: i32) -> (i32, i32, i32) {
    %c0_i32 = arith.constant 0 : i32
    %c0_i32_0 = arith.constant 0 : i32
    %c0_i32_1 = arith.constant 0 : i32
    return %c0_i32, %arg0, %c0_i32_0 : i32, i32, i32
  }
  func.func @transform_1(%arg0: i32) -> (i32, i32, i32) {
    %c0_i32 = arith.constant 0 : i32
    %c0_i32_0 = arith.constant 0 : i32
    %c0_i32_1 = arith.constant 0 : i32
    return %c0_i32, %c0_i32_0, %arg0 : i32, i32, i32
  }
  func.func @transform_2(%arg0: i32) -> (i32, i32) {
    %c0_i32 = arith.constant 0 : i32
    %c0_i32_0 = arith.constant 0 : i32
    %c0_i32_1 = arith.constant 0 : i32
    return %c0_i32, %c0_i32_0 : i32, i32
  }
  func.func @transform_3(%arg0: i32) -> (i32, i32) {
    %c0_i32 = arith.constant 0 : i32
    %c0_i32_0 = arith.constant 0 : i32
    %c0_i32_1 = arith.constant 0 : i32
    return %c0_i32, %c0_i32_0 : i32, i32
  }
  func.func @transform_4(%arg0: i32) -> (i32, i32) {
    %c0_i32 = arith.constant 0 : i32
    %c0_i32_0 = arith.constant 0 : i32
    %c0_i32_1 = arith.constant 0 : i32
    return %c0_i32, %c0_i32_0 : i32, i32
  }
  func.func @transform_5(%arg0: i32) -> (i32, i32) {
    %c0_i32 = arith.constant 0 : i32
    %c0_i32_0 = arith.constant 0 : i32
    %c0_i32_1 = arith.constant 0 : i32
    return %c0_i32, %c0_i32_0 : i32, i32
  }
  func.func @transform_6(%arg0: i32) -> (i32, i32) {
    %c0_i32 = arith.constant 0 : i32
    %c0_i32_0 = arith.constant 0 : i32
    %c0_i32_1 = arith.constant 0 : i32
    return %c0_i32, %c0_i32_0 : i32, i32
  }
  func.func @transform_7(%arg0: i32) -> (i32, i32) {
    %c0_i32 = arith.constant 0 : i32
    %c0_i32_0 = arith.constant 0 : i32
    %c0_i32_1 = arith.constant 0 : i32
    return %c0_i32, %c0_i32_0 : i32, i32
  }
  func.func @transform_8(%arg0: i32) -> (i32, i32) {
    %c0_i32 = arith.constant 0 : i32
    %c0_i32_0 = arith.constant 0 : i32
    %c0_i32_1 = arith.constant 0 : i32
    return %c0_i32, %c0_i32_0 : i32, i32
  }
  func.func @transform_9(%arg0: i32) -> (i32, i32) {
    %c0_i32 = arith.constant 0 : i32
    %c0_i32_0 = arith.constant 0 : i32
    %c0_i32_1 = arith.constant 0 : i32
    return %c0_i32, %c0_i32_0 : i32, i32
  }
  func.func @transform_10(%arg0: i32) -> (i32, i32) {
    %c0_i32 = arith.constant 0 : i32
    %c0_i32_0 = arith.constant 0 : i32
    return %arg0, %c0_i32 : i32, i32
  }
  func.func @transform_11(%arg0: i32) -> (i32, i32) {
    %c0_i32 = arith.constant 0 : i32
    %c0_i32_0 = arith.constant 0 : i32
    return %c0_i32, %arg0 : i32, i32
  }
  func.func @transform_12(%arg0: i32) -> (i32, i32) {
    %c0_i32 = arith.constant 0 : i32
    %c0_i32_0 = arith.constant 0 : i32
    return %c0_i32, %arg0 : i32, i32
  }
}

module attributes {stable_mosaic.version = 14 : i64} {
  func.func @_final_body(%arg0: i32, %arg1: memref<2x1280x128xf32, #tpu.memory_space<vmem>>, %arg2: memref<2x4x1280xf32, #tpu.memory_space<vmem>>, %arg3: memref<1x1x1280xi32, #tpu.memory_space<vmem>>, %arg4: memref<4x128xf32, #tpu.memory_space<vmem>>, %arg5: memref<1x128xf32, #tpu.memory_space<vmem>>, %arg6: memref<1x128xf32, #tpu.memory_space<vmem>>, %arg7: memref<1x128xf32, #tpu.memory_space<vmem>>, %arg8: memref<128x64xf32, #tpu.memory_space<vmem>>, %arg9: memref<1x64xf32, #tpu.memory_space<vmem>>, %arg10: memref<64x16xf32, #tpu.memory_space<vmem>>, %arg11: memref<1x16xf32, #tpu.memory_space<vmem>>, %arg12: memref<104x16xf32, #tpu.memory_space<vmem>>, %arg13: memref<104x128xf32, #tpu.memory_space<vmem>>, %arg14: memref<104x128xf32, #tpu.memory_space<vmem>>) attributes {dimension_semantics = [#tpu.dimension_semantics<arbitrary>], iteration_bounds = array<i64: 8>, scalar_prefetch = 0 : i64, scratch_operands = 2 : i64, tpu.core_type = #tpu.core_type<tc>, window_params = [{transform_indices = @transform_0, window_bounds = array<i64: 2, 1280, 128>}, {transform_indices = @transform_1, window_bounds = array<i64: 2, 4, 1280>}, {transform_indices = @transform_2, window_bounds = array<i64: 1, 1, 1280>}, {pipeline_mode = #tpu.pipeline_mode<synchronous>, transform_indices = @transform_3, window_bounds = array<i64: 4, 128>}, {pipeline_mode = #tpu.pipeline_mode<synchronous>, transform_indices = @transform_4, window_bounds = array<i64: 1, 128>}, {pipeline_mode = #tpu.pipeline_mode<synchronous>, transform_indices = @transform_5, window_bounds = array<i64: 1, 128>}, {pipeline_mode = #tpu.pipeline_mode<synchronous>, transform_indices = @transform_6, window_bounds = array<i64: 1, 128>}, {pipeline_mode = #tpu.pipeline_mode<synchronous>, transform_indices = @transform_7, window_bounds = array<i64: 128, 64>}, {pipeline_mode = #tpu.pipeline_mode<synchronous>, transform_indices = @transform_8, window_bounds = array<i64: 1, 64>}, {pipeline_mode = #tpu.pipeline_mode<synchronous>, transform_indices = @transform_9, window_bounds = array<i64: 64, 16>}, {pipeline_mode = #tpu.pipeline_mode<synchronous>, transform_indices = @transform_10, window_bounds = array<i64: 1, 16>}, {pipeline_mode = #tpu.pipeline_mode<synchronous>, transform_indices = @transform_11, window_bounds = array<i64: 104, 16>}]} {
    %eq3A = arith.constant 0 : i32
    %eq3A_0 = arith.cmpi eq, %arg0, %eq3A : i32
    %convert_element_type3A = arith.extui %eq3A_0 : i1 to i32
    %cond3A = arith.constant 0 : i32
    %cond3A_1 = arith.cmpi ne, %convert_element_type3A, %cond3A : i32
    scf.if %cond3A_1 {
      %broadcast_in_dim3A_78 = arith.constant 0.000000e+00 : f32
      %broadcast_in_dim3A_79 = vector.broadcast %broadcast_in_dim3A_78 : f32 to vector<104x128xf32>
      %swap3A_80 = arith.constant 0 : index
      %swap3A_81 = arith.constant 0 : index
      %swap3A_82 = vector.load %arg13[%swap3A_80, %swap3A_81] : memref<104x128xf32, #tpu.memory_space<vmem>>, vector<104x128xf32>
      tpu.vector_store %arg13[%swap3A_80, %swap3A_81], %broadcast_in_dim3A_79 {strides = array<i32>} : memref<104x128xf32, #tpu.memory_space<vmem>>, vector<104x128xf32>,
      %broadcast_in_dim3A_83 = arith.constant 0.000000e+00 : f32
      %broadcast_in_dim3A_84 = vector.broadcast %broadcast_in_dim3A_83 : f32 to vector<104x128xf32>
      %swap3A_85 = arith.constant 0 : index
      %swap3A_86 = arith.constant 0 : index
      %swap3A_87 = vector.load %arg14[%swap3A_85, %swap3A_86] : memref<104x128xf32, #tpu.memory_space<vmem>>, vector<104x128xf32>
      tpu.vector_store %arg14[%swap3A_85, %swap3A_86], %broadcast_in_dim3A_84 {strides = array<i32>} : memref<104x128xf32, #tpu.memory_space<vmem>>, vector<104x128xf32>,
    } else {
    }
    %get3A = arith.constant 0 : index
    %get3A_2 = arith.constant 0 : index
    %get3A_3 = arith.constant 0 : index
    %get3A_4 = vector.load %arg1[%get3A, %get3A_2, %get3A_3] : memref<2x1280x128xf32, #tpu.memory_space<vmem>>, vector<1x1280x128xf32>
    %get3A_5 = vector.shape_cast %get3A_4 : vector<1x1280x128xf32> to vector<1280x128xf32>
    %get3A_6 = arith.constant 1 : index
    %get3A_7 = arith.constant 0 : index
    %get3A_8 = arith.constant 0 : index
    %get3A_9 = vector.load %arg1[%get3A_6, %get3A_7, %get3A_8] : memref<2x1280x128xf32, #tpu.memory_space<vmem>>, vector<1x1280x128xf32>
    %get3A_10 = vector.shape_cast %get3A_9 : vector<1x1280x128xf32> to vector<1280x128xf32>
    %add3A = arith.addf %get3A_5, %get3A_10 : vector<1280x128xf32>
    %get3A_11 = arith.constant 0 : index
    %get3A_12 = arith.constant 0 : index
    %get3A_13 = arith.constant 0 : index
    %get3A_14 = vector.load %arg2[%get3A_11, %get3A_12, %get3A_13] : memref<2x4x1280xf32, #tpu.memory_space<vmem>>, vector<1x4x1280xf32>
    %get3A_15 = vector.shape_cast %get3A_14 : vector<1x4x1280xf32> to vector<4x1280xf32>
    %get3A_16 = arith.constant 1 : index
    %get3A_17 = arith.constant 0 : index
    %get3A_18 = arith.constant 0 : index
    %get3A_19 = vector.load %arg2[%get3A_16, %get3A_17, %get3A_18] : memref<2x4x1280xf32, #tpu.memory_space<vmem>>, vector<1x4x1280xf32>
    %get3A_20 = vector.shape_cast %get3A_19 : vector<1x4x1280xf32> to vector<4x1280xf32>
    %add3A_21 = arith.addf %get3A_15, %get3A_20 : vector<4x1280xf32>
    %transpose3A = tpu.transpose %add3A_21, [1, 0] : vector<4x1280xf32> -> vector<1280x4xf32>
    %get3A_22 = arith.constant 0 : index
    %get3A_23 = arith.constant 0 : index
    %get3A_24 = vector.load %arg4[%get3A_22, %get3A_23] : memref<4x128xf32, #tpu.memory_space<vmem>>, vector<4x128xf32>
    %dot_general3A = arith.constant dense<0.000000e+00> : vector<1280x128xf32>
    %dot_general3A_25 = tpu.matmul %transpose3A, %get3A_24, %dot_general3A {dimension_numbers = #tpu.dot_dimension_numbers<[1], [0], [0], [1], [0, 0, 1, 1], [], []>, transpose_lhs_hint = false} : vector<1280x4xf32>, vector<4x128xf32>, vector<1280x128xf32> -> vector<1280x128xf32>
    %add3A_26 = arith.constant 1.000000e-16 : f32
    %add3A_27 = vector.broadcast %add3A_26 : f32 to vector<1280x128xf32>
    %add3A_28 = arith.addf %dot_general3A_25, %add3A_27 : vector<1280x128xf32>
    %div3A = arith.divf %add3A, %add3A_28 : vector<1280x128xf32>
    %get3A_29 = arith.constant 0 : index
    %get3A_30 = arith.constant 0 : index
    %get3A_31 = vector.load %arg5[%get3A_29, %get3A_30] : memref<1x128xf32, #tpu.memory_space<vmem>>, vector<1x128xf32>
    %add3A_32 = vector.broadcast %get3A_31 : vector<1x128xf32> to vector<1280x128xf32>
    %add3A_33 = arith.addf %div3A, %add3A_32 : vector<1280x128xf32>
    %max3A = arith.constant 0.000000e+00 : f32
    %max3A_34 = vector.broadcast %max3A : f32 to vector<1280x128xf32>
    %max3A_35 = arith.maximumf %add3A_33, %max3A_34 : vector<1280x128xf32>
    %get3A_36 = arith.constant 0 : index
    %get3A_37 = arith.constant 0 : index
    %get3A_38 = vector.load %arg6[%get3A_36, %get3A_37] : memref<1x128xf32, #tpu.memory_space<vmem>>, vector<1x128xf32>
    %mul3A = vector.broadcast %get3A_38 : vector<1x128xf32> to vector<1280x128xf32>
    %mul3A_39 = arith.mulf %max3A_35, %mul3A : vector<1280x128xf32>
    %get3A_40 = arith.constant 0 : index
    %get3A_41 = arith.constant 0 : index
    %get3A_42 = vector.load %arg7[%get3A_40, %get3A_41] : memref<1x128xf32, #tpu.memory_space<vmem>>, vector<1x128xf32>
    %add3A_43 = vector.broadcast %get3A_42 : vector<1x128xf32> to vector<1280x128xf32>
    %add3A_44 = arith.addf %mul3A_39, %add3A_43 : vector<1280x128xf32>
    %get3A_45 = arith.constant 0 : index
    %get3A_46 = arith.constant 0 : index
    %get3A_47 = arith.constant 0 : index
    %get3A_48 = vector.load %arg3[%get3A_45, %get3A_46, %get3A_47] : memref<1x1x1280xi32, #tpu.memory_space<vmem>>, vector<1x1x1280xi32>
    %get3A_49 = vector.shape_cast %get3A_48 : vector<1x1x1280xi32> to vector<1280xi32>
    %iota3A = tpu.iota {dimensions = array<i32: 0>} : vector<104x1280xi32>
    %broadcast_in_dim3A = vector.shape_cast %get3A_49 : vector<1280xi32> to vector<1x1280xi32>
    %eq3A_50 = vector.broadcast %broadcast_in_dim3A : vector<1x1280xi32> to vector<104x1280xi32>
    %eq3A_51 = arith.cmpi eq, %iota3A, %eq3A_50 : vector<104x1280xi32>
    %convert_element_type3A_52 = arith.extui %eq3A_51 : vector<104x1280xi1> to vector<104x1280xi32>
    %convert_element_type3A_53 = arith.sitofp %convert_element_type3A_52 : vector<104x1280xi32> to vector<104x1280xf32>
    %get3A_54 = arith.constant 0 : index
    %get3A_55 = arith.constant 0 : index
    %get3A_56 = vector.load %arg13[%get3A_54, %get3A_55] : memref<104x128xf32, #tpu.memory_space<vmem>>, vector<104x128xf32>
    %dot_general3A_57 = arith.constant dense<0.000000e+00> : vector<104x128xf32>
    %dot_general3A_58 = tpu.matmul %convert_element_type3A_53, %add3A_44, %dot_general3A_57 {dimension_numbers = #tpu.dot_dimension_numbers<[1], [0], [0], [1], [0, 0, 1, 1], [], []>, transpose_lhs_hint = false} : vector<104x1280xf32>, vector<1280x128xf32>, vector<104x128xf32> -> vector<104x128xf32>
    %add3A_59 = arith.addf %get3A_56, %dot_general3A_58 : vector<104x128xf32>
    %swap3A = arith.constant 0 : index
    %swap3A_60 = arith.constant 0 : index
    %swap3A_61 = vector.load %arg13[%swap3A, %swap3A_60] : memref<104x128xf32, #tpu.memory_space<vmem>>, vector<104x128xf32>
    tpu.vector_store %arg13[%swap3A, %swap3A_60], %add3A_59 {strides = array<i32>} : memref<104x128xf32, #tpu.memory_space<vmem>>, vector<104x128xf32>,
    %get3A_62 = arith.constant 0 : index
    %get3A_63 = arith.constant 0 : index
    %get3A_64 = vector.load %arg14[%get3A_62, %get3A_63] : memref<104x128xf32, #tpu.memory_space<vmem>>, vector<104x128xf32>
    %reduce_sum3A = arith.constant dense<0.000000e+00> : vector<104xf32>
    %reduce_sum3A_65 = vector.multi_reduction <add>, %convert_element_type3A_53, %reduce_sum3A [1] : vector<104x1280xf32> to vector<104xf32>
    %broadcast_in_dim3A_66 = vector.shape_cast %reduce_sum3A_65 : vector<104xf32> to vector<104x1xf32>
    %broadcast_in_dim3A_67 = vector.shape_cast %broadcast_in_dim3A_66 : vector<104x1xf32> to vector<104x1xf32>
    %broadcast_in_dim3A_68 = vector.broadcast %broadcast_in_dim3A_67 : vector<104x1xf32> to vector<104x128xf32>
    %add3A_69 = arith.addf %get3A_64, %broadcast_in_dim3A_68 : vector<104x128xf32>
    %swap3A_70 = arith.constant 0 : index
    %swap3A_71 = arith.constant 0 : index
    %swap3A_72 = vector.load %arg14[%swap3A_70, %swap3A_71] : memref<104x128xf32, #tpu.memory_space<vmem>>, vector<104x128xf32>
    tpu.vector_store %arg14[%swap3A_70, %swap3A_71], %add3A_69 {strides = array<i32>} : memref<104x128xf32, #tpu.memory_space<vmem>>, vector<104x128xf32>,
    %eq3A_73 = arith.constant 7 : i32
    %eq3A_74 = arith.cmpi eq, %arg0, %eq3A_73 : i32
    %convert_element_type3A_75 = arith.extui %eq3A_74 : i1 to i32
    %cond3A_76 = arith.constant 0 : i32
    %cond3A_77 = arith.cmpi ne, %convert_element_type3A_75, %cond3A_76 : i32
    scf.if %cond3A_77 {
      %get3A_78 = arith.constant 0 : index
      %get3A_79 = arith.constant 0 : index
      %get3A_80 = vector.load %arg13[%get3A_78, %get3A_79] : memref<104x128xf32, #tpu.memory_space<vmem>>, vector<104x128xf32>
      %get3A_81 = arith.constant 0 : index
      %get3A_82 = arith.constant 0 : index
      %get3A_83 = vector.load %arg14[%get3A_81, %get3A_82] : memref<104x128xf32, #tpu.memory_space<vmem>>, vector<104x128xf32>
      %max3A_84 = arith.constant 1.000000e+00 : f32
      %max3A_85 = vector.broadcast %max3A_84 : f32 to vector<104x128xf32>
      %max3A_86 = arith.maximumf %get3A_83, %max3A_85 : vector<104x128xf32>
      %div3A_87 = arith.divf %get3A_80, %max3A_86 : vector<104x128xf32>
      %get3A_88 = arith.constant 0 : index
      %get3A_89 = arith.constant 0 : index
      %get3A_90 = vector.load %arg8[%get3A_88, %get3A_89] : memref<128x64xf32, #tpu.memory_space<vmem>>, vector<128x64xf32>
      %dot_general3A_91 = arith.constant dense<0.000000e+00> : vector<104x64xf32>
      %dot_general3A_92 = tpu.matmul %div3A_87, %get3A_90, %dot_general3A_91 {dimension_numbers = #tpu.dot_dimension_numbers<[1], [0], [0], [1], [0, 0, 1, 1], [], []>, transpose_lhs_hint = false} : vector<104x128xf32>, vector<128x64xf32>, vector<104x64xf32> -> vector<104x64xf32>
      %get3A_93 = arith.constant 0 : index
      %get3A_94 = arith.constant 0 : index
      %get3A_95 = vector.load %arg9[%get3A_93, %get3A_94] : memref<1x64xf32, #tpu.memory_space<vmem>>, vector<1x64xf32>
      %add3A_96 = vector.broadcast %get3A_95 : vector<1x64xf32> to vector<104x64xf32>
      %add3A_97 = arith.addf %dot_general3A_92, %add3A_96 : vector<104x64xf32>
      %max3A_98 = arith.constant 0.000000e+00 : f32
      %max3A_99 = vector.broadcast %max3A_98 : f32 to vector<104x64xf32>
      %max3A_100 = arith.maximumf %add3A_97, %max3A_99 : vector<104x64xf32>
      %get3A_101 = arith.constant 0 : index
      %get3A_102 = arith.constant 0 : index
      %get3A_103 = vector.load %arg10[%get3A_101, %get3A_102] : memref<64x16xf32, #tpu.memory_space<vmem>>, vector<64x16xf32>
      %dot_general3A_104 = arith.constant dense<0.000000e+00> : vector<104x16xf32>
      %dot_general3A_105 = tpu.matmul %max3A_100, %get3A_103, %dot_general3A_104 {dimension_numbers = #tpu.dot_dimension_numbers<[1], [0], [0], [1], [0, 0, 1, 1], [], []>, transpose_lhs_hint = false} : vector<104x64xf32>, vector<64x16xf32>, vector<104x16xf32> -> vector<104x16xf32>
      %get3A_106 = arith.constant 0 : index
      %get3A_107 = arith.constant 0 : index
      %get3A_108 = vector.load %arg11[%get3A_106, %get3A_107] : memref<1x16xf32, #tpu.memory_space<vmem>>, vector<1x16xf32>
      %add3A_109 = vector.broadcast %get3A_108 : vector<1x16xf32> to vector<104x16xf32>
      %add3A_110 = arith.addf %dot_general3A_105, %add3A_109 : vector<104x16xf32>
      %swap3A_111 = arith.constant 0 : index
      %swap3A_112 = arith.constant 0 : index
      %swap3A_113 = vector.load %arg12[%swap3A_111, %swap3A_112] : memref<104x16xf32, #tpu.memory_space<vmem>>, vector<104x16xf32>
      tpu.vector_store %arg12[%swap3A_111, %swap3A_112], %add3A_110 {strides = array<i32>} : memref<104x16xf32, #tpu.memory_space<vmem>>, vector<104x16xf32>,
    } else {
    }
    return
  }
  func.func @transform_0(%arg0: i32) -> (i32, i32, i32) {
    %c0_i32 = arith.constant 0 : i32
    %c0_i32_0 = arith.constant 0 : i32
    %c0_i32_1 = arith.constant 0 : i32
    return %c0_i32, %arg0, %c0_i32_0 : i32, i32, i32
  }
  func.func @transform_1(%arg0: i32) -> (i32, i32, i32) {
    %c0_i32 = arith.constant 0 : i32
    %c0_i32_0 = arith.constant 0 : i32
    %c0_i32_1 = arith.constant 0 : i32
    return %c0_i32, %c0_i32_0, %arg0 : i32, i32, i32
  }
  func.func @transform_2(%arg0: i32) -> (i32, i32, i32) {
    %c0_i32 = arith.constant 0 : i32
    %c0_i32_0 = arith.constant 0 : i32
    %c0_i32_1 = arith.constant 0 : i32
    return %arg0, %c0_i32, %c0_i32_0 : i32, i32, i32
  }
  func.func @transform_3(%arg0: i32) -> (i32, i32) {
    %c0_i32 = arith.constant 0 : i32
    %c0_i32_0 = arith.constant 0 : i32
    %c0_i32_1 = arith.constant 0 : i32
    return %c0_i32, %c0_i32_0 : i32, i32
  }
  func.func @transform_4(%arg0: i32) -> (i32, i32) {
    %c0_i32 = arith.constant 0 : i32
    %c0_i32_0 = arith.constant 0 : i32
    %c0_i32_1 = arith.constant 0 : i32
    return %c0_i32, %c0_i32_0 : i32, i32
  }
  func.func @transform_5(%arg0: i32) -> (i32, i32) {
    %c0_i32 = arith.constant 0 : i32
    %c0_i32_0 = arith.constant 0 : i32
    %c0_i32_1 = arith.constant 0 : i32
    return %c0_i32, %c0_i32_0 : i32, i32
  }
  func.func @transform_6(%arg0: i32) -> (i32, i32) {
    %c0_i32 = arith.constant 0 : i32
    %c0_i32_0 = arith.constant 0 : i32
    %c0_i32_1 = arith.constant 0 : i32
    return %c0_i32, %c0_i32_0 : i32, i32
  }
  func.func @transform_7(%arg0: i32) -> (i32, i32) {
    %c0_i32 = arith.constant 0 : i32
    %c0_i32_0 = arith.constant 0 : i32
    %c0_i32_1 = arith.constant 0 : i32
    return %c0_i32, %c0_i32_0 : i32, i32
  }
  func.func @transform_8(%arg0: i32) -> (i32, i32) {
    %c0_i32 = arith.constant 0 : i32
    %c0_i32_0 = arith.constant 0 : i32
    %c0_i32_1 = arith.constant 0 : i32
    return %c0_i32, %c0_i32_0 : i32, i32
  }
  func.func @transform_9(%arg0: i32) -> (i32, i32) {
    %c0_i32 = arith.constant 0 : i32
    %c0_i32_0 = arith.constant 0 : i32
    %c0_i32_1 = arith.constant 0 : i32
    return %c0_i32, %c0_i32_0 : i32, i32
  }
  func.func @transform_10(%arg0: i32) -> (i32, i32) {
    %c0_i32 = arith.constant 0 : i32
    %c0_i32_0 = arith.constant 0 : i32
    %c0_i32_1 = arith.constant 0 : i32
    return %c0_i32, %c0_i32_0 : i32, i32
  }
  func.func @transform_11(%arg0: i32) -> (i32, i32) {
    %c0_i32 = arith.constant 0 : i32
    %c0_i32_0 = arith.constant 0 : i32
    %c0_i32_1 = arith.constant 0 : i32
    return %c0_i32, %c0_i32_0 : i32, i32
  }
}

</mosaic_0001>

<sc_bundles>
// kernel: kernel.10.cloned.1.call-start
scs
__scs_entry_jumppad:
0x0: {  	(pc) =	sbr.rel $0x88, $3  }
0x1: {  	(tag) =	ssettag $0x0;
	lr =	simm.s32 $0x1  }
0x2: {  	[smem:$0x3F8E] =	sst lr;
	_ =	strace $0xD0000000  }
0x3: {  	_ = 	snop  }
0x4: {  	_ = 	snop  }
0x5: {  	_ = 	snop  }
0x6: {  	_ = 	snop  }
0x7: {  	_ = 	snop  }
__scs_overlays_trampoline_lowered:
0x8: {  	[smem:$0x3F9D] =	sst s0  }
0x9: {  	[smem:$0x3F9E] =	sst s1  }
0xa: {  	[smem:$0x3F9F] =	sst s2  }
0xb: {  	[smem:$0x3FA0] =	sst s3  }
0xc: {  	[smem:$0x3FA1] =	sst s4  }
0xd: {  	[smem:$0x3FA2] =	sst s5  }
0xe: {  	[smem:$0x3FA3] =	sst s6  }
0xf: {  	[smem:$0x3FA4] =	sst s7  }
0x10: {  	[smem:$0x3FA5] =	sst s8  }
0x11: {  	[smem:$0x3FA6] =	sst s9;
	s0 =	simm.s32 @!p0 $0x0  }
0x12: {  	s1 =	sld [smem:$0x3F8C];
	s0 =	simm.s32 @p0 $0x1  }
0x13: {  	[smem:$0x3FA7] =	sst s0;
	s0 =	simm.s32 @!p1 $0x0  }
0x14: {  	s2 =	sld [smem:$0x3F8B];
	s0 =	simm.s32 @p1 $0x1  }
0x15: {  	[smem:$0x3FA8] =	sst s0;
	s0 =	simm.s32 @!p2 $0x0  }
0x16: {  	s3 =	sld [smem:$0x3FDB];
	s0 =	simm.s32 @p2 $0x1  }
0x17: {  	s4 =	simm.s32 $0x1BF5;
	[smem:$0x3FAA] =	sst s0  }
0x18: {  	s0 =	sld [smem:$0x3F8D];
	_ =	swait.ge [sflag:s4], $0x0  }
0x19: {  	s7 =	sld [smem:$0x3F8E]  }
0x1a: {  	s8 =	sadd.s32 $0xFFFFE003, lr  }
0x1b: {  	s9 =	sadd.s32 $0xFFFFFEF7, lr;
	s5 =	simm.s32 $0xFFFFFFFF;
	p2 =	slt.u32 s8, $0xFFFFF086  }
0x1c: {  	p1 =	slt.u32 s9, $0xF7A;
	s5 =	simm.s32 @!p2 $0x0  }
0x1d: {  	s5 =	simm.s32 @p1 $0x1;
	p0 =	seq.s32 s7, s2  }
0x1e: {  	s7 =	smul.u32 @!p0 $0xF7A, s2;
	p2 =	seq.s32 @!p0 s5, $0x0  }
0x1f: {  	s9 =	smul.u32 $0xF7A, s1;
	s8 =	simm.s32 @!p0 $0x1BF5;
	p2 =	por !p2, p0  }
0x20: {  	[sflag:s8] =	ssyncset.s32 @!p0 $0xFFFFF086;
	s6 =	sadd.s32 @!p0 s3, s7;
	s7 =	simm.s32 @!p0 $0x108  }
0x21: {  	s3 =	sadd.s32 s3, s9;
	s6 =	sadd.s32 @!p0 $0x88, s6;
	s7 =	simm.s32 @p2 $0x1082  }
0x22: {  	[simem:s7], [sflag:s8] =	dma.local @!p0 [hbm:s6], $0xF7A  }
0x23: {  	s9 =	sor.u32 $0xD0000000, s2;
	s6 =	simm.s32 $0x108;
	_ =	swait.ge @!p0 [sflag:s8], $0x0  }
0x24: {  	s3 =	sadd.s32 $0x88, s3;
	s6 =	simm.s32 @!p1 $0x1082;
	[sflag:s4] =	ssyncset.s32 $0xFFFFF086  }
0x25: {  	[simem:s6], [sflag:s4] =	dma.local [hbm:s3], $0xF7A  }
0x26: {  	[smem:$0x3F8E] =	sst s1;
	(tag) =	ssettag s2;
	_ =	strace s9  }
0x27: {  	s1 =	sld [smem:$0x3F9E]  }
0x28: {  	s2 =	sld [smem:$0x3F9F]  }
0x29: {  	s4 =	sld [smem:$0x3FA1]  }
0x2a: {  	p0 =	seq.s32 s5, $0x0;
	s5 =	sld [smem:$0x3FA2]  }
0x2b: {  	s6 =	sld [smem:$0x3FA3]  }
0x2c: {  	s7 =	sld [smem:$0x3FA4]  }
0x2d: {  	s3 =	simm.s32 $0x108;
	s8 =	sld [smem:$0x3FA5]  }
0x2e: {  	s3 =	simm.s32 @!p0 $0x1082;
	s9 =	sld [smem:$0x3FA6]  }
0x2f: {  	lr =	sadd.s32 s0, s3;
	s0 =	sld [smem:$0x3F9D]  }
0x30: {  	s3 =	sld [smem:$0x3FA0]  }
0x31: {  	[smem:$0x3FA9] =	sst s10  }
0x32: {  	s10 =	sld [smem:$0x3FA7];
	_ =	sdelay $0x3  }
0x33: {  	p0 =	seq.s32 s10, $0x1;
	s10 =	sld [smem:$0x3FA9];
	_ =	sdelay $0x3  }
0x34: {  	[smem:$0x3FA9] =	sst s10  }
0x35: {  	s10 =	sld [smem:$0x3FA8];
	_ =	sdelay $0x3  }
0x36: {  	p1 =	seq.s32 s10, $0x1;
	s10 =	sld [smem:$0x3FA9];
	_ =	sdelay $0x3  }
0x37: {  	[smem:$0x3FA9] =	sst s10  }
0x38: {  	s10 =	sld [smem:$0x3FAA]  }
0x39: {  	_ = 	snop;
	(pc) =	sbr.ind lr, $3  }
0x3a: {  	_ = 	snop  }
0x3b: {  	_ = 	snop  }
0x3c: {  	p2 =	seq.s32 s10, $0x1;
	s10 =	sld [smem:$0x3FA9]  }
0x3d: {  	_ =	shalt  }
0x3e: {  	_ =	shalt  }
0x3f: {  	_ =	shalt  }
0x40: {  	_ =	shalt  }
0x41: {  	_ =	shalt  }
0x42: {  	_ =	shalt  }
0x43: {  	_ =	shalt  }
0x44: {  	_ =	shalt  }
0x45: {  	_ =	shalt  }
0x46: {  	_ =	shalt  }
0x47: {  	_ =	shalt  }
0x48: {  	_ =	shalt  }
0x49: {  	_ =	shalt  }
0x4a: {  	_ =	shalt  }
0x4b: {  	_ =	shalt  }
0x4c: {  	_ =	shalt  }
0x4d: {  	_ =	shalt  }
0x4e: {  	_ =	shalt  }
0x4f: {  	_ =	shalt  }
0x50: {  	_ =	shalt  }
0x51: {  	_ =	shalt  }
0x52: {  	_ =	shalt  }
0x53: {  	_ =	shalt  }
0x54: {  	_ =	shalt  }
0x55: {  	_ =	shalt  }
0x56: {  	_ =	shalt  }
0x57: {  	_ =	shalt  }
0x58: {  	_ =	shalt  }
0x59: {  	_ =	shalt  }
0x5a: {  	_ =	shalt  }
0x5b: {  	_ =	shalt  }
0x5c: {  	_ =	shalt  }
0x5d: {  	_ =	shalt  }
0x5e: {  	_ =	shalt  }
0x5f: {  	_ =	shalt  }
0x60: {  	_ =	shalt  }
0x61: {  	_ =	shalt  }
0x62: {  	_ =	shalt  }
0x63: {  	_ =	shalt  }
0x64: {  	_ =	shalt  }
0x65: {  	_ =	shalt  }
0x66: {  	_ =	shalt  }
0x67: {  	_ =	shalt  }
0x68: {  	_ =	shalt  }
0x69: {  	_ =	shalt  }
0x6a: {  	_ =	shalt  }
0x6b: {  	_ =	shalt  }
0x6c: {  	_ =	shalt  }
0x6d: {  	_ =	shalt  }
0x6e: {  	_ =	shalt  }
0x6f: {  	_ =	shalt  }
0x70: {  	_ =	shalt  }
0x71: {  	_ =	shalt  }
0x72: {  	_ =	shalt  }
0x73: {  	_ =	shalt  }
0x74: {  	_ =	shalt  }
0x75: {  	_ =	shalt  }
0x76: {  	_ =	shalt  }
0x77: {  	_ =	shalt  }
0x78: {  	_ =	shalt  }
0x79: {  	_ =	shalt  }
0x7a: {  	_ =	shalt  }
0x7b: {  	_ =	shalt  }
0x7c: {  	_ =	shalt  }
0x7d: {  	_ =	shalt  }
0x7e: {  	_ =	shalt  }
0x7f: {  	_ =	shalt  }
0x80: {  	_ =	shalt  }
0x81: {  	_ =	shalt  }
0x82: {  	_ =	shalt  }
0x83: {  	_ =	shalt  }
0x84: {  	_ =	shalt  }
0x85: {  	_ =	shalt  }
0x86: {  	_ =	shalt  }
0x87: {  	_ =	shalt  }
.Lfunc_end0:
.L_simem_size_0:
called_computation.1_lowered:
.L_overlay_start_0:
0x88: {  	s2 =	sld [smem:$0x3FD9]  }
0x89: {  	s3 =	sld [smem:$0x3FFE];
	_ =	sdelay $0x1  }
0x8a: {  	s1 =	srdreg.scid  }
0x8b: {  	s0 =	sand.u32 $0x1, s1  }
0x8c: {  	s11 =	sshll.u32 s0, $0xA;
	s2 =	sadd.s32 s3, s2  }
0x8d: {  	s2 =	sadd.s32 s2, s11  }
0x8e: {  	[smem:$0x3FB5] =	sst s2  }
0x8f: {  	_ = 	snop  }
0x90: {  	s12 =	sld [smem:$0x3FD0];
	(tm) =	ssettm $0x1  }
0x91: {  	s13 =	sld [smem:$0x3FFB];
	_ =	sdelay $0x3  }
0x92: {  	_ =	strace s13  }
0x93: {  	s2 =	sld [smem:$0x3FFC];
	_ =	sdelay $0x3  }
0x94: {  	_ =	strace s2  }
0x95: {  	s2 =	sld [smem:$0x3FFD];
	_ =	sdelay $0x3  }
0x96: {  	_ =	strace s2  }
0x97: {  	_ =	strace $0x8FFFFFFF  }
0x98: {  	s14 =	sld [smem:$0x3FDB];
	_ =	sdelay $0x1  }
0x99: {  	s4 =	simm.s32 $_scs_section_size  }
0x9a: {  	s5 =	simm.s32 $_size__tile_task_arg_handler_lowered;
	s6 =	simm.s32 $_tile_task_arg_handler_lowered  }
0x9b: {  	s17 =	simm.s32 $0x1BFF;
	s16 =	sshll.u32 s6, $0x1;
	s4 =	sadd.s32 s4, s14  }
0x9c: {  	s7 =	simm.s32 $0x60;
	s15 =	sshll.u32 s5, $0x1;
	s5 =	sadd.s32 s16, s4  }
0x9d: {  	[timem:s7], [sflag:s17] =	dma.local [hbm:s5], s15  }
0x9e: {  	_ =	swait.ge [sflag:s17], s15  }
0x9f: {  	s18 =	simm.s32 $_tile_overlayer_lowered;
	s2 =	ssub.s32 $0x0, s15;
	[sflag:s17] =	ssyncset.done $0x0  }
0xa0: {  	s19 =	simm.s32 $_size__tile_overlayer_lowered;
	s5 =	sshll.u32 s18, $0x1;
	[sflag:s17] =	ssyncadd.s32 s2  }
0xa1: {  	s21 =	simm.s32 $0x0;
	s20 =	sshll.u32 s19, $0x1;
	s5 =	sadd.s32 s5, s4  }
0xa2: {  	[timem:s21], [sflag:s17] =	dma.local [hbm:s5], s20  }
0xa3: {  	_ =	swait.ge [sflag:s17], s20  }
0xa4: {  	s22 =	ssub.s32 $0x0, s20;
	[sflag:s17] =	ssyncset.done $0x0  }
0xa5: {  	[sflag:s17] =	ssyncadd.s32 s22;
	_ =	sdelay $0x1  }
0xa6: {  	s23 =	simm.s32 $0x1B8B  }
0xa7: {  	_ =	swait.ge [sflag:s23], $0x1  }
0xa8: {  	[sflag:s23] =	ssyncset.done $0x0  }
0xa9: {  	s25 =	simm.s32 $0x1B8E;
	s24 =	sld [smem:$0x3FFE];
	[sflag:s23] =	ssyncadd.s32 $0xFFFFFFFF  }
0xaa: {  	s26 =	simm.s32 $execute0_lowered;
	[smem:$0x3FD2] =	sst s25  }
0xab: {  	s6 =	sshll.u32 s26, $0x1;
	_ =	strace $0x80000049;
	[dreg:$0x1] =	wrdreg $0xFFFFFFFF  }
0xac: {  	s28 =	simm.s32 $_size_execute0_lowered;
	s4 =	sadd.s32 s4, s6;
	[dreg:$0x0] =	wrdreg $0x0  }
0xad: {  	s6 =	sshll.u32 s28, $0x1;
	[dreg:$0x2] =	wrdreg s4  }
0xae: {  	[dreg:$0x3] =	wrdreg s6  }
0xaf: {  	[dreg:$0x4] =	wrdreg $0xC0  }
0xb0: {  	_ =	task [dreg:s21], $0x5FFFF  }
0xb1: {  	[dreg:$0x1] =	wrdreg $0xFFFFFFFF  }
0xb2: {  	[dreg:$0x0] =	wrdreg $0x30  }
0xb3: {  	[dreg:$0x2] =	wrdreg $0x0  }
0xb4: {  	[dreg:$0x3] =	wrdreg $0x181800  }
0xb5: {  	[dreg:$0x4] =	wrdreg $0x9  }
0xb6: {  	_ =	task [dreg:s21], $0x5FFFF  }
0xb7: {  	[dreg:$0x1] =	wrdreg $0xFFFFFFFF  }
0xb8: {  	[dreg:$0x0] =	wrdreg $0x60  }
0xb9: {  	[dreg:$0x2] =	wrdreg s24  }
0xba: {  	[dreg:$0x3] =	wrdreg s12  }
0xbb: {  	[dreg:$0x4] =	wrdreg $0x3A000  }
0xbc: {  	[dreg:$0x5] =	wrdreg $0x26000  }
0xbd: {  	[dreg:$0x6] =	wrdreg $0x30000  }
0xbe: {  	[dreg:$0x7] =	wrdreg $0x17A000  }
0xbf: {  	[dreg:$0x8] =	wrdreg $0x28800  }
0xc0: {  	[dreg:$0x9] =	wrdreg $0x32800  }
0xc1: {  	[dreg:$0xa] =	wrdreg $0x17C800  }
0xc2: {  	[dreg:$0xb] =	wrdreg $0x2B000  }
0xc3: {  	[dreg:$0xc] =	wrdreg $0x35000  }
0xc4: {  	[dreg:$0xd] =	wrdreg $0x17F000  }
0xc5: {  	[dreg:$0xe] =	wrdreg $0x2D800  }
0xc6: {  	[dreg:$0xf] =	wrdreg $0x37800  }
0xc7: {  	_ =	task.clear_ibuf [dreg:s21], $0x10FFFF;
	_ =	strace $0x90000049  }
0xc8: {  	s29 =	simm.s32 $0x9;
	_ =	strace $0x8000004B  }
0xc9: {  	_ =	swait.ge [sflag:s29], $0x1  }
0xca: {  	[sflag:s29] =	ssyncadd.s32 $0xFFFFFFFF  }
0xcb: {  	_ =	strace $0x9000004B  }
0xcc: {  	_ =	sfence  }
0xcd: {  	s30 =	sld [smem:$0x0];
	_ =	sdelay $0x2  }
0xce: {  	s31 =	sshll.u32 s1, $0xD;
	s1 =	sshrl.u32 s1, $0x2  }
0xcf: {  	s4 =	sand.u32 $0x4000, s31;
	s1 =	sadd.s32 s1, s30  }
0xd0: {  	s0 =	sor.u32 s4, s0;
	s1 =	sshll.u32 s1, $0x11  }
0xd1: {  	s0 =	sor.u32 s1, s0  }
0xd2: {  	s0 =	sadd.s32 $0x8F2B, s0  }
0xd3: {  	[sflag:s0] =	ssyncadd.remote.s32 $0x1  }
0xd4: {  	_ =	sfence.sel $0xFFFF  }
0xd5: {  	[dreg:$0x0] =	wrdreg $0xFFFFFFFF;
	(pc) =	sbr.abs _section_cstart, $3  }
0xd6: {  	[dreg:$0x1] =	wrdreg $0xFFFFFFFF  }
0xd7: {  	_ =	task.clear_ibuf [dreg:s21], $0x2FFFF;
	_ =	strace $0x9FFFFFFF  }
0xd8: {  	(tm) =	ssettm $0x7FFFFFFF  }
0xd9: {  	_ =	shalt  }
tec
_tile_task_arg_handler_lowered:
.L_overlay_start_1:
0x0: {  	(tag) =	ssettag $0x1  }
0x1: {  	s0 =	rddreg [dreg:$0x0]  }
0x2: {  	s1 =	rddreg [dreg:$0x1]  }
0x3: {  	s2 =	rddreg [dreg:$0x2]  }
0x4: {  	s3 =	rddreg [dreg:$0x3]  }
0x5: {  	s4 =	rddreg [dreg:$0x4]  }
0x6: {  	s5 =	rddreg [dreg:$0x5]  }
0x7: {  	s6 =	rddreg [dreg:$0x6]  }
0x8: {  	s7 =	rddreg [dreg:$0x7]  }
0x9: {  	s8 =	rddreg [dreg:$0x8]  }
0xa: {  	s9 =	rddreg [dreg:$0x9]  }
0xb: {  	s10 =	rddreg [dreg:$0xa]  }
0xc: {  	s11 =	rddreg [dreg:$0xb]  }
0xd: {  	s12 =	rddreg [dreg:$0xc]  }
0xe: {  	s13 =	rddreg [dreg:$0xd]  }
0xf: {  	[smem:s0] =	sst s1  }
0x10: {  	[smem:s0+$0x1] =	sst s2  }
0x11: {  	[smem:s0+$0x2] =	sst s3  }
0x12: {  	[smem:s0+$0x3] =	sst s4  }
0x13: {  	[smem:s0+$0x4] =	sst s5  }
0x14: {  	[smem:s0+$0x5] =	sst s6  }
0x15: {  	[smem:s0+$0x6] =	sst s7  }
0x16: {  	[smem:s0+$0x7] =	sst s8  }
0x17: {  	[smem:s0+$0x8] =	sst s9  }
0x18: {  	[smem:s0+$0x9] =	sst s10  }
0x19: {  	[smem:s0+$0xA] =	sst s11  }
0x1a: {  	[smem:s0+$0xB] =	sst s12  }
0x1b: {  	[smem:s0+$0xC] =	sst s13;
	_ =	shalt  }
.Lfunc_end2:
execute0_lowered:
.L_overlay_start_2:
0x1c: {  	(tag) =	ssettag $0x2  }
0x1d: {  	s0 =	rddreg [dreg:$0x0]  }
0x1e: {  	s15 =	rddreg [dreg:$0x2]  }
0x1f: {  	s9 =	rddreg [dreg:$0x3]  }
0x20: {  	s10 =	rddreg [dreg:$0x4]  }
0x21: {  	s11 =	rddreg [dreg:$0x5]  }
0x22: {  	s12 =	rddreg [dreg:$0x6]  }
0x23: {  	s13 =	rddreg [dreg:$0x7]  }
0x24: {  	s14 =	rddreg [dreg:$0x8]  }
0x25: {  	s16 =	rddreg [dreg:$0x9]  }
0x26: {  	s18 =	rddreg [dreg:$0xa];
	s1 =	srdreg.scid  }
0x27: {  	s19 =	rddreg [dreg:$0xb];
	s17 =	stileid.u32  }
0x28: {  	s20 =	rddreg [dreg:$0xc];
	s5 =	simm.s32 $0x0;
	s4 =	simm.s32 $0x0  }
0x29: {  	s29 =	simm.s32 $0x1;
	s31 =	simm.s32 $0x400;
	s3 =	smul.u32 $0x14000, s17  }
0x2a: {  	s1 =	sand.u32 $0x1, s1;
	[dreg:$0xe] =	wrdreg s4;
	s21 =	smul.u32 $0xA00, s17  }
0x2b: {  	[smem:$0x7FF] =	sst s5;
	s5 =	sadd.s32 $0x54600, s0;
	s8 =	sadd.s32 $0x55A00, s0  }
0x2c: {  	s28 =	sadd.s32 $0x18600, s0;
	s2 =	smul.u32 $0x140000, s1;
	s4 =	sshrl.u32 s21, $0x3  }
0x2d: {  	s6 =	smul.u32 $0xA000, s1;
	s7 =	ssub.s32 $0x2, s1;
	s23 =	sadd.s32 s5, s4  }
0x2e: {  	s22 =	sshrl.u32 s7, $0x1;
	s24 =	sadd.s32 s8, s4;
	[dreg:$0xf] =	wrdreg s23  }
0x2f: {  	s2 =	sadd.s32 s3, s2;
	s25 =	sor.u32 $0x10, s4;
	[dreg:$0x10] =	wrdreg s24  }
0x30: {  	s6 =	sadd.s32 s21, s6;
	s21 =	sadd.s32 s5, s25;
	s23 =	sld [smem:$0x0]  }
0x31: {  	s3 =	ssub.s32 s7, s22;
	s7 =	sadd.s32 s8, s25;
	[dreg:$0x11] =	wrdreg s21  }
0x32: {  	s1 =	sshll.u32 s1, $0x4;
	s26 =	sor.u32 $0x20, s4;
	[dreg:$0x12] =	wrdreg s7  }
0x33: {  	s4 =	sor.u32 $0x30, s4;
	s22 =	sadd.s32 s5, s26;
	s21 =	rddreg [dreg:$0xd]  }
0x34: {  	s1 =	sor.u32 s17, s1;
	s5 =	sadd.s32 s5, s4;
	[dreg:$0x14] =	wrdreg s22  }
0x35: {  	s4 =	sadd.s32 s8, s4;
	s2 =	sshrl.u32 s2, $0x3;
	[dreg:$0x16] =	wrdreg s5  }
0x36: {  	s25 =	sadd.s32 $0x2C600, s0;
	s7 =	sadd.s32 s8, s26;
	[dreg:$0x17] =	wrdreg s4  }
0x37: {  	s24 =	smul.u32 $0x280, s17;
	s2 =	sadd.s32 s2, s0;
	[dreg:$0x15] =	wrdreg s7  }
0x38: {  	s8 =	sshrl.u32 s6, $0x3;
	s26 =	sadd.s32 $0x4600, s0;
	s7 =	sld [smem:$0x1]  }
0x39: {  	s22 =	smul.u32 $0x50000, s17;
	s4 =	sadd.s32 s8, s0;
	s0 =	sadd.s32 $0x56E00, s0  }
0x3a: {  	s8 =	sshll.u32 s17, $0x6;
	s6 =	sadd.s32 s24, s9;
	s11 =	sadd.s32 s24, s11  }
0x3b: {  	s9 =	sadd.s32 s24, s13;
	s17 =	sadd.s32 s24, s14;
	[dreg:$0x13] =	wrdreg s7  }
0x3c: {  	s19 =	sadd.s32 s24, s19;
	_ =	strace $0x8000004A;
	[dreg:$0x18] =	wrdreg s0  }
0x3d: {  	s13 =	sadd.s32 s24, s21;
	s14 =	smul.u32 $0x2780, s1;
	[dreg:$0x19] =	wrdreg s11  }
0x3e: {  	s30 =	sor.u32 $0x1C03, s8;
	s8 =	sadd.s32 s24, s12;
	[dreg:$0x1a] =	wrdreg s17  }
0x3f: {  	s12 =	sadd.s32 s24, s20;
	s5 =	sadd.s32 s24, s23;
	[dreg:$0x1b] =	wrdreg s19  }
0x40: {  	s6 =	sshrl.u32 s6, $0x3;
	s7 =	sadd.s32 s24, s10;
	[dreg:$0x1c] =	wrdreg s5  }
0x41: {  	s10 =	sadd.s32 s24, s16;
	s16 =	sshrl.u32 s8, $0x3;
	[smem:$0x7F6] =	sst s6  }
0x42: {  	s0 =	sshrl.u32 s22, $0x2;
	s22 =	sadd.s32 $0x59600, s2;
	[smem:$0x7F8] =	sst s16  }
0x43: {  	s11 =	sadd.s32 s24, s18;
	s24 =	sadd.s32 $0xA9600, s4;
	[dreg:$0x1e] =	wrdreg s22  }
0x44: {  	s17 =	smul.u32 $0x5000, s1;
	s1 =	sadd.s32 $0xA9610, s4;
	[dreg:$0x1f] =	wrdreg s24  }
0x45: {  	s18 =	smov.u32 s15;
	s2 =	sadd.s32 $0xA9620, s4;
	[smem:$0x7F2] =	sst s1  }
0x46: {  	s4 =	sadd.s32 $0xA9630, s4;
	s5 =	smax.u32 s3, $0x1;
	[smem:$0x7F3] =	sst s2  }
0x47: {  	s19 =	sshrl.u32 s9, $0x3;
	s20 =	sshrl.u32 s10, $0x3;
	[smem:$0x7F4] =	sst s4  }
0x48: {  	s9 =	simm.s32 $0x3;
	s16 =	simm.s32 $0x500;
	[smem:$0x7F5] =	sst s5  }
0x49: {  	s3 =	simm.s32 $0x2500;
	s6 =	simm.s32 $0x25C0;
	[smem:$0x7F9] =	sst s19  }
0x4a: {  	s0 =	sadd.s32 s0, s15;
	s15 =	sshrl.u32 s7, $0x3;
	[smem:$0x7FA] =	sst s20  }
0x4b: {  	s21 =	sshrl.u32 s11, $0x3;
	s22 =	sshrl.u32 s12, $0x3;
	s24 =	sshrl.u32 s13, $0x3  }
0x4c: {  	s11 =	simm.s32 $0x10;
	s19 =	simm.s32 $0x40;
	[dreg:$0x1d] =	wrdreg s0  }
0x4d: {  	s20 =	simm.s32 $0x100;
	s13 =	simm.s32 $0x280;
	[smem:$0x7F7] =	sst s15  }
0x4e: {  	s1 =	simm.s32 $0x480;
	s2 =	simm.s32 $0x2;
	[smem:$0x7FB] =	sst s21  }
0x4f: {  	s4 =	simm.s32 $0x2540;
	s5 =	simm.s32 $0x2580;
	[smem:$0x7FC] =	sst s22  }
0x50: {  	[smem:$0x7FD] =	sst s24;
	s15 =	simm.s32 $0x80;
	s21 =	simm.s32 $0x300  }
0x51: {  	s22 =	simm.s32 $0x180;
	s24 =	simm.s32 $0x380;
	s0 =	simm.s32 $0x200  }
.LBB3_1:
0x52: {  	s8 =	sld [smem:$0x7F6];
	_ =	sdelay $0x1  }
0x53: {  	s7 =	rddreg [dreg:$0xf]  }
0x54: {  	[spmem:s8@s11], [sflag:s30] =	dma.strided [hbm:s7@s19], $0x50, s29, $0x10   }
0x55: {  	_ =	swait.ge [sflag:s9], $0x50  }
0x56: {  	s12 =	sld [smem:$0x7F7]  }
0x57: {  	[sflag:s9] =	ssyncset.done $0x0  }
0x58: {  	s10 =	rddreg [dreg:$0x10];
	[sflag:s9] =	ssyncadd.s32 $0xFFFFFFB0  }
0x59: {  	[spmem:s12@s11], [sflag:s30] =	dma.strided [hbm:s10@s19], $0x50, s29, $0x10   }
0x5a: {  	_ =	swait.ge [sflag:s9], $0x50  }
0x5b: {  	[sflag:s9] =	ssyncset.done $0x0  }
0x5c: {  	s8 =	rddreg [dreg:$0x19];
	[sflag:s9] =	ssyncadd.s32 $0xFFFFFFB0  }
0x5d: {  	s10 =	sshrl.u32 s8, $0x3;
	s7 =	rddreg [dreg:$0x1]  }
0x5e: {  	[smem:$0x7ED] =	sst s10  }
0x5f: {  	[spmem:s10], [sflag:s30] =	dma.local [hbm:s7], $0x50  }
0x60: {  	_ =	swait.ge [sflag:s9], $0x50  }
0x61: {  	s10 =	sld [smem:$0x7F8]  }
0x62: {  	[sflag:s9] =	ssyncset.done $0x0  }
0x63: {  	s12 =	rddreg [dreg:$0x11];
	[sflag:s9] =	ssyncadd.s32 $0xFFFFFFB0  }
0x64: {  	[spmem:s10@s11], [sflag:s30] =	dma.strided [hbm:s12@s19], $0x50, s29, $0x10   }
0x65: {  	_ =	swait.ge [sflag:s9], $0x50  }
0x66: {  	s12 =	sld [smem:$0x7F9]  }
0x67: {  	[sflag:s9] =	ssyncset.done $0x0  }
0x68: {  	s10 =	rddreg [dreg:$0x12];
	[sflag:s9] =	ssyncadd.s32 $0xFFFFFFB0  }
0x69: {  	[spmem:s12@s11], [sflag:s30] =	dma.strided [hbm:s10@s19], $0x50, s29, $0x10   }
0x6a: {  	_ =	swait.ge [sflag:s9], $0x50  }
0x6b: {  	s12 =	rddreg [dreg:$0x1a]  }
0x6c: {  	[sflag:s9] =	ssyncset.done $0x0;
	s8 =	sshrl.u32 s12, $0x3  }
0x6d: {  	[sflag:s9] =	ssyncadd.s32 $0xFFFFFFB0;
	[smem:$0x7EE] =	sst s8  }
0x6e: {  	[spmem:s8], [sflag:s30] =	dma.local [hbm:s7], $0x50  }
0x6f: {  	_ =	swait.ge [sflag:s9], $0x50  }
0x70: {  	s12 =	sld [smem:$0x7FA]  }
0x71: {  	[sflag:s9] =	ssyncset.done $0x0  }
0x72: {  	s10 =	rddreg [dreg:$0x14];
	[sflag:s9] =	ssyncadd.s32 $0xFFFFFFB0  }
0x73: {  	[spmem:s12@s11], [sflag:s30] =	dma.strided [hbm:s10@s19], $0x50, s29, $0x10   }
0x74: {  	_ =	swait.ge [sflag:s9], $0x50  }
0x75: {  	s12 =	sld [smem:$0x7FB]  }
0x76: {  	[sflag:s9] =	ssyncset.done $0x0  }
0x77: {  	s10 =	rddreg [dreg:$0x15];
	[sflag:s9] =	ssyncadd.s32 $0xFFFFFFB0  }
0x78: {  	[spmem:s12@s11], [sflag:s30] =	dma.strided [hbm:s10@s19], $0x50, s29, $0x10   }
0x79: {  	_ =	swait.ge [sflag:s9], $0x50  }
0x7a: {  	s12 =	rddreg [dreg:$0x1b]  }
0x7b: {  	[sflag:s9] =	ssyncset.done $0x0;
	s8 =	sshrl.u32 s12, $0x3  }
0x7c: {  	[sflag:s9] =	ssyncadd.s32 $0xFFFFFFB0;
	[smem:$0x7EF] =	sst s8  }
0x7d: {  	[spmem:s8], [sflag:s30] =	dma.local [hbm:s7], $0x50  }
0x7e: {  	_ =	swait.ge [sflag:s9], $0x50  }
0x7f: {  	s12 =	sld [smem:$0x7FC]  }
0x80: {  	[sflag:s9] =	ssyncset.done $0x0  }
0x81: {  	s10 =	rddreg [dreg:$0x16];
	[sflag:s9] =	ssyncadd.s32 $0xFFFFFFB0  }
0x82: {  	[spmem:s12@s11], [sflag:s30] =	dma.strided [hbm:s10@s19], $0x50, s29, $0x10   }
0x83: {  	_ =	swait.ge [sflag:s9], $0x50  }
0x84: {  	s12 =	sld [smem:$0x7FD]  }
0x85: {  	[sflag:s9] =	ssyncset.done $0x0  }
0x86: {  	s10 =	rddreg [dreg:$0x17];
	[sflag:s9] =	ssyncadd.s32 $0xFFFFFFB0  }
0x87: {  	[spmem:s12@s11], [sflag:s30] =	dma.strided [hbm:s10@s19], $0x50, s29, $0x10   }
0x88: {  	_ =	swait.ge [sflag:s9], $0x50  }
0x89: {  	s12 =	rddreg [dreg:$0x1c]  }
0x8a: {  	[sflag:s9] =	ssyncset.done $0x0;
	s8 =	sshrl.u32 s12, $0x3  }
0x8b: {  	[sflag:s9] =	ssyncadd.s32 $0xFFFFFFB0;
	[smem:$0x7F0] =	sst s8  }
0x8c: {  	[spmem:s8], [sflag:s30] =	dma.local [hbm:s7], $0x50  }
0x8d: {  	_ =	swait.ge [sflag:s9], $0x50  }
0x8e: {  	s10 =	rddreg [dreg:$0x1d]  }
0x8f: {  	[sflag:s9] =	ssyncset.done $0x0;
	s12 =	rddreg [dreg:$0x18];
	s11 =	sshrl.u32 s10, $0x3  }
0x90: {  	[sflag:s9] =	ssyncadd.s32 $0xFFFFFFB0;
	[smem:$0x7F1] =	sst s11  }
0x91: {  	[spmem:s11], [sflag:s30] =	dma.local [hbm:s12], $0x2800  }
0x92: {  	_ =	swait.ge [sflag:s9], $0x2800  }
0x93: {  	[sflag:s9] =	ssyncset.done $0x0  }
0x94: {  	[sflag:s9] =	ssyncadd.s32 $0xFFFFD800  }
0x95: {  	s7 =	simm.s32 $0x0;
	[bflag:$0x0] =	sbarrier.arrive $0xFFFF  }
.LBB3_2:
0x96: {  	s8 =	sshll.u32 s7, $0x7  }
0x97: {  	s10 =	sand.u32 $0x7C00, s8  }
0x98: {  	s8 =	sand.u32 $0x380, s8;
	s10 =	sadd.s32 s17, s10  }
0x99: {  	s8 =	sor.u32 s8, s10  }
0x9a: {  	s10 =	sshrl.u32 s8, $0x3  }
0x9b: {  	s8 =	simm.s32 $0x0;
	s11 =	sadd.s32 s26, s10  }
0x9c: {  	[tilespmem:s8], [sflag:$0x1] =	stream.linear.gather [hbm4b:s11+s8], $0x80, $0x38;
	[tilespmem:$0x18400] =	vst v63  }
0x9d: {  	s10 =	sadd.s32 s28, s10  }
0x9e: {  	[tilespmem:s15], [sflag:$0x1] =	stream.linear.gather [hbm4b:s10+s8], $0x80, $0x38;
	[tilespmem:$0x18400] =	vst v63  }
0x9f: {  	_ =	swait.ge [sflag:s29], $0x80  }
0xa0: {  	[sflag:s29] =	ssyncset.done $0x0  }
0xa1: {  	[sflag:s29] =	ssyncadd.s32 $0xFFFFFF80  }
0xa2: {  	_ =	swait.ge [sflag:s29], $0x80  }
0xa3: {  	[sflag:s29] =	ssyncset.done $0x0  }
0xa4: {  	[sflag:s29] =	ssyncadd.s32 $0xFFFFFF80  }
0xa5: {  	[tilespmem:s16], [sflag:$0x2] =	stream.indirect.gather [hbm4b:s25+s19], $0x80, s8, s19, $0xb8;
	[tilespmem:$0x18400] =	vst v63  }
0xa6: {  	s11 =	rddreg [dreg:$0x3]  }
0xa7: {  	[tilespmem:s20], [sflag:$0x1] =	stream.indirect.gather [spmem:s11], $0x1, s8, s19, $0xb8;
	[tilespmem:$0x18400] =	vst v63  }
0xa8: {  	s12 =	rddreg [dreg:$0x4]  }
0xa9: {  	[tilespmem:s21], [sflag:$0x1] =	stream.indirect.gather [spmem:s12], $0x1, s15, s19, $0xb8;
	[tilespmem:$0x18400] =	vst v63  }
0xaa: {  	_ =	swait.ge [sflag:s29], $0x40  }
0xab: {  	[sflag:s29] =	ssyncset.done $0x0  }
0xac: {  	[sflag:s29] =	ssyncadd.s32 $0xFFFFFFC0  }
0xad: {  	_ =	swait.ge [sflag:s29], $0x40  }
0xae: {  	[sflag:s29] =	ssyncset.done $0x0  }
0xaf: {  	[sflag:s29] =	ssyncadd.s32 $0xFFFFFFC0  }
0xb0: {  	s11 =	rddreg [dreg:$0x6]  }
0xb1: {  	[tilespmem:s22], [sflag:$0x1] =	stream.indirect.gather [spmem:s11], $0x1, s8, s19, $0xb8;
	[tilespmem:$0x18400] =	vst v63  }
0xb2: {  	s12 =	rddreg [dreg:$0x7]  }
0xb3: {  	[tilespmem:s24], [sflag:$0x1] =	stream.indirect.gather [spmem:s12], $0x1, s15, s19, $0xb8;
	[tilespmem:$0x18400] =	vst v63  }
0xb4: {  	_ =	swait.ge [sflag:s29], $0x40  }
0xb5: {  	[sflag:s29] =	ssyncset.done $0x0  }
0xb6: {  	[sflag:s29] =	ssyncadd.s32 $0xFFFFFFC0  }
0xb7: {  	_ =	swait.ge [sflag:s29], $0x40  }
0xb8: {  	[sflag:s29] =	ssyncset.done $0x0  }
0xb9: {  	[sflag:s29] =	ssyncadd.s32 $0xFFFFFFC0  }
0xba: {  	s11 =	rddreg [dreg:$0x9]  }
0xbb: {  	[tilespmem:s0], [sflag:$0x1] =	stream.indirect.gather [spmem:s11], $0x1, s8, s19, $0xb8;
	[tilespmem:$0x18400] =	vst v63  }
0xbc: {  	s12 =	rddreg [dreg:$0xa]  }
0xbd: {  	[tilespmem:s31], [sflag:$0x1] =	stream.indirect.gather [spmem:s12], $0x1, s15, s19, $0xb8;
	[tilespmem:$0x18400] =	vst v63  }
0xbe: {  	_ =	swait.ge [sflag:s29], $0x40  }
0xbf: {  	[sflag:s29] =	ssyncset.done $0x0  }
0xc0: {  	[sflag:s29] =	ssyncadd.s32 $0xFFFFFFC0  }
0xc1: {  	_ =	swait.ge [sflag:s29], $0x40  }
0xc2: {  	[sflag:s29] =	ssyncset.done $0x0  }
0xc3: {  	[sflag:s29] =	ssyncadd.s32 $0xFFFFFFC0  }
0xc4: {  	s11 =	rddreg [dreg:$0xc]  }
0xc5: {  	[tilespmem:s13], [sflag:$0x1] =	stream.indirect.gather [spmem:s11], $0x1, s8, s19, $0xb8;
	[tilespmem:$0x18400] =	vst v63  }
0xc6: {  	s12 =	rddreg [dreg:$0xd]  }
0xc7: {  	[tilespmem:s1], [sflag:$0x1] =	stream.indirect.gather [spmem:s12], $0x1, s15, s19, $0xb8;
	[tilespmem:$0x18400] =	vst v63  }
0xc8: {  	_ =	swait.ge [sflag:s29], $0x40  }
0xc9: {  	[sflag:s29] =	ssyncset.done $0x0  }
0xca: {  	[sflag:s29] =	ssyncadd.s32 $0xFFFFFFC0  }
0xcb: {  	_ =	swait.ge [sflag:s29], $0x40  }
0xcc: {  	[sflag:s29] =	ssyncset.done $0x0  }
0xcd: {  	[sflag:s29] =	ssyncadd.s32 $0xFFFFFFC0  }
0xce: {  	v0 =	vld [tilespmem:$0x100]  }
0xcf: {  	v1 =	vld [tilespmem:$0x300]  }
0xd0: {  	v2 =	vld [tilespmem:$0x180]  }
0xd1: {  	v3 =	vld [tilespmem:$0x380]  }
0xd2: {  	v4 =	vld [tilespmem:$0x200]  }
0xd3: {  	v5 =	vld [tilespmem:$0x400]  }
0xd4: {  	v6 =	vld [tilespmem:$0x280]  }
0xd5: {  	v7 =	vld [tilespmem:$0x110]  }
0xd6: {  	v9 =	vld [tilespmem:$0x310];
	v0 =	vadd.f32 v1, v0  }
0xd7: {  	v22 =	vld [tilespmem:$0x390]  }
0xd8: {  	v1 =	vld [tilespmem:$0x480];
	v8 =	vmul.f32 $2.000000030e-01, v0  }
0xd9: {  	v10 =	vld [tilespmem:$0x210];
	v2 =	vadd.f32 v3, v2  }
0xda: {  	v12 =	vld [tilespmem:$0x410];
	v4 =	vadd.f32 v5, v4;
	v0 =	vmax.f32 v0, v8  }
0xdb: {  	v3 =	vld [tilespmem:$0x190];
	v23 =	vmul.f32 $2.000000030e-01, v2;
	v0 =	vmul.f32 $1.442695020e+00, v0  }
0xdc: {  	v25 =	vld [tilespmem:$0x490];
	v11 =	vmul.f32 $2.000000030e-01, v4  }
0xdd: {  	v27 =	vld [tilespmem:$0x120];
	v1 =	vadd.f32 v1, v6;
	(erf) = vpow2.f32 v0;
	v0 =	vmax.f32 v2, v23  }
0xde: {  	v28 =	vld [tilespmem:$0x320];
	v24 =	vadd.f32 v9, v7;
	v0 =	vmul.f32 $1.442695020e+00, v0  }
0xdf: {  	v29 =	vld [tilespmem:$0x1A0];
	v4 =	vmax.f32 v4, v11;
	v26 =	vmul.f32 $2.000000030e-01, v1  }
0xe0: {  	v3 =	vadd.f32 v22, v3;
	v2 =	vld [tilespmem:$0x290];
	(erf) = vpow2.f32 v0;
	v0 =	vmul.f32 $2.000000030e-01, v24  }
0xe1: {  	v31 =	vld [tilespmem:$0x3A0];
	v30 =	vadd.f32 v12, v10;
	v4 =	vmul.f32 $1.442695020e+00, v4;
	v1 =	vmax.f32 v1, v26  }
0xe2: {  	v33 =	vld [tilespmem:$0x220];
	v32 =	vmul.f32 $2.000000030e-01, v3;
	v1 =	vmul.f32 $1.442695020e+00, v1;
	v0 =	vmax.f32 v24, v0  }
0xe3: {  	v34 =	vld [tilespmem:$0x420];
	(erf) = vpow2.f32 v4;
	v0 =	vmul.f32 $1.442695020e+00, v0  }
0xe4: {  	v36 =	vld [tilespmem:$0x4A0];
	(erf) = vpow2.f32 v1;
	v1 =	vmul.f32 $2.000000030e-01, v30  }
0xe5: {  	v38 =	vld [tilespmem:$0x130];
	v2 =	vadd.f32 v25, v2;
	(erf) = vpow2.f32 v0;
	v0 =	vmax.f32 v3, v32  }
0xe6: {  	v35 =	vadd.f32 v28, v27;
	v1 =	vmax.f32 v30, v1;
	v3 =	vld [tilespmem:$0x2A0];
	v0 =	vmul.f32 $1.442695020e+00, v0  }
0xe7: {  	v39 =	vld [tilespmem:$0x330];
	v4 =	vadd.f32 v31, v29;
	v37 =	vmul.f32 $2.000000030e-01, v2;
	v1 =	vmul.f32 $1.442695020e+00, v1  }
0xe8: {  	v42 =	vld [tilespmem:$0x3B0];
	v41 =	vadd.f32 v34, v33;
	(erf) = vpow2.f32 v0;
	v0 =	vmul.f32 $2.000000030e-01, v35  }
0xe9: {  	v43 =	vld [tilespmem:$0x230];
	v40 =	vmul.f32 $2.000000030e-01, v4;
	(erf) = vpow2.f32 v1;
	v1 =	vmax.f32 v2, v37  }
0xea: {  	v45 =	vld [tilespmem:$0x430];
	v44 =	vmul.f32 $2.000000030e-01, v41;
	v0 =	vmax.f32 v35, v0;
	v1 =	vmul.f32 $1.442695020e+00, v1  }
0xeb: {  	v4 =	vmax.f32 v4, v40;
	v2 =	vld [tilespmem:$0x1B0];
	v3 =	vadd.f32 v36, v3;
	v0 =	vmul.f32 $1.442695020e+00, v0  }
0xec: {  	v46 =	vld [tilespmem:$0x2B0];
	(erf) = vpow2.f32 v1;
	v1 =	vmul.f32 $1.442695020e+00, v4  }
0xed: {  	v48 =	vld [tilespmem:$0x4B0];
	v47 =	vmul.f32 $2.000000030e-01, v3;
	(erf) = vpow2.f32 v0;
	v0 =	vmax.f32 v41, v44  }
0xee: {  	v0 =	vmul.f32 $1.442695020e+00, v0  }
0xef: {  	(erf) = vpow2.f32 v1;
	v1 =	vmax.f32 v3, v47;
	v3 =	vadd.f32 v39, v38  }
0xf0: {  	v2 =	vadd.f32 v42, v2;
	(erf) = vpow2.f32 v0  }
0xf1: {  	s11 =	sshll.u32 s7, $0x6;
	v0 =	vmul.f32 $1.442695020e+00, v1;
	v1 =	vadd.f32 v45, v43;
	v49 =	vmul.f32 $2.000000030e-01, v3  }
0xf2: {  	s10 =	sadd.s32 s14, s11;
	v51 =	vpop (erf);
	v4 =	vadd.f32 v48, v46;
	v50 =	vmul.f32 $2.000000030e-01, v2  }
0xf3: {  	p0 =	slt.u32 s10, $0x4E200;
	v52 =	vpop (erf);
	(erf) = vpow2.f32 v0;
	v0 =	vmul.f32 $2.000000030e-01, v1;
	v3 =	vmax.f32 v3, v49  }
0xf4: {  	v53 =	vpsel !p0, $0x0, v51;
	v55 =	vpsel !p0, $0x0, v52;
	v3 =	vmul.f32 $1.442695020e+00, v3  }
0xf5: {  	v54 =	vpop (erf);
	v2 =	vmax.f32 v2, v50;
	v0 =	vmax.f32 v1, v0;
	v1 =	vmul.f32 $2.000000030e-01, v4  }
0xf6: {  	s12 =	sor.u32 $0x10, s10;
	v6 =	vpsel !p0, $0x0, v54;
	v56 =	vpop (erf);
	v2 =	vmul.f32 $1.442695020e+00, v2;
	(erf) = vpow2.f32 v3  }
0xf7: {  	p4 =	slt.u32 s12, $0x4E200;
	[tilespmem:$0x2500] =	vst v53;
	v57 =	vpop (erf);
	v0 =	vmul.f32 $1.442695020e+00, v0;
	v3 =	vpsel !p0, $0x0, v56;
	v1 =	vmax.f32 v4, v1  }
0xf8: {  	[tilespmem:$0x2540] =	vst v55;
	(erf) = vpow2.f32 v2;
	v2 =	vpsel !p4, $0x0, v57;
	v1 =	vmul.f32 $1.442695020e+00, v1  }
0xf9: {  	[tilespmem:$0x2580] =	vst v6  }
0xfa: {  	[tilespmem:$0x25C0] =	vst v3;
	(erf) = vpow2.f32 v0;
	v3 =	vpop (erf)  }
0xfb: {  	[tilespmem:$0x2510] =	vst v2;
	v0 =	vpsel !p4, $0x0, v3;
	v2 =	vpop (erf);
	(erf) = vpow2.f32 v1  }
0xfc: {  	s12 =	sor.u32 $0x20, s10;
	[tilespmem:$0x2550] =	vst v0;
	v0 =	vpsel !p4, $0x0, v2;
	v1 =	vpop (erf)  }
0xfd: {  	p5 =	slt.u32 s12, $0x4E200;
	[tilespmem:$0x2590] =	vst v0;
	v2 =	vpop (erf);
	v0 =	vpsel !p4, $0x0, v1  }
0xfe: {  	v1 =	vpop (erf);
	[tilespmem:$0x25D0] =	vst v0;
	v0 =	vpsel !p5, $0x0, v2  }
0xff: {  	v2 =	vpop (erf);
	[tilespmem:$0x2520] =	vst v0;
	v0 =	vpsel !p5, $0x0, v1  }
0x100: {  	s10 =	sor.u32 $0x30, s10;
	v1 =	vpop (erf);
	[tilespmem:$0x2560] =	vst v0;
	v0 =	vpsel !p5, $0x0, v2  }
0x101: {  	p6 =	slt.u32 s10, $0x4E200;
	v2 =	vpop (erf);
	[tilespmem:$0x25A0] =	vst v0;
	v0 =	vpsel !p5, $0x0, v1  }
0x102: {  	v1 =	vpop (erf);
	[tilespmem:$0x25E0] =	vst v0;
	v0 =	vpsel !p6, $0x0, v2  }
0x103: {  	v2 =	vpop (erf);
	[tilespmem:$0x2530] =	vst v0;
	v0 =	vpsel !p6, $0x0, v1  }
0x104: {  	[tilespmem:$0x2570] =	vst v0;
	v0 =	vpsel !p6, $0x0, v2;
	v1 =	vpop (erf)  }
0x105: {  	[tilespmem:$0x25B0] =	vst v0;
	v0 =	vpsel !p6, $0x0, v1;
	v1 =	vmov s8  }
0x106: {  	[tilespmem:$0x25F0] =	vst v0  }
0x107: {  	_ =	swait.ge [sflag:s2], $0x2000  }
0x108: {  	[sflag:s2] =	ssyncset.done $0x0  }
0x109: {  	[sflag:s2] =	ssyncadd.s32 $0xFFFFE000  }
0x10a: {  	s8 =	simm.s32 $0x580;
	v0 =	vld.idx.msk [tilespmem:v1+s3+$0x0], $0xffff  }
0x10b: {  	v2 =	vld [tilespmem:s8+$0xFFFFFF80]  }
0x10c: {  	v3 =	vld [tilespmem:s8+$0xFFFFFF90];
	_ =	sdelay $0x2  }
0x10d: {  	v58 =	vor.u32 $0x40, v1  }
0x10e: {  	v2 =	vmul.f32 v2, v0  }
0x10f: {  	v0 =	vmul.f32 v3, v0  }
0x110: {  	[tilespmem:s8+$0xFFFFFF80] =	vst v2  }
0x111: {  	[tilespmem:s8+$0xFFFFFF90] =	vst v0;
	v2 =	vld [tilespmem:s8+$0xFFFFFFA0]  }
0x112: {  	v0 =	vld.idx.msk [tilespmem:v58+s3+$0x0], $0xffff  }
0x113: {  	v3 =	vld [tilespmem:s8+$0xFFFFFFB0];
	_ =	sdelay $0x2  }
0x114: {  	v59 =	vor.u32 $0x80, v1  }
0x115: {  	v2 =	vmul.f32 v2, v0  }
0x116: {  	v0 =	vmul.f32 v3, v0  }
0x117: {  	[tilespmem:s8+$0xFFFFFFA0] =	vst v2  }
0x118: {  	[tilespmem:s8+$0xFFFFFFB0] =	vst v0;
	v2 =	vld [tilespmem:s8+$0xFFFFFFC0]  }
0x119: {  	v0 =	vld.idx.msk [tilespmem:v59+s3+$0x0], $0xffff  }
0x11a: {  	v3 =	vld [tilespmem:s8+$0xFFFFFFD0];
	_ =	sdelay $0x2  }
0x11b: {  	v1 =	vor.u32 $0xC0, v1  }
0x11c: {  	v2 =	vmul.f32 v2, v0  }
0x11d: {  	v0 =	vmul.f32 v3, v0  }
0x11e: {  	[tilespmem:s8+$0xFFFFFFC0] =	vst v2  }
0x11f: {  	[tilespmem:s8+$0xFFFFFFD0] =	vst v0  }
0x120: {  	v0 =	vld.idx.msk [tilespmem:v1+s3+$0x0], $0xffff  }
0x121: {  	v1 =	vld [tilespmem:s8+$0xFFFFFFE0]  }
0x122: {  	v2 =	vld [tilespmem:s8+$0xFFFFFFF0];
	_ =	sdelay $0x1  }
0x123: {  	s12 =	simm.s32 $0x1  }
0x124: {  	v3 =	vmov s12  }
0x125: {  	v1 =	vmul.f32 v1, v0  }
0x126: {  	v0 =	vmul.f32 v2, v0  }
0x127: {  	[tilespmem:s8+$0xFFFFFFE0] =	vst v1  }
0x128: {  	[tilespmem:s8+$0xFFFFFFF0] =	vst v0;
	v1 =	vld [tilespmem:s8+$0x0]  }
0x129: {  	v0 =	vld.idx.msk [tilespmem:v3+s3+$0x0], $0xffff  }
0x12a: {  	v2 =	vld [tilespmem:s8+$0x10];
	_ =	sdelay $0x2  }
0x12b: {  	v60 =	vor.u32 $0x40, v3  }
0x12c: {  	v1 =	vmul.f32 v1, v0  }
0x12d: {  	v0 =	vmul.f32 v2, v0  }
0x12e: {  	[tilespmem:s8+$0x0] =	vst v1  }
0x12f: {  	[tilespmem:s8+$0x10] =	vst v0;
	v1 =	vld [tilespmem:s8+$0x20]  }
0x130: {  	v0 =	vld.idx.msk [tilespmem:v60+s3+$0x0], $0xffff  }
0x131: {  	v2 =	vld [tilespmem:s8+$0x30];
	_ =	sdelay $0x2  }
0x132: {  	v61 =	vor.u32 $0x80, v3  }
0x133: {  	v1 =	vmul.f32 v1, v0  }
0x134: {  	v2 =	vmul.f32 v2, v0  }
0x135: {  	[tilespmem:s8+$0x20] =	vst v1  }
0x136: {  	[tilespmem:s8+$0x30] =	vst v2;
	v1 =	vld [tilespmem:s8+$0x40]  }
0x137: {  	v2 =	vld.idx.msk [tilespmem:v61+s3+$0x0], $0xffff  }
0x138: {  	v62 =	vld [tilespmem:s8+$0x50];
	_ =	sdelay $0x2  }
0x139: {  	v3 =	vor.u32 $0xC0, v3  }
0x13a: {  	v63 =	vmul.f32 v1, v2  }
0x13b: {  	v2 =	vmul.f32 v62, v2  }
0x13c: {  	v0 =	vld [tilespmem:s8+$0x60];
	[tilespmem:s8+$0x40] =	vst v63  }
0x13d: {  	v1 =	vld [tilespmem:s8+$0x70];
	[tilespmem:s8+$0x50] =	vst v2  }
0x13e: {  	s11 =	simm.s32 $0x2;
	s10 =	simm.s32 $0x580;
	v2 =	vld.idx.msk [tilespmem:v3+s3+$0x0], $0xffff  }
.LBB3_3:
0x13f: {  	p0 =	slt.u32 s11, $0x3E  }
0x140: {  	s8 =	sadd.s32 $0x100, s8;
	s12 =	smov.u32 s11;
	s11 =	sadd.s32 $0x2, s11  }
0x141: {  	_ =	sdelay $0x2  }
0x142: {  	v3 =	vmov s12  }
0x143: {  	v0 =	vmul.f32 v0, v2;
	v1 =	vmul.f32 v1, v2;
	_ =	sdelay $0x1  }
0x144: {  	[tilespmem:s10+$0x60] =	vst v0  }
0x145: {  	v2 =	vld [tilespmem:s8+$0xFFFFFF90];
	[tilespmem:s10+$0x70] =	vst v1;
	s10 =	smov.u32 s8  }
0x146: {  	v4 =	vld.idx.msk [tilespmem:v3+s3+$0x0], $0xffff  }
0x147: {  	v5 =	vld [tilespmem:s8+$0xFFFFFF80]  }
0x148: {  	v1 =	vld [tilespmem:s8+$0x70]  }
0x149: {  	v0 =	vld [tilespmem:s8+$0x60]  }
0x14a: {  	v6 =	vor.u32 $0x40, v3;
	_ =	sdelay $0x1  }
0x14b: {  	v2 =	vmul.f32 v2, v4;
	v5 =	vmul.f32 v5, v4;
	_ =	sdelay $0x1  }
0x14c: {  	[tilespmem:s8+$0xFFFFFF80] =	vst v5  }
0x14d: {  	[tilespmem:s8+$0xFFFFFF90] =	vst v2;
	v2 =	vld [tilespmem:s8+$0xFFFFFFB0]  }
0x14e: {  	v4 =	vld.idx.msk [tilespmem:v6+s3+$0x0], $0xffff  }
0x14f: {  	v5 =	vld [tilespmem:s8+$0xFFFFFFA0];
	_ =	sdelay $0x1  }
0x150: {  	v6 =	vor.u32 $0x80, v3;
	_ =	sdelay $0x2  }
0x151: {  	v2 =	vmul.f32 v2, v4;
	v5 =	vmul.f32 v5, v4;
	_ =	sdelay $0x1  }
0x152: {  	[tilespmem:s8+$0xFFFFFFA0] =	vst v5  }
0x153: {  	[tilespmem:s8+$0xFFFFFFB0] =	vst v2;
	v2 =	vld [tilespmem:s8+$0xFFFFFFD0]  }
0x154: {  	v4 =	vld.idx.msk [tilespmem:v6+s3+$0x0], $0xffff  }
0x155: {  	v5 =	vld [tilespmem:s8+$0xFFFFFFC0]  }
0x156: {  	v3 =	vor.u32 $0xC0, v3;
	_ =	sdelay $0x3  }
0x157: {  	v2 =	vmul.f32 v2, v4;
	v5 =	vmul.f32 v5, v4;
	_ =	sdelay $0x1  }
0x158: {  	[tilespmem:s8+$0xFFFFFFC0] =	vst v5;
	v4 =	vld [tilespmem:s8+$0xFFFFFFF0]  }
0x159: {  	[tilespmem:s8+$0xFFFFFFD0] =	vst v2  }
0x15a: {  	s12 =	sadd.s32 $0x1, s12;
	v2 =	vld.idx.msk [tilespmem:v3+s3+$0x0], $0xffff  }
0x15b: {  	v5 =	vmov s12;
	v3 =	vld [tilespmem:s8+$0xFFFFFFE0];
	_ =	sdelay $0x4  }
0x15c: {  	v3 =	vmul.f32 v3, v2;
	v2 =	vmul.f32 v4, v2;
	_ =	sdelay $0x1  }
0x15d: {  	[tilespmem:s8+$0xFFFFFFE0] =	vst v3  }
0x15e: {  	[tilespmem:s8+$0xFFFFFFF0] =	vst v2;
	v2 =	vld [tilespmem:s8+$0x10]  }
0x15f: {  	v4 =	vor.u32 $0x40, v5;
	v3 =	vld.idx.msk [tilespmem:v5+s3+$0x0], $0xffff  }
0x160: {  	v6 =	vld [tilespmem:s8+$0x0];
	_ =	sdelay $0x4  }
0x161: {  	v2 =	vmul.f32 v2, v3;
	v6 =	vmul.f32 v6, v3;
	_ =	sdelay $0x1  }
0x162: {  	[tilespmem:s8+$0x0] =	vst v6  }
0x163: {  	v3 =	vor.u32 $0x80, v5;
	[tilespmem:s8+$0x10] =	vst v2;
	v2 =	vld [tilespmem:s8+$0x30]  }
0x164: {  	v4 =	vld.idx.msk [tilespmem:v4+s3+$0x0], $0xffff  }
0x165: {  	v6 =	vld [tilespmem:s8+$0x20];
	_ =	sdelay $0x4  }
0x166: {  	v2 =	vmul.f32 v2, v4;
	v6 =	vmul.f32 v6, v4;
	_ =	sdelay $0x1  }
0x167: {  	v4 =	vor.u32 $0xC0, v5;
	[tilespmem:s8+$0x20] =	vst v6  }
0x168: {  	[tilespmem:s8+$0x30] =	vst v2;
	v2 =	vld [tilespmem:s8+$0x50]  }
0x169: {  	v3 =	vld.idx.msk [tilespmem:v3+s3+$0x0], $0xffff  }
0x16a: {  	v5 =	vld [tilespmem:s8+$0x40];
	_ =	sdelay $0x4  }
.Ltmp0:
0x16b: {  	v2 =	vmul.f32 v2, v3;
	v5 =	vmul.f32 v5, v3;
	(pc) =	sbr.rel @p0 .LBB3_3-.Ltmp0, $4  }
0x16c: {  	_ = 	snop  }
0x16d: {  	[tilespmem:s8+$0x40] =	vst v5  }
0x16e: {  	[tilespmem:s8+$0x50] =	vst v2  }
0x16f: {  	v2 =	vld.idx.msk [tilespmem:v4+s3+$0x0], $0xffff  }
0x170: {  	_ =	sdelay $0x3  }
0x171: {  	v0 =	vmul.f32 v0, v2  }
0x172: {  	v1 =	vmul.f32 v1, v2  }
0x173: {  	[tilespmem:s10+$0x60] =	vst v0  }
0x174: {  	[tilespmem:s10+$0x70] =	vst v1  }
0x175: {  	[spmem:s18] =	stream.indirect.scatter.add.f32 [tilespmem:s16], [sflag:$0x1], $0x80, s15, s19, $0xb8;
	[tilespmem:$0x18400] =	vst v63  }
0x176: {  	s8 =	rddreg [dreg:$0x5]  }
0x177: {  	[spmem:s8] =	stream.indirect.scatter.add.f32 [tilespmem:s3], [sflag:$0x2], $0x1, s15, s19, $0xb8;
	[tilespmem:$0x18400] =	vst v63  }
0x178: {  	_ =	swait.ge [sflag:s29], $0x2000  }
0x179: {  	[sflag:s29] =	ssyncset.done $0x0  }
0x17a: {  	[sflag:s29] =	ssyncadd.s32 $0xFFFFE000  }
0x17b: {  	_ =	swait.ge [sflag:s2], $0x40  }
0x17c: {  	[sflag:s2] =	ssyncset.done $0x0  }
0x17d: {  	[sflag:s2] =	ssyncadd.s32 $0xFFFFFFC0  }
0x17e: {  	s11 =	rddreg [dreg:$0x8]  }
0x17f: {  	[spmem:s11] =	stream.indirect.scatter.add.f32 [tilespmem:s4], [sflag:$0x1], $0x1, s15, s19, $0xb8;
	[tilespmem:$0x18400] =	vst v63  }
0x180: {  	s12 =	rddreg [dreg:$0xb]  }
0x181: {  	[spmem:s12] =	stream.indirect.scatter.add.f32 [tilespmem:s5], [sflag:$0x2], $0x1, s15, s19, $0xb8;
	[tilespmem:$0x18400] =	vst v63  }
0x182: {  	_ =	swait.ge [sflag:s29], $0x40  }
0x183: {  	[sflag:s29] =	ssyncset.done $0x0  }
0x184: {  	[sflag:s29] =	ssyncadd.s32 $0xFFFFFFC0  }
0x185: {  	s7 =	sadd.s32 $0x1, s7;
	_ =	swait.ge [sflag:s2], $0x40  }
0x186: {  	p0 =	sne.s32 s7, $0x9E;
	[sflag:s2] =	ssyncset.done $0x0  }
.Ltmp1:
0x187: {  	[sflag:s2] =	ssyncadd.s32 $0xFFFFFFC0;
	(pc) =	sbr.rel @p0 .LBB3_2-.Ltmp1, $4  }
0x188: {  	[spmem:s23] =	stream.indirect.scatter.add.f32 [tilespmem:s6], [sflag:$0x3], $0x1, s15, s19, $0xb8;
	[tilespmem:$0x18400] =	vst v63  }
0x189: {  	_ =	swait.ge [sflag:s9], $0x40  }
0x18a: {  	[sflag:s9] =	ssyncset.done $0x0  }
0x18b: {  	[sflag:s9] =	ssyncadd.s32 $0xFFFFFFC0  }
0x18c: {  	[bflag:$0x0] =	sbarrier.arrive $0xFFFF  }
0x18d: {  	s8 =	sld [smem:$0x7F1];
	_ =	sdelay $0x1  }
0x18e: {  	s7 =	rddreg [dreg:$0x1e]  }
0x18f: {  	[hbm:s7], [sflag:s30] =	dma.local [spmem:s8], $0x2800  }
0x190: {  	_ =	swait.ge [sflag:s9], $0x2800  }
0x191: {  	s12 =	sld [smem:$0x7ED]  }
0x192: {  	[sflag:s9] =	ssyncset.done $0x0  }
0x193: {  	s11 =	simm.s32 $0x10;
	s10 =	rddreg [dreg:$0x1f];
	[sflag:s9] =	ssyncadd.s32 $0xFFFFD800  }
0x194: {  	[hbm:s10@s19], [sflag:s30] =	dma.strided [spmem:s12@s11], $0x50, s29, $0x10   }
0x195: {  	_ =	swait.ge [sflag:s9], $0x50  }
0x196: {  	s10 =	sld [smem:$0x7F2]  }
0x197: {  	s12 =	sld [smem:$0x7EE]  }
0x198: {  	[sflag:s9] =	ssyncset.done $0x0  }
0x199: {  	[sflag:s9] =	ssyncadd.s32 $0xFFFFFFB0  }
0x19a: {  	[hbm:s10@s19], [sflag:s30] =	dma.strided [spmem:s12@s11], $0x50, s29, $0x10   }
0x19b: {  	_ =	swait.ge [sflag:s9], $0x50  }
0x19c: {  	s10 =	sld [smem:$0x7F3]  }
0x19d: {  	s12 =	sld [smem:$0x7EF]  }
0x19e: {  	[sflag:s9] =	ssyncset.done $0x0  }
0x19f: {  	[sflag:s9] =	ssyncadd.s32 $0xFFFFFFB0  }
0x1a0: {  	[hbm:s10@s19], [sflag:s30] =	dma.strided [spmem:s12@s11], $0x50, s29, $0x10   }
0x1a1: {  	_ =	swait.ge [sflag:s9], $0x50  }
0x1a2: {  	s10 =	sld [smem:$0x7F4]  }
0x1a3: {  	s12 =	sld [smem:$0x7F0]  }
0x1a4: {  	[sflag:s9] =	ssyncset.done $0x0  }
0x1a5: {  	[sflag:s9] =	ssyncadd.s32 $0xFFFFFFB0  }
0x1a6: {  	[hbm:s10@s19], [sflag:s30] =	dma.strided [spmem:s12@s11], $0x50, s29, $0x10   }
0x1a7: {  	_ =	swait.ge [sflag:s9], $0x50  }
0x1a8: {  	s12 =	sld [smem:$0x7F5]  }
0x1a9: {  	s10 =	rddreg [dreg:$0xe]  }
0x1aa: {  	s7 =	sadd.s32 $0x1, s10  }
0x1ab: {  	p0 =	sne.s32 s7, s12  }
.Ltmp2:
0x1ac: {  	_ = 	snop;
	(pc) =	sbr.rel @p0 .LBB3_1-.Ltmp2, $3  }
0x1ad: {  	_ =	sdelay $0x1  }
0x1ae: {  	[sflag:s9] =	ssyncset.done $0x0  }
0x1af: {  	[sflag:s9] =	ssyncadd.s32 $0xFFFFFFB0;
	[dreg:$0xe] =	wrdreg s7  }
0x1b0: {  	_ =	sfence.sel $0x180000  }
0x1b1: {  	[bflag:$0x0] =	sbarrier.arrive $0xFFFF  }
0x1b2: {  	_ =	strace $0x9000004A  }
0x1b3: {  	s0 =	stileid.u32;
	[bflag:$0x2] =	sbarrier.arrive $0xFFFF  }
0x1b4: {  	p0 =	sne.s32 s0, $0x0;
	s0 =	rddreg [dreg:$0x13]  }
0x1b5: {  	s0 =	sadd.s32 @!p0 $0x100000, s0  }
0x1b6: {  	[sflag:s0] =	ssyncadd.tile.s32 @!p0 $0x1;
	_ =	shalt  }
.Lfunc_end3:
_tile_overlayer_lowered:
.L_overlay_start_3:
0x1b7: {  	(tag) =	ssettag $0x3  }
0x1b8: {  	s0 =	rddreg [dreg:$0x0];
	s2 =	stileid.u32  }
0x1b9: {  	s1 =	rddreg [dreg:$0x1];
	p0 =	sne.s32 s2, $0x0  }
0x1ba: {  	s3 =	rddreg [dreg:$0x2];
	[bflag:$0x3] =	sbarrier.arrive $0xFFFF;
	s2 =	simm.s32 @!p0 $0x1C03  }
0x1bb: {  	[timem:s3], [sflag:s2] =	dma.local @!p0 [hbm:s0], s1  }
0x1bc: {  	s0 =	simm.s32 @!p0 $0x3  }
0x1bd: {  	_ =	swait.ge @!p0 [sflag:s0], s1  }
0x1be: {  	s1 =	ssub.s32 @!p0 $0x0, s1;
	[sflag:s0] =	ssyncset.done @!p0 $0x0  }
0x1bf: {  	[sflag:s0] =	ssyncadd.s32 @!p0 s1  }
0x1c0: {  	[bflag:$0x3] =	sbarrier.arrive $0xFFFF  }
0x1c1: {  	_ =	shalt  }

// kernel: kernel.7.cloned.1.call-start
scs
__scs_entry_jumppad:
0x0: {  	(pc) =	sbr.rel $0x88, $3  }
0x1: {  	(tag) =	ssettag $0x0;
	lr =	simm.s32 $0x1  }
0x2: {  	[smem:$0x3F8E] =	sst lr;
	_ =	strace $0xD0000000  }
0x3: {  	_ = 	snop  }
0x4: {  	_ = 	snop  }
0x5: {  	_ = 	snop  }
0x6: {  	_ = 	snop  }
0x7: {  	_ = 	snop  }
__scs_overlays_trampoline_lowered:
0x8: {  	[smem:$0x3F9D] =	sst s0  }
0x9: {  	[smem:$0x3F9E] =	sst s1  }
0xa: {  	[smem:$0x3F9F] =	sst s2  }
0xb: {  	[smem:$0x3FA0] =	sst s3  }
0xc: {  	[smem:$0x3FA1] =	sst s4  }
0xd: {  	[smem:$0x3FA2] =	sst s5  }
0xe: {  	[smem:$0x3FA3] =	sst s6  }
0xf: {  	[smem:$0x3FA4] =	sst s7  }
0x10: {  	[smem:$0x3FA5] =	sst s8  }
0x11: {  	[smem:$0x3FA6] =	sst s9;
	s0 =	simm.s32 @!p0 $0x0  }
0x12: {  	s1 =	sld [smem:$0x3F8C];
	s0 =	simm.s32 @p0 $0x1  }
0x13: {  	[smem:$0x3FA7] =	sst s0;
	s0 =	simm.s32 @!p1 $0x0  }
0x14: {  	s2 =	sld [smem:$0x3F8B];
	s0 =	simm.s32 @p1 $0x1  }
0x15: {  	[smem:$0x3FA8] =	sst s0;
	s0 =	simm.s32 @!p2 $0x0  }
0x16: {  	s3 =	sld [smem:$0x3FDB];
	s0 =	simm.s32 @p2 $0x1  }
0x17: {  	s4 =	simm.s32 $0x1BF5;
	[smem:$0x3FAA] =	sst s0  }
0x18: {  	s0 =	sld [smem:$0x3F8D];
	_ =	swait.ge [sflag:s4], $0x0  }
0x19: {  	s7 =	sld [smem:$0x3F8E]  }
0x1a: {  	s8 =	sadd.s32 $0xFFFFE003, lr  }
0x1b: {  	s9 =	sadd.s32 $0xFFFFFEF7, lr;
	s5 =	simm.s32 $0xFFFFFFFF;
	p2 =	slt.u32 s8, $0xFFFFF086  }
0x1c: {  	p1 =	slt.u32 s9, $0xF7A;
	s5 =	simm.s32 @!p2 $0x0  }
0x1d: {  	s5 =	simm.s32 @p1 $0x1;
	p0 =	seq.s32 s7, s2  }
0x1e: {  	s7 =	smul.u32 @!p0 $0xF7A, s2;
	p2 =	seq.s32 @!p0 s5, $0x0  }
0x1f: {  	s9 =	smul.u32 $0xF7A, s1;
	s8 =	simm.s32 @!p0 $0x1BF5;
	p2 =	por !p2, p0  }
0x20: {  	[sflag:s8] =	ssyncset.s32 @!p0 $0xFFFFF086;
	s6 =	sadd.s32 @!p0 s3, s7;
	s7 =	simm.s32 @!p0 $0x108  }
0x21: {  	s3 =	sadd.s32 s3, s9;
	s6 =	sadd.s32 @!p0 $0x88, s6;
	s7 =	simm.s32 @p2 $0x1082  }
0x22: {  	[simem:s7], [sflag:s8] =	dma.local @!p0 [hbm:s6], $0xF7A  }
0x23: {  	s9 =	sor.u32 $0xD0000000, s2;
	s6 =	simm.s32 $0x108;
	_ =	swait.ge @!p0 [sflag:s8], $0x0  }
0x24: {  	s3 =	sadd.s32 $0x88, s3;
	s6 =	simm.s32 @!p1 $0x1082;
	[sflag:s4] =	ssyncset.s32 $0xFFFFF086  }
0x25: {  	[simem:s6], [sflag:s4] =	dma.local [hbm:s3], $0xF7A  }
0x26: {  	[smem:$0x3F8E] =	sst s1;
	(tag) =	ssettag s2;
	_ =	strace s9  }
0x27: {  	s1 =	sld [smem:$0x3F9E]  }
0x28: {  	s2 =	sld [smem:$0x3F9F]  }
0x29: {  	s4 =	sld [smem:$0x3FA1]  }
0x2a: {  	p0 =	seq.s32 s5, $0x0;
	s5 =	sld [smem:$0x3FA2]  }
0x2b: {  	s6 =	sld [smem:$0x3FA3]  }
0x2c: {  	s7 =	sld [smem:$0x3FA4]  }
0x2d: {  	s3 =	simm.s32 $0x108;
	s8 =	sld [smem:$0x3FA5]  }
0x2e: {  	s3 =	simm.s32 @!p0 $0x1082;
	s9 =	sld [smem:$0x3FA6]  }
0x2f: {  	lr =	sadd.s32 s0, s3;
	s0 =	sld [smem:$0x3F9D]  }
0x30: {  	s3 =	sld [smem:$0x3FA0]  }
0x31: {  	[smem:$0x3FA9] =	sst s10  }
0x32: {  	s10 =	sld [smem:$0x3FA7];
	_ =	sdelay $0x3  }
0x33: {  	p0 =	seq.s32 s10, $0x1;
	s10 =	sld [smem:$0x3FA9];
	_ =	sdelay $0x3  }
0x34: {  	[smem:$0x3FA9] =	sst s10  }
0x35: {  	s10 =	sld [smem:$0x3FA8];
	_ =	sdelay $0x3  }
0x36: {  	p1 =	seq.s32 s10, $0x1;
	s10 =	sld [smem:$0x3FA9];
	_ =	sdelay $0x3  }
0x37: {  	[smem:$0x3FA9] =	sst s10  }
0x38: {  	s10 =	sld [smem:$0x3FAA]  }
0x39: {  	_ = 	snop;
	(pc) =	sbr.ind lr, $3  }
0x3a: {  	_ = 	snop  }
0x3b: {  	_ = 	snop  }
0x3c: {  	p2 =	seq.s32 s10, $0x1;
	s10 =	sld [smem:$0x3FA9]  }
0x3d: {  	_ =	shalt  }
0x3e: {  	_ =	shalt  }
0x3f: {  	_ =	shalt  }
0x40: {  	_ =	shalt  }
0x41: {  	_ =	shalt  }
0x42: {  	_ =	shalt  }
0x43: {  	_ =	shalt  }
0x44: {  	_ =	shalt  }
0x45: {  	_ =	shalt  }
0x46: {  	_ =	shalt  }
0x47: {  	_ =	shalt  }
0x48: {  	_ =	shalt  }
0x49: {  	_ =	shalt  }
0x4a: {  	_ =	shalt  }
0x4b: {  	_ =	shalt  }
0x4c: {  	_ =	shalt  }
0x4d: {  	_ =	shalt  }
0x4e: {  	_ =	shalt  }
0x4f: {  	_ =	shalt  }
0x50: {  	_ =	shalt  }
0x51: {  	_ =	shalt  }
0x52: {  	_ =	shalt  }
0x53: {  	_ =	shalt  }
0x54: {  	_ =	shalt  }
0x55: {  	_ =	shalt  }
0x56: {  	_ =	shalt  }
0x57: {  	_ =	shalt  }
0x58: {  	_ =	shalt  }
0x59: {  	_ =	shalt  }
0x5a: {  	_ =	shalt  }
0x5b: {  	_ =	shalt  }
0x5c: {  	_ =	shalt  }
0x5d: {  	_ =	shalt  }
0x5e: {  	_ =	shalt  }
0x5f: {  	_ =	shalt  }
0x60: {  	_ =	shalt  }
0x61: {  	_ =	shalt  }
0x62: {  	_ =	shalt  }
0x63: {  	_ =	shalt  }
0x64: {  	_ =	shalt  }
0x65: {  	_ =	shalt  }
0x66: {  	_ =	shalt  }
0x67: {  	_ =	shalt  }
0x68: {  	_ =	shalt  }
0x69: {  	_ =	shalt  }
0x6a: {  	_ =	shalt  }
0x6b: {  	_ =	shalt  }
0x6c: {  	_ =	shalt  }
0x6d: {  	_ =	shalt  }
0x6e: {  	_ =	shalt  }
0x6f: {  	_ =	shalt  }
0x70: {  	_ =	shalt  }
0x71: {  	_ =	shalt  }
0x72: {  	_ =	shalt  }
0x73: {  	_ =	shalt  }
0x74: {  	_ =	shalt  }
0x75: {  	_ =	shalt  }
0x76: {  	_ =	shalt  }
0x77: {  	_ =	shalt  }
0x78: {  	_ =	shalt  }
0x79: {  	_ =	shalt  }
0x7a: {  	_ =	shalt  }
0x7b: {  	_ =	shalt  }
0x7c: {  	_ =	shalt  }
0x7d: {  	_ =	shalt  }
0x7e: {  	_ =	shalt  }
0x7f: {  	_ =	shalt  }
0x80: {  	_ =	shalt  }
0x81: {  	_ =	shalt  }
0x82: {  	_ =	shalt  }
0x83: {  	_ =	shalt  }
0x84: {  	_ =	shalt  }
0x85: {  	_ =	shalt  }
0x86: {  	_ =	shalt  }
0x87: {  	_ =	shalt  }
.Lfunc_end0:
.L_simem_size_0:
called_computation_lowered:
.L_overlay_start_0:
0x88: {  	s2 =	sld [smem:$0x3FD9]  }
0x89: {  	s3 =	sld [smem:$0x3FFE];
	_ =	sdelay $0x1  }
0x8a: {  	s1 =	srdreg.scid  }
0x8b: {  	s0 =	sand.u32 $0x1, s1  }
0x8c: {  	s11 =	sshll.u32 s0, $0xA;
	s2 =	sadd.s32 s3, s2  }
0x8d: {  	s2 =	sadd.s32 s2, s11  }
0x8e: {  	[smem:$0x3FB5] =	sst s2  }
0x8f: {  	_ = 	snop  }
0x90: {  	s12 =	sld [smem:$0x3FD0];
	(tm) =	ssettm $0x1  }
0x91: {  	s13 =	sld [smem:$0x3FFB];
	_ =	sdelay $0x3  }
0x92: {  	_ =	strace s13  }
0x93: {  	s2 =	sld [smem:$0x3FFC];
	_ =	sdelay $0x3  }
0x94: {  	_ =	strace s2  }
0x95: {  	s2 =	sld [smem:$0x3FFD];
	_ =	sdelay $0x3  }
0x96: {  	_ =	strace s2  }
0x97: {  	_ =	strace $0x8FFFFFFF  }
0x98: {  	s14 =	sld [smem:$0x3FDB];
	_ =	sdelay $0x1  }
0x99: {  	s4 =	simm.s32 $_scs_section_size  }
0x9a: {  	s5 =	simm.s32 $_size__tile_task_arg_handler_lowered;
	s6 =	simm.s32 $_tile_task_arg_handler_lowered  }
0x9b: {  	s17 =	simm.s32 $0x1BFF;
	s16 =	sshll.u32 s6, $0x1;
	s4 =	sadd.s32 s4, s14  }
0x9c: {  	s7 =	simm.s32 $0x60;
	s15 =	sshll.u32 s5, $0x1;
	s5 =	sadd.s32 s16, s4  }
0x9d: {  	[timem:s7], [sflag:s17] =	dma.local [hbm:s5], s15  }
0x9e: {  	_ =	swait.ge [sflag:s17], s15  }
0x9f: {  	s18 =	simm.s32 $_tile_overlayer_lowered;
	s2 =	ssub.s32 $0x0, s15;
	[sflag:s17] =	ssyncset.done $0x0  }
0xa0: {  	s19 =	simm.s32 $_size__tile_overlayer_lowered;
	s5 =	sshll.u32 s18, $0x1;
	[sflag:s17] =	ssyncadd.s32 s2  }
0xa1: {  	s21 =	simm.s32 $0x0;
	s20 =	sshll.u32 s19, $0x1;
	s5 =	sadd.s32 s5, s4  }
0xa2: {  	[timem:s21], [sflag:s17] =	dma.local [hbm:s5], s20  }
0xa3: {  	_ =	swait.ge [sflag:s17], s20  }
0xa4: {  	s22 =	ssub.s32 $0x0, s20;
	[sflag:s17] =	ssyncset.done $0x0  }
0xa5: {  	[sflag:s17] =	ssyncadd.s32 s22;
	_ =	sdelay $0x1  }
0xa6: {  	s23 =	simm.s32 $0x1B8B  }
0xa7: {  	_ =	swait.ge [sflag:s23], $0x1  }
0xa8: {  	[sflag:s23] =	ssyncset.done $0x0  }
0xa9: {  	s25 =	simm.s32 $0x1B8E;
	s24 =	sld [smem:$0x3FFE];
	[sflag:s23] =	ssyncadd.s32 $0xFFFFFFFF  }
0xaa: {  	s26 =	simm.s32 $execute0_lowered;
	[smem:$0x3FD2] =	sst s25  }
0xab: {  	s6 =	sshll.u32 s26, $0x1;
	_ =	strace $0x80000046;
	[dreg:$0x1] =	wrdreg $0xFFFFFFFF  }
0xac: {  	s28 =	simm.s32 $_size_execute0_lowered;
	s4 =	sadd.s32 s4, s6;
	[dreg:$0x0] =	wrdreg $0x0  }
0xad: {  	s6 =	sshll.u32 s28, $0x1;
	[dreg:$0x2] =	wrdreg s4  }
0xae: {  	[dreg:$0x3] =	wrdreg s6  }
0xaf: {  	[dreg:$0x4] =	wrdreg $0xC0  }
0xb0: {  	_ =	task [dreg:s21], $0x5FFFF  }
0xb1: {  	[dreg:$0x1] =	wrdreg $0xFFFFFFFF  }
0xb2: {  	[dreg:$0x0] =	wrdreg $0x30  }
0xb3: {  	[dreg:$0x2] =	wrdreg $0x0  }
0xb4: {  	[dreg:$0x3] =	wrdreg $0x181800  }
0xb5: {  	[dreg:$0x4] =	wrdreg $0x9  }
0xb6: {  	_ =	task [dreg:s21], $0x5FFFF  }
0xb7: {  	[dreg:$0x1] =	wrdreg $0xFFFFFFFF  }
0xb8: {  	[dreg:$0x0] =	wrdreg $0x60  }
0xb9: {  	[dreg:$0x2] =	wrdreg s24  }
0xba: {  	[dreg:$0x3] =	wrdreg s12  }
0xbb: {  	[dreg:$0x4] =	wrdreg $0x3A000  }
0xbc: {  	[dreg:$0x5] =	wrdreg $0x26000  }
0xbd: {  	[dreg:$0x6] =	wrdreg $0x30000  }
0xbe: {  	[dreg:$0x7] =	wrdreg $0x17A000  }
0xbf: {  	[dreg:$0x8] =	wrdreg $0x28800  }
0xc0: {  	[dreg:$0x9] =	wrdreg $0x32800  }
0xc1: {  	[dreg:$0xa] =	wrdreg $0x17C800  }
0xc2: {  	[dreg:$0xb] =	wrdreg $0x2B000  }
0xc3: {  	[dreg:$0xc] =	wrdreg $0x35000  }
0xc4: {  	[dreg:$0xd] =	wrdreg $0x17F000  }
0xc5: {  	[dreg:$0xe] =	wrdreg $0x2D800  }
0xc6: {  	[dreg:$0xf] =	wrdreg $0x37800  }
0xc7: {  	_ =	task.clear_ibuf [dreg:s21], $0x10FFFF;
	_ =	strace $0x90000046  }
0xc8: {  	s29 =	simm.s32 $0x9;
	_ =	strace $0x80000048  }
0xc9: {  	_ =	swait.ge [sflag:s29], $0x1  }
0xca: {  	[sflag:s29] =	ssyncadd.s32 $0xFFFFFFFF  }
0xcb: {  	_ =	strace $0x90000048  }
0xcc: {  	_ =	sfence  }
0xcd: {  	s30 =	sld [smem:$0x0];
	_ =	sdelay $0x2  }
0xce: {  	s31 =	sshll.u32 s1, $0xD;
	s1 =	sshrl.u32 s1, $0x2  }
0xcf: {  	s4 =	sand.u32 $0x4000, s31;
	s1 =	sadd.s32 s1, s30  }
0xd0: {  	s0 =	sor.u32 s4, s0;
	s1 =	sshll.u32 s1, $0x11  }
0xd1: {  	s0 =	sor.u32 s1, s0  }
0xd2: {  	s0 =	sadd.s32 $0x8F2B, s0  }
0xd3: {  	[sflag:s0] =	ssyncadd.remote.s32 $0x1  }
0xd4: {  	_ =	sfence.sel $0xFFFF  }
0xd5: {  	[dreg:$0x0] =	wrdreg $0xFFFFFFFF;
	(pc) =	sbr.abs _section_cstart, $3  }
0xd6: {  	[dreg:$0x1] =	wrdreg $0xFFFFFFFF  }
0xd7: {  	_ =	task.clear_ibuf [dreg:s21], $0x2FFFF;
	_ =	strace $0x9FFFFFFF  }
0xd8: {  	(tm) =	ssettm $0x7FFFFFFF  }
0xd9: {  	_ =	shalt  }
tec
_tile_task_arg_handler_lowered:
.L_overlay_start_1:
0x0: {  	(tag) =	ssettag $0x1  }
0x1: {  	s0 =	rddreg [dreg:$0x0]  }
0x2: {  	s1 =	rddreg [dreg:$0x1]  }
0x3: {  	s2 =	rddreg [dreg:$0x2]  }
0x4: {  	s3 =	rddreg [dreg:$0x3]  }
0x5: {  	s4 =	rddreg [dreg:$0x4]  }
0x6: {  	s5 =	rddreg [dreg:$0x5]  }
0x7: {  	s6 =	rddreg [dreg:$0x6]  }
0x8: {  	s7 =	rddreg [dreg:$0x7]  }
0x9: {  	s8 =	rddreg [dreg:$0x8]  }
0xa: {  	s9 =	rddreg [dreg:$0x9]  }
0xb: {  	s10 =	rddreg [dreg:$0xa]  }
0xc: {  	s11 =	rddreg [dreg:$0xb]  }
0xd: {  	s12 =	rddreg [dreg:$0xc]  }
0xe: {  	s13 =	rddreg [dreg:$0xd]  }
0xf: {  	[smem:s0] =	sst s1  }
0x10: {  	[smem:s0+$0x1] =	sst s2  }
0x11: {  	[smem:s0+$0x2] =	sst s3  }
0x12: {  	[smem:s0+$0x3] =	sst s4  }
0x13: {  	[smem:s0+$0x4] =	sst s5  }
0x14: {  	[smem:s0+$0x5] =	sst s6  }
0x15: {  	[smem:s0+$0x6] =	sst s7  }
0x16: {  	[smem:s0+$0x7] =	sst s8  }
0x17: {  	[smem:s0+$0x8] =	sst s9  }
0x18: {  	[smem:s0+$0x9] =	sst s10  }
0x19: {  	[smem:s0+$0xA] =	sst s11  }
0x1a: {  	[smem:s0+$0xB] =	sst s12  }
0x1b: {  	[smem:s0+$0xC] =	sst s13;
	_ =	shalt  }
.Lfunc_end2:
execute0_lowered:
.L_overlay_start_2:
0x1c: {  	(tag) =	ssettag $0x2  }
0x1d: {  	s0 =	rddreg [dreg:$0x0]  }
0x1e: {  	s15 =	rddreg [dreg:$0x2]  }
0x1f: {  	s9 =	rddreg [dreg:$0x3]  }
0x20: {  	s10 =	rddreg [dreg:$0x4]  }
0x21: {  	s11 =	rddreg [dreg:$0x5]  }
0x22: {  	s12 =	rddreg [dreg:$0x6]  }
0x23: {  	s13 =	rddreg [dreg:$0x7]  }
0x24: {  	s14 =	rddreg [dreg:$0x8]  }
0x25: {  	s16 =	rddreg [dreg:$0x9]  }
0x26: {  	s18 =	rddreg [dreg:$0xa];
	s1 =	srdreg.scid  }
0x27: {  	s19 =	rddreg [dreg:$0xb];
	s17 =	stileid.u32  }
0x28: {  	s20 =	rddreg [dreg:$0xc];
	s5 =	simm.s32 $0x0;
	s4 =	simm.s32 $0x0  }
0x29: {  	s29 =	simm.s32 $0x1;
	s31 =	simm.s32 $0x400;
	s3 =	smul.u32 $0x14000, s17  }
0x2a: {  	s1 =	sand.u32 $0x1, s1;
	[dreg:$0xe] =	wrdreg s4;
	s21 =	smul.u32 $0xA00, s17  }
0x2b: {  	[smem:$0x7FF] =	sst s5;
	s5 =	sadd.s32 $0x54600, s0;
	s8 =	sadd.s32 $0x55A00, s0  }
0x2c: {  	s28 =	sadd.s32 $0x18600, s0;
	s2 =	smul.u32 $0x140000, s1;
	s4 =	sshrl.u32 s21, $0x3  }
0x2d: {  	s6 =	smul.u32 $0xA000, s1;
	s7 =	ssub.s32 $0x2, s1;
	s23 =	sadd.s32 s5, s4  }
0x2e: {  	s22 =	sshrl.u32 s7, $0x1;
	s24 =	sadd.s32 s8, s4;
	[dreg:$0xf] =	wrdreg s23  }
0x2f: {  	s2 =	sadd.s32 s3, s2;
	s25 =	sor.u32 $0x10, s4;
	[dreg:$0x10] =	wrdreg s24  }
0x30: {  	s6 =	sadd.s32 s21, s6;
	s21 =	sadd.s32 s5, s25;
	s23 =	sld [smem:$0x0]  }
0x31: {  	s3 =	ssub.s32 s7, s22;
	s7 =	sadd.s32 s8, s25;
	[dreg:$0x11] =	wrdreg s21  }
0x32: {  	s1 =	sshll.u32 s1, $0x4;
	s26 =	sor.u32 $0x20, s4;
	[dreg:$0x12] =	wrdreg s7  }
0x33: {  	s4 =	sor.u32 $0x30, s4;
	s22 =	sadd.s32 s5, s26;
	s21 =	rddreg [dreg:$0xd]  }
0x34: {  	s1 =	sor.u32 s17, s1;
	s5 =	sadd.s32 s5, s4;
	[dreg:$0x14] =	wrdreg s22  }
0x35: {  	s4 =	sadd.s32 s8, s4;
	s2 =	sshrl.u32 s2, $0x3;
	[dreg:$0x16] =	wrdreg s5  }
0x36: {  	s25 =	sadd.s32 $0x2C600, s0;
	s7 =	sadd.s32 s8, s26;
	[dreg:$0x17] =	wrdreg s4  }
0x37: {  	s24 =	smul.u32 $0x280, s17;
	s2 =	sadd.s32 s2, s0;
	[dreg:$0x15] =	wrdreg s7  }
0x38: {  	s8 =	sshrl.u32 s6, $0x3;
	s26 =	sadd.s32 $0x4600, s0;
	s7 =	sld [smem:$0x1]  }
0x39: {  	s22 =	smul.u32 $0x50000, s17;
	s4 =	sadd.s32 s8, s0;
	s0 =	sadd.s32 $0x56E00, s0  }
0x3a: {  	s8 =	sshll.u32 s17, $0x6;
	s6 =	sadd.s32 s24, s9;
	s11 =	sadd.s32 s24, s11  }
0x3b: {  	s9 =	sadd.s32 s24, s13;
	s17 =	sadd.s32 s24, s14;
	[dreg:$0x13] =	wrdreg s7  }
0x3c: {  	s19 =	sadd.s32 s24, s19;
	_ =	strace $0x80000047;
	[dreg:$0x18] =	wrdreg s0  }
0x3d: {  	s13 =	sadd.s32 s24, s21;
	s14 =	smul.u32 $0x2780, s1;
	[dreg:$0x19] =	wrdreg s11  }
0x3e: {  	s30 =	sor.u32 $0x1C03, s8;
	s8 =	sadd.s32 s24, s12;
	[dreg:$0x1a] =	wrdreg s17  }
0x3f: {  	s12 =	sadd.s32 s24, s20;
	s5 =	sadd.s32 s24, s23;
	[dreg:$0x1b] =	wrdreg s19  }
0x40: {  	s6 =	sshrl.u32 s6, $0x3;
	s7 =	sadd.s32 s24, s10;
	[dreg:$0x1c] =	wrdreg s5  }
0x41: {  	s10 =	sadd.s32 s24, s16;
	s16 =	sshrl.u32 s8, $0x3;
	[smem:$0x7F6] =	sst s6  }
0x42: {  	s0 =	sshrl.u32 s22, $0x2;
	s22 =	sadd.s32 $0x59600, s2;
	[smem:$0x7F8] =	sst s16  }
0x43: {  	s11 =	sadd.s32 s24, s18;
	s24 =	sadd.s32 $0xA9600, s4;
	[dreg:$0x1e] =	wrdreg s22  }
0x44: {  	s17 =	smul.u32 $0x5000, s1;
	s1 =	sadd.s32 $0xA9610, s4;
	[dreg:$0x1f] =	wrdreg s24  }
0x45: {  	s18 =	smov.u32 s15;
	s2 =	sadd.s32 $0xA9620, s4;
	[smem:$0x7F2] =	sst s1  }
0x46: {  	s4 =	sadd.s32 $0xA9630, s4;
	s5 =	smax.u32 s3, $0x1;
	[smem:$0x7F3] =	sst s2  }
0x47: {  	s19 =	sshrl.u32 s9, $0x3;
	s20 =	sshrl.u32 s10, $0x3;
	[smem:$0x7F4] =	sst s4  }
0x48: {  	s9 =	simm.s32 $0x3;
	s16 =	simm.s32 $0x500;
	[smem:$0x7F5] =	sst s5  }
0x49: {  	s3 =	simm.s32 $0x2500;
	s6 =	simm.s32 $0x25C0;
	[smem:$0x7F9] =	sst s19  }
0x4a: {  	s0 =	sadd.s32 s0, s15;
	s15 =	sshrl.u32 s7, $0x3;
	[smem:$0x7FA] =	sst s20  }
0x4b: {  	s21 =	sshrl.u32 s11, $0x3;
	s22 =	sshrl.u32 s12, $0x3;
	s24 =	sshrl.u32 s13, $0x3  }
0x4c: {  	s11 =	simm.s32 $0x10;
	s19 =	simm.s32 $0x40;
	[dreg:$0x1d] =	wrdreg s0  }
0x4d: {  	s20 =	simm.s32 $0x100;
	s13 =	simm.s32 $0x280;
	[smem:$0x7F7] =	sst s15  }
0x4e: {  	s1 =	simm.s32 $0x480;
	s2 =	simm.s32 $0x2;
	[smem:$0x7FB] =	sst s21  }
0x4f: {  	s4 =	simm.s32 $0x2540;
	s5 =	simm.s32 $0x2580;
	[smem:$0x7FC] =	sst s22  }
0x50: {  	[smem:$0x7FD] =	sst s24;
	s15 =	simm.s32 $0x80;
	s21 =	simm.s32 $0x300  }
0x51: {  	s22 =	simm.s32 $0x180;
	s24 =	simm.s32 $0x380;
	s0 =	simm.s32 $0x200  }
.LBB3_1:
0x52: {  	s8 =	sld [smem:$0x7F6];
	_ =	sdelay $0x1  }
0x53: {  	s7 =	rddreg [dreg:$0xf]  }
0x54: {  	[spmem:s8@s11], [sflag:s30] =	dma.strided [hbm:s7@s19], $0x50, s29, $0x10   }
0x55: {  	_ =	swait.ge [sflag:s9], $0x50  }
0x56: {  	s12 =	sld [smem:$0x7F7]  }
0x57: {  	[sflag:s9] =	ssyncset.done $0x0  }
0x58: {  	s10 =	rddreg [dreg:$0x10];
	[sflag:s9] =	ssyncadd.s32 $0xFFFFFFB0  }
0x59: {  	[spmem:s12@s11], [sflag:s30] =	dma.strided [hbm:s10@s19], $0x50, s29, $0x10   }
0x5a: {  	_ =	swait.ge [sflag:s9], $0x50  }
0x5b: {  	[sflag:s9] =	ssyncset.done $0x0  }
0x5c: {  	s8 =	rddreg [dreg:$0x19];
	[sflag:s9] =	ssyncadd.s32 $0xFFFFFFB0  }
0x5d: {  	s10 =	sshrl.u32 s8, $0x3;
	s7 =	rddreg [dreg:$0x1]  }
0x5e: {  	[smem:$0x7ED] =	sst s10  }
0x5f: {  	[spmem:s10], [sflag:s30] =	dma.local [hbm:s7], $0x50  }
0x60: {  	_ =	swait.ge [sflag:s9], $0x50  }
0x61: {  	s10 =	sld [smem:$0x7F8]  }
0x62: {  	[sflag:s9] =	ssyncset.done $0x0  }
0x63: {  	s12 =	rddreg [dreg:$0x11];
	[sflag:s9] =	ssyncadd.s32 $0xFFFFFFB0  }
0x64: {  	[spmem:s10@s11], [sflag:s30] =	dma.strided [hbm:s12@s19], $0x50, s29, $0x10   }
0x65: {  	_ =	swait.ge [sflag:s9], $0x50  }
0x66: {  	s12 =	sld [smem:$0x7F9]  }
0x67: {  	[sflag:s9] =	ssyncset.done $0x0  }
0x68: {  	s10 =	rddreg [dreg:$0x12];
	[sflag:s9] =	ssyncadd.s32 $0xFFFFFFB0  }
0x69: {  	[spmem:s12@s11], [sflag:s30] =	dma.strided [hbm:s10@s19], $0x50, s29, $0x10   }
0x6a: {  	_ =	swait.ge [sflag:s9], $0x50  }
0x6b: {  	s12 =	rddreg [dreg:$0x1a]  }
0x6c: {  	[sflag:s9] =	ssyncset.done $0x0;
	s8 =	sshrl.u32 s12, $0x3  }
0x6d: {  	[sflag:s9] =	ssyncadd.s32 $0xFFFFFFB0;
	[smem:$0x7EE] =	sst s8  }
0x6e: {  	[spmem:s8], [sflag:s30] =	dma.local [hbm:s7], $0x50  }
0x6f: {  	_ =	swait.ge [sflag:s9], $0x50  }
0x70: {  	s12 =	sld [smem:$0x7FA]  }
0x71: {  	[sflag:s9] =	ssyncset.done $0x0  }
0x72: {  	s10 =	rddreg [dreg:$0x14];
	[sflag:s9] =	ssyncadd.s32 $0xFFFFFFB0  }
0x73: {  	[spmem:s12@s11], [sflag:s30] =	dma.strided [hbm:s10@s19], $0x50, s29, $0x10   }
0x74: {  	_ =	swait.ge [sflag:s9], $0x50  }
0x75: {  	s12 =	sld [smem:$0x7FB]  }
0x76: {  	[sflag:s9] =	ssyncset.done $0x0  }
0x77: {  	s10 =	rddreg [dreg:$0x15];
	[sflag:s9] =	ssyncadd.s32 $0xFFFFFFB0  }
0x78: {  	[spmem:s12@s11], [sflag:s30] =	dma.strided [hbm:s10@s19], $0x50, s29, $0x10   }
0x79: {  	_ =	swait.ge [sflag:s9], $0x50  }
0x7a: {  	s12 =	rddreg [dreg:$0x1b]  }
0x7b: {  	[sflag:s9] =	ssyncset.done $0x0;
	s8 =	sshrl.u32 s12, $0x3  }
0x7c: {  	[sflag:s9] =	ssyncadd.s32 $0xFFFFFFB0;
	[smem:$0x7EF] =	sst s8  }
0x7d: {  	[spmem:s8], [sflag:s30] =	dma.local [hbm:s7], $0x50  }
0x7e: {  	_ =	swait.ge [sflag:s9], $0x50  }
0x7f: {  	s12 =	sld [smem:$0x7FC]  }
0x80: {  	[sflag:s9] =	ssyncset.done $0x0  }
0x81: {  	s10 =	rddreg [dreg:$0x16];
	[sflag:s9] =	ssyncadd.s32 $0xFFFFFFB0  }
0x82: {  	[spmem:s12@s11], [sflag:s30] =	dma.strided [hbm:s10@s19], $0x50, s29, $0x10   }
0x83: {  	_ =	swait.ge [sflag:s9], $0x50  }
0x84: {  	s12 =	sld [smem:$0x7FD]  }
0x85: {  	[sflag:s9] =	ssyncset.done $0x0  }
0x86: {  	s10 =	rddreg [dreg:$0x17];
	[sflag:s9] =	ssyncadd.s32 $0xFFFFFFB0  }
0x87: {  	[spmem:s12@s11], [sflag:s30] =	dma.strided [hbm:s10@s19], $0x50, s29, $0x10   }
0x88: {  	_ =	swait.ge [sflag:s9], $0x50  }
0x89: {  	s12 =	rddreg [dreg:$0x1c]  }
0x8a: {  	[sflag:s9] =	ssyncset.done $0x0;
	s8 =	sshrl.u32 s12, $0x3  }
0x8b: {  	[sflag:s9] =	ssyncadd.s32 $0xFFFFFFB0;
	[smem:$0x7F0] =	sst s8  }
0x8c: {  	[spmem:s8], [sflag:s30] =	dma.local [hbm:s7], $0x50  }
0x8d: {  	_ =	swait.ge [sflag:s9], $0x50  }
0x8e: {  	s10 =	rddreg [dreg:$0x1d]  }
0x8f: {  	[sflag:s9] =	ssyncset.done $0x0;
	s12 =	rddreg [dreg:$0x18];
	s11 =	sshrl.u32 s10, $0x3  }
0x90: {  	[sflag:s9] =	ssyncadd.s32 $0xFFFFFFB0;
	[smem:$0x7F1] =	sst s11  }
0x91: {  	[spmem:s11], [sflag:s30] =	dma.local [hbm:s12], $0x2800  }
0x92: {  	_ =	swait.ge [sflag:s9], $0x2800  }
0x93: {  	[sflag:s9] =	ssyncset.done $0x0  }
0x94: {  	[sflag:s9] =	ssyncadd.s32 $0xFFFFD800  }
0x95: {  	s7 =	simm.s32 $0x0;
	[bflag:$0x0] =	sbarrier.arrive $0xFFFF  }
.LBB3_2:
0x96: {  	s8 =	sshll.u32 s7, $0x7  }
0x97: {  	s10 =	sand.u32 $0x7C00, s8  }
0x98: {  	s8 =	sand.u32 $0x380, s8;
	s10 =	sadd.s32 s17, s10  }
0x99: {  	s8 =	sor.u32 s8, s10  }
0x9a: {  	s10 =	sshrl.u32 s8, $0x3  }
0x9b: {  	s8 =	simm.s32 $0x0;
	s11 =	sadd.s32 s26, s10  }
0x9c: {  	[tilespmem:s8], [sflag:$0x1] =	stream.linear.gather [hbm4b:s11+s8], $0x80, $0x38;
	[tilespmem:$0x18400] =	vst v63  }
0x9d: {  	s10 =	sadd.s32 s28, s10  }
0x9e: {  	[tilespmem:s15], [sflag:$0x1] =	stream.linear.gather [hbm4b:s10+s8], $0x80, $0x38;
	[tilespmem:$0x18400] =	vst v63  }
0x9f: {  	_ =	swait.ge [sflag:s29], $0x80  }
0xa0: {  	[sflag:s29] =	ssyncset.done $0x0  }
0xa1: {  	[sflag:s29] =	ssyncadd.s32 $0xFFFFFF80  }
0xa2: {  	_ =	swait.ge [sflag:s29], $0x80  }
0xa3: {  	[sflag:s29] =	ssyncset.done $0x0  }
0xa4: {  	[sflag:s29] =	ssyncadd.s32 $0xFFFFFF80  }
0xa5: {  	[tilespmem:s16], [sflag:$0x2] =	stream.indirect.gather [hbm4b:s25+s19], $0x80, s8, s19, $0xb8;
	[tilespmem:$0x18400] =	vst v63  }
0xa6: {  	s11 =	rddreg [dreg:$0x3]  }
0xa7: {  	[tilespmem:s20], [sflag:$0x1] =	stream.indirect.gather [spmem:s11], $0x1, s8, s19, $0xb8;
	[tilespmem:$0x18400] =	vst v63  }
0xa8: {  	s12 =	rddreg [dreg:$0x4]  }
0xa9: {  	[tilespmem:s21], [sflag:$0x1] =	stream.indirect.gather [spmem:s12], $0x1, s15, s19, $0xb8;
	[tilespmem:$0x18400] =	vst v63  }
0xaa: {  	_ =	swait.ge [sflag:s29], $0x40  }
0xab: {  	[sflag:s29] =	ssyncset.done $0x0  }
0xac: {  	[sflag:s29] =	ssyncadd.s32 $0xFFFFFFC0  }
0xad: {  	_ =	swait.ge [sflag:s29], $0x40  }
0xae: {  	[sflag:s29] =	ssyncset.done $0x0  }
0xaf: {  	[sflag:s29] =	ssyncadd.s32 $0xFFFFFFC0  }
0xb0: {  	s11 =	rddreg [dreg:$0x6]  }
0xb1: {  	[tilespmem:s22], [sflag:$0x1] =	stream.indirect.gather [spmem:s11], $0x1, s8, s19, $0xb8;
	[tilespmem:$0x18400] =	vst v63  }
0xb2: {  	s12 =	rddreg [dreg:$0x7]  }
0xb3: {  	[tilespmem:s24], [sflag:$0x1] =	stream.indirect.gather [spmem:s12], $0x1, s15, s19, $0xb8;
	[tilespmem:$0x18400] =	vst v63  }
0xb4: {  	_ =	swait.ge [sflag:s29], $0x40  }
0xb5: {  	[sflag:s29] =	ssyncset.done $0x0  }
0xb6: {  	[sflag:s29] =	ssyncadd.s32 $0xFFFFFFC0  }
0xb7: {  	_ =	swait.ge [sflag:s29], $0x40  }
0xb8: {  	[sflag:s29] =	ssyncset.done $0x0  }
0xb9: {  	[sflag:s29] =	ssyncadd.s32 $0xFFFFFFC0  }
0xba: {  	s11 =	rddreg [dreg:$0x9]  }
0xbb: {  	[tilespmem:s0], [sflag:$0x1] =	stream.indirect.gather [spmem:s11], $0x1, s8, s19, $0xb8;
	[tilespmem:$0x18400] =	vst v63  }
0xbc: {  	s12 =	rddreg [dreg:$0xa]  }
0xbd: {  	[tilespmem:s31], [sflag:$0x1] =	stream.indirect.gather [spmem:s12], $0x1, s15, s19, $0xb8;
	[tilespmem:$0x18400] =	vst v63  }
0xbe: {  	_ =	swait.ge [sflag:s29], $0x40  }
0xbf: {  	[sflag:s29] =	ssyncset.done $0x0  }
0xc0: {  	[sflag:s29] =	ssyncadd.s32 $0xFFFFFFC0  }
0xc1: {  	_ =	swait.ge [sflag:s29], $0x40  }
0xc2: {  	[sflag:s29] =	ssyncset.done $0x0  }
0xc3: {  	[sflag:s29] =	ssyncadd.s32 $0xFFFFFFC0  }
0xc4: {  	s11 =	rddreg [dreg:$0xc]  }
0xc5: {  	[tilespmem:s13], [sflag:$0x1] =	stream.indirect.gather [spmem:s11], $0x1, s8, s19, $0xb8;
	[tilespmem:$0x18400] =	vst v63  }
0xc6: {  	s12 =	rddreg [dreg:$0xd]  }
0xc7: {  	[tilespmem:s1], [sflag:$0x1] =	stream.indirect.gather [spmem:s12], $0x1, s15, s19, $0xb8;
	[tilespmem:$0x18400] =	vst v63  }
0xc8: {  	_ =	swait.ge [sflag:s29], $0x40  }
0xc9: {  	[sflag:s29] =	ssyncset.done $0x0  }
0xca: {  	[sflag:s29] =	ssyncadd.s32 $0xFFFFFFC0  }
0xcb: {  	_ =	swait.ge [sflag:s29], $0x40  }
0xcc: {  	[sflag:s29] =	ssyncset.done $0x0  }
0xcd: {  	[sflag:s29] =	ssyncadd.s32 $0xFFFFFFC0  }
0xce: {  	v0 =	vld [tilespmem:$0x100]  }
0xcf: {  	v1 =	vld [tilespmem:$0x300]  }
0xd0: {  	v2 =	vld [tilespmem:$0x180]  }
0xd1: {  	v3 =	vld [tilespmem:$0x380]  }
0xd2: {  	v4 =	vld [tilespmem:$0x200]  }
0xd3: {  	v5 =	vld [tilespmem:$0x400]  }
0xd4: {  	v6 =	vld [tilespmem:$0x280]  }
0xd5: {  	v7 =	vld [tilespmem:$0x110]  }
0xd6: {  	v9 =	vld [tilespmem:$0x310];
	v0 =	vadd.f32 v1, v0  }
0xd7: {  	v22 =	vld [tilespmem:$0x390]  }
0xd8: {  	v1 =	vld [tilespmem:$0x480];
	v8 =	vmul.f32 $2.000000030e-01, v0  }
0xd9: {  	v10 =	vld [tilespmem:$0x210];
	v2 =	vadd.f32 v3, v2  }
0xda: {  	v12 =	vld [tilespmem:$0x410];
	v4 =	vadd.f32 v5, v4;
	v0 =	vmax.f32 v0, v8  }
0xdb: {  	v3 =	vld [tilespmem:$0x190];
	v23 =	vmul.f32 $2.000000030e-01, v2;
	v0 =	vmul.f32 $1.442695020e+00, v0  }
0xdc: {  	v25 =	vld [tilespmem:$0x490];
	v11 =	vmul.f32 $2.000000030e-01, v4  }
0xdd: {  	v27 =	vld [tilespmem:$0x120];
	v1 =	vadd.f32 v1, v6;
	(erf) = vpow2.f32 v0;
	v0 =	vmax.f32 v2, v23  }
0xde: {  	v28 =	vld [tilespmem:$0x320];
	v24 =	vadd.f32 v9, v7;
	v0 =	vmul.f32 $1.442695020e+00, v0  }
0xdf: {  	v29 =	vld [tilespmem:$0x1A0];
	v4 =	vmax.f32 v4, v11;
	v26 =	vmul.f32 $2.000000030e-01, v1  }
0xe0: {  	v3 =	vadd.f32 v22, v3;
	v2 =	vld [tilespmem:$0x290];
	(erf) = vpow2.f32 v0;
	v0 =	vmul.f32 $2.000000030e-01, v24  }
0xe1: {  	v31 =	vld [tilespmem:$0x3A0];
	v30 =	vadd.f32 v12, v10;
	v4 =	vmul.f32 $1.442695020e+00, v4;
	v1 =	vmax.f32 v1, v26  }
0xe2: {  	v33 =	vld [tilespmem:$0x220];
	v32 =	vmul.f32 $2.000000030e-01, v3;
	v1 =	vmul.f32 $1.442695020e+00, v1;
	v0 =	vmax.f32 v24, v0  }
0xe3: {  	v34 =	vld [tilespmem:$0x420];
	(erf) = vpow2.f32 v4;
	v0 =	vmul.f32 $1.442695020e+00, v0  }
0xe4: {  	v36 =	vld [tilespmem:$0x4A0];
	(erf) = vpow2.f32 v1;
	v1 =	vmul.f32 $2.000000030e-01, v30  }
0xe5: {  	v38 =	vld [tilespmem:$0x130];
	v2 =	vadd.f32 v25, v2;
	(erf) = vpow2.f32 v0;
	v0 =	vmax.f32 v3, v32  }
0xe6: {  	v35 =	vadd.f32 v28, v27;
	v1 =	vmax.f32 v30, v1;
	v3 =	vld [tilespmem:$0x2A0];
	v0 =	vmul.f32 $1.442695020e+00, v0  }
0xe7: {  	v39 =	vld [tilespmem:$0x330];
	v4 =	vadd.f32 v31, v29;
	v37 =	vmul.f32 $2.000000030e-01, v2;
	v1 =	vmul.f32 $1.442695020e+00, v1  }
0xe8: {  	v42 =	vld [tilespmem:$0x3B0];
	v41 =	vadd.f32 v34, v33;
	(erf) = vpow2.f32 v0;
	v0 =	vmul.f32 $2.000000030e-01, v35  }
0xe9: {  	v43 =	vld [tilespmem:$0x230];
	v40 =	vmul.f32 $2.000000030e-01, v4;
	(erf) = vpow2.f32 v1;
	v1 =	vmax.f32 v2, v37  }
0xea: {  	v45 =	vld [tilespmem:$0x430];
	v44 =	vmul.f32 $2.000000030e-01, v41;
	v0 =	vmax.f32 v35, v0;
	v1 =	vmul.f32 $1.442695020e+00, v1  }
0xeb: {  	v4 =	vmax.f32 v4, v40;
	v2 =	vld [tilespmem:$0x1B0];
	v3 =	vadd.f32 v36, v3;
	v0 =	vmul.f32 $1.442695020e+00, v0  }
0xec: {  	v46 =	vld [tilespmem:$0x2B0];
	(erf) = vpow2.f32 v1;
	v1 =	vmul.f32 $1.442695020e+00, v4  }
0xed: {  	v48 =	vld [tilespmem:$0x4B0];
	v47 =	vmul.f32 $2.000000030e-01, v3;
	(erf) = vpow2.f32 v0;
	v0 =	vmax.f32 v41, v44  }
0xee: {  	v0 =	vmul.f32 $1.442695020e+00, v0  }
0xef: {  	(erf) = vpow2.f32 v1;
	v1 =	vmax.f32 v3, v47;
	v3 =	vadd.f32 v39, v38  }
0xf0: {  	v2 =	vadd.f32 v42, v2;
	(erf) = vpow2.f32 v0  }
0xf1: {  	s11 =	sshll.u32 s7, $0x6;
	v0 =	vmul.f32 $1.442695020e+00, v1;
	v1 =	vadd.f32 v45, v43;
	v49 =	vmul.f32 $2.000000030e-01, v3  }
0xf2: {  	s10 =	sadd.s32 s14, s11;
	v51 =	vpop (erf);
	v4 =	vadd.f32 v48, v46;
	v50 =	vmul.f32 $2.000000030e-01, v2  }
0xf3: {  	p0 =	slt.u32 s10, $0x4E200;
	v52 =	vpop (erf);
	(erf) = vpow2.f32 v0;
	v0 =	vmul.f32 $2.000000030e-01, v1;
	v3 =	vmax.f32 v3, v49  }
0xf4: {  	v53 =	vpsel !p0, $0x0, v51;
	v55 =	vpsel !p0, $0x0, v52;
	v3 =	vmul.f32 $1.442695020e+00, v3  }
0xf5: {  	v54 =	vpop (erf);
	v2 =	vmax.f32 v2, v50;
	v0 =	vmax.f32 v1, v0;
	v1 =	vmul.f32 $2.000000030e-01, v4  }
0xf6: {  	s12 =	sor.u32 $0x10, s10;
	v6 =	vpsel !p0, $0x0, v54;
	v56 =	vpop (erf);
	v2 =	vmul.f32 $1.442695020e+00, v2;
	(erf) = vpow2.f32 v3  }
0xf7: {  	p4 =	slt.u32 s12, $0x4E200;
	[tilespmem:$0x2500] =	vst v53;
	v57 =	vpop (erf);
	v0 =	vmul.f32 $1.442695020e+00, v0;
	v3 =	vpsel !p0, $0x0, v56;
	v1 =	vmax.f32 v4, v1  }
0xf8: {  	[tilespmem:$0x2540] =	vst v55;
	(erf) = vpow2.f32 v2;
	v2 =	vpsel !p4, $0x0, v57;
	v1 =	vmul.f32 $1.442695020e+00, v1  }
0xf9: {  	[tilespmem:$0x2580] =	vst v6  }
0xfa: {  	[tilespmem:$0x25C0] =	vst v3;
	(erf) = vpow2.f32 v0;
	v3 =	vpop (erf)  }
0xfb: {  	[tilespmem:$0x2510] =	vst v2;
	v0 =	vpsel !p4, $0x0, v3;
	v2 =	vpop (erf);
	(erf) = vpow2.f32 v1  }
0xfc: {  	s12 =	sor.u32 $0x20, s10;
	[tilespmem:$0x2550] =	vst v0;
	v0 =	vpsel !p4, $0x0, v2;
	v1 =	vpop (erf)  }
0xfd: {  	p5 =	slt.u32 s12, $0x4E200;
	[tilespmem:$0x2590] =	vst v0;
	v2 =	vpop (erf);
	v0 =	vpsel !p4, $0x0, v1  }
0xfe: {  	v1 =	vpop (erf);
	[tilespmem:$0x25D0] =	vst v0;
	v0 =	vpsel !p5, $0x0, v2  }
0xff: {  	v2 =	vpop (erf);
	[tilespmem:$0x2520] =	vst v0;
	v0 =	vpsel !p5, $0x0, v1  }
0x100: {  	s10 =	sor.u32 $0x30, s10;
	v1 =	vpop (erf);
	[tilespmem:$0x2560] =	vst v0;
	v0 =	vpsel !p5, $0x0, v2  }
0x101: {  	p6 =	slt.u32 s10, $0x4E200;
	v2 =	vpop (erf);
	[tilespmem:$0x25A0] =	vst v0;
	v0 =	vpsel !p5, $0x0, v1  }
0x102: {  	v1 =	vpop (erf);
	[tilespmem:$0x25E0] =	vst v0;
	v0 =	vpsel !p6, $0x0, v2  }
0x103: {  	v2 =	vpop (erf);
	[tilespmem:$0x2530] =	vst v0;
	v0 =	vpsel !p6, $0x0, v1  }
0x104: {  	[tilespmem:$0x2570] =	vst v0;
	v0 =	vpsel !p6, $0x0, v2;
	v1 =	vpop (erf)  }
0x105: {  	[tilespmem:$0x25B0] =	vst v0;
	v0 =	vpsel !p6, $0x0, v1;
	v1 =	vmov s8  }
0x106: {  	[tilespmem:$0x25F0] =	vst v0  }
0x107: {  	_ =	swait.ge [sflag:s2], $0x2000  }
0x108: {  	[sflag:s2] =	ssyncset.done $0x0  }
0x109: {  	[sflag:s2] =	ssyncadd.s32 $0xFFFFE000  }
0x10a: {  	s8 =	simm.s32 $0x580;
	v0 =	vld.idx.msk [tilespmem:v1+s3+$0x0], $0xffff  }
0x10b: {  	v2 =	vld [tilespmem:s8+$0xFFFFFF80]  }
0x10c: {  	v3 =	vld [tilespmem:s8+$0xFFFFFF90];
	_ =	sdelay $0x2  }
0x10d: {  	v58 =	vor.u32 $0x40, v1  }
0x10e: {  	v2 =	vmul.f32 v2, v0  }
0x10f: {  	v0 =	vmul.f32 v3, v0  }
0x110: {  	[tilespmem:s8+$0xFFFFFF80] =	vst v2  }
0x111: {  	[tilespmem:s8+$0xFFFFFF90] =	vst v0;
	v2 =	vld [tilespmem:s8+$0xFFFFFFA0]  }
0x112: {  	v0 =	vld.idx.msk [tilespmem:v58+s3+$0x0], $0xffff  }
0x113: {  	v3 =	vld [tilespmem:s8+$0xFFFFFFB0];
	_ =	sdelay $0x2  }
0x114: {  	v59 =	vor.u32 $0x80, v1  }
0x115: {  	v2 =	vmul.f32 v2, v0  }
0x116: {  	v0 =	vmul.f32 v3, v0  }
0x117: {  	[tilespmem:s8+$0xFFFFFFA0] =	vst v2  }
0x118: {  	[tilespmem:s8+$0xFFFFFFB0] =	vst v0;
	v2 =	vld [tilespmem:s8+$0xFFFFFFC0]  }
0x119: {  	v0 =	vld.idx.msk [tilespmem:v59+s3+$0x0], $0xffff  }
0x11a: {  	v3 =	vld [tilespmem:s8+$0xFFFFFFD0];
	_ =	sdelay $0x2  }
0x11b: {  	v1 =	vor.u32 $0xC0, v1  }
0x11c: {  	v2 =	vmul.f32 v2, v0  }
0x11d: {  	v0 =	vmul.f32 v3, v0  }
0x11e: {  	[tilespmem:s8+$0xFFFFFFC0] =	vst v2  }
0x11f: {  	[tilespmem:s8+$0xFFFFFFD0] =	vst v0  }
0x120: {  	v0 =	vld.idx.msk [tilespmem:v1+s3+$0x0], $0xffff  }
0x121: {  	v1 =	vld [tilespmem:s8+$0xFFFFFFE0]  }
0x122: {  	v2 =	vld [tilespmem:s8+$0xFFFFFFF0];
	_ =	sdelay $0x1  }
0x123: {  	s12 =	simm.s32 $0x1  }
0x124: {  	v3 =	vmov s12  }
0x125: {  	v1 =	vmul.f32 v1, v0  }
0x126: {  	v0 =	vmul.f32 v2, v0  }
0x127: {  	[tilespmem:s8+$0xFFFFFFE0] =	vst v1  }
0x128: {  	[tilespmem:s8+$0xFFFFFFF0] =	vst v0;
	v1 =	vld [tilespmem:s8+$0x0]  }
0x129: {  	v0 =	vld.idx.msk [tilespmem:v3+s3+$0x0], $0xffff  }
0x12a: {  	v2 =	vld [tilespmem:s8+$0x10];
	_ =	sdelay $0x2  }
0x12b: {  	v60 =	vor.u32 $0x40, v3  }
0x12c: {  	v1 =	vmul.f32 v1, v0  }
0x12d: {  	v0 =	vmul.f32 v2, v0  }
0x12e: {  	[tilespmem:s8+$0x0] =	vst v1  }
0x12f: {  	[tilespmem:s8+$0x10] =	vst v0;
	v1 =	vld [tilespmem:s8+$0x20]  }
0x130: {  	v0 =	vld.idx.msk [tilespmem:v60+s3+$0x0], $0xffff  }
0x131: {  	v2 =	vld [tilespmem:s8+$0x30];
	_ =	sdelay $0x2  }
0x132: {  	v61 =	vor.u32 $0x80, v3  }
0x133: {  	v1 =	vmul.f32 v1, v0  }
0x134: {  	v2 =	vmul.f32 v2, v0  }
0x135: {  	[tilespmem:s8+$0x20] =	vst v1  }
0x136: {  	[tilespmem:s8+$0x30] =	vst v2;
	v1 =	vld [tilespmem:s8+$0x40]  }
0x137: {  	v2 =	vld.idx.msk [tilespmem:v61+s3+$0x0], $0xffff  }
0x138: {  	v62 =	vld [tilespmem:s8+$0x50];
	_ =	sdelay $0x2  }
0x139: {  	v3 =	vor.u32 $0xC0, v3  }
0x13a: {  	v63 =	vmul.f32 v1, v2  }
0x13b: {  	v2 =	vmul.f32 v62, v2  }
0x13c: {  	v0 =	vld [tilespmem:s8+$0x60];
	[tilespmem:s8+$0x40] =	vst v63  }
0x13d: {  	v1 =	vld [tilespmem:s8+$0x70];
	[tilespmem:s8+$0x50] =	vst v2  }
0x13e: {  	s11 =	simm.s32 $0x2;
	s10 =	simm.s32 $0x580;
	v2 =	vld.idx.msk [tilespmem:v3+s3+$0x0], $0xffff  }
.LBB3_3:
0x13f: {  	p0 =	slt.u32 s11, $0x3E  }
0x140: {  	s8 =	sadd.s32 $0x100, s8;
	s12 =	smov.u32 s11;
	s11 =	sadd.s32 $0x2, s11  }
0x141: {  	_ =	sdelay $0x2  }
0x142: {  	v3 =	vmov s12  }
0x143: {  	v0 =	vmul.f32 v0, v2;
	v1 =	vmul.f32 v1, v2;
	_ =	sdelay $0x1  }
0x144: {  	[tilespmem:s10+$0x60] =	vst v0  }
0x145: {  	v2 =	vld [tilespmem:s8+$0xFFFFFF90];
	[tilespmem:s10+$0x70] =	vst v1;
	s10 =	smov.u32 s8  }
0x146: {  	v4 =	vld.idx.msk [tilespmem:v3+s3+$0x0], $0xffff  }
0x147: {  	v5 =	vld [tilespmem:s8+$0xFFFFFF80]  }
0x148: {  	v1 =	vld [tilespmem:s8+$0x70]  }
0x149: {  	v0 =	vld [tilespmem:s8+$0x60]  }
0x14a: {  	v6 =	vor.u32 $0x40, v3;
	_ =	sdelay $0x1  }
0x14b: {  	v2 =	vmul.f32 v2, v4;
	v5 =	vmul.f32 v5, v4;
	_ =	sdelay $0x1  }
0x14c: {  	[tilespmem:s8+$0xFFFFFF80] =	vst v5  }
0x14d: {  	[tilespmem:s8+$0xFFFFFF90] =	vst v2;
	v2 =	vld [tilespmem:s8+$0xFFFFFFB0]  }
0x14e: {  	v4 =	vld.idx.msk [tilespmem:v6+s3+$0x0], $0xffff  }
0x14f: {  	v5 =	vld [tilespmem:s8+$0xFFFFFFA0];
	_ =	sdelay $0x1  }
0x150: {  	v6 =	vor.u32 $0x80, v3;
	_ =	sdelay $0x2  }
0x151: {  	v2 =	vmul.f32 v2, v4;
	v5 =	vmul.f32 v5, v4;
	_ =	sdelay $0x1  }
0x152: {  	[tilespmem:s8+$0xFFFFFFA0] =	vst v5  }
0x153: {  	[tilespmem:s8+$0xFFFFFFB0] =	vst v2;
	v2 =	vld [tilespmem:s8+$0xFFFFFFD0]  }
0x154: {  	v4 =	vld.idx.msk [tilespmem:v6+s3+$0x0], $0xffff  }
0x155: {  	v5 =	vld [tilespmem:s8+$0xFFFFFFC0]  }
0x156: {  	v3 =	vor.u32 $0xC0, v3;
	_ =	sdelay $0x3  }
0x157: {  	v2 =	vmul.f32 v2, v4;
	v5 =	vmul.f32 v5, v4;
	_ =	sdelay $0x1  }
0x158: {  	[tilespmem:s8+$0xFFFFFFC0] =	vst v5;
	v4 =	vld [tilespmem:s8+$0xFFFFFFF0]  }
0x159: {  	[tilespmem:s8+$0xFFFFFFD0] =	vst v2  }
0x15a: {  	s12 =	sadd.s32 $0x1, s12;
	v2 =	vld.idx.msk [tilespmem:v3+s3+$0x0], $0xffff  }
0x15b: {  	v5 =	vmov s12;
	v3 =	vld [tilespmem:s8+$0xFFFFFFE0];
	_ =	sdelay $0x4  }
0x15c: {  	v3 =	vmul.f32 v3, v2;
	v2 =	vmul.f32 v4, v2;
	_ =	sdelay $0x1  }
0x15d: {  	[tilespmem:s8+$0xFFFFFFE0] =	vst v3  }
0x15e: {  	[tilespmem:s8+$0xFFFFFFF0] =	vst v2;
	v2 =	vld [tilespmem:s8+$0x10]  }
0x15f: {  	v4 =	vor.u32 $0x40, v5;
	v3 =	vld.idx.msk [tilespmem:v5+s3+$0x0], $0xffff  }
0x160: {  	v6 =	vld [tilespmem:s8+$0x0];
	_ =	sdelay $0x4  }
0x161: {  	v2 =	vmul.f32 v2, v3;
	v6 =	vmul.f32 v6, v3;
	_ =	sdelay $0x1  }
0x162: {  	[tilespmem:s8+$0x0] =	vst v6  }
0x163: {  	v3 =	vor.u32 $0x80, v5;
	[tilespmem:s8+$0x10] =	vst v2;
	v2 =	vld [tilespmem:s8+$0x30]  }
0x164: {  	v4 =	vld.idx.msk [tilespmem:v4+s3+$0x0], $0xffff  }
0x165: {  	v6 =	vld [tilespmem:s8+$0x20];
	_ =	sdelay $0x4  }
0x166: {  	v2 =	vmul.f32 v2, v4;
	v6 =	vmul.f32 v6, v4;
	_ =	sdelay $0x1  }
0x167: {  	v4 =	vor.u32 $0xC0, v5;
	[tilespmem:s8+$0x20] =	vst v6  }
0x168: {  	[tilespmem:s8+$0x30] =	vst v2;
	v2 =	vld [tilespmem:s8+$0x50]  }
0x169: {  	v3 =	vld.idx.msk [tilespmem:v3+s3+$0x0], $0xffff  }
0x16a: {  	v5 =	vld [tilespmem:s8+$0x40];
	_ =	sdelay $0x4  }
.Ltmp0:
0x16b: {  	v2 =	vmul.f32 v2, v3;
	v5 =	vmul.f32 v5, v3;
	(pc) =	sbr.rel @p0 .LBB3_3-.Ltmp0, $4  }
0x16c: {  	_ = 	snop  }
0x16d: {  	[tilespmem:s8+$0x40] =	vst v5  }
0x16e: {  	[tilespmem:s8+$0x50] =	vst v2  }
0x16f: {  	v2 =	vld.idx.msk [tilespmem:v4+s3+$0x0], $0xffff  }
0x170: {  	_ =	sdelay $0x3  }
0x171: {  	v0 =	vmul.f32 v0, v2  }
0x172: {  	v1 =	vmul.f32 v1, v2  }
0x173: {  	[tilespmem:s10+$0x60] =	vst v0  }
0x174: {  	[tilespmem:s10+$0x70] =	vst v1  }
0x175: {  	[spmem:s18] =	stream.indirect.scatter.add.f32 [tilespmem:s16], [sflag:$0x1], $0x80, s15, s19, $0xb8;
	[tilespmem:$0x18400] =	vst v63  }
0x176: {  	s8 =	rddreg [dreg:$0x5]  }
0x177: {  	[spmem:s8] =	stream.indirect.scatter.add.f32 [tilespmem:s3], [sflag:$0x2], $0x1, s15, s19, $0xb8;
	[tilespmem:$0x18400] =	vst v63  }
0x178: {  	_ =	swait.ge [sflag:s29], $0x2000  }
0x179: {  	[sflag:s29] =	ssyncset.done $0x0  }
0x17a: {  	[sflag:s29] =	ssyncadd.s32 $0xFFFFE000  }
0x17b: {  	_ =	swait.ge [sflag:s2], $0x40  }
0x17c: {  	[sflag:s2] =	ssyncset.done $0x0  }
0x17d: {  	[sflag:s2] =	ssyncadd.s32 $0xFFFFFFC0  }
0x17e: {  	s11 =	rddreg [dreg:$0x8]  }
0x17f: {  	[spmem:s11] =	stream.indirect.scatter.add.f32 [tilespmem:s4], [sflag:$0x1], $0x1, s15, s19, $0xb8;
	[tilespmem:$0x18400] =	vst v63  }
0x180: {  	s12 =	rddreg [dreg:$0xb]  }
0x181: {  	[spmem:s12] =	stream.indirect.scatter.add.f32 [tilespmem:s5], [sflag:$0x2], $0x1, s15, s19, $0xb8;
	[tilespmem:$0x18400] =	vst v63  }
0x182: {  	_ =	swait.ge [sflag:s29], $0x40  }
0x183: {  	[sflag:s29] =	ssyncset.done $0x0  }
0x184: {  	[sflag:s29] =	ssyncadd.s32 $0xFFFFFFC0  }
0x185: {  	s7 =	sadd.s32 $0x1, s7;
	_ =	swait.ge [sflag:s2], $0x40  }
0x186: {  	p0 =	sne.s32 s7, $0x9E;
	[sflag:s2] =	ssyncset.done $0x0  }
.Ltmp1:
0x187: {  	[sflag:s2] =	ssyncadd.s32 $0xFFFFFFC0;
	(pc) =	sbr.rel @p0 .LBB3_2-.Ltmp1, $4  }
0x188: {  	[spmem:s23] =	stream.indirect.scatter.add.f32 [tilespmem:s6], [sflag:$0x3], $0x1, s15, s19, $0xb8;
	[tilespmem:$0x18400] =	vst v63  }
0x189: {  	_ =	swait.ge [sflag:s9], $0x40  }
0x18a: {  	[sflag:s9] =	ssyncset.done $0x0  }
0x18b: {  	[sflag:s9] =	ssyncadd.s32 $0xFFFFFFC0  }
0x18c: {  	[bflag:$0x0] =	sbarrier.arrive $0xFFFF  }
0x18d: {  	s8 =	sld [smem:$0x7F1];
	_ =	sdelay $0x1  }
0x18e: {  	s7 =	rddreg [dreg:$0x1e]  }
0x18f: {  	[hbm:s7], [sflag:s30] =	dma.local [spmem:s8], $0x2800  }
0x190: {  	_ =	swait.ge [sflag:s9], $0x2800  }
0x191: {  	s12 =	sld [smem:$0x7ED]  }
0x192: {  	[sflag:s9] =	ssyncset.done $0x0  }
0x193: {  	s11 =	simm.s32 $0x10;
	s10 =	rddreg [dreg:$0x1f];
	[sflag:s9] =	ssyncadd.s32 $0xFFFFD800  }
0x194: {  	[hbm:s10@s19], [sflag:s30] =	dma.strided [spmem:s12@s11], $0x50, s29, $0x10   }
0x195: {  	_ =	swait.ge [sflag:s9], $0x50  }
0x196: {  	s10 =	sld [smem:$0x7F2]  }
0x197: {  	s12 =	sld [smem:$0x7EE]  }
0x198: {  	[sflag:s9] =	ssyncset.done $0x0  }
0x199: {  	[sflag:s9] =	ssyncadd.s32 $0xFFFFFFB0  }
0x19a: {  	[hbm:s10@s19], [sflag:s30] =	dma.strided [spmem:s12@s11], $0x50, s29, $0x10   }
0x19b: {  	_ =	swait.ge [sflag:s9], $0x50  }
0x19c: {  	s10 =	sld [smem:$0x7F3]  }
0x19d: {  	s12 =	sld [smem:$0x7EF]  }
0x19e: {  	[sflag:s9] =	ssyncset.done $0x0  }
0x19f: {  	[sflag:s9] =	ssyncadd.s32 $0xFFFFFFB0  }
0x1a0: {  	[hbm:s10@s19], [sflag:s30] =	dma.strided [spmem:s12@s11], $0x50, s29, $0x10   }
0x1a1: {  	_ =	swait.ge [sflag:s9], $0x50  }
0x1a2: {  	s10 =	sld [smem:$0x7F4]  }
0x1a3: {  	s12 =	sld [smem:$0x7F0]  }
0x1a4: {  	[sflag:s9] =	ssyncset.done $0x0  }
0x1a5: {  	[sflag:s9] =	ssyncadd.s32 $0xFFFFFFB0  }
0x1a6: {  	[hbm:s10@s19], [sflag:s30] =	dma.strided [spmem:s12@s11], $0x50, s29, $0x10   }
0x1a7: {  	_ =	swait.ge [sflag:s9], $0x50  }
0x1a8: {  	s12 =	sld [smem:$0x7F5]  }
0x1a9: {  	s10 =	rddreg [dreg:$0xe]  }
0x1aa: {  	s7 =	sadd.s32 $0x1, s10  }
0x1ab: {  	p0 =	sne.s32 s7, s12  }
.Ltmp2:
0x1ac: {  	_ = 	snop;
	(pc) =	sbr.rel @p0 .LBB3_1-.Ltmp2, $3  }
0x1ad: {  	_ =	sdelay $0x1  }
0x1ae: {  	[sflag:s9] =	ssyncset.done $0x0  }
0x1af: {  	[sflag:s9] =	ssyncadd.s32 $0xFFFFFFB0;
	[dreg:$0xe] =	wrdreg s7  }
0x1b0: {  	_ =	sfence.sel $0x180000  }
0x1b1: {  	[bflag:$0x0] =	sbarrier.arrive $0xFFFF  }
0x1b2: {  	_ =	strace $0x90000047  }
0x1b3: {  	s0 =	stileid.u32;
	[bflag:$0x2] =	sbarrier.arrive $0xFFFF  }
0x1b4: {  	p0 =	sne.s32 s0, $0x0;
	s0 =	rddreg [dreg:$0x13]  }
0x1b5: {  	s0 =	sadd.s32 @!p0 $0x100000, s0  }
0x1b6: {  	[sflag:s0] =	ssyncadd.tile.s32 @!p0 $0x1;
	_ =	shalt  }
.Lfunc_end3:
_tile_overlayer_lowered:
.L_overlay_start_3:
0x1b7: {  	(tag) =	ssettag $0x3  }
0x1b8: {  	s0 =	rddreg [dreg:$0x0];
	s2 =	stileid.u32  }
0x1b9: {  	s1 =	rddreg [dreg:$0x1];
	p0 =	sne.s32 s2, $0x0  }
0x1ba: {  	s3 =	rddreg [dreg:$0x2];
	[bflag:$0x3] =	sbarrier.arrive $0xFFFF;
	s2 =	simm.s32 @!p0 $0x1C03  }
0x1bb: {  	[timem:s3], [sflag:s2] =	dma.local @!p0 [hbm:s0], s1  }
0x1bc: {  	s0 =	simm.s32 @!p0 $0x3  }
0x1bd: {  	_ =	swait.ge @!p0 [sflag:s0], s1  }
0x1be: {  	s1 =	ssub.s32 @!p0 $0x0, s1;
	[sflag:s0] =	ssyncset.done @!p0 $0x0  }
0x1bf: {  	[sflag:s0] =	ssyncadd.s32 @!p0 s1  }
0x1c0: {  	[bflag:$0x3] =	sbarrier.arrive $0xFFFF  }
0x1c1: {  	_ =	shalt  }

</sc_bundles>
